<compile_context>
chip_gen: v7x
topology: tpu7x:2x2x1
jax: 0.10.2.dev20260603
libtpu: 0.0.44.dev20260713+nightly
codegen_flags: <defaults>
</compile_context>

<pallas_src>
import functools
import math

import jax
import jax.numpy as jnp
from jax import lax
from jax.experimental import pallas as pl
from jax.experimental.pallas import tpu as pltpu
from jax.experimental.pallas import tpu_sc as plsc

H = 16
TOPK = 2


def _gelu(v):
    return 0.5 * v * (1.0 + jax.lax.erf(v * (1.0 / math.sqrt(2.0))))



def _router_body(nk, x_ref, wgt_ref, bg_ref, lg_ref, acc_ref):
    k = pl.program_id(0)

    @pl.when(k == 0)
    def _init():
        acc_ref[...] = jnp.zeros_like(acc_ref)

    nb, sr, d = x_ref.shape
    ne = wgt_ref.shape[0]
    tots = [None] * nb
    for s in range(sr):
        w_sl = wgt_ref[:, s * d:(s + 1) * d]
        for b in range(nb):
            xs = jnp.broadcast_to(x_ref[b, s:s + 1, :], (ne, d))
            p = w_sl * xs
            tots[b] = p if tots[b] is None else tots[b] + p
    for b in range(nb):
        acc_ref[b] += tots[b]

    @pl.when(k == nk - 1)
    def _finish():
        logits = jnp.sum(acc_ref[...], axis=2) + bg_ref[...]
        lg_ref[...] = jnp.concatenate([logits[0:1, :], logits[1:2, :]], axis=1)



def _sc_take(v, idx):
    return v.at[idx].get(mode="promise_in_bounds")


def _sc_group_reduce(v, op, iota):
    for k in (1, 2, 4):
        v = op(v, _sc_take(v, jnp.bitwise_xor(iota, k)))
    return v


def _route_body(lg_hbm, ti_hbm, ga_hbm, v_scr, i_scr, g_scr):
    wid = lax.axis_index("s") * 2 + lax.axis_index("c")

    @pl.when(wid == 0)
    def _():
        pltpu.sync_copy(lg_hbm, v_scr)
        lg = v_scr[...]
        iota = lax.iota(jnp.int32, 16)
        lane_e = jnp.bitwise_and(iota, 7)
        m = _sc_group_reduce(lg, jnp.maximum, iota)
        p = jnp.exp(lg - m)
        s = _sc_group_reduce(p, jnp.add, iota)
        p = p / s
        big = jnp.full((16,), 8, jnp.int32)
        m1 = _sc_group_reduce(p, jnp.maximum, iota)
        i1 = _sc_group_reduce(jnp.where(p == m1, lane_e, big), jnp.minimum, iota)
        p2 = jnp.where(lane_e == i1, jnp.full((16,), -1.0, jnp.float32), p)
        m2 = _sc_group_reduce(p2, jnp.maximum, iota)
        i2 = _sc_group_reduce(jnp.where(p2 == m2, lane_e, big), jnp.minimum, iota)
        src = jnp.bitwise_and(jnp.left_shift(jnp.right_shift(iota, 1), 3), 15)
        odd = jnp.bitwise_and(iota, 1) == 1
        i_scr[...] = jnp.where(odd, _sc_take(i2, src), _sc_take(i1, src))
        g_scr[...] = jnp.where(odd, _sc_take(m2, src), _sc_take(m1, src))
        pltpu.sync_copy(i_scr, ti_hbm)
        pltpu.sync_copy(g_scr, ga_hbm)


def _route_sc(logits16):
    mesh = plsc.VectorSubcoreMesh(core_axis_name="c", subcore_axis_name="s")
    return pl.kernel(
        _route_body,
        mesh=mesh,
        out_type=[
            jax.ShapeDtypeStruct((16,), jnp.int32),
            jax.ShapeDtypeStruct((16,), jnp.float32),
        ],
        scratch_types=[
            pltpu.VMEM((16,), jnp.float32),
            pltpu.VMEM((16,), jnp.int32),
            pltpu.VMEM((16,), jnp.float32),
        ],
    )(logits16)



def _moe_body(topi_ref, gates_ref, x_ref, w1a_ref, w1b_ref, b1a_ref, b1b_ref,
              w2a_ref, w2b_ref, b2a_ref, b2b_ref, w3_ref, b3_ref, y_ref,
              out_ref, w3bf_ref):
    b = pl.program_id(0)
    t = pl.program_id(1)

    @pl.when(jnp.logical_and(b == 0, t == 0))
    def _cvt():
        w3bf_ref[...] = w3_ref[...].astype(jnp.bfloat16)

    g0 = gates_ref[2 * b]
    g1 = gates_ref[2 * b + 1]
    xt = x_ref[0]
    xbf = xt.astype(jnp.bfloat16)
    wa = jnp.concatenate([w1a_ref[0], w1b_ref[0]], axis=1)
    ba = jnp.concatenate([b1a_ref[0, 0], b1b_ref[0, 0]], axis=0)
    wb = jnp.concatenate([g0 * w2a_ref[0], g1 * w2b_ref[0]], axis=0)
    wb = wb.astype(jnp.bfloat16)
    bb = g0 * b2a_ref[0, 0] + g1 * b2b_ref[0, 0]
    dh = wa.shape[0]
    for h in range(H):
        sl = slice(h * dh, (h + 1) * dh)
        a = jnp.dot(xbf[:, sl], wa, preferred_element_type=jnp.float32) + ba
        ag = _gelu(a).astype(jnp.bfloat16)
        mo = jnp.dot(ag, wb, preferred_element_type=jnp.float32) + bb
        out_ref[:, sl] = xt[:, sl] + mo
    y_ref[0] = (jnp.dot(out_ref[...].astype(jnp.bfloat16), w3bf_ref[...],
                        preferred_element_type=jnp.float32) + b3_ref[0])


def kernel(x, Wg, bg, W1, b1, W2, b2, W3, b3):
    B, S, D = x.shape
    E = Wg.shape[1]
    DH = W1.shape[1]
    DHH = W1.shape[2]

    wg_t = Wg.T
    SR = 128
    NK = S // SR

    lg = pl.pallas_call(
        functools.partial(_router_body, NK),
        grid=(NK,),
        in_specs=[
            pl.BlockSpec((B, SR, D), lambda k: (0, k, 0)),
            pl.BlockSpec((E, SR * D), lambda k: (0, k)),
            pl.BlockSpec((1, E), lambda k: (0, 0)),
        ],
        out_specs=pl.BlockSpec((1, B * E), lambda k: (0, 0)),
        out_shape=jax.ShapeDtypeStruct((1, B * E), jnp.float32),
        scratch_shapes=[pltpu.VMEM((B, E, D), jnp.float32)],
    )(x, wg_t, bg.reshape(1, E))

    topi, gates = _route_sc(lg.reshape(B * E))

    TS = 512
    T = S // TS
    w1_bf = W1.astype(jnp.bfloat16)
    b1r = b1.reshape(E, 1, DHH)
    b2r = b2.reshape(E, 1, DH)
    b3r = b3.reshape(1, D)

    grid_spec = pltpu.PrefetchScalarGridSpec(
        num_scalar_prefetch=2,
        grid=(B, T),
        in_specs=[
            pl.BlockSpec((1, TS, D), lambda b, t, ti, ga: (b, t, 0)),
            pl.BlockSpec((1, DH, DHH), lambda b, t, ti, ga: (ti[2 * b], 0, 0)),
            pl.BlockSpec((1, DH, DHH), lambda b, t, ti, ga: (ti[2 * b + 1], 0, 0)),
            pl.BlockSpec((1, 1, DHH), lambda b, t, ti, ga: (ti[2 * b], 0, 0)),
            pl.BlockSpec((1, 1, DHH), lambda b, t, ti, ga: (ti[2 * b + 1], 0, 0)),
            pl.BlockSpec((1, DHH, DH), lambda b, t, ti, ga: (ti[2 * b], 0, 0)),
            pl.BlockSpec((1, DHH, DH), lambda b, t, ti, ga: (ti[2 * b + 1], 0, 0)),
            pl.BlockSpec((1, 1, DH), lambda b, t, ti, ga: (ti[2 * b], 0, 0)),
            pl.BlockSpec((1, 1, DH), lambda b, t, ti, ga: (ti[2 * b + 1], 0, 0)),
            pl.BlockSpec((D, D), lambda b, t, ti, ga: (0, 0)),
            pl.BlockSpec((1, D), lambda b, t, ti, ga: (0, 0)),
        ],
        out_specs=pl.BlockSpec((1, TS, D), lambda b, t, ti, ga: (b, t, 0)),
        scratch_shapes=[pltpu.VMEM((TS, D), jnp.float32),
                        pltpu.VMEM((D, D), jnp.bfloat16)],
    )

    y = pl.pallas_call(
        _moe_body,
        grid_spec=grid_spec,
        out_shape=jax.ShapeDtypeStruct((B, S, D), jnp.float32),
    )(topi, gates, x, w1_bf, w1_bf, b1r, b1r, W2, W2, b2r, b2r, W3, b3r)
    return y

# --- scband reference (transcript-rebuilt; emitter-appended) ---
"""Pipeline reference for scband-mh-u-mlp-79156247265938 (READ-ONLY COPY).

The authoritative reference and input builder live on the scoring server;
editing this copy changes nothing except your own understanding.
"""

import jax, jax.numpy as jnp
import numpy as np

B, S, D = 2, 2048, 2048
H, E, TOPK = 16, 8, 2
DH = D // H        # head_dim = 128
HID = 2048         # transformer_hidden_dim (== dim; see notes on linear3 shape constraint)
DHH = HID // H     # head_hidden_dim = 128


def setup_inputs(seed: int = 0) -> dict:
    key = jax.random.key(seed)
    ks = jax.random.split(key, 10)
    scale = 0.02
    return {
        "x": jax.random.normal(ks[0], (B, S, D), jnp.float32),
        # router: nn.Linear(dim * max_seq_len, n_experts)
        "Wg": jax.random.normal(ks[1], (D * S, E), jnp.float32) * scale,
        "bg": jnp.zeros((E,), jnp.float32),
        # per-expert per-head MLP: linear1 (head_dim -> head_hidden_dim)
        "W1": jax.random.normal(ks[2], (E, DH, DHH), jnp.float32) * scale,
        "b1": jnp.zeros((E, DHH), jnp.float32),
        # per-expert per-head MLP: linear2 (head_hidden_dim -> head_dim)
        "W2": jax.random.normal(ks[3], (E, DHH, DH), jnp.float32) * scale,
        "b2": jnp.zeros((E, DH), jnp.float32),
        # output projection linear3
        "W3": jax.random.normal(ks[4], (D, D), jnp.float32) * scale,
        "b3": jnp.zeros((D,), jnp.float32),
    }


def reference(x, Wg, bg, W1, b1, W2, b2, W3, b3):
    Bx, Sx, Dx = x.shape
    # router over flattened sequence
    logits = x.reshape(Bx, -1) @ Wg + bg                      # [B, E]
    probs = jax.nn.softmax(logits, axis=-1)
    _, topi = jax.lax.top_k(probs, TOPK)                      # [B, TOPK]
    mask = jnp.zeros((Bx, E), x.dtype).at[jnp.arange(Bx)[:, None], topi].set(1.0)
    gates = probs * mask                                      # [B, E], zero for unselected experts
    # split heads: [B, H, S, DH]
    xh = x.reshape(Bx, Sx, H, DH).transpose(0, 2, 1, 3)
    moe_out = jnp.zeros_like(x)
    for e in range(E):
        h = jnp.einsum('bhsd,df->bhsf', xh, W1[e]) + b1[e]
        h = jax.nn.gelu(h, approximate=False)
        o = jnp.einsum('bhsf,fd->bhsd', h, W2[e]) + b2[e]
        # combine heads -> [B, S, D]
        oc = o.transpose(0, 2, 1, 3).reshape(Bx, Sx, Dx)
        # gated scatter-add of expert outputs back to batch positions (index_add_)
        moe_out = moe_out + gates[:, e][:, None, None] * oc
    out = x + moe_out                                         # residual
    y = out @ W3 + b3                                         # linear3
    return y

if __name__ == "__main__":
    import jax
    _d = setup_inputs()
    print(jax.jit(kernel)(*tuple(_d.values())))

</pallas_src>

<mosaic_0001>
#map = affine_map<(d0, d1) -> (0)>
module attributes {stable_mosaic.version = 14 : i64} {
  func.func @_route_body(%arg0: i32, %arg1: i32, %arg2: memref<16xf32, #tpu.memory_space<hbm>>, %arg3: memref<16xi32, #tpu.memory_space<hbm>>, %arg4: memref<16xf32, #tpu.memory_space<hbm>>, %arg5: memref<16xf32, #tpu.memory_space<vmem>>, %arg6: memref<16xi32, #tpu.memory_space<vmem>>, %arg7: memref<16xf32, #tpu.memory_space<vmem>>) attributes {dimension_semantics = [#tpu.dimension_semantics<core_parallel>, #tpu.dimension_semantics<subcore_parallel>], iteration_bounds = array<i64: 2, 16>, scalar_prefetch = 0 : i64, scratch_operands = 3 : i64, tpu.core_type = #tpu.core_type<sc_vector_subcore>, window_params = [{transform_indices = #map}, {transform_indices = #map}, {transform_indices = #map}]} {
    %mul3A = arith.constant 2 : i32
    %mul3A_0 = arith.muli %arg1, %mul3A : i32
    %add3A = arith.addi %mul3A_0, %arg0 : i32
    %eq3A = arith.constant 0 : i32
    %eq3A_1 = arith.cmpi eq, %add3A, %eq3A : i32
    %convert_element_type3A = arith.extui %eq3A_1 : i1 to i32
    %cond3A = arith.constant 0 : i32
    %cond3A_2 = arith.cmpi ne, %convert_element_type3A, %cond3A : i32
    scf.if %cond3A_2 {
      "tpu.region"() ({
        %run_scoped3A = tpu.sem_alloc : memref<!tpu.dma_semaphore, #tpu.memory_space<semaphore_mem>>
        tpu.enqueue_dma source(%arg2 : memref<16xf32, #tpu.memory_space<hbm>>) target(%arg5 : memref<16xf32, #tpu.memory_space<vmem>>) target_semaphore(%run_scoped3A : memref<!tpu.dma_semaphore, #tpu.memory_space<semaphore_mem>>)
        tpu.wait_dma2 semaphore(%run_scoped3A : memref<!tpu.dma_semaphore, #tpu.memory_space<semaphore_mem>>) src(%arg2 : memref<16xf32, #tpu.memory_space<hbm>>) dst(%arg5 : memref<16xf32, #tpu.memory_space<vmem>>)
        tpu.yield
      }) : () -> ()
      %get3A = arith.constant 0 : index
      %get3A_3 = tpu.vector_load %arg5[%get3A] {strides = array<i32>} : memref<16xf32, #tpu.memory_space<vmem>>, vector<16xf32>,
      %get3A_4 = vector.shape_cast %get3A_3 : vector<16xf32> to vector<16xf32>
      %iota3A = tpu.iota {dimensions = array<i32: 0>} : vector<16xi32>
      %and3A = arith.constant 7 : i32
      %and3A_5 = vector.broadcast %and3A : i32 to vector<16xi32>
      %and3A_6 = arith.andi %iota3A, %and3A_5 : vector<16xi32>
      %xor3A = arith.constant 1 : i32
      %xor3A_7 = vector.broadcast %xor3A : i32 to vector<16xi32>
      %xor3A_8 = arith.xori %iota3A, %xor3A_7 : vector<16xi32>
      %lt3A = arith.constant 0 : i32
      %lt3A_9 = vector.broadcast %lt3A : i32 to vector<16xi32>
      %lt3A_10 = arith.cmpi slt, %xor3A_8, %lt3A_9 : vector<16xi32>
      %add3A_11 = arith.constant 16 : i32
      %add3A_12 = vector.broadcast %add3A_11 : i32 to vector<16xi32>
      %add3A_13 = arith.addi %xor3A_8, %add3A_12 : vector<16xi32>
      %select_n3A = arith.select %lt3A_10, %add3A_13, %xor3A_8 : vector<16xi1>, vector<16xi32>
      %broadcast_in_dim3A = vector.shape_cast %select_n3A : vector<16xi32> to vector<16x1xi32>
      %gather3A = vector.shape_cast %broadcast_in_dim3A : vector<16x1xi32> to vector<16xi32>
      %gather3A_14 = tpu.dynamic_gather %get3A_4[%gather3A] in [0] : vector<16xf32>, vector<16xi32> -> vector<16xf32>
      %max3A = arith.maximumf %get3A_4, %gather3A_14 : vector<16xf32>
      %xor3A_15 = arith.constant 2 : i32
      %xor3A_16 = vector.broadcast %xor3A_15 : i32 to vector<16xi32>
      %xor3A_17 = arith.xori %iota3A, %xor3A_16 : vector<16xi32>
      %lt3A_18 = arith.constant 0 : i32
      %lt3A_19 = vector.broadcast %lt3A_18 : i32 to vector<16xi32>
      %lt3A_20 = arith.cmpi slt, %xor3A_17, %lt3A_19 : vector<16xi32>
      %add3A_21 = arith.constant 16 : i32
      %add3A_22 = vector.broadcast %add3A_21 : i32 to vector<16xi32>
      %add3A_23 = arith.addi %xor3A_17, %add3A_22 : vector<16xi32>
      %select_n3A_24 = arith.select %lt3A_20, %add3A_23, %xor3A_17 : vector<16xi1>, vector<16xi32>
      %broadcast_in_dim3A_25 = vector.shape_cast %select_n3A_24 : vector<16xi32> to vector<16x1xi32>
      %gather3A_26 = vector.shape_cast %broadcast_in_dim3A_25 : vector<16x1xi32> to vector<16xi32>
      %gather3A_27 = tpu.dynamic_gather %max3A[%gather3A_26] in [0] : vector<16xf32>, vector<16xi32> -> vector<16xf32>
      %max3A_28 = arith.maximumf %max3A, %gather3A_27 : vector<16xf32>
      %xor3A_29 = arith.constant 4 : i32
      %xor3A_30 = vector.broadcast %xor3A_29 : i32 to vector<16xi32>
      %xor3A_31 = arith.xori %iota3A, %xor3A_30 : vector<16xi32>
      %lt3A_32 = arith.constant 0 : i32
      %lt3A_33 = vector.broadcast %lt3A_32 : i32 to vector<16xi32>
      %lt3A_34 = arith.cmpi slt, %xor3A_31, %lt3A_33 : vector<16xi32>
      %add3A_35 = arith.constant 16 : i32
      %add3A_36 = vector.broadcast %add3A_35 : i32 to vector<16xi32>
      %add3A_37 = arith.addi %xor3A_31, %add3A_36 : vector<16xi32>
      %select_n3A_38 = arith.select %lt3A_34, %add3A_37, %xor3A_31 : vector<16xi1>, vector<16xi32>
      %broadcast_in_dim3A_39 = vector.shape_cast %select_n3A_38 : vector<16xi32> to vector<16x1xi32>
      %gather3A_40 = vector.shape_cast %broadcast_in_dim3A_39 : vector<16x1xi32> to vector<16xi32>
      %gather3A_41 = tpu.dynamic_gather %max3A_28[%gather3A_40] in [0] : vector<16xf32>, vector<16xi32> -> vector<16xf32>
      %max3A_42 = arith.maximumf %max3A_28, %gather3A_41 : vector<16xf32>
      %sub3A = arith.subf %get3A_4, %max3A_42 : vector<16xf32>
      %exp3A = math.exp %sub3A : vector<16xf32>
      %xor3A_43 = arith.constant 1 : i32
      %xor3A_44 = vector.broadcast %xor3A_43 : i32 to vector<16xi32>
      %xor3A_45 = arith.xori %iota3A, %xor3A_44 : vector<16xi32>
      %lt3A_46 = arith.constant 0 : i32
      %lt3A_47 = vector.broadcast %lt3A_46 : i32 to vector<16xi32>
      %lt3A_48 = arith.cmpi slt, %xor3A_45, %lt3A_47 : vector<16xi32>
      %add3A_49 = arith.constant 16 : i32
      %add3A_50 = vector.broadcast %add3A_49 : i32 to vector<16xi32>
      %add3A_51 = arith.addi %xor3A_45, %add3A_50 : vector<16xi32>
      %select_n3A_52 = arith.select %lt3A_48, %add3A_51, %xor3A_45 : vector<16xi1>, vector<16xi32>
      %broadcast_in_dim3A_53 = vector.shape_cast %select_n3A_52 : vector<16xi32> to vector<16x1xi32>
      %gather3A_54 = vector.shape_cast %broadcast_in_dim3A_53 : vector<16x1xi32> to vector<16xi32>
      %gather3A_55 = tpu.dynamic_gather %exp3A[%gather3A_54] in [0] : vector<16xf32>, vector<16xi32> -> vector<16xf32>
      %add3A_56 = arith.addf %exp3A, %gather3A_55 : vector<16xf32>
      %xor3A_57 = arith.constant 2 : i32
      %xor3A_58 = vector.broadcast %xor3A_57 : i32 to vector<16xi32>
      %xor3A_59 = arith.xori %iota3A, %xor3A_58 : vector<16xi32>
      %lt3A_60 = arith.constant 0 : i32
      %lt3A_61 = vector.broadcast %lt3A_60 : i32 to vector<16xi32>
      %lt3A_62 = arith.cmpi slt, %xor3A_59, %lt3A_61 : vector<16xi32>
      %add3A_63 = arith.constant 16 : i32
      %add3A_64 = vector.broadcast %add3A_63 : i32 to vector<16xi32>
      %add3A_65 = arith.addi %xor3A_59, %add3A_64 : vector<16xi32>
      %select_n3A_66 = arith.select %lt3A_62, %add3A_65, %xor3A_59 : vector<16xi1>, vector<16xi32>
      %broadcast_in_dim3A_67 = vector.shape_cast %select_n3A_66 : vector<16xi32> to vector<16x1xi32>
      %gather3A_68 = vector.shape_cast %broadcast_in_dim3A_67 : vector<16x1xi32> to vector<16xi32>
      %gather3A_69 = tpu.dynamic_gather %add3A_56[%gather3A_68] in [0] : vector<16xf32>, vector<16xi32> -> vector<16xf32>
      %add3A_70 = arith.addf %add3A_56, %gather3A_69 : vector<16xf32>
      %xor3A_71 = arith.constant 4 : i32
      %xor3A_72 = vector.broadcast %xor3A_71 : i32 to vector<16xi32>
      %xor3A_73 = arith.xori %iota3A, %xor3A_72 : vector<16xi32>
      %lt3A_74 = arith.constant 0 : i32
      %lt3A_75 = vector.broadcast %lt3A_74 : i32 to vector<16xi32>
      %lt3A_76 = arith.cmpi slt, %xor3A_73, %lt3A_75 : vector<16xi32>
      %add3A_77 = arith.constant 16 : i32
      %add3A_78 = vector.broadcast %add3A_77 : i32 to vector<16xi32>
      %add3A_79 = arith.addi %xor3A_73, %add3A_78 : vector<16xi32>
      %select_n3A_80 = arith.select %lt3A_76, %add3A_79, %xor3A_73 : vector<16xi1>, vector<16xi32>
      %broadcast_in_dim3A_81 = vector.shape_cast %select_n3A_80 : vector<16xi32> to vector<16x1xi32>
      %gather3A_82 = vector.shape_cast %broadcast_in_dim3A_81 : vector<16x1xi32> to vector<16xi32>
      %gather3A_83 = tpu.dynamic_gather %add3A_70[%gather3A_82] in [0] : vector<16xf32>, vector<16xi32> -> vector<16xf32>
      %add3A_84 = arith.addf %add3A_70, %gather3A_83 : vector<16xf32>
      %div3A = arith.divf %exp3A, %add3A_84 : vector<16xf32>
      %broadcast_in_dim3A_85 = arith.constant 8 : i32
      %broadcast_in_dim3A_86 = vector.broadcast %broadcast_in_dim3A_85 : i32 to vector<16xi32>
      %xor3A_87 = arith.constant 1 : i32
      %xor3A_88 = vector.broadcast %xor3A_87 : i32 to vector<16xi32>
      %xor3A_89 = arith.xori %iota3A, %xor3A_88 : vector<16xi32>
      %lt3A_90 = arith.constant 0 : i32
      %lt3A_91 = vector.broadcast %lt3A_90 : i32 to vector<16xi32>
      %lt3A_92 = arith.cmpi slt, %xor3A_89, %lt3A_91 : vector<16xi32>
      %add3A_93 = arith.constant 16 : i32
      %add3A_94 = vector.broadcast %add3A_93 : i32 to vector<16xi32>
      %add3A_95 = arith.addi %xor3A_89, %add3A_94 : vector<16xi32>
      %select_n3A_96 = arith.select %lt3A_92, %add3A_95, %xor3A_89 : vector<16xi1>, vector<16xi32>
      %broadcast_in_dim3A_97 = vector.shape_cast %select_n3A_96 : vector<16xi32> to vector<16x1xi32>
      %gather3A_98 = vector.shape_cast %broadcast_in_dim3A_97 : vector<16x1xi32> to vector<16xi32>
      %gather3A_99 = tpu.dynamic_gather %div3A[%gather3A_98] in [0] : vector<16xf32>, vector<16xi32> -> vector<16xf32>
      %max3A_100 = arith.maximumf %div3A, %gather3A_99 : vector<16xf32>
      %xor3A_101 = arith.constant 2 : i32
      %xor3A_102 = vector.broadcast %xor3A_101 : i32 to vector<16xi32>
      %xor3A_103 = arith.xori %iota3A, %xor3A_102 : vector<16xi32>
      %lt3A_104 = arith.constant 0 : i32
      %lt3A_105 = vector.broadcast %lt3A_104 : i32 to vector<16xi32>
      %lt3A_106 = arith.cmpi slt, %xor3A_103, %lt3A_105 : vector<16xi32>
      %add3A_107 = arith.constant 16 : i32
      %add3A_108 = vector.broadcast %add3A_107 : i32 to vector<16xi32>
      %add3A_109 = arith.addi %xor3A_103, %add3A_108 : vector<16xi32>
      %select_n3A_110 = arith.select %lt3A_106, %add3A_109, %xor3A_103 : vector<16xi1>, vector<16xi32>
      %broadcast_in_dim3A_111 = vector.shape_cast %select_n3A_110 : vector<16xi32> to vector<16x1xi32>
      %gather3A_112 = vector.shape_cast %broadcast_in_dim3A_111 : vector<16x1xi32> to vector<16xi32>
      %gather3A_113 = tpu.dynamic_gather %max3A_100[%gather3A_112] in [0] : vector<16xf32>, vector<16xi32> -> vector<16xf32>
      %max3A_114 = arith.maximumf %max3A_100, %gather3A_113 : vector<16xf32>
      %xor3A_115 = arith.constant 4 : i32
      %xor3A_116 = vector.broadcast %xor3A_115 : i32 to vector<16xi32>
      %xor3A_117 = arith.xori %iota3A, %xor3A_116 : vector<16xi32>
      %lt3A_118 = arith.constant 0 : i32
      %lt3A_119 = vector.broadcast %lt3A_118 : i32 to vector<16xi32>
      %lt3A_120 = arith.cmpi slt, %xor3A_117, %lt3A_119 : vector<16xi32>
      %add3A_121 = arith.constant 16 : i32
      %add3A_122 = vector.broadcast %add3A_121 : i32 to vector<16xi32>
      %add3A_123 = arith.addi %xor3A_117, %add3A_122 : vector<16xi32>
      %select_n3A_124 = arith.select %lt3A_120, %add3A_123, %xor3A_117 : vector<16xi1>, vector<16xi32>
      %broadcast_in_dim3A_125 = vector.shape_cast %select_n3A_124 : vector<16xi32> to vector<16x1xi32>
      %gather3A_126 = vector.shape_cast %broadcast_in_dim3A_125 : vector<16x1xi32> to vector<16xi32>
      %gather3A_127 = tpu.dynamic_gather %max3A_114[%gather3A_126] in [0] : vector<16xf32>, vector<16xi32> -> vector<16xf32>
      %max3A_128 = arith.maximumf %max3A_114, %gather3A_127 : vector<16xf32>
      %eq3A_129 = arith.cmpf oeq, %div3A, %max3A_128 : vector<16xf32>
      %select_n3A_130 = arith.select %eq3A_129, %and3A_6, %broadcast_in_dim3A_86 : vector<16xi1>, vector<16xi32>
      %xor3A_131 = arith.constant 1 : i32
      %xor3A_132 = vector.broadcast %xor3A_131 : i32 to vector<16xi32>
      %xor3A_133 = arith.xori %iota3A, %xor3A_132 : vector<16xi32>
      %lt3A_134 = arith.constant 0 : i32
      %lt3A_135 = vector.broadcast %lt3A_134 : i32 to vector<16xi32>
      %lt3A_136 = arith.cmpi slt, %xor3A_133, %lt3A_135 : vector<16xi32>
      %add3A_137 = arith.constant 16 : i32
      %add3A_138 = vector.broadcast %add3A_137 : i32 to vector<16xi32>
      %add3A_139 = arith.addi %xor3A_133, %add3A_138 : vector<16xi32>
      %select_n3A_140 = arith.select %lt3A_136, %add3A_139, %xor3A_133 : vector<16xi1>, vector<16xi32>
      %broadcast_in_dim3A_141 = vector.shape_cast %select_n3A_140 : vector<16xi32> to vector<16x1xi32>
      %gather3A_142 = vector.shape_cast %broadcast_in_dim3A_141 : vector<16x1xi32> to vector<16xi32>
      %gather3A_143 = tpu.dynamic_gather %select_n3A_130[%gather3A_142] in [0] : vector<16xi32>, vector<16xi32> -> vector<16xi32>
      %min3A = arith.minsi %select_n3A_130, %gather3A_143 : vector<16xi32>
      %xor3A_144 = arith.constant 2 : i32
      %xor3A_145 = vector.broadcast %xor3A_144 : i32 to vector<16xi32>
      %xor3A_146 = arith.xori %iota3A, %xor3A_145 : vector<16xi32>
      %lt3A_147 = arith.constant 0 : i32
      %lt3A_148 = vector.broadcast %lt3A_147 : i32 to vector<16xi32>
      %lt3A_149 = arith.cmpi slt, %xor3A_146, %lt3A_148 : vector<16xi32>
      %add3A_150 = arith.constant 16 : i32
      %add3A_151 = vector.broadcast %add3A_150 : i32 to vector<16xi32>
      %add3A_152 = arith.addi %xor3A_146, %add3A_151 : vector<16xi32>
      %select_n3A_153 = arith.select %lt3A_149, %add3A_152, %xor3A_146 : vector<16xi1>, vector<16xi32>
      %broadcast_in_dim3A_154 = vector.shape_cast %select_n3A_153 : vector<16xi32> to vector<16x1xi32>
      %gather3A_155 = vector.shape_cast %broadcast_in_dim3A_154 : vector<16x1xi32> to vector<16xi32>
      %gather3A_156 = tpu.dynamic_gather %min3A[%gather3A_155] in [0] : vector<16xi32>, vector<16xi32> -> vector<16xi32>
      %min3A_157 = arith.minsi %min3A, %gather3A_156 : vector<16xi32>
      %xor3A_158 = arith.constant 4 : i32
      %xor3A_159 = vector.broadcast %xor3A_158 : i32 to vector<16xi32>
      %xor3A_160 = arith.xori %iota3A, %xor3A_159 : vector<16xi32>
      %lt3A_161 = arith.constant 0 : i32
      %lt3A_162 = vector.broadcast %lt3A_161 : i32 to vector<16xi32>
      %lt3A_163 = arith.cmpi slt, %xor3A_160, %lt3A_162 : vector<16xi32>
      %add3A_164 = arith.constant 16 : i32
      %add3A_165 = vector.broadcast %add3A_164 : i32 to vector<16xi32>
      %add3A_166 = arith.addi %xor3A_160, %add3A_165 : vector<16xi32>
      %select_n3A_167 = arith.select %lt3A_163, %add3A_166, %xor3A_160 : vector<16xi1>, vector<16xi32>
      %broadcast_in_dim3A_168 = vector.shape_cast %select_n3A_167 : vector<16xi32> to vector<16x1xi32>
      %gather3A_169 = vector.shape_cast %broadcast_in_dim3A_168 : vector<16x1xi32> to vector<16xi32>
      %gather3A_170 = tpu.dynamic_gather %min3A_157[%gather3A_169] in [0] : vector<16xi32>, vector<16xi32> -> vector<16xi32>
      %min3A_171 = arith.minsi %min3A_157, %gather3A_170 : vector<16xi32>
      %eq3A_172 = arith.cmpi eq, %and3A_6, %min3A_171 : vector<16xi32>
      %broadcast_in_dim3A_173 = arith.constant -1.000000e+00 : f32
      %broadcast_in_dim3A_174 = vector.broadcast %broadcast_in_dim3A_173 : f32 to vector<16xf32>
      %select_n3A_175 = arith.select %eq3A_172, %broadcast_in_dim3A_174, %div3A : vector<16xi1>, vector<16xf32>
      %xor3A_176 = arith.constant 1 : i32
      %xor3A_177 = vector.broadcast %xor3A_176 : i32 to vector<16xi32>
      %xor3A_178 = arith.xori %iota3A, %xor3A_177 : vector<16xi32>
      %lt3A_179 = arith.constant 0 : i32
      %lt3A_180 = vector.broadcast %lt3A_179 : i32 to vector<16xi32>
      %lt3A_181 = arith.cmpi slt, %xor3A_178, %lt3A_180 : vector<16xi32>
      %add3A_182 = arith.constant 16 : i32
      %add3A_183 = vector.broadcast %add3A_182 : i32 to vector<16xi32>
      %add3A_184 = arith.addi %xor3A_178, %add3A_183 : vector<16xi32>
      %select_n3A_185 = arith.select %lt3A_181, %add3A_184, %xor3A_178 : vector<16xi1>, vector<16xi32>
      %broadcast_in_dim3A_186 = vector.shape_cast %select_n3A_185 : vector<16xi32> to vector<16x1xi32>
      %gather3A_187 = vector.shape_cast %broadcast_in_dim3A_186 : vector<16x1xi32> to vector<16xi32>
      %gather3A_188 = tpu.dynamic_gather %select_n3A_175[%gather3A_187] in [0] : vector<16xf32>, vector<16xi32> -> vector<16xf32>
      %max3A_189 = arith.maximumf %select_n3A_175, %gather3A_188 : vector<16xf32>
      %xor3A_190 = arith.constant 2 : i32
      %xor3A_191 = vector.broadcast %xor3A_190 : i32 to vector<16xi32>
      %xor3A_192 = arith.xori %iota3A, %xor3A_191 : vector<16xi32>
      %lt3A_193 = arith.constant 0 : i32
      %lt3A_194 = vector.broadcast %lt3A_193 : i32 to vector<16xi32>
      %lt3A_195 = arith.cmpi slt, %xor3A_192, %lt3A_194 : vector<16xi32>
      %add3A_196 = arith.constant 16 : i32
      %add3A_197 = vector.broadcast %add3A_196 : i32 to vector<16xi32>
      %add3A_198 = arith.addi %xor3A_192, %add3A_197 : vector<16xi32>
      %select_n3A_199 = arith.select %lt3A_195, %add3A_198, %xor3A_192 : vector<16xi1>, vector<16xi32>
      %broadcast_in_dim3A_200 = vector.shape_cast %select_n3A_199 : vector<16xi32> to vector<16x1xi32>
      %gather3A_201 = vector.shape_cast %broadcast_in_dim3A_200 : vector<16x1xi32> to vector<16xi32>
      %gather3A_202 = tpu.dynamic_gather %max3A_189[%gather3A_201] in [0] : vector<16xf32>, vector<16xi32> -> vector<16xf32>
      %max3A_203 = arith.maximumf %max3A_189, %gather3A_202 : vector<16xf32>
      %xor3A_204 = arith.constant 4 : i32
      %xor3A_205 = vector.broadcast %xor3A_204 : i32 to vector<16xi32>
      %xor3A_206 = arith.xori %iota3A, %xor3A_205 : vector<16xi32>
      %lt3A_207 = arith.constant 0 : i32
      %lt3A_208 = vector.broadcast %lt3A_207 : i32 to vector<16xi32>
      %lt3A_209 = arith.cmpi slt, %xor3A_206, %lt3A_208 : vector<16xi32>
      %add3A_210 = arith.constant 16 : i32
      %add3A_211 = vector.broadcast %add3A_210 : i32 to vector<16xi32>
      %add3A_212 = arith.addi %xor3A_206, %add3A_211 : vector<16xi32>
      %select_n3A_213 = arith.select %lt3A_209, %add3A_212, %xor3A_206 : vector<16xi1>, vector<16xi32>
      %broadcast_in_dim3A_214 = vector.shape_cast %select_n3A_213 : vector<16xi32> to vector<16x1xi32>
      %gather3A_215 = vector.shape_cast %broadcast_in_dim3A_214 : vector<16x1xi32> to vector<16xi32>
      %gather3A_216 = tpu.dynamic_gather %max3A_203[%gather3A_215] in [0] : vector<16xf32>, vector<16xi32> -> vector<16xf32>
      %max3A_217 = arith.maximumf %max3A_203, %gather3A_216 : vector<16xf32>
      %eq3A_218 = arith.cmpf oeq, %select_n3A_175, %max3A_217 : vector<16xf32>
      %select_n3A_219 = arith.select %eq3A_218, %and3A_6, %broadcast_in_dim3A_86 : vector<16xi1>, vector<16xi32>
      %xor3A_220 = arith.constant 1 : i32
      %xor3A_221 = vector.broadcast %xor3A_220 : i32 to vector<16xi32>
      %xor3A_222 = arith.xori %iota3A, %xor3A_221 : vector<16xi32>
      %lt3A_223 = arith.constant 0 : i32
      %lt3A_224 = vector.broadcast %lt3A_223 : i32 to vector<16xi32>
      %lt3A_225 = arith.cmpi slt, %xor3A_222, %lt3A_224 : vector<16xi32>
      %add3A_226 = arith.constant 16 : i32
      %add3A_227 = vector.broadcast %add3A_226 : i32 to vector<16xi32>
      %add3A_228 = arith.addi %xor3A_222, %add3A_227 : vector<16xi32>
      %select_n3A_229 = arith.select %lt3A_225, %add3A_228, %xor3A_222 : vector<16xi1>, vector<16xi32>
      %broadcast_in_dim3A_230 = vector.shape_cast %select_n3A_229 : vector<16xi32> to vector<16x1xi32>
      %gather3A_231 = vector.shape_cast %broadcast_in_dim3A_230 : vector<16x1xi32> to vector<16xi32>
      %gather3A_232 = tpu.dynamic_gather %select_n3A_219[%gather3A_231] in [0] : vector<16xi32>, vector<16xi32> -> vector<16xi32>
      %min3A_233 = arith.minsi %select_n3A_219, %gather3A_232 : vector<16xi32>
      %xor3A_234 = arith.constant 2 : i32
      %xor3A_235 = vector.broadcast %xor3A_234 : i32 to vector<16xi32>
      %xor3A_236 = arith.xori %iota3A, %xor3A_235 : vector<16xi32>
      %lt3A_237 = arith.constant 0 : i32
      %lt3A_238 = vector.broadcast %lt3A_237 : i32 to vector<16xi32>
      %lt3A_239 = arith.cmpi slt, %xor3A_236, %lt3A_238 : vector<16xi32>
      %add3A_240 = arith.constant 16 : i32
      %add3A_241 = vector.broadcast %add3A_240 : i32 to vector<16xi32>
      %add3A_242 = arith.addi %xor3A_236, %add3A_241 : vector<16xi32>
      %select_n3A_243 = arith.select %lt3A_239, %add3A_242, %xor3A_236 : vector<16xi1>, vector<16xi32>
      %broadcast_in_dim3A_244 = vector.shape_cast %select_n3A_243 : vector<16xi32> to vector<16x1xi32>
      %gather3A_245 = vector.shape_cast %broadcast_in_dim3A_244 : vector<16x1xi32> to vector<16xi32>
      %gather3A_246 = tpu.dynamic_gather %min3A_233[%gather3A_245] in [0] : vector<16xi32>, vector<16xi32> -> vector<16xi32>
      %min3A_247 = arith.minsi %min3A_233, %gather3A_246 : vector<16xi32>
      %xor3A_248 = arith.constant 4 : i32
      %xor3A_249 = vector.broadcast %xor3A_248 : i32 to vector<16xi32>
      %xor3A_250 = arith.xori %iota3A, %xor3A_249 : vector<16xi32>
      %lt3A_251 = arith.constant 0 : i32
      %lt3A_252 = vector.broadcast %lt3A_251 : i32 to vector<16xi32>
      %lt3A_253 = arith.cmpi slt, %xor3A_250, %lt3A_252 : vector<16xi32>
      %add3A_254 = arith.constant 16 : i32
      %add3A_255 = vector.broadcast %add3A_254 : i32 to vector<16xi32>
      %add3A_256 = arith.addi %xor3A_250, %add3A_255 : vector<16xi32>
      %select_n3A_257 = arith.select %lt3A_253, %add3A_256, %xor3A_250 : vector<16xi1>, vector<16xi32>
      %broadcast_in_dim3A_258 = vector.shape_cast %select_n3A_257 : vector<16xi32> to vector<16x1xi32>
      %gather3A_259 = vector.shape_cast %broadcast_in_dim3A_258 : vector<16x1xi32> to vector<16xi32>
      %gather3A_260 = tpu.dynamic_gather %min3A_247[%gather3A_259] in [0] : vector<16xi32>, vector<16xi32> -> vector<16xi32>
      %min3A_261 = arith.minsi %min3A_247, %gather3A_260 : vector<16xi32>
      %shift_right_arithmetic3A = arith.constant 1 : i32
      %shift_right_arithmetic3A_262 = vector.broadcast %shift_right_arithmetic3A : i32 to vector<16xi32>
      %shift_right_arithmetic3A_263 = arith.shrsi %iota3A, %shift_right_arithmetic3A_262 : vector<16xi32>
      %shift_left3A = arith.constant 3 : i32
      %shift_left3A_264 = vector.broadcast %shift_left3A : i32 to vector<16xi32>
      %shift_left3A_265 = arith.shli %shift_right_arithmetic3A_263, %shift_left3A_264 : vector<16xi32>
      %and3A_266 = arith.constant 15 : i32
      %and3A_267 = vector.broadcast %and3A_266 : i32 to vector<16xi32>
      %and3A_268 = arith.andi %shift_left3A_265, %and3A_267 : vector<16xi32>
      %and3A_269 = arith.constant 1 : i32
      %and3A_270 = vector.broadcast %and3A_269 : i32 to vector<16xi32>
      %and3A_271 = arith.andi %iota3A, %and3A_270 : vector<16xi32>
      %eq3A_272 = arith.constant 1 : i32
      %eq3A_273 = vector.broadcast %eq3A_272 : i32 to vector<16xi32>
      %eq3A_274 = arith.cmpi eq, %and3A_271, %eq3A_273 : vector<16xi32>
      %lt3A_275 = arith.constant 0 : i32
      %lt3A_276 = vector.broadcast %lt3A_275 : i32 to vector<16xi32>
      %lt3A_277 = arith.cmpi slt, %and3A_268, %lt3A_276 : vector<16xi32>
      %add3A_278 = arith.constant 16 : i32
      %add3A_279 = vector.broadcast %add3A_278 : i32 to vector<16xi32>
      %add3A_280 = arith.addi %and3A_268, %add3A_279 : vector<16xi32>
      %select_n3A_281 = arith.select %lt3A_277, %add3A_280, %and3A_268 : vector<16xi1>, vector<16xi32>
      %broadcast_in_dim3A_282 = vector.shape_cast %select_n3A_281 : vector<16xi32> to vector<16x1xi32>
      %gather3A_283 = vector.shape_cast %broadcast_in_dim3A_282 : vector<16x1xi32> to vector<16xi32>
      %gather3A_284 = tpu.dynamic_gather %min3A_261[%gather3A_283] in [0] : vector<16xi32>, vector<16xi32> -> vector<16xi32>
      %lt3A_285 = arith.constant 0 : i32
      %lt3A_286 = vector.broadcast %lt3A_285 : i32 to vector<16xi32>
      %lt3A_287 = arith.cmpi slt, %and3A_268, %lt3A_286 : vector<16xi32>
      %add3A_288 = arith.constant 16 : i32
      %add3A_289 = vector.broadcast %add3A_288 : i32 to vector<16xi32>
      %add3A_290 = arith.addi %and3A_268, %add3A_289 : vector<16xi32>
      %select_n3A_291 = arith.select %lt3A_287, %add3A_290, %and3A_268 : vector<16xi1>, vector<16xi32>
      %broadcast_in_dim3A_292 = vector.shape_cast %select_n3A_291 : vector<16xi32> to vector<16x1xi32>
      %gather3A_293 = vector.shape_cast %broadcast_in_dim3A_292 : vector<16x1xi32> to vector<16xi32>
      %gather3A_294 = tpu.dynamic_gather %min3A_171[%gather3A_293] in [0] : vector<16xi32>, vector<16xi32> -> vector<16xi32>
      %select_n3A_295 = arith.select %eq3A_274, %gather3A_284, %gather3A_294 : vector<16xi1>, vector<16xi32>
      %swap3A = arith.constant 0 : index
      %swap3A_296 = tpu.vector_load %arg6[%swap3A] {strides = array<i32>} : memref<16xi32, #tpu.memory_space<vmem>>, vector<16xi32>,
      %swap3A_297 = vector.shape_cast %swap3A_296 : vector<16xi32> to vector<16xi32>
      %swap3A_298 = vector.shape_cast %select_n3A_295 : vector<16xi32> to vector<16xi32>
      tpu.vector_store %arg6[%swap3A], %swap3A_298 {strides = array<i32>} : memref<16xi32, #tpu.memory_space<vmem>>, vector<16xi32>,
      %lt3A_299 = arith.constant 0 : i32
      %lt3A_300 = vector.broadcast %lt3A_299 : i32 to vector<16xi32>
      %lt3A_301 = arith.cmpi slt, %and3A_268, %lt3A_300 : vector<16xi32>
      %add3A_302 = arith.constant 16 : i32
      %add3A_303 = vector.broadcast %add3A_302 : i32 to vector<16xi32>
      %add3A_304 = arith.addi %and3A_268, %add3A_303 : vector<16xi32>
      %select_n3A_305 = arith.select %lt3A_301, %add3A_304, %and3A_268 : vector<16xi1>, vector<16xi32>
      %broadcast_in_dim3A_306 = vector.shape_cast %select_n3A_305 : vector<16xi32> to vector<16x1xi32>
      %gather3A_307 = vector.shape_cast %broadcast_in_dim3A_306 : vector<16x1xi32> to vector<16xi32>
      %gather3A_308 = tpu.dynamic_gather %max3A_217[%gather3A_307] in [0] : vector<16xf32>, vector<16xi32> -> vector<16xf32>
      %lt3A_309 = arith.constant 0 : i32
      %lt3A_310 = vector.broadcast %lt3A_309 : i32 to vector<16xi32>
      %lt3A_311 = arith.cmpi slt, %and3A_268, %lt3A_310 : vector<16xi32>
      %add3A_312 = arith.constant 16 : i32
      %add3A_313 = vector.broadcast %add3A_312 : i32 to vector<16xi32>
      %add3A_314 = arith.addi %and3A_268, %add3A_313 : vector<16xi32>
      %select_n3A_315 = arith.select %lt3A_311, %add3A_314, %and3A_268 : vector<16xi1>, vector<16xi32>
      %broadcast_in_dim3A_316 = vector.shape_cast %select_n3A_315 : vector<16xi32> to vector<16x1xi32>
      %gather3A_317 = vector.shape_cast %broadcast_in_dim3A_316 : vector<16x1xi32> to vector<16xi32>
      %gather3A_318 = tpu.dynamic_gather %max3A_128[%gather3A_317] in [0] : vector<16xf32>, vector<16xi32> -> vector<16xf32>
      %select_n3A_319 = arith.select %eq3A_274, %gather3A_308, %gather3A_318 : vector<16xi1>, vector<16xf32>
      %swap3A_320 = arith.constant 0 : index
      %swap3A_321 = tpu.vector_load %arg7[%swap3A_320] {strides = array<i32>} : memref<16xf32, #tpu.memory_space<vmem>>, vector<16xf32>,
      %swap3A_322 = vector.shape_cast %swap3A_321 : vector<16xf32> to vector<16xf32>
      %swap3A_323 = vector.shape_cast %select_n3A_319 : vector<16xf32> to vector<16xf32>
      tpu.vector_store %arg7[%swap3A_320], %swap3A_323 {strides = array<i32>} : memref<16xf32, #tpu.memory_space<vmem>>, vector<16xf32>,
      "tpu.region"() ({
        %run_scoped3A = tpu.sem_alloc : memref<!tpu.dma_semaphore, #tpu.memory_space<semaphore_mem>>
        tpu.enqueue_dma source(%arg6 : memref<16xi32, #tpu.memory_space<vmem>>) target(%arg3 : memref<16xi32, #tpu.memory_space<hbm>>) target_semaphore(%run_scoped3A : memref<!tpu.dma_semaphore, #tpu.memory_space<semaphore_mem>>)
        tpu.wait_dma2 semaphore(%run_scoped3A : memref<!tpu.dma_semaphore, #tpu.memory_space<semaphore_mem>>) src(%arg6 : memref<16xi32, #tpu.memory_space<vmem>>) dst(%arg3 : memref<16xi32, #tpu.memory_space<hbm>>)
        tpu.yield
      }) : () -> ()
      "tpu.region"() ({
        %run_scoped3A = tpu.sem_alloc : memref<!tpu.dma_semaphore, #tpu.memory_space<semaphore_mem>>
        tpu.enqueue_dma source(%arg7 : memref<16xf32, #tpu.memory_space<vmem>>) target(%arg4 : memref<16xf32, #tpu.memory_space<hbm>>) target_semaphore(%run_scoped3A : memref<!tpu.dma_semaphore, #tpu.memory_space<semaphore_mem>>)
        tpu.wait_dma2 semaphore(%run_scoped3A : memref<!tpu.dma_semaphore, #tpu.memory_space<semaphore_mem>>) src(%arg7 : memref<16xf32, #tpu.memory_space<vmem>>) dst(%arg4 : memref<16xf32, #tpu.memory_space<hbm>>)
        tpu.yield
      }) : () -> ()
    } else {
    }
    return
  }
}

module attributes {stable_mosaic.version = 14 : i64} {
  func.func @_moe_body(%arg0: i32, %arg1: i32, %arg2: memref<16xi32, #tpu.memory_space<smem>>, %arg3: memref<16xf32, #tpu.memory_space<smem>>, %arg4: memref<1x512x2048xf32, #tpu.memory_space<vmem>>, %arg5: memref<1x128x128xbf16, #tpu.memory_space<vmem>>, %arg6: memref<1x128x128xbf16, #tpu.memory_space<vmem>>, %arg7: memref<1x1x128xf32, #tpu.memory_space<vmem>>, %arg8: memref<1x1x128xf32, #tpu.memory_space<vmem>>, %arg9: memref<1x128x128xf32, #tpu.memory_space<vmem>>, %arg10: memref<1x128x128xf32, #tpu.memory_space<vmem>>, %arg11: memref<1x1x128xf32, #tpu.memory_space<vmem>>, %arg12: memref<1x1x128xf32, #tpu.memory_space<vmem>>, %arg13: memref<2048x2048xf32, #tpu.memory_space<vmem>>, %arg14: memref<1x2048xf32, #tpu.memory_space<vmem>>, %arg15: memref<1x512x2048xf32, #tpu.memory_space<vmem>>, %arg16: memref<512x2048xf32, #tpu.memory_space<vmem>>, %arg17: memref<2048x2048xbf16, #tpu.memory_space<vmem>>) attributes {dimension_semantics = [#tpu.dimension_semantics<arbitrary>, #tpu.dimension_semantics<arbitrary>], iteration_bounds = array<i64: 2, 4>, scalar_prefetch = 2 : i64, scratch_operands = 2 : i64, tpu.core_type = #tpu.core_type<tc>, window_params = [{transform_indices = @transform_0, window_bounds = array<i64: 1, 512, 2048>}, {transform_indices = @transform_1, window_bounds = array<i64: 1, 128, 128>}, {transform_indices = @transform_2, window_bounds = array<i64: 1, 128, 128>}, {transform_indices = @transform_3, window_bounds = array<i64: 1, 1, 128>}, {transform_indices = @transform_4, window_bounds = array<i64: 1, 1, 128>}, {transform_indices = @transform_5, window_bounds = array<i64: 1, 128, 128>}, {transform_indices = @transform_6, window_bounds = array<i64: 1, 128, 128>}, {transform_indices = @transform_7, window_bounds = array<i64: 1, 1, 128>}, {transform_indices = @transform_8, window_bounds = array<i64: 1, 1, 128>}, {pipeline_mode = #tpu.pipeline_mode<synchronous>, transform_indices = @transform_9, window_bounds = array<i64: 2048, 2048>}, {pipeline_mode = #tpu.pipeline_mode<synchronous>, transform_indices = @transform_10, window_bounds = array<i64: 1, 2048>}, {transform_indices = @transform_11, window_bounds = array<i64: 1, 512, 2048>}]} {
    %eq3A = arith.constant 0 : i32
    %eq3A_0 = arith.cmpi eq, %arg0, %eq3A : i32
    %eq3A_1 = arith.constant 0 : i32
    %eq3A_2 = arith.cmpi eq, %arg1, %eq3A_1 : i32
    %and3A = arith.andi %eq3A_0, %eq3A_2 : i1
    %convert_element_type3A = arith.extui %and3A : i1 to i32
    %cond3A = arith.constant 0 : i32
    %cond3A_3 = arith.cmpi ne, %convert_element_type3A, %cond3A : i32
    scf.if %cond3A_3 {
      %get3A_534 = arith.constant 0 : index
      %get3A_535 = arith.constant 0 : index
      %get3A_536 = vector.load %arg13[%get3A_534, %get3A_535] : memref<2048x2048xf32, #tpu.memory_space<vmem>>, vector<2048x2048xf32>
      %convert_element_type3A_537 = arith.truncf %get3A_536 : vector<2048x2048xf32> to vector<2048x2048xbf16>
      %swap3A_538 = arith.constant 0 : index
      %swap3A_539 = arith.constant 0 : index
      %swap3A_540 = vector.load %arg17[%swap3A_538, %swap3A_539] : memref<2048x2048xbf16, #tpu.memory_space<vmem>>, vector<2048x2048xbf16>
      tpu.vector_store %arg17[%swap3A_538, %swap3A_539], %convert_element_type3A_537 {strides = array<i32>} : memref<2048x2048xbf16, #tpu.memory_space<vmem>>, vector<2048x2048xbf16>,
    } else {
    }
    %mul3A = arith.constant 2 : i32
    %mul3A_4 = arith.muli %mul3A, %arg0 : i32
    %get3A = arith.index_cast %mul3A_4 : i32 to index
    %get3A_5 = memref.load %arg3[%get3A] : memref<16xf32, #tpu.memory_space<smem>>
    %mul3A_6 = arith.constant 2 : i32
    %mul3A_7 = arith.muli %mul3A_6, %arg0 : i32
    %add3A = arith.constant 1 : i32
    %add3A_8 = arith.addi %mul3A_7, %add3A : i32
    %get3A_9 = arith.index_cast %add3A_8 : i32 to index
    %get3A_10 = memref.load %arg3[%get3A_9] : memref<16xf32, #tpu.memory_space<smem>>
    %get3A_11 = arith.constant 0 : index
    %get3A_12 = arith.constant 0 : index
    %get3A_13 = arith.constant 0 : index
    %get3A_14 = vector.load %arg4[%get3A_11, %get3A_12, %get3A_13] : memref<1x512x2048xf32, #tpu.memory_space<vmem>>, vector<1x512x2048xf32>
    %get3A_15 = vector.shape_cast %get3A_14 : vector<1x512x2048xf32> to vector<512x2048xf32>
    %convert_element_type3A_16 = arith.truncf %get3A_15 : vector<512x2048xf32> to vector<512x2048xbf16>
    %get3A_17 = arith.constant 0 : index
    %get3A_18 = arith.constant 0 : index
    %get3A_19 = arith.constant 0 : index
    %get3A_20 = vector.load %arg5[%get3A_17, %get3A_18, %get3A_19] : memref<1x128x128xbf16, #tpu.memory_space<vmem>>, vector<1x128x128xbf16>
    %get3A_21 = vector.shape_cast %get3A_20 : vector<1x128x128xbf16> to vector<128x128xbf16>
    %get3A_22 = arith.constant 0 : index
    %get3A_23 = arith.constant 0 : index
    %get3A_24 = arith.constant 0 : index
    %get3A_25 = vector.load %arg6[%get3A_22, %get3A_23, %get3A_24] : memref<1x128x128xbf16, #tpu.memory_space<vmem>>, vector<1x128x128xbf16>
    %get3A_26 = vector.shape_cast %get3A_25 : vector<1x128x128xbf16> to vector<128x128xbf16>
    %concatenate3A = tpu.concatenate %get3A_21, %get3A_26 in 1 : vector<128x128xbf16>, vector<128x128xbf16> -> vector<128x256xbf16>
    %get3A_27 = arith.constant 0 : index
    %get3A_28 = arith.constant 0 : index
    %get3A_29 = arith.constant 0 : index
    %get3A_30 = vector.load %arg7[%get3A_27, %get3A_28, %get3A_29] : memref<1x1x128xf32, #tpu.memory_space<vmem>>, vector<1x1x128xf32>
    %get3A_31 = vector.shape_cast %get3A_30 : vector<1x1x128xf32> to vector<128xf32>
    %get3A_32 = arith.constant 0 : index
    %get3A_33 = arith.constant 0 : index
    %get3A_34 = arith.constant 0 : index
    %get3A_35 = vector.load %arg8[%get3A_32, %get3A_33, %get3A_34] : memref<1x1x128xf32, #tpu.memory_space<vmem>>, vector<1x1x128xf32>
    %get3A_36 = vector.shape_cast %get3A_35 : vector<1x1x128xf32> to vector<128xf32>
    %concatenate3A_37 = tpu.concatenate %get3A_31, %get3A_36 in 0 : vector<128xf32>, vector<128xf32> -> vector<256xf32>
    %get3A_38 = arith.constant 0 : index
    %get3A_39 = arith.constant 0 : index
    %get3A_40 = arith.constant 0 : index
    %get3A_41 = vector.load %arg9[%get3A_38, %get3A_39, %get3A_40] : memref<1x128x128xf32, #tpu.memory_space<vmem>>, vector<1x128x128xf32>
    %get3A_42 = vector.shape_cast %get3A_41 : vector<1x128x128xf32> to vector<128x128xf32>
    %mul3A_43 = vector.broadcast %get3A_5 : f32 to vector<128x128xf32>
    %mul3A_44 = arith.mulf %mul3A_43, %get3A_42 : vector<128x128xf32>
    %get3A_45 = arith.constant 0 : index
    %get3A_46 = arith.constant 0 : index
    %get3A_47 = arith.constant 0 : index
    %get3A_48 = vector.load %arg10[%get3A_45, %get3A_46, %get3A_47] : memref<1x128x128xf32, #tpu.memory_space<vmem>>, vector<1x128x128xf32>
    %get3A_49 = vector.shape_cast %get3A_48 : vector<1x128x128xf32> to vector<128x128xf32>
    %mul3A_50 = vector.broadcast %get3A_10 : f32 to vector<128x128xf32>
    %mul3A_51 = arith.mulf %mul3A_50, %get3A_49 : vector<128x128xf32>
    %concatenate3A_52 = tpu.concatenate %mul3A_44, %mul3A_51 in 0 : vector<128x128xf32>, vector<128x128xf32> -> vector<256x128xf32>
    %convert_element_type3A_53 = arith.truncf %concatenate3A_52 : vector<256x128xf32> to vector<256x128xbf16>
    %get3A_54 = arith.constant 0 : index
    %get3A_55 = arith.constant 0 : index
    %get3A_56 = arith.constant 0 : index
    %get3A_57 = vector.load %arg11[%get3A_54, %get3A_55, %get3A_56] : memref<1x1x128xf32, #tpu.memory_space<vmem>>, vector<1x1x128xf32>
    %get3A_58 = vector.shape_cast %get3A_57 : vector<1x1x128xf32> to vector<128xf32>
    %mul3A_59 = vector.broadcast %get3A_5 : f32 to vector<128xf32>
    %mul3A_60 = arith.mulf %mul3A_59, %get3A_58 : vector<128xf32>
    %get3A_61 = arith.constant 0 : index
    %get3A_62 = arith.constant 0 : index
    %get3A_63 = arith.constant 0 : index
    %get3A_64 = vector.load %arg12[%get3A_61, %get3A_62, %get3A_63] : memref<1x1x128xf32, #tpu.memory_space<vmem>>, vector<1x1x128xf32>
    %get3A_65 = vector.shape_cast %get3A_64 : vector<1x1x128xf32> to vector<128xf32>
    %mul3A_66 = vector.broadcast %get3A_10 : f32 to vector<128xf32>
    %mul3A_67 = arith.mulf %mul3A_66, %get3A_65 : vector<128xf32>
    %add3A_68 = arith.addf %mul3A_60, %mul3A_67 : vector<128xf32>
    %slice3A = vector.extract_strided_slice %convert_element_type3A_16 {offsets = [0, 0], sizes = [512, 128], strides = [1, 1]} : vector<512x2048xbf16> to vector<512x128xbf16>
    %dot_general3A = arith.constant dense<0.000000e+00> : vector<512x256xf32>
    %dot_general3A_69 = tpu.matmul %slice3A, %concatenate3A, %dot_general3A {dimension_numbers = #tpu.dot_dimension_numbers<[1], [0], [0], [1], [0, 0, 1, 1], [], []>, transpose_lhs_hint = false} : vector<512x128xbf16>, vector<128x256xbf16>, vector<512x256xf32> -> vector<512x256xf32>
    %broadcast_in_dim3A = vector.shape_cast %concatenate3A_37 : vector<256xf32> to vector<1x256xf32>
    %add3A_70 = vector.broadcast %broadcast_in_dim3A : vector<1x256xf32> to vector<512x256xf32>
    %add3A_71 = arith.addf %dot_general3A_69, %add3A_70 : vector<512x256xf32>
    %mul3A_72 = arith.constant 5.000000e-01 : f32
    %mul3A_73 = vector.broadcast %mul3A_72 : f32 to vector<512x256xf32>
    %mul3A_74 = arith.mulf %mul3A_73, %add3A_71 : vector<512x256xf32>
    %mul3A_75 = arith.constant 0.707106769 : f32
    %mul3A_76 = vector.broadcast %mul3A_75 : f32 to vector<512x256xf32>
    %mul3A_77 = arith.mulf %add3A_71, %mul3A_76 : vector<512x256xf32>
    %erf3A = math.erf %mul3A_77 : vector<512x256xf32>
    %add3A_78 = arith.constant 1.000000e+00 : f32
    %add3A_79 = vector.broadcast %add3A_78 : f32 to vector<512x256xf32>
    %add3A_80 = arith.addf %add3A_79, %erf3A : vector<512x256xf32>
    %mul3A_81 = arith.mulf %mul3A_74, %add3A_80 : vector<512x256xf32>
    %convert_element_type3A_82 = arith.truncf %mul3A_81 : vector<512x256xf32> to vector<512x256xbf16>
    %dot_general3A_83 = arith.constant dense<0.000000e+00> : vector<512x128xf32>
    %dot_general3A_84 = tpu.matmul %convert_element_type3A_82, %convert_element_type3A_53, %dot_general3A_83 {dimension_numbers = #tpu.dot_dimension_numbers<[1], [0], [0], [1], [0, 0, 1, 1], [], []>, transpose_lhs_hint = false} : vector<512x256xbf16>, vector<256x128xbf16>, vector<512x128xf32> -> vector<512x128xf32>
    %broadcast_in_dim3A_85 = vector.shape_cast %add3A_68 : vector<128xf32> to vector<1x128xf32>
    %add3A_86 = vector.broadcast %broadcast_in_dim3A_85 : vector<1x128xf32> to vector<512x128xf32>
    %add3A_87 = arith.addf %dot_general3A_84, %add3A_86 : vector<512x128xf32>
    %slice3A_88 = vector.extract_strided_slice %get3A_15 {offsets = [0, 0], sizes = [512, 128], strides = [1, 1]} : vector<512x2048xf32> to vector<512x128xf32>
    %add3A_89 = arith.addf %slice3A_88, %add3A_87 : vector<512x128xf32>
    %swap3A = arith.constant 0 : index
    %swap3A_90 = arith.constant 0 : index
    %swap3A_91 = vector.load %arg16[%swap3A, %swap3A_90] : memref<512x2048xf32, #tpu.memory_space<vmem>>, vector<512x128xf32>
    tpu.vector_store %arg16[%swap3A, %swap3A_90], %add3A_89 {strides = array<i32>} : memref<512x2048xf32, #tpu.memory_space<vmem>>, vector<512x128xf32>,
    %slice3A_92 = vector.extract_strided_slice %convert_element_type3A_16 {offsets = [0, 128], sizes = [512, 128], strides = [1, 1]} : vector<512x2048xbf16> to vector<512x128xbf16>
    %dot_general3A_93 = arith.constant dense<0.000000e+00> : vector<512x256xf32>
    %dot_general3A_94 = tpu.matmul %slice3A_92, %concatenate3A, %dot_general3A_93 {dimension_numbers = #tpu.dot_dimension_numbers<[1], [0], [0], [1], [0, 0, 1, 1], [], []>, transpose_lhs_hint = false} : vector<512x128xbf16>, vector<128x256xbf16>, vector<512x256xf32> -> vector<512x256xf32>
    %broadcast_in_dim3A_95 = vector.shape_cast %concatenate3A_37 : vector<256xf32> to vector<1x256xf32>
    %add3A_96 = vector.broadcast %broadcast_in_dim3A_95 : vector<1x256xf32> to vector<512x256xf32>
    %add3A_97 = arith.addf %dot_general3A_94, %add3A_96 : vector<512x256xf32>
    %mul3A_98 = arith.constant 5.000000e-01 : f32
    %mul3A_99 = vector.broadcast %mul3A_98 : f32 to vector<512x256xf32>
    %mul3A_100 = arith.mulf %mul3A_99, %add3A_97 : vector<512x256xf32>
    %mul3A_101 = arith.constant 0.707106769 : f32
    %mul3A_102 = vector.broadcast %mul3A_101 : f32 to vector<512x256xf32>
    %mul3A_103 = arith.mulf %add3A_97, %mul3A_102 : vector<512x256xf32>
    %erf3A_104 = math.erf %mul3A_103 : vector<512x256xf32>
    %add3A_105 = arith.constant 1.000000e+00 : f32
    %add3A_106 = vector.broadcast %add3A_105 : f32 to vector<512x256xf32>
    %add3A_107 = arith.addf %add3A_106, %erf3A_104 : vector<512x256xf32>
    %mul3A_108 = arith.mulf %mul3A_100, %add3A_107 : vector<512x256xf32>
    %convert_element_type3A_109 = arith.truncf %mul3A_108 : vector<512x256xf32> to vector<512x256xbf16>
    %dot_general3A_110 = arith.constant dense<0.000000e+00> : vector<512x128xf32>
    %dot_general3A_111 = tpu.matmul %convert_element_type3A_109, %convert_element_type3A_53, %dot_general3A_110 {dimension_numbers = #tpu.dot_dimension_numbers<[1], [0], [0], [1], [0, 0, 1, 1], [], []>, transpose_lhs_hint = false} : vector<512x256xbf16>, vector<256x128xbf16>, vector<512x128xf32> -> vector<512x128xf32>
    %broadcast_in_dim3A_112 = vector.shape_cast %add3A_68 : vector<128xf32> to vector<1x128xf32>
    %add3A_113 = vector.broadcast %broadcast_in_dim3A_112 : vector<1x128xf32> to vector<512x128xf32>
    %add3A_114 = arith.addf %dot_general3A_111, %add3A_113 : vector<512x128xf32>
    %slice3A_115 = vector.extract_strided_slice %get3A_15 {offsets = [0, 128], sizes = [512, 128], strides = [1, 1]} : vector<512x2048xf32> to vector<512x128xf32>
    %add3A_116 = arith.addf %slice3A_115, %add3A_114 : vector<512x128xf32>
    %swap3A_117 = arith.constant 0 : index
    %swap3A_118 = arith.constant 128 : index
    %swap3A_119 = vector.load %arg16[%swap3A_117, %swap3A_118] : memref<512x2048xf32, #tpu.memory_space<vmem>>, vector<512x128xf32>
    tpu.vector_store %arg16[%swap3A_117, %swap3A_118], %add3A_116 {strides = array<i32>} : memref<512x2048xf32, #tpu.memory_space<vmem>>, vector<512x128xf32>,
    %slice3A_120 = vector.extract_strided_slice %convert_element_type3A_16 {offsets = [0, 256], sizes = [512, 128], strides = [1, 1]} : vector<512x2048xbf16> to vector<512x128xbf16>
    %dot_general3A_121 = arith.constant dense<0.000000e+00> : vector<512x256xf32>
    %dot_general3A_122 = tpu.matmul %slice3A_120, %concatenate3A, %dot_general3A_121 {dimension_numbers = #tpu.dot_dimension_numbers<[1], [0], [0], [1], [0, 0, 1, 1], [], []>, transpose_lhs_hint = false} : vector<512x128xbf16>, vector<128x256xbf16>, vector<512x256xf32> -> vector<512x256xf32>
    %broadcast_in_dim3A_123 = vector.shape_cast %concatenate3A_37 : vector<256xf32> to vector<1x256xf32>
    %add3A_124 = vector.broadcast %broadcast_in_dim3A_123 : vector<1x256xf32> to vector<512x256xf32>
    %add3A_125 = arith.addf %dot_general3A_122, %add3A_124 : vector<512x256xf32>
    %mul3A_126 = arith.constant 5.000000e-01 : f32
    %mul3A_127 = vector.broadcast %mul3A_126 : f32 to vector<512x256xf32>
    %mul3A_128 = arith.mulf %mul3A_127, %add3A_125 : vector<512x256xf32>
    %mul3A_129 = arith.constant 0.707106769 : f32
    %mul3A_130 = vector.broadcast %mul3A_129 : f32 to vector<512x256xf32>
    %mul3A_131 = arith.mulf %add3A_125, %mul3A_130 : vector<512x256xf32>
    %erf3A_132 = math.erf %mul3A_131 : vector<512x256xf32>
    %add3A_133 = arith.constant 1.000000e+00 : f32
    %add3A_134 = vector.broadcast %add3A_133 : f32 to vector<512x256xf32>
    %add3A_135 = arith.addf %add3A_134, %erf3A_132 : vector<512x256xf32>
    %mul3A_136 = arith.mulf %mul3A_128, %add3A_135 : vector<512x256xf32>
    %convert_element_type3A_137 = arith.truncf %mul3A_136 : vector<512x256xf32> to vector<512x256xbf16>
    %dot_general3A_138 = arith.constant dense<0.000000e+00> : vector<512x128xf32>
    %dot_general3A_139 = tpu.matmul %convert_element_type3A_137, %convert_element_type3A_53, %dot_general3A_138 {dimension_numbers = #tpu.dot_dimension_numbers<[1], [0], [0], [1], [0, 0, 1, 1], [], []>, transpose_lhs_hint = false} : vector<512x256xbf16>, vector<256x128xbf16>, vector<512x128xf32> -> vector<512x128xf32>
    %broadcast_in_dim3A_140 = vector.shape_cast %add3A_68 : vector<128xf32> to vector<1x128xf32>
    %add3A_141 = vector.broadcast %broadcast_in_dim3A_140 : vector<1x128xf32> to vector<512x128xf32>
    %add3A_142 = arith.addf %dot_general3A_139, %add3A_141 : vector<512x128xf32>
    %slice3A_143 = vector.extract_strided_slice %get3A_15 {offsets = [0, 256], sizes = [512, 128], strides = [1, 1]} : vector<512x2048xf32> to vector<512x128xf32>
    %add3A_144 = arith.addf %slice3A_143, %add3A_142 : vector<512x128xf32>
    %swap3A_145 = arith.constant 0 : index
    %swap3A_146 = arith.constant 256 : index
    %swap3A_147 = vector.load %arg16[%swap3A_145, %swap3A_146] : memref<512x2048xf32, #tpu.memory_space<vmem>>, vector<512x128xf32>
    tpu.vector_store %arg16[%swap3A_145, %swap3A_146], %add3A_144 {strides = array<i32>} : memref<512x2048xf32, #tpu.memory_space<vmem>>, vector<512x128xf32>,
    %slice3A_148 = vector.extract_strided_slice %convert_element_type3A_16 {offsets = [0, 384], sizes = [512, 128], strides = [1, 1]} : vector<512x2048xbf16> to vector<512x128xbf16>
    %dot_general3A_149 = arith.constant dense<0.000000e+00> : vector<512x256xf32>
    %dot_general3A_150 = tpu.matmul %slice3A_148, %concatenate3A, %dot_general3A_149 {dimension_numbers = #tpu.dot_dimension_numbers<[1], [0], [0], [1], [0, 0, 1, 1], [], []>, transpose_lhs_hint = false} : vector<512x128xbf16>, vector<128x256xbf16>, vector<512x256xf32> -> vector<512x256xf32>
    %broadcast_in_dim3A_151 = vector.shape_cast %concatenate3A_37 : vector<256xf32> to vector<1x256xf32>
    %add3A_152 = vector.broadcast %broadcast_in_dim3A_151 : vector<1x256xf32> to vector<512x256xf32>
    %add3A_153 = arith.addf %dot_general3A_150, %add3A_152 : vector<512x256xf32>
    %mul3A_154 = arith.constant 5.000000e-01 : f32
    %mul3A_155 = vector.broadcast %mul3A_154 : f32 to vector<512x256xf32>
    %mul3A_156 = arith.mulf %mul3A_155, %add3A_153 : vector<512x256xf32>
    %mul3A_157 = arith.constant 0.707106769 : f32
    %mul3A_158 = vector.broadcast %mul3A_157 : f32 to vector<512x256xf32>
    %mul3A_159 = arith.mulf %add3A_153, %mul3A_158 : vector<512x256xf32>
    %erf3A_160 = math.erf %mul3A_159 : vector<512x256xf32>
    %add3A_161 = arith.constant 1.000000e+00 : f32
    %add3A_162 = vector.broadcast %add3A_161 : f32 to vector<512x256xf32>
    %add3A_163 = arith.addf %add3A_162, %erf3A_160 : vector<512x256xf32>
    %mul3A_164 = arith.mulf %mul3A_156, %add3A_163 : vector<512x256xf32>
    %convert_element_type3A_165 = arith.truncf %mul3A_164 : vector<512x256xf32> to vector<512x256xbf16>
    %dot_general3A_166 = arith.constant dense<0.000000e+00> : vector<512x128xf32>
    %dot_general3A_167 = tpu.matmul %convert_element_type3A_165, %convert_element_type3A_53, %dot_general3A_166 {dimension_numbers = #tpu.dot_dimension_numbers<[1], [0], [0], [1], [0, 0, 1, 1], [], []>, transpose_lhs_hint = false} : vector<512x256xbf16>, vector<256x128xbf16>, vector<512x128xf32> -> vector<512x128xf32>
    %broadcast_in_dim3A_168 = vector.shape_cast %add3A_68 : vector<128xf32> to vector<1x128xf32>
    %add3A_169 = vector.broadcast %broadcast_in_dim3A_168 : vector<1x128xf32> to vector<512x128xf32>
    %add3A_170 = arith.addf %dot_general3A_167, %add3A_169 : vector<512x128xf32>
    %slice3A_171 = vector.extract_strided_slice %get3A_15 {offsets = [0, 384], sizes = [512, 128], strides = [1, 1]} : vector<512x2048xf32> to vector<512x128xf32>
    %add3A_172 = arith.addf %slice3A_171, %add3A_170 : vector<512x128xf32>
    %swap3A_173 = arith.constant 0 : index
    %swap3A_174 = arith.constant 384 : index
    %swap3A_175 = vector.load %arg16[%swap3A_173, %swap3A_174] : memref<512x2048xf32, #tpu.memory_space<vmem>>, vector<512x128xf32>
    tpu.vector_store %arg16[%swap3A_173, %swap3A_174], %add3A_172 {strides = array<i32>} : memref<512x2048xf32, #tpu.memory_space<vmem>>, vector<512x128xf32>,
    %slice3A_176 = vector.extract_strided_slice %convert_element_type3A_16 {offsets = [0, 512], sizes = [512, 128], strides = [1, 1]} : vector<512x2048xbf16> to vector<512x128xbf16>
    %dot_general3A_177 = arith.constant dense<0.000000e+00> : vector<512x256xf32>
    %dot_general3A_178 = tpu.matmul %slice3A_176, %concatenate3A, %dot_general3A_177 {dimension_numbers = #tpu.dot_dimension_numbers<[1], [0], [0], [1], [0, 0, 1, 1], [], []>, transpose_lhs_hint = false} : vector<512x128xbf16>, vector<128x256xbf16>, vector<512x256xf32> -> vector<512x256xf32>
    %broadcast_in_dim3A_179 = vector.shape_cast %concatenate3A_37 : vector<256xf32> to vector<1x256xf32>
    %add3A_180 = vector.broadcast %broadcast_in_dim3A_179 : vector<1x256xf32> to vector<512x256xf32>
    %add3A_181 = arith.addf %dot_general3A_178, %add3A_180 : vector<512x256xf32>
    %mul3A_182 = arith.constant 5.000000e-01 : f32
    %mul3A_183 = vector.broadcast %mul3A_182 : f32 to vector<512x256xf32>
    %mul3A_184 = arith.mulf %mul3A_183, %add3A_181 : vector<512x256xf32>
    %mul3A_185 = arith.constant 0.707106769 : f32
    %mul3A_186 = vector.broadcast %mul3A_185 : f32 to vector<512x256xf32>
    %mul3A_187 = arith.mulf %add3A_181, %mul3A_186 : vector<512x256xf32>
    %erf3A_188 = math.erf %mul3A_187 : vector<512x256xf32>
    %add3A_189 = arith.constant 1.000000e+00 : f32
    %add3A_190 = vector.broadcast %add3A_189 : f32 to vector<512x256xf32>
    %add3A_191 = arith.addf %add3A_190, %erf3A_188 : vector<512x256xf32>
    %mul3A_192 = arith.mulf %mul3A_184, %add3A_191 : vector<512x256xf32>
    %convert_element_type3A_193 = arith.truncf %mul3A_192 : vector<512x256xf32> to vector<512x256xbf16>
    %dot_general3A_194 = arith.constant dense<0.000000e+00> : vector<512x128xf32>
    %dot_general3A_195 = tpu.matmul %convert_element_type3A_193, %convert_element_type3A_53, %dot_general3A_194 {dimension_numbers = #tpu.dot_dimension_numbers<[1], [0], [0], [1], [0, 0, 1, 1], [], []>, transpose_lhs_hint = false} : vector<512x256xbf16>, vector<256x128xbf16>, vector<512x128xf32> -> vector<512x128xf32>
    %broadcast_in_dim3A_196 = vector.shape_cast %add3A_68 : vector<128xf32> to vector<1x128xf32>
    %add3A_197 = vector.broadcast %broadcast_in_dim3A_196 : vector<1x128xf32> to vector<512x128xf32>
    %add3A_198 = arith.addf %dot_general3A_195, %add3A_197 : vector<512x128xf32>
    %slice3A_199 = vector.extract_strided_slice %get3A_15 {offsets = [0, 512], sizes = [512, 128], strides = [1, 1]} : vector<512x2048xf32> to vector<512x128xf32>
    %add3A_200 = arith.addf %slice3A_199, %add3A_198 : vector<512x128xf32>
    %swap3A_201 = arith.constant 0 : index
    %swap3A_202 = arith.constant 512 : index
    %swap3A_203 = vector.load %arg16[%swap3A_201, %swap3A_202] : memref<512x2048xf32, #tpu.memory_space<vmem>>, vector<512x128xf32>
    tpu.vector_store %arg16[%swap3A_201, %swap3A_202], %add3A_200 {strides = array<i32>} : memref<512x2048xf32, #tpu.memory_space<vmem>>, vector<512x128xf32>,
    %slice3A_204 = vector.extract_strided_slice %convert_element_type3A_16 {offsets = [0, 640], sizes = [512, 128], strides = [1, 1]} : vector<512x2048xbf16> to vector<512x128xbf16>
    %dot_general3A_205 = arith.constant dense<0.000000e+00> : vector<512x256xf32>
    %dot_general3A_206 = tpu.matmul %slice3A_204, %concatenate3A, %dot_general3A_205 {dimension_numbers = #tpu.dot_dimension_numbers<[1], [0], [0], [1], [0, 0, 1, 1], [], []>, transpose_lhs_hint = false} : vector<512x128xbf16>, vector<128x256xbf16>, vector<512x256xf32> -> vector<512x256xf32>
    %broadcast_in_dim3A_207 = vector.shape_cast %concatenate3A_37 : vector<256xf32> to vector<1x256xf32>
    %add3A_208 = vector.broadcast %broadcast_in_dim3A_207 : vector<1x256xf32> to vector<512x256xf32>
    %add3A_209 = arith.addf %dot_general3A_206, %add3A_208 : vector<512x256xf32>
    %mul3A_210 = arith.constant 5.000000e-01 : f32
    %mul3A_211 = vector.broadcast %mul3A_210 : f32 to vector<512x256xf32>
    %mul3A_212 = arith.mulf %mul3A_211, %add3A_209 : vector<512x256xf32>
    %mul3A_213 = arith.constant 0.707106769 : f32
    %mul3A_214 = vector.broadcast %mul3A_213 : f32 to vector<512x256xf32>
    %mul3A_215 = arith.mulf %add3A_209, %mul3A_214 : vector<512x256xf32>
    %erf3A_216 = math.erf %mul3A_215 : vector<512x256xf32>
    %add3A_217 = arith.constant 1.000000e+00 : f32
    %add3A_218 = vector.broadcast %add3A_217 : f32 to vector<512x256xf32>
    %add3A_219 = arith.addf %add3A_218, %erf3A_216 : vector<512x256xf32>
    %mul3A_220 = arith.mulf %mul3A_212, %add3A_219 : vector<512x256xf32>
    %convert_element_type3A_221 = arith.truncf %mul3A_220 : vector<512x256xf32> to vector<512x256xbf16>
    %dot_general3A_222 = arith.constant dense<0.000000e+00> : vector<512x128xf32>
    %dot_general3A_223 = tpu.matmul %convert_element_type3A_221, %convert_element_type3A_53, %dot_general3A_222 {dimension_numbers = #tpu.dot_dimension_numbers<[1], [0], [0], [1], [0, 0, 1, 1], [], []>, transpose_lhs_hint = false} : vector<512x256xbf16>, vector<256x128xbf16>, vector<512x128xf32> -> vector<512x128xf32>
    %broadcast_in_dim3A_224 = vector.shape_cast %add3A_68 : vector<128xf32> to vector<1x128xf32>
    %add3A_225 = vector.broadcast %broadcast_in_dim3A_224 : vector<1x128xf32> to vector<512x128xf32>
    %add3A_226 = arith.addf %dot_general3A_223, %add3A_225 : vector<512x128xf32>
    %slice3A_227 = vector.extract_strided_slice %get3A_15 {offsets = [0, 640], sizes = [512, 128], strides = [1, 1]} : vector<512x2048xf32> to vector<512x128xf32>
    %add3A_228 = arith.addf %slice3A_227, %add3A_226 : vector<512x128xf32>
    %swap3A_229 = arith.constant 0 : index
    %swap3A_230 = arith.constant 640 : index
    %swap3A_231 = vector.load %arg16[%swap3A_229, %swap3A_230] : memref<512x2048xf32, #tpu.memory_space<vmem>>, vector<512x128xf32>
    tpu.vector_store %arg16[%swap3A_229, %swap3A_230], %add3A_228 {strides = array<i32>} : memref<512x2048xf32, #tpu.memory_space<vmem>>, vector<512x128xf32>,
    %slice3A_232 = vector.extract_strided_slice %convert_element_type3A_16 {offsets = [0, 768], sizes = [512, 128], strides = [1, 1]} : vector<512x2048xbf16> to vector<512x128xbf16>
    %dot_general3A_233 = arith.constant dense<0.000000e+00> : vector<512x256xf32>
    %dot_general3A_234 = tpu.matmul %slice3A_232, %concatenate3A, %dot_general3A_233 {dimension_numbers = #tpu.dot_dimension_numbers<[1], [0], [0], [1], [0, 0, 1, 1], [], []>, transpose_lhs_hint = false} : vector<512x128xbf16>, vector<128x256xbf16>, vector<512x256xf32> -> vector<512x256xf32>
    %broadcast_in_dim3A_235 = vector.shape_cast %concatenate3A_37 : vector<256xf32> to vector<1x256xf32>
    %add3A_236 = vector.broadcast %broadcast_in_dim3A_235 : vector<1x256xf32> to vector<512x256xf32>
    %add3A_237 = arith.addf %dot_general3A_234, %add3A_236 : vector<512x256xf32>
    %mul3A_238 = arith.constant 5.000000e-01 : f32
    %mul3A_239 = vector.broadcast %mul3A_238 : f32 to vector<512x256xf32>
    %mul3A_240 = arith.mulf %mul3A_239, %add3A_237 : vector<512x256xf32>
    %mul3A_241 = arith.constant 0.707106769 : f32
    %mul3A_242 = vector.broadcast %mul3A_241 : f32 to vector<512x256xf32>
    %mul3A_243 = arith.mulf %add3A_237, %mul3A_242 : vector<512x256xf32>
    %erf3A_244 = math.erf %mul3A_243 : vector<512x256xf32>
    %add3A_245 = arith.constant 1.000000e+00 : f32
    %add3A_246 = vector.broadcast %add3A_245 : f32 to vector<512x256xf32>
    %add3A_247 = arith.addf %add3A_246, %erf3A_244 : vector<512x256xf32>
    %mul3A_248 = arith.mulf %mul3A_240, %add3A_247 : vector<512x256xf32>
    %convert_element_type3A_249 = arith.truncf %mul3A_248 : vector<512x256xf32> to vector<512x256xbf16>
    %dot_general3A_250 = arith.constant dense<0.000000e+00> : vector<512x128xf32>
    %dot_general3A_251 = tpu.matmul %convert_element_type3A_249, %convert_element_type3A_53, %dot_general3A_250 {dimension_numbers = #tpu.dot_dimension_numbers<[1], [0], [0], [1], [0, 0, 1, 1], [], []>, transpose_lhs_hint = false} : vector<512x256xbf16>, vector<256x128xbf16>, vector<512x128xf32> -> vector<512x128xf32>
    %broadcast_in_dim3A_252 = vector.shape_cast %add3A_68 : vector<128xf32> to vector<1x128xf32>
    %add3A_253 = vector.broadcast %broadcast_in_dim3A_252 : vector<1x128xf32> to vector<512x128xf32>
    %add3A_254 = arith.addf %dot_general3A_251, %add3A_253 : vector<512x128xf32>
    %slice3A_255 = vector.extract_strided_slice %get3A_15 {offsets = [0, 768], sizes = [512, 128], strides = [1, 1]} : vector<512x2048xf32> to vector<512x128xf32>
    %add3A_256 = arith.addf %slice3A_255, %add3A_254 : vector<512x128xf32>
    %swap3A_257 = arith.constant 0 : index
    %swap3A_258 = arith.constant 768 : index
    %swap3A_259 = vector.load %arg16[%swap3A_257, %swap3A_258] : memref<512x2048xf32, #tpu.memory_space<vmem>>, vector<512x128xf32>
    tpu.vector_store %arg16[%swap3A_257, %swap3A_258], %add3A_256 {strides = array<i32>} : memref<512x2048xf32, #tpu.memory_space<vmem>>, vector<512x128xf32>,
    %slice3A_260 = vector.extract_strided_slice %convert_element_type3A_16 {offsets = [0, 896], sizes = [512, 128], strides = [1, 1]} : vector<512x2048xbf16> to vector<512x128xbf16>
    %dot_general3A_261 = arith.constant dense<0.000000e+00> : vector<512x256xf32>
    %dot_general3A_262 = tpu.matmul %slice3A_260, %concatenate3A, %dot_general3A_261 {dimension_numbers = #tpu.dot_dimension_numbers<[1], [0], [0], [1], [0, 0, 1, 1], [], []>, transpose_lhs_hint = false} : vector<512x128xbf16>, vector<128x256xbf16>, vector<512x256xf32> -> vector<512x256xf32>
    %broadcast_in_dim3A_263 = vector.shape_cast %concatenate3A_37 : vector<256xf32> to vector<1x256xf32>
    %add3A_264 = vector.broadcast %broadcast_in_dim3A_263 : vector<1x256xf32> to vector<512x256xf32>
    %add3A_265 = arith.addf %dot_general3A_262, %add3A_264 : vector<512x256xf32>
    %mul3A_266 = arith.constant 5.000000e-01 : f32
    %mul3A_267 = vector.broadcast %mul3A_266 : f32 to vector<512x256xf32>
    %mul3A_268 = arith.mulf %mul3A_267, %add3A_265 : vector<512x256xf32>
    %mul3A_269 = arith.constant 0.707106769 : f32
    %mul3A_270 = vector.broadcast %mul3A_269 : f32 to vector<512x256xf32>
    %mul3A_271 = arith.mulf %add3A_265, %mul3A_270 : vector<512x256xf32>
    %erf3A_272 = math.erf %mul3A_271 : vector<512x256xf32>
    %add3A_273 = arith.constant 1.000000e+00 : f32
    %add3A_274 = vector.broadcast %add3A_273 : f32 to vector<512x256xf32>
    %add3A_275 = arith.addf %add3A_274, %erf3A_272 : vector<512x256xf32>
    %mul3A_276 = arith.mulf %mul3A_268, %add3A_275 : vector<512x256xf32>
    %convert_element_type3A_277 = arith.truncf %mul3A_276 : vector<512x256xf32> to vector<512x256xbf16>
    %dot_general3A_278 = arith.constant dense<0.000000e+00> : vector<512x128xf32>
    %dot_general3A_279 = tpu.matmul %convert_element_type3A_277, %convert_element_type3A_53, %dot_general3A_278 {dimension_numbers = #tpu.dot_dimension_numbers<[1], [0], [0], [1], [0, 0, 1, 1], [], []>, transpose_lhs_hint = false} : vector<512x256xbf16>, vector<256x128xbf16>, vector<512x128xf32> -> vector<512x128xf32>
    %broadcast_in_dim3A_280 = vector.shape_cast %add3A_68 : vector<128xf32> to vector<1x128xf32>
    %add3A_281 = vector.broadcast %broadcast_in_dim3A_280 : vector<1x128xf32> to vector<512x128xf32>
    %add3A_282 = arith.addf %dot_general3A_279, %add3A_281 : vector<512x128xf32>
    %slice3A_283 = vector.extract_strided_slice %get3A_15 {offsets = [0, 896], sizes = [512, 128], strides = [1, 1]} : vector<512x2048xf32> to vector<512x128xf32>
    %add3A_284 = arith.addf %slice3A_283, %add3A_282 : vector<512x128xf32>
    %swap3A_285 = arith.constant 0 : index
    %swap3A_286 = arith.constant 896 : index
    %swap3A_287 = vector.load %arg16[%swap3A_285, %swap3A_286] : memref<512x2048xf32, #tpu.memory_space<vmem>>, vector<512x128xf32>
    tpu.vector_store %arg16[%swap3A_285, %swap3A_286], %add3A_284 {strides = array<i32>} : memref<512x2048xf32, #tpu.memory_space<vmem>>, vector<512x128xf32>,
    %slice3A_288 = vector.extract_strided_slice %convert_element_type3A_16 {offsets = [0, 1024], sizes = [512, 128], strides = [1, 1]} : vector<512x2048xbf16> to vector<512x128xbf16>
    %dot_general3A_289 = arith.constant dense<0.000000e+00> : vector<512x256xf32>
    %dot_general3A_290 = tpu.matmul %slice3A_288, %concatenate3A, %dot_general3A_289 {dimension_numbers = #tpu.dot_dimension_numbers<[1], [0], [0], [1], [0, 0, 1, 1], [], []>, transpose_lhs_hint = false} : vector<512x128xbf16>, vector<128x256xbf16>, vector<512x256xf32> -> vector<512x256xf32>
    %broadcast_in_dim3A_291 = vector.shape_cast %concatenate3A_37 : vector<256xf32> to vector<1x256xf32>
    %add3A_292 = vector.broadcast %broadcast_in_dim3A_291 : vector<1x256xf32> to vector<512x256xf32>
    %add3A_293 = arith.addf %dot_general3A_290, %add3A_292 : vector<512x256xf32>
    %mul3A_294 = arith.constant 5.000000e-01 : f32
    %mul3A_295 = vector.broadcast %mul3A_294 : f32 to vector<512x256xf32>
    %mul3A_296 = arith.mulf %mul3A_295, %add3A_293 : vector<512x256xf32>
    %mul3A_297 = arith.constant 0.707106769 : f32
    %mul3A_298 = vector.broadcast %mul3A_297 : f32 to vector<512x256xf32>
    %mul3A_299 = arith.mulf %add3A_293, %mul3A_298 : vector<512x256xf32>
    %erf3A_300 = math.erf %mul3A_299 : vector<512x256xf32>
    %add3A_301 = arith.constant 1.000000e+00 : f32
    %add3A_302 = vector.broadcast %add3A_301 : f32 to vector<512x256xf32>
    %add3A_303 = arith.addf %add3A_302, %erf3A_300 : vector<512x256xf32>
    %mul3A_304 = arith.mulf %mul3A_296, %add3A_303 : vector<512x256xf32>
    %convert_element_type3A_305 = arith.truncf %mul3A_304 : vector<512x256xf32> to vector<512x256xbf16>
    %dot_general3A_306 = arith.constant dense<0.000000e+00> : vector<512x128xf32>
    %dot_general3A_307 = tpu.matmul %convert_element_type3A_305, %convert_element_type3A_53, %dot_general3A_306 {dimension_numbers = #tpu.dot_dimension_numbers<[1], [0], [0], [1], [0, 0, 1, 1], [], []>, transpose_lhs_hint = false} : vector<512x256xbf16>, vector<256x128xbf16>, vector<512x128xf32> -> vector<512x128xf32>
    %broadcast_in_dim3A_308 = vector.shape_cast %add3A_68 : vector<128xf32> to vector<1x128xf32>
    %add3A_309 = vector.broadcast %broadcast_in_dim3A_308 : vector<1x128xf32> to vector<512x128xf32>
    %add3A_310 = arith.addf %dot_general3A_307, %add3A_309 : vector<512x128xf32>
    %slice3A_311 = vector.extract_strided_slice %get3A_15 {offsets = [0, 1024], sizes = [512, 128], strides = [1, 1]} : vector<512x2048xf32> to vector<512x128xf32>
    %add3A_312 = arith.addf %slice3A_311, %add3A_310 : vector<512x128xf32>
    %swap3A_313 = arith.constant 0 : index
    %swap3A_314 = arith.constant 1024 : index
    %swap3A_315 = vector.load %arg16[%swap3A_313, %swap3A_314] : memref<512x2048xf32, #tpu.memory_space<vmem>>, vector<512x128xf32>
    tpu.vector_store %arg16[%swap3A_313, %swap3A_314], %add3A_312 {strides = array<i32>} : memref<512x2048xf32, #tpu.memory_space<vmem>>, vector<512x128xf32>,
    %slice3A_316 = vector.extract_strided_slice %convert_element_type3A_16 {offsets = [0, 1152], sizes = [512, 128], strides = [1, 1]} : vector<512x2048xbf16> to vector<512x128xbf16>
    %dot_general3A_317 = arith.constant dense<0.000000e+00> : vector<512x256xf32>
    %dot_general3A_318 = tpu.matmul %slice3A_316, %concatenate3A, %dot_general3A_317 {dimension_numbers = #tpu.dot_dimension_numbers<[1], [0], [0], [1], [0, 0, 1, 1], [], []>, transpose_lhs_hint = false} : vector<512x128xbf16>, vector<128x256xbf16>, vector<512x256xf32> -> vector<512x256xf32>
    %broadcast_in_dim3A_319 = vector.shape_cast %concatenate3A_37 : vector<256xf32> to vector<1x256xf32>
    %add3A_320 = vector.broadcast %broadcast_in_dim3A_319 : vector<1x256xf32> to vector<512x256xf32>
    %add3A_321 = arith.addf %dot_general3A_318, %add3A_320 : vector<512x256xf32>
    %mul3A_322 = arith.constant 5.000000e-01 : f32
    %mul3A_323 = vector.broadcast %mul3A_322 : f32 to vector<512x256xf32>
    %mul3A_324 = arith.mulf %mul3A_323, %add3A_321 : vector<512x256xf32>
    %mul3A_325 = arith.constant 0.707106769 : f32
    %mul3A_326 = vector.broadcast %mul3A_325 : f32 to vector<512x256xf32>
    %mul3A_327 = arith.mulf %add3A_321, %mul3A_326 : vector<512x256xf32>
    %erf3A_328 = math.erf %mul3A_327 : vector<512x256xf32>
    %add3A_329 = arith.constant 1.000000e+00 : f32
    %add3A_330 = vector.broadcast %add3A_329 : f32 to vector<512x256xf32>
    %add3A_331 = arith.addf %add3A_330, %erf3A_328 : vector<512x256xf32>
    %mul3A_332 = arith.mulf %mul3A_324, %add3A_331 : vector<512x256xf32>
    %convert_element_type3A_333 = arith.truncf %mul3A_332 : vector<512x256xf32> to vector<512x256xbf16>
    %dot_general3A_334 = arith.constant dense<0.000000e+00> : vector<512x128xf32>
    %dot_general3A_335 = tpu.matmul %convert_element_type3A_333, %convert_element_type3A_53, %dot_general3A_334 {dimension_numbers = #tpu.dot_dimension_numbers<[1], [0], [0], [1], [0, 0, 1, 1], [], []>, transpose_lhs_hint = false} : vector<512x256xbf16>, vector<256x128xbf16>, vector<512x128xf32> -> vector<512x128xf32>
    %broadcast_in_dim3A_336 = vector.shape_cast %add3A_68 : vector<128xf32> to vector<1x128xf32>
    %add3A_337 = vector.broadcast %broadcast_in_dim3A_336 : vector<1x128xf32> to vector<512x128xf32>
    %add3A_338 = arith.addf %dot_general3A_335, %add3A_337 : vector<512x128xf32>
    %slice3A_339 = vector.extract_strided_slice %get3A_15 {offsets = [0, 1152], sizes = [512, 128], strides = [1, 1]} : vector<512x2048xf32> to vector<512x128xf32>
    %add3A_340 = arith.addf %slice3A_339, %add3A_338 : vector<512x128xf32>
    %swap3A_341 = arith.constant 0 : index
    %swap3A_342 = arith.constant 1152 : index
    %swap3A_343 = vector.load %arg16[%swap3A_341, %swap3A_342] : memref<512x2048xf32, #tpu.memory_space<vmem>>, vector<512x128xf32>
    tpu.vector_store %arg16[%swap3A_341, %swap3A_342], %add3A_340 {strides = array<i32>} : memref<512x2048xf32, #tpu.memory_space<vmem>>, vector<512x128xf32>,
    %slice3A_344 = vector.extract_strided_slice %convert_element_type3A_16 {offsets = [0, 1280], sizes = [512, 128], strides = [1, 1]} : vector<512x2048xbf16> to vector<512x128xbf16>
    %dot_general3A_345 = arith.constant dense<0.000000e+00> : vector<512x256xf32>
    %dot_general3A_346 = tpu.matmul %slice3A_344, %concatenate3A, %dot_general3A_345 {dimension_numbers = #tpu.dot_dimension_numbers<[1], [0], [0], [1], [0, 0, 1, 1], [], []>, transpose_lhs_hint = false} : vector<512x128xbf16>, vector<128x256xbf16>, vector<512x256xf32> -> vector<512x256xf32>
    %broadcast_in_dim3A_347 = vector.shape_cast %concatenate3A_37 : vector<256xf32> to vector<1x256xf32>
    %add3A_348 = vector.broadcast %broadcast_in_dim3A_347 : vector<1x256xf32> to vector<512x256xf32>
    %add3A_349 = arith.addf %dot_general3A_346, %add3A_348 : vector<512x256xf32>
    %mul3A_350 = arith.constant 5.000000e-01 : f32
    %mul3A_351 = vector.broadcast %mul3A_350 : f32 to vector<512x256xf32>
    %mul3A_352 = arith.mulf %mul3A_351, %add3A_349 : vector<512x256xf32>
    %mul3A_353 = arith.constant 0.707106769 : f32
    %mul3A_354 = vector.broadcast %mul3A_353 : f32 to vector<512x256xf32>
    %mul3A_355 = arith.mulf %add3A_349, %mul3A_354 : vector<512x256xf32>
    %erf3A_356 = math.erf %mul3A_355 : vector<512x256xf32>
    %add3A_357 = arith.constant 1.000000e+00 : f32
    %add3A_358 = vector.broadcast %add3A_357 : f32 to vector<512x256xf32>
    %add3A_359 = arith.addf %add3A_358, %erf3A_356 : vector<512x256xf32>
    %mul3A_360 = arith.mulf %mul3A_352, %add3A_359 : vector<512x256xf32>
    %convert_element_type3A_361 = arith.truncf %mul3A_360 : vector<512x256xf32> to vector<512x256xbf16>
    %dot_general3A_362 = arith.constant dense<0.000000e+00> : vector<512x128xf32>
    %dot_general3A_363 = tpu.matmul %convert_element_type3A_361, %convert_element_type3A_53, %dot_general3A_362 {dimension_numbers = #tpu.dot_dimension_numbers<[1], [0], [0], [1], [0, 0, 1, 1], [], []>, transpose_lhs_hint = false} : vector<512x256xbf16>, vector<256x128xbf16>, vector<512x128xf32> -> vector<512x128xf32>
    %broadcast_in_dim3A_364 = vector.shape_cast %add3A_68 : vector<128xf32> to vector<1x128xf32>
    %add3A_365 = vector.broadcast %broadcast_in_dim3A_364 : vector<1x128xf32> to vector<512x128xf32>
    %add3A_366 = arith.addf %dot_general3A_363, %add3A_365 : vector<512x128xf32>
    %slice3A_367 = vector.extract_strided_slice %get3A_15 {offsets = [0, 1280], sizes = [512, 128], strides = [1, 1]} : vector<512x2048xf32> to vector<512x128xf32>
    %add3A_368 = arith.addf %slice3A_367, %add3A_366 : vector<512x128xf32>
    %swap3A_369 = arith.constant 0 : index
    %swap3A_370 = arith.constant 1280 : index
    %swap3A_371 = vector.load %arg16[%swap3A_369, %swap3A_370] : memref<512x2048xf32, #tpu.memory_space<vmem>>, vector<512x128xf32>
    tpu.vector_store %arg16[%swap3A_369, %swap3A_370], %add3A_368 {strides = array<i32>} : memref<512x2048xf32, #tpu.memory_space<vmem>>, vector<512x128xf32>,
    %slice3A_372 = vector.extract_strided_slice %convert_element_type3A_16 {offsets = [0, 1408], sizes = [512, 128], strides = [1, 1]} : vector<512x2048xbf16> to vector<512x128xbf16>
    %dot_general3A_373 = arith.constant dense<0.000000e+00> : vector<512x256xf32>
    %dot_general3A_374 = tpu.matmul %slice3A_372, %concatenate3A, %dot_general3A_373 {dimension_numbers = #tpu.dot_dimension_numbers<[1], [0], [0], [1], [0, 0, 1, 1], [], []>, transpose_lhs_hint = false} : vector<512x128xbf16>, vector<128x256xbf16>, vector<512x256xf32> -> vector<512x256xf32>
    %broadcast_in_dim3A_375 = vector.shape_cast %concatenate3A_37 : vector<256xf32> to vector<1x256xf32>
    %add3A_376 = vector.broadcast %broadcast_in_dim3A_375 : vector<1x256xf32> to vector<512x256xf32>
    %add3A_377 = arith.addf %dot_general3A_374, %add3A_376 : vector<512x256xf32>
    %mul3A_378 = arith.constant 5.000000e-01 : f32
    %mul3A_379 = vector.broadcast %mul3A_378 : f32 to vector<512x256xf32>
    %mul3A_380 = arith.mulf %mul3A_379, %add3A_377 : vector<512x256xf32>
    %mul3A_381 = arith.constant 0.707106769 : f32
    %mul3A_382 = vector.broadcast %mul3A_381 : f32 to vector<512x256xf32>
    %mul3A_383 = arith.mulf %add3A_377, %mul3A_382 : vector<512x256xf32>
    %erf3A_384 = math.erf %mul3A_383 : vector<512x256xf32>
    %add3A_385 = arith.constant 1.000000e+00 : f32
    %add3A_386 = vector.broadcast %add3A_385 : f32 to vector<512x256xf32>
    %add3A_387 = arith.addf %add3A_386, %erf3A_384 : vector<512x256xf32>
    %mul3A_388 = arith.mulf %mul3A_380, %add3A_387 : vector<512x256xf32>
    %convert_element_type3A_389 = arith.truncf %mul3A_388 : vector<512x256xf32> to vector<512x256xbf16>
    %dot_general3A_390 = arith.constant dense<0.000000e+00> : vector<512x128xf32>
    %dot_general3A_391 = tpu.matmul %convert_element_type3A_389, %convert_element_type3A_53, %dot_general3A_390 {dimension_numbers = #tpu.dot_dimension_numbers<[1], [0], [0], [1], [0, 0, 1, 1], [], []>, transpose_lhs_hint = false} : vector<512x256xbf16>, vector<256x128xbf16>, vector<512x128xf32> -> vector<512x128xf32>
    %broadcast_in_dim3A_392 = vector.shape_cast %add3A_68 : vector<128xf32> to vector<1x128xf32>
    %add3A_393 = vector.broadcast %broadcast_in_dim3A_392 : vector<1x128xf32> to vector<512x128xf32>
    %add3A_394 = arith.addf %dot_general3A_391, %add3A_393 : vector<512x128xf32>
    %slice3A_395 = vector.extract_strided_slice %get3A_15 {offsets = [0, 1408], sizes = [512, 128], strides = [1, 1]} : vector<512x2048xf32> to vector<512x128xf32>
    %add3A_396 = arith.addf %slice3A_395, %add3A_394 : vector<512x128xf32>
    %swap3A_397 = arith.constant 0 : index
    %swap3A_398 = arith.constant 1408 : index
    %swap3A_399 = vector.load %arg16[%swap3A_397, %swap3A_398] : memref<512x2048xf32, #tpu.memory_space<vmem>>, vector<512x128xf32>
    tpu.vector_store %arg16[%swap3A_397, %swap3A_398], %add3A_396 {strides = array<i32>} : memref<512x2048xf32, #tpu.memory_space<vmem>>, vector<512x128xf32>,
    %slice3A_400 = vector.extract_strided_slice %convert_element_type3A_16 {offsets = [0, 1536], sizes = [512, 128], strides = [1, 1]} : vector<512x2048xbf16> to vector<512x128xbf16>
    %dot_general3A_401 = arith.constant dense<0.000000e+00> : vector<512x256xf32>
    %dot_general3A_402 = tpu.matmul %slice3A_400, %concatenate3A, %dot_general3A_401 {dimension_numbers = #tpu.dot_dimension_numbers<[1], [0], [0], [1], [0, 0, 1, 1], [], []>, transpose_lhs_hint = false} : vector<512x128xbf16>, vector<128x256xbf16>, vector<512x256xf32> -> vector<512x256xf32>
    %broadcast_in_dim3A_403 = vector.shape_cast %concatenate3A_37 : vector<256xf32> to vector<1x256xf32>
    %add3A_404 = vector.broadcast %broadcast_in_dim3A_403 : vector<1x256xf32> to vector<512x256xf32>
    %add3A_405 = arith.addf %dot_general3A_402, %add3A_404 : vector<512x256xf32>
    %mul3A_406 = arith.constant 5.000000e-01 : f32
    %mul3A_407 = vector.broadcast %mul3A_406 : f32 to vector<512x256xf32>
    %mul3A_408 = arith.mulf %mul3A_407, %add3A_405 : vector<512x256xf32>
    %mul3A_409 = arith.constant 0.707106769 : f32
    %mul3A_410 = vector.broadcast %mul3A_409 : f32 to vector<512x256xf32>
    %mul3A_411 = arith.mulf %add3A_405, %mul3A_410 : vector<512x256xf32>
    %erf3A_412 = math.erf %mul3A_411 : vector<512x256xf32>
    %add3A_413 = arith.constant 1.000000e+00 : f32
    %add3A_414 = vector.broadcast %add3A_413 : f32 to vector<512x256xf32>
    %add3A_415 = arith.addf %add3A_414, %erf3A_412 : vector<512x256xf32>
    %mul3A_416 = arith.mulf %mul3A_408, %add3A_415 : vector<512x256xf32>
    %convert_element_type3A_417 = arith.truncf %mul3A_416 : vector<512x256xf32> to vector<512x256xbf16>
    %dot_general3A_418 = arith.constant dense<0.000000e+00> : vector<512x128xf32>
    %dot_general3A_419 = tpu.matmul %convert_element_type3A_417, %convert_element_type3A_53, %dot_general3A_418 {dimension_numbers = #tpu.dot_dimension_numbers<[1], [0], [0], [1], [0, 0, 1, 1], [], []>, transpose_lhs_hint = false} : vector<512x256xbf16>, vector<256x128xbf16>, vector<512x128xf32> -> vector<512x128xf32>
    %broadcast_in_dim3A_420 = vector.shape_cast %add3A_68 : vector<128xf32> to vector<1x128xf32>
    %add3A_421 = vector.broadcast %broadcast_in_dim3A_420 : vector<1x128xf32> to vector<512x128xf32>
    %add3A_422 = arith.addf %dot_general3A_419, %add3A_421 : vector<512x128xf32>
    %slice3A_423 = vector.extract_strided_slice %get3A_15 {offsets = [0, 1536], sizes = [512, 128], strides = [1, 1]} : vector<512x2048xf32> to vector<512x128xf32>
    %add3A_424 = arith.addf %slice3A_423, %add3A_422 : vector<512x128xf32>
    %swap3A_425 = arith.constant 0 : index
    %swap3A_426 = arith.constant 1536 : index
    %swap3A_427 = vector.load %arg16[%swap3A_425, %swap3A_426] : memref<512x2048xf32, #tpu.memory_space<vmem>>, vector<512x128xf32>
    tpu.vector_store %arg16[%swap3A_425, %swap3A_426], %add3A_424 {strides = array<i32>} : memref<512x2048xf32, #tpu.memory_space<vmem>>, vector<512x128xf32>,
    %slice3A_428 = vector.extract_strided_slice %convert_element_type3A_16 {offsets = [0, 1664], sizes = [512, 128], strides = [1, 1]} : vector<512x2048xbf16> to vector<512x128xbf16>
    %dot_general3A_429 = arith.constant dense<0.000000e+00> : vector<512x256xf32>
    %dot_general3A_430 = tpu.matmul %slice3A_428, %concatenate3A, %dot_general3A_429 {dimension_numbers = #tpu.dot_dimension_numbers<[1], [0], [0], [1], [0, 0, 1, 1], [], []>, transpose_lhs_hint = false} : vector<512x128xbf16>, vector<128x256xbf16>, vector<512x256xf32> -> vector<512x256xf32>
    %broadcast_in_dim3A_431 = vector.shape_cast %concatenate3A_37 : vector<256xf32> to vector<1x256xf32>
    %add3A_432 = vector.broadcast %broadcast_in_dim3A_431 : vector<1x256xf32> to vector<512x256xf32>
    %add3A_433 = arith.addf %dot_general3A_430, %add3A_432 : vector<512x256xf32>
    %mul3A_434 = arith.constant 5.000000e-01 : f32
    %mul3A_435 = vector.broadcast %mul3A_434 : f32 to vector<512x256xf32>
    %mul3A_436 = arith.mulf %mul3A_435, %add3A_433 : vector<512x256xf32>
    %mul3A_437 = arith.constant 0.707106769 : f32
    %mul3A_438 = vector.broadcast %mul3A_437 : f32 to vector<512x256xf32>
    %mul3A_439 = arith.mulf %add3A_433, %mul3A_438 : vector<512x256xf32>
    %erf3A_440 = math.erf %mul3A_439 : vector<512x256xf32>
    %add3A_441 = arith.constant 1.000000e+00 : f32
    %add3A_442 = vector.broadcast %add3A_441 : f32 to vector<512x256xf32>
    %add3A_443 = arith.addf %add3A_442, %erf3A_440 : vector<512x256xf32>
    %mul3A_444 = arith.mulf %mul3A_436, %add3A_443 : vector<512x256xf32>
    %convert_element_type3A_445 = arith.truncf %mul3A_444 : vector<512x256xf32> to vector<512x256xbf16>
    %dot_general3A_446 = arith.constant dense<0.000000e+00> : vector<512x128xf32>
    %dot_general3A_447 = tpu.matmul %convert_element_type3A_445, %convert_element_type3A_53, %dot_general3A_446 {dimension_numbers = #tpu.dot_dimension_numbers<[1], [0], [0], [1], [0, 0, 1, 1], [], []>, transpose_lhs_hint = false} : vector<512x256xbf16>, vector<256x128xbf16>, vector<512x128xf32> -> vector<512x128xf32>
    %broadcast_in_dim3A_448 = vector.shape_cast %add3A_68 : vector<128xf32> to vector<1x128xf32>
    %add3A_449 = vector.broadcast %broadcast_in_dim3A_448 : vector<1x128xf32> to vector<512x128xf32>
    %add3A_450 = arith.addf %dot_general3A_447, %add3A_449 : vector<512x128xf32>
    %slice3A_451 = vector.extract_strided_slice %get3A_15 {offsets = [0, 1664], sizes = [512, 128], strides = [1, 1]} : vector<512x2048xf32> to vector<512x128xf32>
    %add3A_452 = arith.addf %slice3A_451, %add3A_450 : vector<512x128xf32>
    %swap3A_453 = arith.constant 0 : index
    %swap3A_454 = arith.constant 1664 : index
    %swap3A_455 = vector.load %arg16[%swap3A_453, %swap3A_454] : memref<512x2048xf32, #tpu.memory_space<vmem>>, vector<512x128xf32>
    tpu.vector_store %arg16[%swap3A_453, %swap3A_454], %add3A_452 {strides = array<i32>} : memref<512x2048xf32, #tpu.memory_space<vmem>>, vector<512x128xf32>,
    %slice3A_456 = vector.extract_strided_slice %convert_element_type3A_16 {offsets = [0, 1792], sizes = [512, 128], strides = [1, 1]} : vector<512x2048xbf16> to vector<512x128xbf16>
    %dot_general3A_457 = arith.constant dense<0.000000e+00> : vector<512x256xf32>
    %dot_general3A_458 = tpu.matmul %slice3A_456, %concatenate3A, %dot_general3A_457 {dimension_numbers = #tpu.dot_dimension_numbers<[1], [0], [0], [1], [0, 0, 1, 1], [], []>, transpose_lhs_hint = false} : vector<512x128xbf16>, vector<128x256xbf16>, vector<512x256xf32> -> vector<512x256xf32>
    %broadcast_in_dim3A_459 = vector.shape_cast %concatenate3A_37 : vector<256xf32> to vector<1x256xf32>
    %add3A_460 = vector.broadcast %broadcast_in_dim3A_459 : vector<1x256xf32> to vector<512x256xf32>
    %add3A_461 = arith.addf %dot_general3A_458, %add3A_460 : vector<512x256xf32>
    %mul3A_462 = arith.constant 5.000000e-01 : f32
    %mul3A_463 = vector.broadcast %mul3A_462 : f32 to vector<512x256xf32>
    %mul3A_464 = arith.mulf %mul3A_463, %add3A_461 : vector<512x256xf32>
    %mul3A_465 = arith.constant 0.707106769 : f32
    %mul3A_466 = vector.broadcast %mul3A_465 : f32 to vector<512x256xf32>
    %mul3A_467 = arith.mulf %add3A_461, %mul3A_466 : vector<512x256xf32>
    %erf3A_468 = math.erf %mul3A_467 : vector<512x256xf32>
    %add3A_469 = arith.constant 1.000000e+00 : f32
    %add3A_470 = vector.broadcast %add3A_469 : f32 to vector<512x256xf32>
    %add3A_471 = arith.addf %add3A_470, %erf3A_468 : vector<512x256xf32>
    %mul3A_472 = arith.mulf %mul3A_464, %add3A_471 : vector<512x256xf32>
    %convert_element_type3A_473 = arith.truncf %mul3A_472 : vector<512x256xf32> to vector<512x256xbf16>
    %dot_general3A_474 = arith.constant dense<0.000000e+00> : vector<512x128xf32>
    %dot_general3A_475 = tpu.matmul %convert_element_type3A_473, %convert_element_type3A_53, %dot_general3A_474 {dimension_numbers = #tpu.dot_dimension_numbers<[1], [0], [0], [1], [0, 0, 1, 1], [], []>, transpose_lhs_hint = false} : vector<512x256xbf16>, vector<256x128xbf16>, vector<512x128xf32> -> vector<512x128xf32>
    %broadcast_in_dim3A_476 = vector.shape_cast %add3A_68 : vector<128xf32> to vector<1x128xf32>
    %add3A_477 = vector.broadcast %broadcast_in_dim3A_476 : vector<1x128xf32> to vector<512x128xf32>
    %add3A_478 = arith.addf %dot_general3A_475, %add3A_477 : vector<512x128xf32>
    %slice3A_479 = vector.extract_strided_slice %get3A_15 {offsets = [0, 1792], sizes = [512, 128], strides = [1, 1]} : vector<512x2048xf32> to vector<512x128xf32>
    %add3A_480 = arith.addf %slice3A_479, %add3A_478 : vector<512x128xf32>
    %swap3A_481 = arith.constant 0 : index
    %swap3A_482 = arith.constant 1792 : index
    %swap3A_483 = vector.load %arg16[%swap3A_481, %swap3A_482] : memref<512x2048xf32, #tpu.memory_space<vmem>>, vector<512x128xf32>
    tpu.vector_store %arg16[%swap3A_481, %swap3A_482], %add3A_480 {strides = array<i32>} : memref<512x2048xf32, #tpu.memory_space<vmem>>, vector<512x128xf32>,
    %slice3A_484 = vector.extract_strided_slice %convert_element_type3A_16 {offsets = [0, 1920], sizes = [512, 128], strides = [1, 1]} : vector<512x2048xbf16> to vector<512x128xbf16>
    %dot_general3A_485 = arith.constant dense<0.000000e+00> : vector<512x256xf32>
    %dot_general3A_486 = tpu.matmul %slice3A_484, %concatenate3A, %dot_general3A_485 {dimension_numbers = #tpu.dot_dimension_numbers<[1], [0], [0], [1], [0, 0, 1, 1], [], []>, transpose_lhs_hint = false} : vector<512x128xbf16>, vector<128x256xbf16>, vector<512x256xf32> -> vector<512x256xf32>
    %broadcast_in_dim3A_487 = vector.shape_cast %concatenate3A_37 : vector<256xf32> to vector<1x256xf32>
    %add3A_488 = vector.broadcast %broadcast_in_dim3A_487 : vector<1x256xf32> to vector<512x256xf32>
    %add3A_489 = arith.addf %dot_general3A_486, %add3A_488 : vector<512x256xf32>
    %mul3A_490 = arith.constant 5.000000e-01 : f32
    %mul3A_491 = vector.broadcast %mul3A_490 : f32 to vector<512x256xf32>
    %mul3A_492 = arith.mulf %mul3A_491, %add3A_489 : vector<512x256xf32>
    %mul3A_493 = arith.constant 0.707106769 : f32
    %mul3A_494 = vector.broadcast %mul3A_493 : f32 to vector<512x256xf32>
    %mul3A_495 = arith.mulf %add3A_489, %mul3A_494 : vector<512x256xf32>
    %erf3A_496 = math.erf %mul3A_495 : vector<512x256xf32>
    %add3A_497 = arith.constant 1.000000e+00 : f32
    %add3A_498 = vector.broadcast %add3A_497 : f32 to vector<512x256xf32>
    %add3A_499 = arith.addf %add3A_498, %erf3A_496 : vector<512x256xf32>
    %mul3A_500 = arith.mulf %mul3A_492, %add3A_499 : vector<512x256xf32>
    %convert_element_type3A_501 = arith.truncf %mul3A_500 : vector<512x256xf32> to vector<512x256xbf16>
    %dot_general3A_502 = arith.constant dense<0.000000e+00> : vector<512x128xf32>
    %dot_general3A_503 = tpu.matmul %convert_element_type3A_501, %convert_element_type3A_53, %dot_general3A_502 {dimension_numbers = #tpu.dot_dimension_numbers<[1], [0], [0], [1], [0, 0, 1, 1], [], []>, transpose_lhs_hint = false} : vector<512x256xbf16>, vector<256x128xbf16>, vector<512x128xf32> -> vector<512x128xf32>
    %broadcast_in_dim3A_504 = vector.shape_cast %add3A_68 : vector<128xf32> to vector<1x128xf32>
    %add3A_505 = vector.broadcast %broadcast_in_dim3A_504 : vector<1x128xf32> to vector<512x128xf32>
    %add3A_506 = arith.addf %dot_general3A_503, %add3A_505 : vector<512x128xf32>
    %slice3A_507 = vector.extract_strided_slice %get3A_15 {offsets = [0, 1920], sizes = [512, 128], strides = [1, 1]} : vector<512x2048xf32> to vector<512x128xf32>
    %add3A_508 = arith.addf %slice3A_507, %add3A_506 : vector<512x128xf32>
    %swap3A_509 = arith.constant 0 : index
    %swap3A_510 = arith.constant 1920 : index
    %swap3A_511 = vector.load %arg16[%swap3A_509, %swap3A_510] : memref<512x2048xf32, #tpu.memory_space<vmem>>, vector<512x128xf32>
    tpu.vector_store %arg16[%swap3A_509, %swap3A_510], %add3A_508 {strides = array<i32>} : memref<512x2048xf32, #tpu.memory_space<vmem>>, vector<512x128xf32>,
    %get3A_512 = arith.constant 0 : index
    %get3A_513 = arith.constant 0 : index
    %get3A_514 = vector.load %arg16[%get3A_512, %get3A_513] : memref<512x2048xf32, #tpu.memory_space<vmem>>, vector<512x2048xf32>
    %convert_element_type3A_515 = arith.truncf %get3A_514 : vector<512x2048xf32> to vector<512x2048xbf16>
    %get3A_516 = arith.constant 0 : index
    %get3A_517 = arith.constant 0 : index
    %get3A_518 = vector.load %arg17[%get3A_516, %get3A_517] : memref<2048x2048xbf16, #tpu.memory_space<vmem>>, vector<2048x2048xbf16>
    %dot_general3A_519 = arith.constant dense<0.000000e+00> : vector<512x2048xf32>
    %dot_general3A_520 = tpu.matmul %convert_element_type3A_515, %get3A_518, %dot_general3A_519 {dimension_numbers = #tpu.dot_dimension_numbers<[1], [0], [0], [1], [0, 0, 1, 1], [], []>, transpose_lhs_hint = false} : vector<512x2048xbf16>, vector<2048x2048xbf16>, vector<512x2048xf32> -> vector<512x2048xf32>
    %get3A_521 = arith.constant 0 : index
    %get3A_522 = arith.constant 0 : index
    %get3A_523 = vector.load %arg14[%get3A_521, %get3A_522] : memref<1x2048xf32, #tpu.memory_space<vmem>>, vector<1x2048xf32>
    %get3A_524 = vector.shape_cast %get3A_523 : vector<1x2048xf32> to vector<2048xf32>
    %broadcast_in_dim3A_525 = vector.shape_cast %get3A_524 : vector<2048xf32> to vector<1x2048xf32>
    %add3A_526 = vector.broadcast %broadcast_in_dim3A_525 : vector<1x2048xf32> to vector<512x2048xf32>
    %add3A_527 = arith.addf %dot_general3A_520, %add3A_526 : vector<512x2048xf32>
    %swap3A_528 = arith.constant 0 : index
    %swap3A_529 = arith.constant 0 : index
    %swap3A_530 = arith.constant 0 : index
    %swap3A_531 = vector.load %arg15[%swap3A_528, %swap3A_529, %swap3A_530] : memref<1x512x2048xf32, #tpu.memory_space<vmem>>, vector<1x512x2048xf32>
    %swap3A_532 = vector.shape_cast %swap3A_531 : vector<1x512x2048xf32> to vector<512x2048xf32>
    %swap3A_533 = vector.shape_cast %add3A_527 : vector<512x2048xf32> to vector<1x512x2048xf32>
    tpu.vector_store %arg15[%swap3A_528, %swap3A_529, %swap3A_530], %swap3A_533 {strides = array<i32>} : memref<1x512x2048xf32, #tpu.memory_space<vmem>>, vector<1x512x2048xf32>,
    return
  }
  func.func @transform_0(%arg0: i32, %arg1: i32, %arg2: memref<16xi32, #tpu.memory_space<smem>>, %arg3: memref<16xf32, #tpu.memory_space<smem>>) -> (i32, i32, i32) {
    %c0_i32 = arith.constant 0 : i32
    %c0_i32_0 = arith.constant 0 : i32
    return %arg0, %arg1, %c0_i32 : i32, i32, i32
  }
  func.func @transform_1(%arg0: i32, %arg1: i32, %arg2: memref<16xi32, #tpu.memory_space<smem>>, %arg3: memref<16xf32, #tpu.memory_space<smem>>) -> (i32, i32, i32) {
    %mul3A = arith.constant 2 : i32
    %mul3A_0 = arith.muli %mul3A, %arg0 : i32
    %get3A = arith.index_cast %mul3A_0 : i32 to index
    %get3A_1 = memref.load %arg2[%get3A] : memref<16xi32, #tpu.memory_space<smem>>
    %c0_i32 = arith.constant 0 : i32
    %c0_i32_2 = arith.constant 0 : i32
    %c0_i32_3 = arith.constant 0 : i32
    return %get3A_1, %c0_i32, %c0_i32_2 : i32, i32, i32
  }
  func.func @transform_2(%arg0: i32, %arg1: i32, %arg2: memref<16xi32, #tpu.memory_space<smem>>, %arg3: memref<16xf32, #tpu.memory_space<smem>>) -> (i32, i32, i32) {
    %mul3A = arith.constant 2 : i32
    %mul3A_0 = arith.muli %mul3A, %arg0 : i32
    %add3A = arith.constant 1 : i32
    %add3A_1 = arith.addi %mul3A_0, %add3A : i32
    %get3A = arith.index_cast %add3A_1 : i32 to index
    %get3A_2 = memref.load %arg2[%get3A] : memref<16xi32, #tpu.memory_space<smem>>
    %c0_i32 = arith.constant 0 : i32
    %c0_i32_3 = arith.constant 0 : i32
    %c0_i32_4 = arith.constant 0 : i32
    return %get3A_2, %c0_i32, %c0_i32_3 : i32, i32, i32
  }
  func.func @transform_3(%arg0: i32, %arg1: i32, %arg2: memref<16xi32, #tpu.memory_space<smem>>, %arg3: memref<16xf32, #tpu.memory_space<smem>>) -> (i32, i32, i32) {
    %mul3A = arith.constant 2 : i32
    %mul3A_0 = arith.muli %mul3A, %arg0 : i32
    %get3A = arith.index_cast %mul3A_0 : i32 to index
    %get3A_1 = memref.load %arg2[%get3A] : memref<16xi32, #tpu.memory_space<smem>>
    %c0_i32 = arith.constant 0 : i32
    %c0_i32_2 = arith.constant 0 : i32
    %c0_i32_3 = arith.constant 0 : i32
    return %get3A_1, %c0_i32, %c0_i32_2 : i32, i32, i32
  }
  func.func @transform_4(%arg0: i32, %arg1: i32, %arg2: memref<16xi32, #tpu.memory_space<smem>>, %arg3: memref<16xf32, #tpu.memory_space<smem>>) -> (i32, i32, i32) {
    %mul3A = arith.constant 2 : i32
    %mul3A_0 = arith.muli %mul3A, %arg0 : i32
    %add3A = arith.constant 1 : i32
    %add3A_1 = arith.addi %mul3A_0, %add3A : i32
    %get3A = arith.index_cast %add3A_1 : i32 to index
    %get3A_2 = memref.load %arg2[%get3A] : memref<16xi32, #tpu.memory_space<smem>>
    %c0_i32 = arith.constant 0 : i32
    %c0_i32_3 = arith.constant 0 : i32
    %c0_i32_4 = arith.constant 0 : i32
    return %get3A_2, %c0_i32, %c0_i32_3 : i32, i32, i32
  }
  func.func @transform_5(%arg0: i32, %arg1: i32, %arg2: memref<16xi32, #tpu.memory_space<smem>>, %arg3: memref<16xf32, #tpu.memory_space<smem>>) -> (i32, i32, i32) {
    %mul3A = arith.constant 2 : i32
    %mul3A_0 = arith.muli %mul3A, %arg0 : i32
    %get3A = arith.index_cast %mul3A_0 : i32 to index
    %get3A_1 = memref.load %arg2[%get3A] : memref<16xi32, #tpu.memory_space<smem>>
    %c0_i32 = arith.constant 0 : i32
    %c0_i32_2 = arith.constant 0 : i32
    %c0_i32_3 = arith.constant 0 : i32
    return %get3A_1, %c0_i32, %c0_i32_2 : i32, i32, i32
  }
  func.func @transform_6(%arg0: i32, %arg1: i32, %arg2: memref<16xi32, #tpu.memory_space<smem>>, %arg3: memref<16xf32, #tpu.memory_space<smem>>) -> (i32, i32, i32) {
    %mul3A = arith.constant 2 : i32
    %mul3A_0 = arith.muli %mul3A, %arg0 : i32
    %add3A = arith.constant 1 : i32
    %add3A_1 = arith.addi %mul3A_0, %add3A : i32
    %get3A = arith.index_cast %add3A_1 : i32 to index
    %get3A_2 = memref.load %arg2[%get3A] : memref<16xi32, #tpu.memory_space<smem>>
    %c0_i32 = arith.constant 0 : i32
    %c0_i32_3 = arith.constant 0 : i32
    %c0_i32_4 = arith.constant 0 : i32
    return %get3A_2, %c0_i32, %c0_i32_3 : i32, i32, i32
  }
  func.func @transform_7(%arg0: i32, %arg1: i32, %arg2: memref<16xi32, #tpu.memory_space<smem>>, %arg3: memref<16xf32, #tpu.memory_space<smem>>) -> (i32, i32, i32) {
    %mul3A = arith.constant 2 : i32
    %mul3A_0 = arith.muli %mul3A, %arg0 : i32
    %get3A = arith.index_cast %mul3A_0 : i32 to index
    %get3A_1 = memref.load %arg2[%get3A] : memref<16xi32, #tpu.memory_space<smem>>
    %c0_i32 = arith.constant 0 : i32
    %c0_i32_2 = arith.constant 0 : i32
    %c0_i32_3 = arith.constant 0 : i32
    return %get3A_1, %c0_i32, %c0_i32_2 : i32, i32, i32
  }
  func.func @transform_8(%arg0: i32, %arg1: i32, %arg2: memref<16xi32, #tpu.memory_space<smem>>, %arg3: memref<16xf32, #tpu.memory_space<smem>>) -> (i32, i32, i32) {
    %mul3A = arith.constant 2 : i32
    %mul3A_0 = arith.muli %mul3A, %arg0 : i32
    %add3A = arith.constant 1 : i32
    %add3A_1 = arith.addi %mul3A_0, %add3A : i32
    %get3A = arith.index_cast %add3A_1 : i32 to index
    %get3A_2 = memref.load %arg2[%get3A] : memref<16xi32, #tpu.memory_space<smem>>
    %c0_i32 = arith.constant 0 : i32
    %c0_i32_3 = arith.constant 0 : i32
    %c0_i32_4 = arith.constant 0 : i32
    return %get3A_2, %c0_i32, %c0_i32_3 : i32, i32, i32
  }
  func.func @transform_9(%arg0: i32, %arg1: i32, %arg2: memref<16xi32, #tpu.memory_space<smem>>, %arg3: memref<16xf32, #tpu.memory_space<smem>>) -> (i32, i32) {
    %c0_i32 = arith.constant 0 : i32
    %c0_i32_0 = arith.constant 0 : i32
    %c0_i32_1 = arith.constant 0 : i32
    return %c0_i32, %c0_i32_0 : i32, i32
  }
  func.func @transform_10(%arg0: i32, %arg1: i32, %arg2: memref<16xi32, #tpu.memory_space<smem>>, %arg3: memref<16xf32, #tpu.memory_space<smem>>) -> (i32, i32) {
    %c0_i32 = arith.constant 0 : i32
    %c0_i32_0 = arith.constant 0 : i32
    %c0_i32_1 = arith.constant 0 : i32
    return %c0_i32, %c0_i32_0 : i32, i32
  }
  func.func @transform_11(%arg0: i32, %arg1: i32, %arg2: memref<16xi32, #tpu.memory_space<smem>>, %arg3: memref<16xf32, #tpu.memory_space<smem>>) -> (i32, i32, i32) {
    %c0_i32 = arith.constant 0 : i32
    %c0_i32_0 = arith.constant 0 : i32
    return %arg0, %arg1, %c0_i32 : i32, i32, i32
  }
}

module attributes {stable_mosaic.version = 14 : i64} {
  func.func @_router_body(%arg0: i32, %arg1: memref<2x128x2048xf32, #tpu.memory_space<vmem>>, %arg2: memref<8x262144xf32, #tpu.memory_space<vmem>>, %arg3: memref<1x8xf32, #tpu.memory_space<vmem>>, %arg4: memref<1x16xf32, #tpu.memory_space<vmem>>, %arg5: memref<2x8x2048xf32, #tpu.memory_space<vmem>>) attributes {dimension_semantics = [#tpu.dimension_semantics<arbitrary>], iteration_bounds = array<i64: 16>, scalar_prefetch = 0 : i64, scratch_operands = 1 : i64, tpu.core_type = #tpu.core_type<tc>, window_params = [{transform_indices = @transform_0, window_bounds = array<i64: 2, 128, 2048>}, {transform_indices = @transform_1, window_bounds = array<i64: 8, 262144>}, {pipeline_mode = #tpu.pipeline_mode<synchronous>, transform_indices = @transform_2, window_bounds = array<i64: 1, 8>}, {pipeline_mode = #tpu.pipeline_mode<synchronous>, transform_indices = @transform_3, window_bounds = array<i64: 1, 16>}]} {
    %eq3A = arith.constant 0 : i32
    %eq3A_0 = arith.cmpi eq, %arg0, %eq3A : i32
    %convert_element_type3A = arith.extui %eq3A_0 : i1 to i32
    %cond3A = arith.constant 0 : i32
    %cond3A_1 = arith.cmpi ne, %convert_element_type3A, %cond3A : i32
    scf.if %cond3A_1 {
      %broadcast_in_dim3A_2712 = arith.constant 0.000000e+00 : f32
      %broadcast_in_dim3A_2713 = vector.broadcast %broadcast_in_dim3A_2712 : f32 to vector<2x8x2048xf32>
      %swap3A_2714 = arith.constant 0 : index
      %swap3A_2715 = arith.constant 0 : index
      %swap3A_2716 = arith.constant 0 : index
      %swap3A_2717 = vector.load %arg5[%swap3A_2714, %swap3A_2715, %swap3A_2716] : memref<2x8x2048xf32, #tpu.memory_space<vmem>>, vector<2x8x2048xf32>
      tpu.vector_store %arg5[%swap3A_2714, %swap3A_2715, %swap3A_2716], %broadcast_in_dim3A_2713 {strides = array<i32>} : memref<2x8x2048xf32, #tpu.memory_space<vmem>>, vector<2x8x2048xf32>,
    } else {
    }
    %get3A = arith.constant 0 : index
    %get3A_2 = arith.constant 0 : index
    %get3A_3 = vector.load %arg2[%get3A, %get3A_2] : memref<8x262144xf32, #tpu.memory_space<vmem>>, vector<8x2048xf32>
    %get3A_4 = arith.constant 0 : index
    %get3A_5 = arith.constant 0 : index
    %get3A_6 = arith.constant 0 : index
    %get3A_7 = vector.load %arg1[%get3A_4, %get3A_5, %get3A_6] : memref<2x128x2048xf32, #tpu.memory_space<vmem>>, vector<1x1x2048xf32>
    %get3A_8 = vector.shape_cast %get3A_7 : vector<1x1x2048xf32> to vector<1x2048xf32>
    %broadcast_in_dim3A = vector.shape_cast %get3A_8 : vector<1x2048xf32> to vector<1x2048xf32>
    %broadcast_in_dim3A_9 = vector.broadcast %broadcast_in_dim3A : vector<1x2048xf32> to vector<8x2048xf32>
    %mul3A = arith.mulf %get3A_3, %broadcast_in_dim3A_9 : vector<8x2048xf32>
    %get3A_10 = arith.constant 1 : index
    %get3A_11 = arith.constant 0 : index
    %get3A_12 = arith.constant 0 : index
    %get3A_13 = vector.load %arg1[%get3A_10, %get3A_11, %get3A_12] : memref<2x128x2048xf32, #tpu.memory_space<vmem>>, vector<1x1x2048xf32>
    %get3A_14 = vector.shape_cast %get3A_13 : vector<1x1x2048xf32> to vector<1x2048xf32>
    %broadcast_in_dim3A_15 = vector.shape_cast %get3A_14 : vector<1x2048xf32> to vector<1x2048xf32>
    %broadcast_in_dim3A_16 = vector.broadcast %broadcast_in_dim3A_15 : vector<1x2048xf32> to vector<8x2048xf32>
    %mul3A_17 = arith.mulf %get3A_3, %broadcast_in_dim3A_16 : vector<8x2048xf32>
    %get3A_18 = arith.constant 0 : index
    %get3A_19 = arith.constant 2048 : index
    %get3A_20 = vector.load %arg2[%get3A_18, %get3A_19] : memref<8x262144xf32, #tpu.memory_space<vmem>>, vector<8x2048xf32>
    %get3A_21 = arith.constant 0 : index
    %get3A_22 = arith.constant 1 : index
    %get3A_23 = arith.constant 0 : index
    %get3A_24 = vector.load %arg1[%get3A_21, %get3A_22, %get3A_23] : memref<2x128x2048xf32, #tpu.memory_space<vmem>>, vector<1x1x2048xf32>
    %get3A_25 = vector.shape_cast %get3A_24 : vector<1x1x2048xf32> to vector<1x2048xf32>
    %broadcast_in_dim3A_26 = vector.shape_cast %get3A_25 : vector<1x2048xf32> to vector<1x2048xf32>
    %broadcast_in_dim3A_27 = vector.broadcast %broadcast_in_dim3A_26 : vector<1x2048xf32> to vector<8x2048xf32>
    %mul3A_28 = arith.mulf %get3A_20, %broadcast_in_dim3A_27 : vector<8x2048xf32>
    %add3A = arith.addf %mul3A, %mul3A_28 : vector<8x2048xf32>
    %get3A_29 = arith.constant 1 : index
    %get3A_30 = arith.constant 1 : index
    %get3A_31 = arith.constant 0 : index
    %get3A_32 = vector.load %arg1[%get3A_29, %get3A_30, %get3A_31] : memref<2x128x2048xf32, #tpu.memory_space<vmem>>, vector<1x1x2048xf32>
    %get3A_33 = vector.shape_cast %get3A_32 : vector<1x1x2048xf32> to vector<1x2048xf32>
    %broadcast_in_dim3A_34 = vector.shape_cast %get3A_33 : vector<1x2048xf32> to vector<1x2048xf32>
    %broadcast_in_dim3A_35 = vector.broadcast %broadcast_in_dim3A_34 : vector<1x2048xf32> to vector<8x2048xf32>
    %mul3A_36 = arith.mulf %get3A_20, %broadcast_in_dim3A_35 : vector<8x2048xf32>
    %add3A_37 = arith.addf %mul3A_17, %mul3A_36 : vector<8x2048xf32>
    %get3A_38 = arith.constant 0 : index
    %get3A_39 = arith.constant 4096 : index
    %get3A_40 = vector.load %arg2[%get3A_38, %get3A_39] : memref<8x262144xf32, #tpu.memory_space<vmem>>, vector<8x2048xf32>
    %get3A_41 = arith.constant 0 : index
    %get3A_42 = arith.constant 2 : index
    %get3A_43 = arith.constant 0 : index
    %get3A_44 = vector.load %arg1[%get3A_41, %get3A_42, %get3A_43] : memref<2x128x2048xf32, #tpu.memory_space<vmem>>, vector<1x1x2048xf32>
    %get3A_45 = vector.shape_cast %get3A_44 : vector<1x1x2048xf32> to vector<1x2048xf32>
    %broadcast_in_dim3A_46 = vector.shape_cast %get3A_45 : vector<1x2048xf32> to vector<1x2048xf32>
    %broadcast_in_dim3A_47 = vector.broadcast %broadcast_in_dim3A_46 : vector<1x2048xf32> to vector<8x2048xf32>
    %mul3A_48 = arith.mulf %get3A_40, %broadcast_in_dim3A_47 : vector<8x2048xf32>
    %add3A_49 = arith.addf %add3A, %mul3A_48 : vector<8x2048xf32>
    %get3A_50 = arith.constant 1 : index
    %get3A_51 = arith.constant 2 : index
    %get3A_52 = arith.constant 0 : index
    %get3A_53 = vector.load %arg1[%get3A_50, %get3A_51, %get3A_52] : memref<2x128x2048xf32, #tpu.memory_space<vmem>>, vector<1x1x2048xf32>
    %get3A_54 = vector.shape_cast %get3A_53 : vector<1x1x2048xf32> to vector<1x2048xf32>
    %broadcast_in_dim3A_55 = vector.shape_cast %get3A_54 : vector<1x2048xf32> to vector<1x2048xf32>
    %broadcast_in_dim3A_56 = vector.broadcast %broadcast_in_dim3A_55 : vector<1x2048xf32> to vector<8x2048xf32>
    %mul3A_57 = arith.mulf %get3A_40, %broadcast_in_dim3A_56 : vector<8x2048xf32>
    %add3A_58 = arith.addf %add3A_37, %mul3A_57 : vector<8x2048xf32>
    %get3A_59 = arith.constant 0 : index
    %get3A_60 = arith.constant 6144 : index
    %get3A_61 = vector.load %arg2[%get3A_59, %get3A_60] : memref<8x262144xf32, #tpu.memory_space<vmem>>, vector<8x2048xf32>
    %get3A_62 = arith.constant 0 : index
    %get3A_63 = arith.constant 3 : index
    %get3A_64 = arith.constant 0 : index
    %get3A_65 = vector.load %arg1[%get3A_62, %get3A_63, %get3A_64] : memref<2x128x2048xf32, #tpu.memory_space<vmem>>, vector<1x1x2048xf32>
    %get3A_66 = vector.shape_cast %get3A_65 : vector<1x1x2048xf32> to vector<1x2048xf32>
    %broadcast_in_dim3A_67 = vector.shape_cast %get3A_66 : vector<1x2048xf32> to vector<1x2048xf32>
    %broadcast_in_dim3A_68 = vector.broadcast %broadcast_in_dim3A_67 : vector<1x2048xf32> to vector<8x2048xf32>
    %mul3A_69 = arith.mulf %get3A_61, %broadcast_in_dim3A_68 : vector<8x2048xf32>
    %add3A_70 = arith.addf %add3A_49, %mul3A_69 : vector<8x2048xf32>
    %get3A_71 = arith.constant 1 : index
    %get3A_72 = arith.constant 3 : index
    %get3A_73 = arith.constant 0 : index
    %get3A_74 = vector.load %arg1[%get3A_71, %get3A_72, %get3A_73] : memref<2x128x2048xf32, #tpu.memory_space<vmem>>, vector<1x1x2048xf32>
    %get3A_75 = vector.shape_cast %get3A_74 : vector<1x1x2048xf32> to vector<1x2048xf32>
    %broadcast_in_dim3A_76 = vector.shape_cast %get3A_75 : vector<1x2048xf32> to vector<1x2048xf32>
    %broadcast_in_dim3A_77 = vector.broadcast %broadcast_in_dim3A_76 : vector<1x2048xf32> to vector<8x2048xf32>
    %mul3A_78 = arith.mulf %get3A_61, %broadcast_in_dim3A_77 : vector<8x2048xf32>
    %add3A_79 = arith.addf %add3A_58, %mul3A_78 : vector<8x2048xf32>
    %get3A_80 = arith.constant 0 : index
    %get3A_81 = arith.constant 8192 : index
    %get3A_82 = vector.load %arg2[%get3A_80, %get3A_81] : memref<8x262144xf32, #tpu.memory_space<vmem>>, vector<8x2048xf32>
    %get3A_83 = arith.constant 0 : index
    %get3A_84 = arith.constant 4 : index
    %get3A_85 = arith.constant 0 : index
    %get3A_86 = vector.load %arg1[%get3A_83, %get3A_84, %get3A_85] : memref<2x128x2048xf32, #tpu.memory_space<vmem>>, vector<1x1x2048xf32>
    %get3A_87 = vector.shape_cast %get3A_86 : vector<1x1x2048xf32> to vector<1x2048xf32>
    %broadcast_in_dim3A_88 = vector.shape_cast %get3A_87 : vector<1x2048xf32> to vector<1x2048xf32>
    %broadcast_in_dim3A_89 = vector.broadcast %broadcast_in_dim3A_88 : vector<1x2048xf32> to vector<8x2048xf32>
    %mul3A_90 = arith.mulf %get3A_82, %broadcast_in_dim3A_89 : vector<8x2048xf32>
    %add3A_91 = arith.addf %add3A_70, %mul3A_90 : vector<8x2048xf32>
    %get3A_92 = arith.constant 1 : index
    %get3A_93 = arith.constant 4 : index
    %get3A_94 = arith.constant 0 : index
    %get3A_95 = vector.load %arg1[%get3A_92, %get3A_93, %get3A_94] : memref<2x128x2048xf32, #tpu.memory_space<vmem>>, vector<1x1x2048xf32>
    %get3A_96 = vector.shape_cast %get3A_95 : vector<1x1x2048xf32> to vector<1x2048xf32>
    %broadcast_in_dim3A_97 = vector.shape_cast %get3A_96 : vector<1x2048xf32> to vector<1x2048xf32>
    %broadcast_in_dim3A_98 = vector.broadcast %broadcast_in_dim3A_97 : vector<1x2048xf32> to vector<8x2048xf32>
    %mul3A_99 = arith.mulf %get3A_82, %broadcast_in_dim3A_98 : vector<8x2048xf32>
    %add3A_100 = arith.addf %add3A_79, %mul3A_99 : vector<8x2048xf32>
    %get3A_101 = arith.constant 0 : index
    %get3A_102 = arith.constant 10240 : index
    %get3A_103 = vector.load %arg2[%get3A_101, %get3A_102] : memref<8x262144xf32, #tpu.memory_space<vmem>>, vector<8x2048xf32>
    %get3A_104 = arith.constant 0 : index
    %get3A_105 = arith.constant 5 : index
    %get3A_106 = arith.constant 0 : index
    %get3A_107 = vector.load %arg1[%get3A_104, %get3A_105, %get3A_106] : memref<2x128x2048xf32, #tpu.memory_space<vmem>>, vector<1x1x2048xf32>
    %get3A_108 = vector.shape_cast %get3A_107 : vector<1x1x2048xf32> to vector<1x2048xf32>
    %broadcast_in_dim3A_109 = vector.shape_cast %get3A_108 : vector<1x2048xf32> to vector<1x2048xf32>
    %broadcast_in_dim3A_110 = vector.broadcast %broadcast_in_dim3A_109 : vector<1x2048xf32> to vector<8x2048xf32>
    %mul3A_111 = arith.mulf %get3A_103, %broadcast_in_dim3A_110 : vector<8x2048xf32>
    %add3A_112 = arith.addf %add3A_91, %mul3A_111 : vector<8x2048xf32>
    %get3A_113 = arith.constant 1 : index
    %get3A_114 = arith.constant 5 : index
    %get3A_115 = arith.constant 0 : index
    %get3A_116 = vector.load %arg1[%get3A_113, %get3A_114, %get3A_115] : memref<2x128x2048xf32, #tpu.memory_space<vmem>>, vector<1x1x2048xf32>
    %get3A_117 = vector.shape_cast %get3A_116 : vector<1x1x2048xf32> to vector<1x2048xf32>
    %broadcast_in_dim3A_118 = vector.shape_cast %get3A_117 : vector<1x2048xf32> to vector<1x2048xf32>
    %broadcast_in_dim3A_119 = vector.broadcast %broadcast_in_dim3A_118 : vector<1x2048xf32> to vector<8x2048xf32>
    %mul3A_120 = arith.mulf %get3A_103, %broadcast_in_dim3A_119 : vector<8x2048xf32>
    %add3A_121 = arith.addf %add3A_100, %mul3A_120 : vector<8x2048xf32>
    %get3A_122 = arith.constant 0 : index
    %get3A_123 = arith.constant 12288 : index
    %get3A_124 = vector.load %arg2[%get3A_122, %get3A_123] : memref<8x262144xf32, #tpu.memory_space<vmem>>, vector<8x2048xf32>
    %get3A_125 = arith.constant 0 : index
    %get3A_126 = arith.constant 6 : index
    %get3A_127 = arith.constant 0 : index
    %get3A_128 = vector.load %arg1[%get3A_125, %get3A_126, %get3A_127] : memref<2x128x2048xf32, #tpu.memory_space<vmem>>, vector<1x1x2048xf32>
    %get3A_129 = vector.shape_cast %get3A_128 : vector<1x1x2048xf32> to vector<1x2048xf32>
    %broadcast_in_dim3A_130 = vector.shape_cast %get3A_129 : vector<1x2048xf32> to vector<1x2048xf32>
    %broadcast_in_dim3A_131 = vector.broadcast %broadcast_in_dim3A_130 : vector<1x2048xf32> to vector<8x2048xf32>
    %mul3A_132 = arith.mulf %get3A_124, %broadcast_in_dim3A_131 : vector<8x2048xf32>
    %add3A_133 = arith.addf %add3A_112, %mul3A_132 : vector<8x2048xf32>
    %get3A_134 = arith.constant 1 : index
    %get3A_135 = arith.constant 6 : index
    %get3A_136 = arith.constant 0 : index
    %get3A_137 = vector.load %arg1[%get3A_134, %get3A_135, %get3A_136] : memref<2x128x2048xf32, #tpu.memory_space<vmem>>, vector<1x1x2048xf32>
    %get3A_138 = vector.shape_cast %get3A_137 : vector<1x1x2048xf32> to vector<1x2048xf32>
    %broadcast_in_dim3A_139 = vector.shape_cast %get3A_138 : vector<1x2048xf32> to vector<1x2048xf32>
    %broadcast_in_dim3A_140 = vector.broadcast %broadcast_in_dim3A_139 : vector<1x2048xf32> to vector<8x2048xf32>
    %mul3A_141 = arith.mulf %get3A_124, %broadcast_in_dim3A_140 : vector<8x2048xf32>
    %add3A_142 = arith.addf %add3A_121, %mul3A_141 : vector<8x2048xf32>
    %get3A_143 = arith.constant 0 : index
    %get3A_144 = arith.constant 14336 : index
    %get3A_145 = vector.load %arg2[%get3A_143, %get3A_144] : memref<8x262144xf32, #tpu.memory_space<vmem>>, vector<8x2048xf32>
    %get3A_146 = arith.constant 0 : index
    %get3A_147 = arith.constant 7 : index
    %get3A_148 = arith.constant 0 : index
    %get3A_149 = vector.load %arg1[%get3A_146, %get3A_147, %get3A_148] : memref<2x128x2048xf32, #tpu.memory_space<vmem>>, vector<1x1x2048xf32>
    %get3A_150 = vector.shape_cast %get3A_149 : vector<1x1x2048xf32> to vector<1x2048xf32>
    %broadcast_in_dim3A_151 = vector.shape_cast %get3A_150 : vector<1x2048xf32> to vector<1x2048xf32>
    %broadcast_in_dim3A_152 = vector.broadcast %broadcast_in_dim3A_151 : vector<1x2048xf32> to vector<8x2048xf32>
    %mul3A_153 = arith.mulf %get3A_145, %broadcast_in_dim3A_152 : vector<8x2048xf32>
    %add3A_154 = arith.addf %add3A_133, %mul3A_153 : vector<8x2048xf32>
    %get3A_155 = arith.constant 1 : index
    %get3A_156 = arith.constant 7 : index
    %get3A_157 = arith.constant 0 : index
    %get3A_158 = vector.load %arg1[%get3A_155, %get3A_156, %get3A_157] : memref<2x128x2048xf32, #tpu.memory_space<vmem>>, vector<1x1x2048xf32>
    %get3A_159 = vector.shape_cast %get3A_158 : vector<1x1x2048xf32> to vector<1x2048xf32>
    %broadcast_in_dim3A_160 = vector.shape_cast %get3A_159 : vector<1x2048xf32> to vector<1x2048xf32>
    %broadcast_in_dim3A_161 = vector.broadcast %broadcast_in_dim3A_160 : vector<1x2048xf32> to vector<8x2048xf32>
    %mul3A_162 = arith.mulf %get3A_145, %broadcast_in_dim3A_161 : vector<8x2048xf32>
    %add3A_163 = arith.addf %add3A_142, %mul3A_162 : vector<8x2048xf32>
    %get3A_164 = arith.constant 0 : index
    %get3A_165 = arith.constant 16384 : index
    %get3A_166 = vector.load %arg2[%get3A_164, %get3A_165] : memref<8x262144xf32, #tpu.memory_space<vmem>>, vector<8x2048xf32>
    %get3A_167 = arith.constant 0 : index
    %get3A_168 = arith.constant 8 : index
    %get3A_169 = arith.constant 0 : index
    %get3A_170 = vector.load %arg1[%get3A_167, %get3A_168, %get3A_169] : memref<2x128x2048xf32, #tpu.memory_space<vmem>>, vector<1x1x2048xf32>
    %get3A_171 = vector.shape_cast %get3A_170 : vector<1x1x2048xf32> to vector<1x2048xf32>
    %broadcast_in_dim3A_172 = vector.shape_cast %get3A_171 : vector<1x2048xf32> to vector<1x2048xf32>
    %broadcast_in_dim3A_173 = vector.broadcast %broadcast_in_dim3A_172 : vector<1x2048xf32> to vector<8x2048xf32>
    %mul3A_174 = arith.mulf %get3A_166, %broadcast_in_dim3A_173 : vector<8x2048xf32>
    %add3A_175 = arith.addf %add3A_154, %mul3A_174 : vector<8x2048xf32>
    %get3A_176 = arith.constant 1 : index
    %get3A_177 = arith.constant 8 : index
    %get3A_178 = arith.constant 0 : index
    %get3A_179 = vector.load %arg1[%get3A_176, %get3A_177, %get3A_178] : memref<2x128x2048xf32, #tpu.memory_space<vmem>>, vector<1x1x2048xf32>
    %get3A_180 = vector.shape_cast %get3A_179 : vector<1x1x2048xf32> to vector<1x2048xf32>
    %broadcast_in_dim3A_181 = vector.shape_cast %get3A_180 : vector<1x2048xf32> to vector<1x2048xf32>
    %broadcast_in_dim3A_182 = vector.broadcast %broadcast_in_dim3A_181 : vector<1x2048xf32> to vector<8x2048xf32>
    %mul3A_183 = arith.mulf %get3A_166, %broadcast_in_dim3A_182 : vector<8x2048xf32>
    %add3A_184 = arith.addf %add3A_163, %mul3A_183 : vector<8x2048xf32>
    %get3A_185 = arith.constant 0 : index
    %get3A_186 = arith.constant 18432 : index
    %get3A_187 = vector.load %arg2[%get3A_185, %get3A_186] : memref<8x262144xf32, #tpu.memory_space<vmem>>, vector<8x2048xf32>
    %get3A_188 = arith.constant 0 : index
    %get3A_189 = arith.constant 9 : index
    %get3A_190 = arith.constant 0 : index
    %get3A_191 = vector.load %arg1[%get3A_188, %get3A_189, %get3A_190] : memref<2x128x2048xf32, #tpu.memory_space<vmem>>, vector<1x1x2048xf32>
    %get3A_192 = vector.shape_cast %get3A_191 : vector<1x1x2048xf32> to vector<1x2048xf32>
    %broadcast_in_dim3A_193 = vector.shape_cast %get3A_192 : vector<1x2048xf32> to vector<1x2048xf32>
    %broadcast_in_dim3A_194 = vector.broadcast %broadcast_in_dim3A_193 : vector<1x2048xf32> to vector<8x2048xf32>
    %mul3A_195 = arith.mulf %get3A_187, %broadcast_in_dim3A_194 : vector<8x2048xf32>
    %add3A_196 = arith.addf %add3A_175, %mul3A_195 : vector<8x2048xf32>
    %get3A_197 = arith.constant 1 : index
    %get3A_198 = arith.constant 9 : index
    %get3A_199 = arith.constant 0 : index
    %get3A_200 = vector.load %arg1[%get3A_197, %get3A_198, %get3A_199] : memref<2x128x2048xf32, #tpu.memory_space<vmem>>, vector<1x1x2048xf32>
    %get3A_201 = vector.shape_cast %get3A_200 : vector<1x1x2048xf32> to vector<1x2048xf32>
    %broadcast_in_dim3A_202 = vector.shape_cast %get3A_201 : vector<1x2048xf32> to vector<1x2048xf32>
    %broadcast_in_dim3A_203 = vector.broadcast %broadcast_in_dim3A_202 : vector<1x2048xf32> to vector<8x2048xf32>
    %mul3A_204 = arith.mulf %get3A_187, %broadcast_in_dim3A_203 : vector<8x2048xf32>
    %add3A_205 = arith.addf %add3A_184, %mul3A_204 : vector<8x2048xf32>
    %get3A_206 = arith.constant 0 : index
    %get3A_207 = arith.constant 20480 : index
    %get3A_208 = vector.load %arg2[%get3A_206, %get3A_207] : memref<8x262144xf32, #tpu.memory_space<vmem>>, vector<8x2048xf32>
    %get3A_209 = arith.constant 0 : index
    %get3A_210 = arith.constant 10 : index
    %get3A_211 = arith.constant 0 : index
    %get3A_212 = vector.load %arg1[%get3A_209, %get3A_210, %get3A_211] : memref<2x128x2048xf32, #tpu.memory_space<vmem>>, vector<1x1x2048xf32>
    %get3A_213 = vector.shape_cast %get3A_212 : vector<1x1x2048xf32> to vector<1x2048xf32>
    %broadcast_in_dim3A_214 = vector.shape_cast %get3A_213 : vector<1x2048xf32> to vector<1x2048xf32>
    %broadcast_in_dim3A_215 = vector.broadcast %broadcast_in_dim3A_214 : vector<1x2048xf32> to vector<8x2048xf32>
    %mul3A_216 = arith.mulf %get3A_208, %broadcast_in_dim3A_215 : vector<8x2048xf32>
    %add3A_217 = arith.addf %add3A_196, %mul3A_216 : vector<8x2048xf32>
    %get3A_218 = arith.constant 1 : index
    %get3A_219 = arith.constant 10 : index
    %get3A_220 = arith.constant 0 : index
    %get3A_221 = vector.load %arg1[%get3A_218, %get3A_219, %get3A_220] : memref<2x128x2048xf32, #tpu.memory_space<vmem>>, vector<1x1x2048xf32>
    %get3A_222 = vector.shape_cast %get3A_221 : vector<1x1x2048xf32> to vector<1x2048xf32>
    %broadcast_in_dim3A_223 = vector.shape_cast %get3A_222 : vector<1x2048xf32> to vector<1x2048xf32>
    %broadcast_in_dim3A_224 = vector.broadcast %broadcast_in_dim3A_223 : vector<1x2048xf32> to vector<8x2048xf32>
    %mul3A_225 = arith.mulf %get3A_208, %broadcast_in_dim3A_224 : vector<8x2048xf32>
    %add3A_226 = arith.addf %add3A_205, %mul3A_225 : vector<8x2048xf32>
    %get3A_227 = arith.constant 0 : index
    %get3A_228 = arith.constant 22528 : index
    %get3A_229 = vector.load %arg2[%get3A_227, %get3A_228] : memref<8x262144xf32, #tpu.memory_space<vmem>>, vector<8x2048xf32>
    %get3A_230 = arith.constant 0 : index
    %get3A_231 = arith.constant 11 : index
    %get3A_232 = arith.constant 0 : index
    %get3A_233 = vector.load %arg1[%get3A_230, %get3A_231, %get3A_232] : memref<2x128x2048xf32, #tpu.memory_space<vmem>>, vector<1x1x2048xf32>
    %get3A_234 = vector.shape_cast %get3A_233 : vector<1x1x2048xf32> to vector<1x2048xf32>
    %broadcast_in_dim3A_235 = vector.shape_cast %get3A_234 : vector<1x2048xf32> to vector<1x2048xf32>
    %broadcast_in_dim3A_236 = vector.broadcast %broadcast_in_dim3A_235 : vector<1x2048xf32> to vector<8x2048xf32>
    %mul3A_237 = arith.mulf %get3A_229, %broadcast_in_dim3A_236 : vector<8x2048xf32>
    %add3A_238 = arith.addf %add3A_217, %mul3A_237 : vector<8x2048xf32>
    %get3A_239 = arith.constant 1 : index
    %get3A_240 = arith.constant 11 : index
    %get3A_241 = arith.constant 0 : index
    %get3A_242 = vector.load %arg1[%get3A_239, %get3A_240, %get3A_241] : memref<2x128x2048xf32, #tpu.memory_space<vmem>>, vector<1x1x2048xf32>
    %get3A_243 = vector.shape_cast %get3A_242 : vector<1x1x2048xf32> to vector<1x2048xf32>
    %broadcast_in_dim3A_244 = vector.shape_cast %get3A_243 : vector<1x2048xf32> to vector<1x2048xf32>
    %broadcast_in_dim3A_245 = vector.broadcast %broadcast_in_dim3A_244 : vector<1x2048xf32> to vector<8x2048xf32>
    %mul3A_246 = arith.mulf %get3A_229, %broadcast_in_dim3A_245 : vector<8x2048xf32>
    %add3A_247 = arith.addf %add3A_226, %mul3A_246 : vector<8x2048xf32>
    %get3A_248 = arith.constant 0 : index
    %get3A_249 = arith.constant 24576 : index
    %get3A_250 = vector.load %arg2[%get3A_248, %get3A_249] : memref<8x262144xf32, #tpu.memory_space<vmem>>, vector<8x2048xf32>
    %get3A_251 = arith.constant 0 : index
    %get3A_252 = arith.constant 12 : index
    %get3A_253 = arith.constant 0 : index
    %get3A_254 = vector.load %arg1[%get3A_251, %get3A_252, %get3A_253] : memref<2x128x2048xf32, #tpu.memory_space<vmem>>, vector<1x1x2048xf32>
    %get3A_255 = vector.shape_cast %get3A_254 : vector<1x1x2048xf32> to vector<1x2048xf32>
    %broadcast_in_dim3A_256 = vector.shape_cast %get3A_255 : vector<1x2048xf32> to vector<1x2048xf32>
    %broadcast_in_dim3A_257 = vector.broadcast %broadcast_in_dim3A_256 : vector<1x2048xf32> to vector<8x2048xf32>
    %mul3A_258 = arith.mulf %get3A_250, %broadcast_in_dim3A_257 : vector<8x2048xf32>
    %add3A_259 = arith.addf %add3A_238, %mul3A_258 : vector<8x2048xf32>
    %get3A_260 = arith.constant 1 : index
    %get3A_261 = arith.constant 12 : index
    %get3A_262 = arith.constant 0 : index
    %get3A_263 = vector.load %arg1[%get3A_260, %get3A_261, %get3A_262] : memref<2x128x2048xf32, #tpu.memory_space<vmem>>, vector<1x1x2048xf32>
    %get3A_264 = vector.shape_cast %get3A_263 : vector<1x1x2048xf32> to vector<1x2048xf32>
    %broadcast_in_dim3A_265 = vector.shape_cast %get3A_264 : vector<1x2048xf32> to vector<1x2048xf32>
    %broadcast_in_dim3A_266 = vector.broadcast %broadcast_in_dim3A_265 : vector<1x2048xf32> to vector<8x2048xf32>
    %mul3A_267 = arith.mulf %get3A_250, %broadcast_in_dim3A_266 : vector<8x2048xf32>
    %add3A_268 = arith.addf %add3A_247, %mul3A_267 : vector<8x2048xf32>
    %get3A_269 = arith.constant 0 : index
    %get3A_270 = arith.constant 26624 : index
    %get3A_271 = vector.load %arg2[%get3A_269, %get3A_270] : memref<8x262144xf32, #tpu.memory_space<vmem>>, vector<8x2048xf32>
    %get3A_272 = arith.constant 0 : index
    %get3A_273 = arith.constant 13 : index
    %get3A_274 = arith.constant 0 : index
    %get3A_275 = vector.load %arg1[%get3A_272, %get3A_273, %get3A_274] : memref<2x128x2048xf32, #tpu.memory_space<vmem>>, vector<1x1x2048xf32>
    %get3A_276 = vector.shape_cast %get3A_275 : vector<1x1x2048xf32> to vector<1x2048xf32>
    %broadcast_in_dim3A_277 = vector.shape_cast %get3A_276 : vector<1x2048xf32> to vector<1x2048xf32>
    %broadcast_in_dim3A_278 = vector.broadcast %broadcast_in_dim3A_277 : vector<1x2048xf32> to vector<8x2048xf32>
    %mul3A_279 = arith.mulf %get3A_271, %broadcast_in_dim3A_278 : vector<8x2048xf32>
    %add3A_280 = arith.addf %add3A_259, %mul3A_279 : vector<8x2048xf32>
    %get3A_281 = arith.constant 1 : index
    %get3A_282 = arith.constant 13 : index
    %get3A_283 = arith.constant 0 : index
    %get3A_284 = vector.load %arg1[%get3A_281, %get3A_282, %get3A_283] : memref<2x128x2048xf32, #tpu.memory_space<vmem>>, vector<1x1x2048xf32>
    %get3A_285 = vector.shape_cast %get3A_284 : vector<1x1x2048xf32> to vector<1x2048xf32>
    %broadcast_in_dim3A_286 = vector.shape_cast %get3A_285 : vector<1x2048xf32> to vector<1x2048xf32>
    %broadcast_in_dim3A_287 = vector.broadcast %broadcast_in_dim3A_286 : vector<1x2048xf32> to vector<8x2048xf32>
    %mul3A_288 = arith.mulf %get3A_271, %broadcast_in_dim3A_287 : vector<8x2048xf32>
    %add3A_289 = arith.addf %add3A_268, %mul3A_288 : vector<8x2048xf32>
    %get3A_290 = arith.constant 0 : index
    %get3A_291 = arith.constant 28672 : index
    %get3A_292 = vector.load %arg2[%get3A_290, %get3A_291] : memref<8x262144xf32, #tpu.memory_space<vmem>>, vector<8x2048xf32>
    %get3A_293 = arith.constant 0 : index
    %get3A_294 = arith.constant 14 : index
    %get3A_295 = arith.constant 0 : index
    %get3A_296 = vector.load %arg1[%get3A_293, %get3A_294, %get3A_295] : memref<2x128x2048xf32, #tpu.memory_space<vmem>>, vector<1x1x2048xf32>
    %get3A_297 = vector.shape_cast %get3A_296 : vector<1x1x2048xf32> to vector<1x2048xf32>
    %broadcast_in_dim3A_298 = vector.shape_cast %get3A_297 : vector<1x2048xf32> to vector<1x2048xf32>
    %broadcast_in_dim3A_299 = vector.broadcast %broadcast_in_dim3A_298 : vector<1x2048xf32> to vector<8x2048xf32>
    %mul3A_300 = arith.mulf %get3A_292, %broadcast_in_dim3A_299 : vector<8x2048xf32>
    %add3A_301 = arith.addf %add3A_280, %mul3A_300 : vector<8x2048xf32>
    %get3A_302 = arith.constant 1 : index
    %get3A_303 = arith.constant 14 : index
    %get3A_304 = arith.constant 0 : index
    %get3A_305 = vector.load %arg1[%get3A_302, %get3A_303, %get3A_304] : memref<2x128x2048xf32, #tpu.memory_space<vmem>>, vector<1x1x2048xf32>
    %get3A_306 = vector.shape_cast %get3A_305 : vector<1x1x2048xf32> to vector<1x2048xf32>
    %broadcast_in_dim3A_307 = vector.shape_cast %get3A_306 : vector<1x2048xf32> to vector<1x2048xf32>
    %broadcast_in_dim3A_308 = vector.broadcast %broadcast_in_dim3A_307 : vector<1x2048xf32> to vector<8x2048xf32>
    %mul3A_309 = arith.mulf %get3A_292, %broadcast_in_dim3A_308 : vector<8x2048xf32>
    %add3A_310 = arith.addf %add3A_289, %mul3A_309 : vector<8x2048xf32>
    %get3A_311 = arith.constant 0 : index
    %get3A_312 = arith.constant 30720 : index
    %get3A_313 = vector.load %arg2[%get3A_311, %get3A_312] : memref<8x262144xf32, #tpu.memory_space<vmem>>, vector<8x2048xf32>
    %get3A_314 = arith.constant 0 : index
    %get3A_315 = arith.constant 15 : index
    %get3A_316 = arith.constant 0 : index
    %get3A_317 = vector.load %arg1[%get3A_314, %get3A_315, %get3A_316] : memref<2x128x2048xf32, #tpu.memory_space<vmem>>, vector<1x1x2048xf32>
    %get3A_318 = vector.shape_cast %get3A_317 : vector<1x1x2048xf32> to vector<1x2048xf32>
    %broadcast_in_dim3A_319 = vector.shape_cast %get3A_318 : vector<1x2048xf32> to vector<1x2048xf32>
    %broadcast_in_dim3A_320 = vector.broadcast %broadcast_in_dim3A_319 : vector<1x2048xf32> to vector<8x2048xf32>
    %mul3A_321 = arith.mulf %get3A_313, %broadcast_in_dim3A_320 : vector<8x2048xf32>
    %add3A_322 = arith.addf %add3A_301, %mul3A_321 : vector<8x2048xf32>
    %get3A_323 = arith.constant 1 : index
    %get3A_324 = arith.constant 15 : index
    %get3A_325 = arith.constant 0 : index
    %get3A_326 = vector.load %arg1[%get3A_323, %get3A_324, %get3A_325] : memref<2x128x2048xf32, #tpu.memory_space<vmem>>, vector<1x1x2048xf32>
    %get3A_327 = vector.shape_cast %get3A_326 : vector<1x1x2048xf32> to vector<1x2048xf32>
    %broadcast_in_dim3A_328 = vector.shape_cast %get3A_327 : vector<1x2048xf32> to vector<1x2048xf32>
    %broadcast_in_dim3A_329 = vector.broadcast %broadcast_in_dim3A_328 : vector<1x2048xf32> to vector<8x2048xf32>
    %mul3A_330 = arith.mulf %get3A_313, %broadcast_in_dim3A_329 : vector<8x2048xf32>
    %add3A_331 = arith.addf %add3A_310, %mul3A_330 : vector<8x2048xf32>
    %get3A_332 = arith.constant 0 : index
    %get3A_333 = arith.constant 32768 : index
    %get3A_334 = vector.load %arg2[%get3A_332, %get3A_333] : memref<8x262144xf32, #tpu.memory_space<vmem>>, vector<8x2048xf32>
    %get3A_335 = arith.constant 0 : index
    %get3A_336 = arith.constant 16 : index
    %get3A_337 = arith.constant 0 : index
    %get3A_338 = vector.load %arg1[%get3A_335, %get3A_336, %get3A_337] : memref<2x128x2048xf32, #tpu.memory_space<vmem>>, vector<1x1x2048xf32>
    %get3A_339 = vector.shape_cast %get3A_338 : vector<1x1x2048xf32> to vector<1x2048xf32>
    %broadcast_in_dim3A_340 = vector.shape_cast %get3A_339 : vector<1x2048xf32> to vector<1x2048xf32>
    %broadcast_in_dim3A_341 = vector.broadcast %broadcast_in_dim3A_340 : vector<1x2048xf32> to vector<8x2048xf32>
    %mul3A_342 = arith.mulf %get3A_334, %broadcast_in_dim3A_341 : vector<8x2048xf32>
    %add3A_343 = arith.addf %add3A_322, %mul3A_342 : vector<8x2048xf32>
    %get3A_344 = arith.constant 1 : index
    %get3A_345 = arith.constant 16 : index
    %get3A_346 = arith.constant 0 : index
    %get3A_347 = vector.load %arg1[%get3A_344, %get3A_345, %get3A_346] : memref<2x128x2048xf32, #tpu.memory_space<vmem>>, vector<1x1x2048xf32>
    %get3A_348 = vector.shape_cast %get3A_347 : vector<1x1x2048xf32> to vector<1x2048xf32>
    %broadcast_in_dim3A_349 = vector.shape_cast %get3A_348 : vector<1x2048xf32> to vector<1x2048xf32>
    %broadcast_in_dim3A_350 = vector.broadcast %broadcast_in_dim3A_349 : vector<1x2048xf32> to vector<8x2048xf32>
    %mul3A_351 = arith.mulf %get3A_334, %broadcast_in_dim3A_350 : vector<8x2048xf32>
    %add3A_352 = arith.addf %add3A_331, %mul3A_351 : vector<8x2048xf32>
    %get3A_353 = arith.constant 0 : index
    %get3A_354 = arith.constant 34816 : index
    %get3A_355 = vector.load %arg2[%get3A_353, %get3A_354] : memref<8x262144xf32, #tpu.memory_space<vmem>>, vector<8x2048xf32>
    %get3A_356 = arith.constant 0 : index
    %get3A_357 = arith.constant 17 : index
    %get3A_358 = arith.constant 0 : index
    %get3A_359 = vector.load %arg1[%get3A_356, %get3A_357, %get3A_358] : memref<2x128x2048xf32, #tpu.memory_space<vmem>>, vector<1x1x2048xf32>
    %get3A_360 = vector.shape_cast %get3A_359 : vector<1x1x2048xf32> to vector<1x2048xf32>
    %broadcast_in_dim3A_361 = vector.shape_cast %get3A_360 : vector<1x2048xf32> to vector<1x2048xf32>
    %broadcast_in_dim3A_362 = vector.broadcast %broadcast_in_dim3A_361 : vector<1x2048xf32> to vector<8x2048xf32>
    %mul3A_363 = arith.mulf %get3A_355, %broadcast_in_dim3A_362 : vector<8x2048xf32>
    %add3A_364 = arith.addf %add3A_343, %mul3A_363 : vector<8x2048xf32>
    %get3A_365 = arith.constant 1 : index
    %get3A_366 = arith.constant 17 : index
    %get3A_367 = arith.constant 0 : index
    %get3A_368 = vector.load %arg1[%get3A_365, %get3A_366, %get3A_367] : memref<2x128x2048xf32, #tpu.memory_space<vmem>>, vector<1x1x2048xf32>
    %get3A_369 = vector.shape_cast %get3A_368 : vector<1x1x2048xf32> to vector<1x2048xf32>
    %broadcast_in_dim3A_370 = vector.shape_cast %get3A_369 : vector<1x2048xf32> to vector<1x2048xf32>
    %broadcast_in_dim3A_371 = vector.broadcast %broadcast_in_dim3A_370 : vector<1x2048xf32> to vector<8x2048xf32>
    %mul3A_372 = arith.mulf %get3A_355, %broadcast_in_dim3A_371 : vector<8x2048xf32>
    %add3A_373 = arith.addf %add3A_352, %mul3A_372 : vector<8x2048xf32>
    %get3A_374 = arith.constant 0 : index
    %get3A_375 = arith.constant 36864 : index
    %get3A_376 = vector.load %arg2[%get3A_374, %get3A_375] : memref<8x262144xf32, #tpu.memory_space<vmem>>, vector<8x2048xf32>
    %get3A_377 = arith.constant 0 : index
    %get3A_378 = arith.constant 18 : index
    %get3A_379 = arith.constant 0 : index
    %get3A_380 = vector.load %arg1[%get3A_377, %get3A_378, %get3A_379] : memref<2x128x2048xf32, #tpu.memory_space<vmem>>, vector<1x1x2048xf32>
    %get3A_381 = vector.shape_cast %get3A_380 : vector<1x1x2048xf32> to vector<1x2048xf32>
    %broadcast_in_dim3A_382 = vector.shape_cast %get3A_381 : vector<1x2048xf32> to vector<1x2048xf32>
    %broadcast_in_dim3A_383 = vector.broadcast %broadcast_in_dim3A_382 : vector<1x2048xf32> to vector<8x2048xf32>
    %mul3A_384 = arith.mulf %get3A_376, %broadcast_in_dim3A_383 : vector<8x2048xf32>
    %add3A_385 = arith.addf %add3A_364, %mul3A_384 : vector<8x2048xf32>
    %get3A_386 = arith.constant 1 : index
    %get3A_387 = arith.constant 18 : index
    %get3A_388 = arith.constant 0 : index
    %get3A_389 = vector.load %arg1[%get3A_386, %get3A_387, %get3A_388] : memref<2x128x2048xf32, #tpu.memory_space<vmem>>, vector<1x1x2048xf32>
    %get3A_390 = vector.shape_cast %get3A_389 : vector<1x1x2048xf32> to vector<1x2048xf32>
    %broadcast_in_dim3A_391 = vector.shape_cast %get3A_390 : vector<1x2048xf32> to vector<1x2048xf32>
    %broadcast_in_dim3A_392 = vector.broadcast %broadcast_in_dim3A_391 : vector<1x2048xf32> to vector<8x2048xf32>
    %mul3A_393 = arith.mulf %get3A_376, %broadcast_in_dim3A_392 : vector<8x2048xf32>
    %add3A_394 = arith.addf %add3A_373, %mul3A_393 : vector<8x2048xf32>
    %get3A_395 = arith.constant 0 : index
    %get3A_396 = arith.constant 38912 : index
    %get3A_397 = vector.load %arg2[%get3A_395, %get3A_396] : memref<8x262144xf32, #tpu.memory_space<vmem>>, vector<8x2048xf32>
    %get3A_398 = arith.constant 0 : index
    %get3A_399 = arith.constant 19 : index
    %get3A_400 = arith.constant 0 : index
    %get3A_401 = vector.load %arg1[%get3A_398, %get3A_399, %get3A_400] : memref<2x128x2048xf32, #tpu.memory_space<vmem>>, vector<1x1x2048xf32>
    %get3A_402 = vector.shape_cast %get3A_401 : vector<1x1x2048xf32> to vector<1x2048xf32>
    %broadcast_in_dim3A_403 = vector.shape_cast %get3A_402 : vector<1x2048xf32> to vector<1x2048xf32>
    %broadcast_in_dim3A_404 = vector.broadcast %broadcast_in_dim3A_403 : vector<1x2048xf32> to vector<8x2048xf32>
    %mul3A_405 = arith.mulf %get3A_397, %broadcast_in_dim3A_404 : vector<8x2048xf32>
    %add3A_406 = arith.addf %add3A_385, %mul3A_405 : vector<8x2048xf32>
    %get3A_407 = arith.constant 1 : index
    %get3A_408 = arith.constant 19 : index
    %get3A_409 = arith.constant 0 : index
    %get3A_410 = vector.load %arg1[%get3A_407, %get3A_408, %get3A_409] : memref<2x128x2048xf32, #tpu.memory_space<vmem>>, vector<1x1x2048xf32>
    %get3A_411 = vector.shape_cast %get3A_410 : vector<1x1x2048xf32> to vector<1x2048xf32>
    %broadcast_in_dim3A_412 = vector.shape_cast %get3A_411 : vector<1x2048xf32> to vector<1x2048xf32>
    %broadcast_in_dim3A_413 = vector.broadcast %broadcast_in_dim3A_412 : vector<1x2048xf32> to vector<8x2048xf32>
    %mul3A_414 = arith.mulf %get3A_397, %broadcast_in_dim3A_413 : vector<8x2048xf32>
    %add3A_415 = arith.addf %add3A_394, %mul3A_414 : vector<8x2048xf32>
    %get3A_416 = arith.constant 0 : index
    %get3A_417 = arith.constant 40960 : index
    %get3A_418 = vector.load %arg2[%get3A_416, %get3A_417] : memref<8x262144xf32, #tpu.memory_space<vmem>>, vector<8x2048xf32>
    %get3A_419 = arith.constant 0 : index
    %get3A_420 = arith.constant 20 : index
    %get3A_421 = arith.constant 0 : index
    %get3A_422 = vector.load %arg1[%get3A_419, %get3A_420, %get3A_421] : memref<2x128x2048xf32, #tpu.memory_space<vmem>>, vector<1x1x2048xf32>
    %get3A_423 = vector.shape_cast %get3A_422 : vector<1x1x2048xf32> to vector<1x2048xf32>
    %broadcast_in_dim3A_424 = vector.shape_cast %get3A_423 : vector<1x2048xf32> to vector<1x2048xf32>
    %broadcast_in_dim3A_425 = vector.broadcast %broadcast_in_dim3A_424 : vector<1x2048xf32> to vector<8x2048xf32>
    %mul3A_426 = arith.mulf %get3A_418, %broadcast_in_dim3A_425 : vector<8x2048xf32>
    %add3A_427 = arith.addf %add3A_406, %mul3A_426 : vector<8x2048xf32>
    %get3A_428 = arith.constant 1 : index
    %get3A_429 = arith.constant 20 : index
    %get3A_430 = arith.constant 0 : index
    %get3A_431 = vector.load %arg1[%get3A_428, %get3A_429, %get3A_430] : memref<2x128x2048xf32, #tpu.memory_space<vmem>>, vector<1x1x2048xf32>
    %get3A_432 = vector.shape_cast %get3A_431 : vector<1x1x2048xf32> to vector<1x2048xf32>
    %broadcast_in_dim3A_433 = vector.shape_cast %get3A_432 : vector<1x2048xf32> to vector<1x2048xf32>
    %broadcast_in_dim3A_434 = vector.broadcast %broadcast_in_dim3A_433 : vector<1x2048xf32> to vector<8x2048xf32>
    %mul3A_435 = arith.mulf %get3A_418, %broadcast_in_dim3A_434 : vector<8x2048xf32>
    %add3A_436 = arith.addf %add3A_415, %mul3A_435 : vector<8x2048xf32>
    %get3A_437 = arith.constant 0 : index
    %get3A_438 = arith.constant 43008 : index
    %get3A_439 = vector.load %arg2[%get3A_437, %get3A_438] : memref<8x262144xf32, #tpu.memory_space<vmem>>, vector<8x2048xf32>
    %get3A_440 = arith.constant 0 : index
    %get3A_441 = arith.constant 21 : index
    %get3A_442 = arith.constant 0 : index
    %get3A_443 = vector.load %arg1[%get3A_440, %get3A_441, %get3A_442] : memref<2x128x2048xf32, #tpu.memory_space<vmem>>, vector<1x1x2048xf32>
    %get3A_444 = vector.shape_cast %get3A_443 : vector<1x1x2048xf32> to vector<1x2048xf32>
    %broadcast_in_dim3A_445 = vector.shape_cast %get3A_444 : vector<1x2048xf32> to vector<1x2048xf32>
    %broadcast_in_dim3A_446 = vector.broadcast %broadcast_in_dim3A_445 : vector<1x2048xf32> to vector<8x2048xf32>
    %mul3A_447 = arith.mulf %get3A_439, %broadcast_in_dim3A_446 : vector<8x2048xf32>
    %add3A_448 = arith.addf %add3A_427, %mul3A_447 : vector<8x2048xf32>
    %get3A_449 = arith.constant 1 : index
    %get3A_450 = arith.constant 21 : index
    %get3A_451 = arith.constant 0 : index
    %get3A_452 = vector.load %arg1[%get3A_449, %get3A_450, %get3A_451] : memref<2x128x2048xf32, #tpu.memory_space<vmem>>, vector<1x1x2048xf32>
    %get3A_453 = vector.shape_cast %get3A_452 : vector<1x1x2048xf32> to vector<1x2048xf32>
    %broadcast_in_dim3A_454 = vector.shape_cast %get3A_453 : vector<1x2048xf32> to vector<1x2048xf32>
    %broadcast_in_dim3A_455 = vector.broadcast %broadcast_in_dim3A_454 : vector<1x2048xf32> to vector<8x2048xf32>
    %mul3A_456 = arith.mulf %get3A_439, %broadcast_in_dim3A_455 : vector<8x2048xf32>
    %add3A_457 = arith.addf %add3A_436, %mul3A_456 : vector<8x2048xf32>
    %get3A_458 = arith.constant 0 : index
    %get3A_459 = arith.constant 45056 : index
    %get3A_460 = vector.load %arg2[%get3A_458, %get3A_459] : memref<8x262144xf32, #tpu.memory_space<vmem>>, vector<8x2048xf32>
    %get3A_461 = arith.constant 0 : index
    %get3A_462 = arith.constant 22 : index
    %get3A_463 = arith.constant 0 : index
    %get3A_464 = vector.load %arg1[%get3A_461, %get3A_462, %get3A_463] : memref<2x128x2048xf32, #tpu.memory_space<vmem>>, vector<1x1x2048xf32>
    %get3A_465 = vector.shape_cast %get3A_464 : vector<1x1x2048xf32> to vector<1x2048xf32>
    %broadcast_in_dim3A_466 = vector.shape_cast %get3A_465 : vector<1x2048xf32> to vector<1x2048xf32>
    %broadcast_in_dim3A_467 = vector.broadcast %broadcast_in_dim3A_466 : vector<1x2048xf32> to vector<8x2048xf32>
    %mul3A_468 = arith.mulf %get3A_460, %broadcast_in_dim3A_467 : vector<8x2048xf32>
    %add3A_469 = arith.addf %add3A_448, %mul3A_468 : vector<8x2048xf32>
    %get3A_470 = arith.constant 1 : index
    %get3A_471 = arith.constant 22 : index
    %get3A_472 = arith.constant 0 : index
    %get3A_473 = vector.load %arg1[%get3A_470, %get3A_471, %get3A_472] : memref<2x128x2048xf32, #tpu.memory_space<vmem>>, vector<1x1x2048xf32>
    %get3A_474 = vector.shape_cast %get3A_473 : vector<1x1x2048xf32> to vector<1x2048xf32>
    %broadcast_in_dim3A_475 = vector.shape_cast %get3A_474 : vector<1x2048xf32> to vector<1x2048xf32>
    %broadcast_in_dim3A_476 = vector.broadcast %broadcast_in_dim3A_475 : vector<1x2048xf32> to vector<8x2048xf32>
    %mul3A_477 = arith.mulf %get3A_460, %broadcast_in_dim3A_476 : vector<8x2048xf32>
    %add3A_478 = arith.addf %add3A_457, %mul3A_477 : vector<8x2048xf32>
    %get3A_479 = arith.constant 0 : index
    %get3A_480 = arith.constant 47104 : index
    %get3A_481 = vector.load %arg2[%get3A_479, %get3A_480] : memref<8x262144xf32, #tpu.memory_space<vmem>>, vector<8x2048xf32>
    %get3A_482 = arith.constant 0 : index
    %get3A_483 = arith.constant 23 : index
    %get3A_484 = arith.constant 0 : index
    %get3A_485 = vector.load %arg1[%get3A_482, %get3A_483, %get3A_484] : memref<2x128x2048xf32, #tpu.memory_space<vmem>>, vector<1x1x2048xf32>
    %get3A_486 = vector.shape_cast %get3A_485 : vector<1x1x2048xf32> to vector<1x2048xf32>
    %broadcast_in_dim3A_487 = vector.shape_cast %get3A_486 : vector<1x2048xf32> to vector<1x2048xf32>
    %broadcast_in_dim3A_488 = vector.broadcast %broadcast_in_dim3A_487 : vector<1x2048xf32> to vector<8x2048xf32>
    %mul3A_489 = arith.mulf %get3A_481, %broadcast_in_dim3A_488 : vector<8x2048xf32>
    %add3A_490 = arith.addf %add3A_469, %mul3A_489 : vector<8x2048xf32>
    %get3A_491 = arith.constant 1 : index
    %get3A_492 = arith.constant 23 : index
    %get3A_493 = arith.constant 0 : index
    %get3A_494 = vector.load %arg1[%get3A_491, %get3A_492, %get3A_493] : memref<2x128x2048xf32, #tpu.memory_space<vmem>>, vector<1x1x2048xf32>
    %get3A_495 = vector.shape_cast %get3A_494 : vector<1x1x2048xf32> to vector<1x2048xf32>
    %broadcast_in_dim3A_496 = vector.shape_cast %get3A_495 : vector<1x2048xf32> to vector<1x2048xf32>
    %broadcast_in_dim3A_497 = vector.broadcast %broadcast_in_dim3A_496 : vector<1x2048xf32> to vector<8x2048xf32>
    %mul3A_498 = arith.mulf %get3A_481, %broadcast_in_dim3A_497 : vector<8x2048xf32>
    %add3A_499 = arith.addf %add3A_478, %mul3A_498 : vector<8x2048xf32>
    %get3A_500 = arith.constant 0 : index
    %get3A_501 = arith.constant 49152 : index
    %get3A_502 = vector.load %arg2[%get3A_500, %get3A_501] : memref<8x262144xf32, #tpu.memory_space<vmem>>, vector<8x2048xf32>
    %get3A_503 = arith.constant 0 : index
    %get3A_504 = arith.constant 24 : index
    %get3A_505 = arith.constant 0 : index
    %get3A_506 = vector.load %arg1[%get3A_503, %get3A_504, %get3A_505] : memref<2x128x2048xf32, #tpu.memory_space<vmem>>, vector<1x1x2048xf32>
    %get3A_507 = vector.shape_cast %get3A_506 : vector<1x1x2048xf32> to vector<1x2048xf32>
    %broadcast_in_dim3A_508 = vector.shape_cast %get3A_507 : vector<1x2048xf32> to vector<1x2048xf32>
    %broadcast_in_dim3A_509 = vector.broadcast %broadcast_in_dim3A_508 : vector<1x2048xf32> to vector<8x2048xf32>
    %mul3A_510 = arith.mulf %get3A_502, %broadcast_in_dim3A_509 : vector<8x2048xf32>
    %add3A_511 = arith.addf %add3A_490, %mul3A_510 : vector<8x2048xf32>
    %get3A_512 = arith.constant 1 : index
    %get3A_513 = arith.constant 24 : index
    %get3A_514 = arith.constant 0 : index
    %get3A_515 = vector.load %arg1[%get3A_512, %get3A_513, %get3A_514] : memref<2x128x2048xf32, #tpu.memory_space<vmem>>, vector<1x1x2048xf32>
    %get3A_516 = vector.shape_cast %get3A_515 : vector<1x1x2048xf32> to vector<1x2048xf32>
    %broadcast_in_dim3A_517 = vector.shape_cast %get3A_516 : vector<1x2048xf32> to vector<1x2048xf32>
    %broadcast_in_dim3A_518 = vector.broadcast %broadcast_in_dim3A_517 : vector<1x2048xf32> to vector<8x2048xf32>
    %mul3A_519 = arith.mulf %get3A_502, %broadcast_in_dim3A_518 : vector<8x2048xf32>
    %add3A_520 = arith.addf %add3A_499, %mul3A_519 : vector<8x2048xf32>
    %get3A_521 = arith.constant 0 : index
    %get3A_522 = arith.constant 51200 : index
    %get3A_523 = vector.load %arg2[%get3A_521, %get3A_522] : memref<8x262144xf32, #tpu.memory_space<vmem>>, vector<8x2048xf32>
    %get3A_524 = arith.constant 0 : index
    %get3A_525 = arith.constant 25 : index
    %get3A_526 = arith.constant 0 : index
    %get3A_527 = vector.load %arg1[%get3A_524, %get3A_525, %get3A_526] : memref<2x128x2048xf32, #tpu.memory_space<vmem>>, vector<1x1x2048xf32>
    %get3A_528 = vector.shape_cast %get3A_527 : vector<1x1x2048xf32> to vector<1x2048xf32>
    %broadcast_in_dim3A_529 = vector.shape_cast %get3A_528 : vector<1x2048xf32> to vector<1x2048xf32>
    %broadcast_in_dim3A_530 = vector.broadcast %broadcast_in_dim3A_529 : vector<1x2048xf32> to vector<8x2048xf32>
    %mul3A_531 = arith.mulf %get3A_523, %broadcast_in_dim3A_530 : vector<8x2048xf32>
    %add3A_532 = arith.addf %add3A_511, %mul3A_531 : vector<8x2048xf32>
    %get3A_533 = arith.constant 1 : index
    %get3A_534 = arith.constant 25 : index
    %get3A_535 = arith.constant 0 : index
    %get3A_536 = vector.load %arg1[%get3A_533, %get3A_534, %get3A_535] : memref<2x128x2048xf32, #tpu.memory_space<vmem>>, vector<1x1x2048xf32>
    %get3A_537 = vector.shape_cast %get3A_536 : vector<1x1x2048xf32> to vector<1x2048xf32>
    %broadcast_in_dim3A_538 = vector.shape_cast %get3A_537 : vector<1x2048xf32> to vector<1x2048xf32>
    %broadcast_in_dim3A_539 = vector.broadcast %broadcast_in_dim3A_538 : vector<1x2048xf32> to vector<8x2048xf32>
    %mul3A_540 = arith.mulf %get3A_523, %broadcast_in_dim3A_539 : vector<8x2048xf32>
    %add3A_541 = arith.addf %add3A_520, %mul3A_540 : vector<8x2048xf32>
    %get3A_542 = arith.constant 0 : index
    %get3A_543 = arith.constant 53248 : index
    %get3A_544 = vector.load %arg2[%get3A_542, %get3A_543] : memref<8x262144xf32, #tpu.memory_space<vmem>>, vector<8x2048xf32>
    %get3A_545 = arith.constant 0 : index
    %get3A_546 = arith.constant 26 : index
    %get3A_547 = arith.constant 0 : index
    %get3A_548 = vector.load %arg1[%get3A_545, %get3A_546, %get3A_547] : memref<2x128x2048xf32, #tpu.memory_space<vmem>>, vector<1x1x2048xf32>
    %get3A_549 = vector.shape_cast %get3A_548 : vector<1x1x2048xf32> to vector<1x2048xf32>
    %broadcast_in_dim3A_550 = vector.shape_cast %get3A_549 : vector<1x2048xf32> to vector<1x2048xf32>
    %broadcast_in_dim3A_551 = vector.broadcast %broadcast_in_dim3A_550 : vector<1x2048xf32> to vector<8x2048xf32>
    %mul3A_552 = arith.mulf %get3A_544, %broadcast_in_dim3A_551 : vector<8x2048xf32>
    %add3A_553 = arith.addf %add3A_532, %mul3A_552 : vector<8x2048xf32>
    %get3A_554 = arith.constant 1 : index
    %get3A_555 = arith.constant 26 : index
    %get3A_556 = arith.constant 0 : index
    %get3A_557 = vector.load %arg1[%get3A_554, %get3A_555, %get3A_556] : memref<2x128x2048xf32, #tpu.memory_space<vmem>>, vector<1x1x2048xf32>
    %get3A_558 = vector.shape_cast %get3A_557 : vector<1x1x2048xf32> to vector<1x2048xf32>
    %broadcast_in_dim3A_559 = vector.shape_cast %get3A_558 : vector<1x2048xf32> to vector<1x2048xf32>
    %broadcast_in_dim3A_560 = vector.broadcast %broadcast_in_dim3A_559 : vector<1x2048xf32> to vector<8x2048xf32>
    %mul3A_561 = arith.mulf %get3A_544, %broadcast_in_dim3A_560 : vector<8x2048xf32>
    %add3A_562 = arith.addf %add3A_541, %mul3A_561 : vector<8x2048xf32>
    %get3A_563 = arith.constant 0 : index
    %get3A_564 = arith.constant 55296 : index
    %get3A_565 = vector.load %arg2[%get3A_563, %get3A_564] : memref<8x262144xf32, #tpu.memory_space<vmem>>, vector<8x2048xf32>
    %get3A_566 = arith.constant 0 : index
    %get3A_567 = arith.constant 27 : index
    %get3A_568 = arith.constant 0 : index
    %get3A_569 = vector.load %arg1[%get3A_566, %get3A_567, %get3A_568] : memref<2x128x2048xf32, #tpu.memory_space<vmem>>, vector<1x1x2048xf32>
    %get3A_570 = vector.shape_cast %get3A_569 : vector<1x1x2048xf32> to vector<1x2048xf32>
    %broadcast_in_dim3A_571 = vector.shape_cast %get3A_570 : vector<1x2048xf32> to vector<1x2048xf32>
    %broadcast_in_dim3A_572 = vector.broadcast %broadcast_in_dim3A_571 : vector<1x2048xf32> to vector<8x2048xf32>
    %mul3A_573 = arith.mulf %get3A_565, %broadcast_in_dim3A_572 : vector<8x2048xf32>
    %add3A_574 = arith.addf %add3A_553, %mul3A_573 : vector<8x2048xf32>
    %get3A_575 = arith.constant 1 : index
    %get3A_576 = arith.constant 27 : index
    %get3A_577 = arith.constant 0 : index
    %get3A_578 = vector.load %arg1[%get3A_575, %get3A_576, %get3A_577] : memref<2x128x2048xf32, #tpu.memory_space<vmem>>, vector<1x1x2048xf32>
    %get3A_579 = vector.shape_cast %get3A_578 : vector<1x1x2048xf32> to vector<1x2048xf32>
    %broadcast_in_dim3A_580 = vector.shape_cast %get3A_579 : vector<1x2048xf32> to vector<1x2048xf32>
    %broadcast_in_dim3A_581 = vector.broadcast %broadcast_in_dim3A_580 : vector<1x2048xf32> to vector<8x2048xf32>
    %mul3A_582 = arith.mulf %get3A_565, %broadcast_in_dim3A_581 : vector<8x2048xf32>
    %add3A_583 = arith.addf %add3A_562, %mul3A_582 : vector<8x2048xf32>
    %get3A_584 = arith.constant 0 : index
    %get3A_585 = arith.constant 57344 : index
    %get3A_586 = vector.load %arg2[%get3A_584, %get3A_585] : memref<8x262144xf32, #tpu.memory_space<vmem>>, vector<8x2048xf32>
    %get3A_587 = arith.constant 0 : index
    %get3A_588 = arith.constant 28 : index
    %get3A_589 = arith.constant 0 : index
    %get3A_590 = vector.load %arg1[%get3A_587, %get3A_588, %get3A_589] : memref<2x128x2048xf32, #tpu.memory_space<vmem>>, vector<1x1x2048xf32>
    %get3A_591 = vector.shape_cast %get3A_590 : vector<1x1x2048xf32> to vector<1x2048xf32>
    %broadcast_in_dim3A_592 = vector.shape_cast %get3A_591 : vector<1x2048xf32> to vector<1x2048xf32>
    %broadcast_in_dim3A_593 = vector.broadcast %broadcast_in_dim3A_592 : vector<1x2048xf32> to vector<8x2048xf32>
    %mul3A_594 = arith.mulf %get3A_586, %broadcast_in_dim3A_593 : vector<8x2048xf32>
    %add3A_595 = arith.addf %add3A_574, %mul3A_594 : vector<8x2048xf32>
    %get3A_596 = arith.constant 1 : index
    %get3A_597 = arith.constant 28 : index
    %get3A_598 = arith.constant 0 : index
    %get3A_599 = vector.load %arg1[%get3A_596, %get3A_597, %get3A_598] : memref<2x128x2048xf32, #tpu.memory_space<vmem>>, vector<1x1x2048xf32>
    %get3A_600 = vector.shape_cast %get3A_599 : vector<1x1x2048xf32> to vector<1x2048xf32>
    %broadcast_in_dim3A_601 = vector.shape_cast %get3A_600 : vector<1x2048xf32> to vector<1x2048xf32>
    %broadcast_in_dim3A_602 = vector.broadcast %broadcast_in_dim3A_601 : vector<1x2048xf32> to vector<8x2048xf32>
    %mul3A_603 = arith.mulf %get3A_586, %broadcast_in_dim3A_602 : vector<8x2048xf32>
    %add3A_604 = arith.addf %add3A_583, %mul3A_603 : vector<8x2048xf32>
    %get3A_605 = arith.constant 0 : index
    %get3A_606 = arith.constant 59392 : index
    %get3A_607 = vector.load %arg2[%get3A_605, %get3A_606] : memref<8x262144xf32, #tpu.memory_space<vmem>>, vector<8x2048xf32>
    %get3A_608 = arith.constant 0 : index
    %get3A_609 = arith.constant 29 : index
    %get3A_610 = arith.constant 0 : index
    %get3A_611 = vector.load %arg1[%get3A_608, %get3A_609, %get3A_610] : memref<2x128x2048xf32, #tpu.memory_space<vmem>>, vector<1x1x2048xf32>
    %get3A_612 = vector.shape_cast %get3A_611 : vector<1x1x2048xf32> to vector<1x2048xf32>
    %broadcast_in_dim3A_613 = vector.shape_cast %get3A_612 : vector<1x2048xf32> to vector<1x2048xf32>
    %broadcast_in_dim3A_614 = vector.broadcast %broadcast_in_dim3A_613 : vector<1x2048xf32> to vector<8x2048xf32>
    %mul3A_615 = arith.mulf %get3A_607, %broadcast_in_dim3A_614 : vector<8x2048xf32>
    %add3A_616 = arith.addf %add3A_595, %mul3A_615 : vector<8x2048xf32>
    %get3A_617 = arith.constant 1 : index
    %get3A_618 = arith.constant 29 : index
    %get3A_619 = arith.constant 0 : index
    %get3A_620 = vector.load %arg1[%get3A_617, %get3A_618, %get3A_619] : memref<2x128x2048xf32, #tpu.memory_space<vmem>>, vector<1x1x2048xf32>
    %get3A_621 = vector.shape_cast %get3A_620 : vector<1x1x2048xf32> to vector<1x2048xf32>
    %broadcast_in_dim3A_622 = vector.shape_cast %get3A_621 : vector<1x2048xf32> to vector<1x2048xf32>
    %broadcast_in_dim3A_623 = vector.broadcast %broadcast_in_dim3A_622 : vector<1x2048xf32> to vector<8x2048xf32>
    %mul3A_624 = arith.mulf %get3A_607, %broadcast_in_dim3A_623 : vector<8x2048xf32>
    %add3A_625 = arith.addf %add3A_604, %mul3A_624 : vector<8x2048xf32>
    %get3A_626 = arith.constant 0 : index
    %get3A_627 = arith.constant 61440 : index
    %get3A_628 = vector.load %arg2[%get3A_626, %get3A_627] : memref<8x262144xf32, #tpu.memory_space<vmem>>, vector<8x2048xf32>
    %get3A_629 = arith.constant 0 : index
    %get3A_630 = arith.constant 30 : index
    %get3A_631 = arith.constant 0 : index
    %get3A_632 = vector.load %arg1[%get3A_629, %get3A_630, %get3A_631] : memref<2x128x2048xf32, #tpu.memory_space<vmem>>, vector<1x1x2048xf32>
    %get3A_633 = vector.shape_cast %get3A_632 : vector<1x1x2048xf32> to vector<1x2048xf32>
    %broadcast_in_dim3A_634 = vector.shape_cast %get3A_633 : vector<1x2048xf32> to vector<1x2048xf32>
    %broadcast_in_dim3A_635 = vector.broadcast %broadcast_in_dim3A_634 : vector<1x2048xf32> to vector<8x2048xf32>
    %mul3A_636 = arith.mulf %get3A_628, %broadcast_in_dim3A_635 : vector<8x2048xf32>
    %add3A_637 = arith.addf %add3A_616, %mul3A_636 : vector<8x2048xf32>
    %get3A_638 = arith.constant 1 : index
    %get3A_639 = arith.constant 30 : index
    %get3A_640 = arith.constant 0 : index
    %get3A_641 = vector.load %arg1[%get3A_638, %get3A_639, %get3A_640] : memref<2x128x2048xf32, #tpu.memory_space<vmem>>, vector<1x1x2048xf32>
    %get3A_642 = vector.shape_cast %get3A_641 : vector<1x1x2048xf32> to vector<1x2048xf32>
    %broadcast_in_dim3A_643 = vector.shape_cast %get3A_642 : vector<1x2048xf32> to vector<1x2048xf32>
    %broadcast_in_dim3A_644 = vector.broadcast %broadcast_in_dim3A_643 : vector<1x2048xf32> to vector<8x2048xf32>
    %mul3A_645 = arith.mulf %get3A_628, %broadcast_in_dim3A_644 : vector<8x2048xf32>
    %add3A_646 = arith.addf %add3A_625, %mul3A_645 : vector<8x2048xf32>
    %get3A_647 = arith.constant 0 : index
    %get3A_648 = arith.constant 63488 : index
    %get3A_649 = vector.load %arg2[%get3A_647, %get3A_648] : memref<8x262144xf32, #tpu.memory_space<vmem>>, vector<8x2048xf32>
    %get3A_650 = arith.constant 0 : index
    %get3A_651 = arith.constant 31 : index
    %get3A_652 = arith.constant 0 : index
    %get3A_653 = vector.load %arg1[%get3A_650, %get3A_651, %get3A_652] : memref<2x128x2048xf32, #tpu.memory_space<vmem>>, vector<1x1x2048xf32>
    %get3A_654 = vector.shape_cast %get3A_653 : vector<1x1x2048xf32> to vector<1x2048xf32>
    %broadcast_in_dim3A_655 = vector.shape_cast %get3A_654 : vector<1x2048xf32> to vector<1x2048xf32>
    %broadcast_in_dim3A_656 = vector.broadcast %broadcast_in_dim3A_655 : vector<1x2048xf32> to vector<8x2048xf32>
    %mul3A_657 = arith.mulf %get3A_649, %broadcast_in_dim3A_656 : vector<8x2048xf32>
    %add3A_658 = arith.addf %add3A_637, %mul3A_657 : vector<8x2048xf32>
    %get3A_659 = arith.constant 1 : index
    %get3A_660 = arith.constant 31 : index
    %get3A_661 = arith.constant 0 : index
    %get3A_662 = vector.load %arg1[%get3A_659, %get3A_660, %get3A_661] : memref<2x128x2048xf32, #tpu.memory_space<vmem>>, vector<1x1x2048xf32>
    %get3A_663 = vector.shape_cast %get3A_662 : vector<1x1x2048xf32> to vector<1x2048xf32>
    %broadcast_in_dim3A_664 = vector.shape_cast %get3A_663 : vector<1x2048xf32> to vector<1x2048xf32>
    %broadcast_in_dim3A_665 = vector.broadcast %broadcast_in_dim3A_664 : vector<1x2048xf32> to vector<8x2048xf32>
    %mul3A_666 = arith.mulf %get3A_649, %broadcast_in_dim3A_665 : vector<8x2048xf32>
    %add3A_667 = arith.addf %add3A_646, %mul3A_666 : vector<8x2048xf32>
    %get3A_668 = arith.constant 0 : index
    %get3A_669 = arith.constant 65536 : index
    %get3A_670 = vector.load %arg2[%get3A_668, %get3A_669] : memref<8x262144xf32, #tpu.memory_space<vmem>>, vector<8x2048xf32>
    %get3A_671 = arith.constant 0 : index
    %get3A_672 = arith.constant 32 : index
    %get3A_673 = arith.constant 0 : index
    %get3A_674 = vector.load %arg1[%get3A_671, %get3A_672, %get3A_673] : memref<2x128x2048xf32, #tpu.memory_space<vmem>>, vector<1x1x2048xf32>
    %get3A_675 = vector.shape_cast %get3A_674 : vector<1x1x2048xf32> to vector<1x2048xf32>
    %broadcast_in_dim3A_676 = vector.shape_cast %get3A_675 : vector<1x2048xf32> to vector<1x2048xf32>
    %broadcast_in_dim3A_677 = vector.broadcast %broadcast_in_dim3A_676 : vector<1x2048xf32> to vector<8x2048xf32>
    %mul3A_678 = arith.mulf %get3A_670, %broadcast_in_dim3A_677 : vector<8x2048xf32>
    %add3A_679 = arith.addf %add3A_658, %mul3A_678 : vector<8x2048xf32>
    %get3A_680 = arith.constant 1 : index
    %get3A_681 = arith.constant 32 : index
    %get3A_682 = arith.constant 0 : index
    %get3A_683 = vector.load %arg1[%get3A_680, %get3A_681, %get3A_682] : memref<2x128x2048xf32, #tpu.memory_space<vmem>>, vector<1x1x2048xf32>
    %get3A_684 = vector.shape_cast %get3A_683 : vector<1x1x2048xf32> to vector<1x2048xf32>
    %broadcast_in_dim3A_685 = vector.shape_cast %get3A_684 : vector<1x2048xf32> to vector<1x2048xf32>
    %broadcast_in_dim3A_686 = vector.broadcast %broadcast_in_dim3A_685 : vector<1x2048xf32> to vector<8x2048xf32>
    %mul3A_687 = arith.mulf %get3A_670, %broadcast_in_dim3A_686 : vector<8x2048xf32>
    %add3A_688 = arith.addf %add3A_667, %mul3A_687 : vector<8x2048xf32>
    %get3A_689 = arith.constant 0 : index
    %get3A_690 = arith.constant 67584 : index
    %get3A_691 = vector.load %arg2[%get3A_689, %get3A_690] : memref<8x262144xf32, #tpu.memory_space<vmem>>, vector<8x2048xf32>
    %get3A_692 = arith.constant 0 : index
    %get3A_693 = arith.constant 33 : index
    %get3A_694 = arith.constant 0 : index
    %get3A_695 = vector.load %arg1[%get3A_692, %get3A_693, %get3A_694] : memref<2x128x2048xf32, #tpu.memory_space<vmem>>, vector<1x1x2048xf32>
    %get3A_696 = vector.shape_cast %get3A_695 : vector<1x1x2048xf32> to vector<1x2048xf32>
    %broadcast_in_dim3A_697 = vector.shape_cast %get3A_696 : vector<1x2048xf32> to vector<1x2048xf32>
    %broadcast_in_dim3A_698 = vector.broadcast %broadcast_in_dim3A_697 : vector<1x2048xf32> to vector<8x2048xf32>
    %mul3A_699 = arith.mulf %get3A_691, %broadcast_in_dim3A_698 : vector<8x2048xf32>
    %add3A_700 = arith.addf %add3A_679, %mul3A_699 : vector<8x2048xf32>
    %get3A_701 = arith.constant 1 : index
    %get3A_702 = arith.constant 33 : index
    %get3A_703 = arith.constant 0 : index
    %get3A_704 = vector.load %arg1[%get3A_701, %get3A_702, %get3A_703] : memref<2x128x2048xf32, #tpu.memory_space<vmem>>, vector<1x1x2048xf32>
    %get3A_705 = vector.shape_cast %get3A_704 : vector<1x1x2048xf32> to vector<1x2048xf32>
    %broadcast_in_dim3A_706 = vector.shape_cast %get3A_705 : vector<1x2048xf32> to vector<1x2048xf32>
    %broadcast_in_dim3A_707 = vector.broadcast %broadcast_in_dim3A_706 : vector<1x2048xf32> to vector<8x2048xf32>
    %mul3A_708 = arith.mulf %get3A_691, %broadcast_in_dim3A_707 : vector<8x2048xf32>
    %add3A_709 = arith.addf %add3A_688, %mul3A_708 : vector<8x2048xf32>
    %get3A_710 = arith.constant 0 : index
    %get3A_711 = arith.constant 69632 : index
    %get3A_712 = vector.load %arg2[%get3A_710, %get3A_711] : memref<8x262144xf32, #tpu.memory_space<vmem>>, vector<8x2048xf32>
    %get3A_713 = arith.constant 0 : index
    %get3A_714 = arith.constant 34 : index
    %get3A_715 = arith.constant 0 : index
    %get3A_716 = vector.load %arg1[%get3A_713, %get3A_714, %get3A_715] : memref<2x128x2048xf32, #tpu.memory_space<vmem>>, vector<1x1x2048xf32>
    %get3A_717 = vector.shape_cast %get3A_716 : vector<1x1x2048xf32> to vector<1x2048xf32>
    %broadcast_in_dim3A_718 = vector.shape_cast %get3A_717 : vector<1x2048xf32> to vector<1x2048xf32>
    %broadcast_in_dim3A_719 = vector.broadcast %broadcast_in_dim3A_718 : vector<1x2048xf32> to vector<8x2048xf32>
    %mul3A_720 = arith.mulf %get3A_712, %broadcast_in_dim3A_719 : vector<8x2048xf32>
    %add3A_721 = arith.addf %add3A_700, %mul3A_720 : vector<8x2048xf32>
    %get3A_722 = arith.constant 1 : index
    %get3A_723 = arith.constant 34 : index
    %get3A_724 = arith.constant 0 : index
    %get3A_725 = vector.load %arg1[%get3A_722, %get3A_723, %get3A_724] : memref<2x128x2048xf32, #tpu.memory_space<vmem>>, vector<1x1x2048xf32>
    %get3A_726 = vector.shape_cast %get3A_725 : vector<1x1x2048xf32> to vector<1x2048xf32>
    %broadcast_in_dim3A_727 = vector.shape_cast %get3A_726 : vector<1x2048xf32> to vector<1x2048xf32>
    %broadcast_in_dim3A_728 = vector.broadcast %broadcast_in_dim3A_727 : vector<1x2048xf32> to vector<8x2048xf32>
    %mul3A_729 = arith.mulf %get3A_712, %broadcast_in_dim3A_728 : vector<8x2048xf32>
    %add3A_730 = arith.addf %add3A_709, %mul3A_729 : vector<8x2048xf32>
    %get3A_731 = arith.constant 0 : index
    %get3A_732 = arith.constant 71680 : index
    %get3A_733 = vector.load %arg2[%get3A_731, %get3A_732] : memref<8x262144xf32, #tpu.memory_space<vmem>>, vector<8x2048xf32>
    %get3A_734 = arith.constant 0 : index
    %get3A_735 = arith.constant 35 : index
    %get3A_736 = arith.constant 0 : index
    %get3A_737 = vector.load %arg1[%get3A_734, %get3A_735, %get3A_736] : memref<2x128x2048xf32, #tpu.memory_space<vmem>>, vector<1x1x2048xf32>
    %get3A_738 = vector.shape_cast %get3A_737 : vector<1x1x2048xf32> to vector<1x2048xf32>
    %broadcast_in_dim3A_739 = vector.shape_cast %get3A_738 : vector<1x2048xf32> to vector<1x2048xf32>
    %broadcast_in_dim3A_740 = vector.broadcast %broadcast_in_dim3A_739 : vector<1x2048xf32> to vector<8x2048xf32>
    %mul3A_741 = arith.mulf %get3A_733, %broadcast_in_dim3A_740 : vector<8x2048xf32>
    %add3A_742 = arith.addf %add3A_721, %mul3A_741 : vector<8x2048xf32>
    %get3A_743 = arith.constant 1 : index
    %get3A_744 = arith.constant 35 : index
    %get3A_745 = arith.constant 0 : index
    %get3A_746 = vector.load %arg1[%get3A_743, %get3A_744, %get3A_745] : memref<2x128x2048xf32, #tpu.memory_space<vmem>>, vector<1x1x2048xf32>
    %get3A_747 = vector.shape_cast %get3A_746 : vector<1x1x2048xf32> to vector<1x2048xf32>
    %broadcast_in_dim3A_748 = vector.shape_cast %get3A_747 : vector<1x2048xf32> to vector<1x2048xf32>
    %broadcast_in_dim3A_749 = vector.broadcast %broadcast_in_dim3A_748 : vector<1x2048xf32> to vector<8x2048xf32>
    %mul3A_750 = arith.mulf %get3A_733, %broadcast_in_dim3A_749 : vector<8x2048xf32>
    %add3A_751 = arith.addf %add3A_730, %mul3A_750 : vector<8x2048xf32>
    %get3A_752 = arith.constant 0 : index
    %get3A_753 = arith.constant 73728 : index
    %get3A_754 = vector.load %arg2[%get3A_752, %get3A_753] : memref<8x262144xf32, #tpu.memory_space<vmem>>, vector<8x2048xf32>
    %get3A_755 = arith.constant 0 : index
    %get3A_756 = arith.constant 36 : index
    %get3A_757 = arith.constant 0 : index
    %get3A_758 = vector.load %arg1[%get3A_755, %get3A_756, %get3A_757] : memref<2x128x2048xf32, #tpu.memory_space<vmem>>, vector<1x1x2048xf32>
    %get3A_759 = vector.shape_cast %get3A_758 : vector<1x1x2048xf32> to vector<1x2048xf32>
    %broadcast_in_dim3A_760 = vector.shape_cast %get3A_759 : vector<1x2048xf32> to vector<1x2048xf32>
    %broadcast_in_dim3A_761 = vector.broadcast %broadcast_in_dim3A_760 : vector<1x2048xf32> to vector<8x2048xf32>
    %mul3A_762 = arith.mulf %get3A_754, %broadcast_in_dim3A_761 : vector<8x2048xf32>
    %add3A_763 = arith.addf %add3A_742, %mul3A_762 : vector<8x2048xf32>
    %get3A_764 = arith.constant 1 : index
    %get3A_765 = arith.constant 36 : index
    %get3A_766 = arith.constant 0 : index
    %get3A_767 = vector.load %arg1[%get3A_764, %get3A_765, %get3A_766] : memref<2x128x2048xf32, #tpu.memory_space<vmem>>, vector<1x1x2048xf32>
    %get3A_768 = vector.shape_cast %get3A_767 : vector<1x1x2048xf32> to vector<1x2048xf32>
    %broadcast_in_dim3A_769 = vector.shape_cast %get3A_768 : vector<1x2048xf32> to vector<1x2048xf32>
    %broadcast_in_dim3A_770 = vector.broadcast %broadcast_in_dim3A_769 : vector<1x2048xf32> to vector<8x2048xf32>
    %mul3A_771 = arith.mulf %get3A_754, %broadcast_in_dim3A_770 : vector<8x2048xf32>
    %add3A_772 = arith.addf %add3A_751, %mul3A_771 : vector<8x2048xf32>
    %get3A_773 = arith.constant 0 : index
    %get3A_774 = arith.constant 75776 : index
    %get3A_775 = vector.load %arg2[%get3A_773, %get3A_774] : memref<8x262144xf32, #tpu.memory_space<vmem>>, vector<8x2048xf32>
    %get3A_776 = arith.constant 0 : index
    %get3A_777 = arith.constant 37 : index
    %get3A_778 = arith.constant 0 : index
    %get3A_779 = vector.load %arg1[%get3A_776, %get3A_777, %get3A_778] : memref<2x128x2048xf32, #tpu.memory_space<vmem>>, vector<1x1x2048xf32>
    %get3A_780 = vector.shape_cast %get3A_779 : vector<1x1x2048xf32> to vector<1x2048xf32>
    %broadcast_in_dim3A_781 = vector.shape_cast %get3A_780 : vector<1x2048xf32> to vector<1x2048xf32>
    %broadcast_in_dim3A_782 = vector.broadcast %broadcast_in_dim3A_781 : vector<1x2048xf32> to vector<8x2048xf32>
    %mul3A_783 = arith.mulf %get3A_775, %broadcast_in_dim3A_782 : vector<8x2048xf32>
    %add3A_784 = arith.addf %add3A_763, %mul3A_783 : vector<8x2048xf32>
    %get3A_785 = arith.constant 1 : index
    %get3A_786 = arith.constant 37 : index
    %get3A_787 = arith.constant 0 : index
    %get3A_788 = vector.load %arg1[%get3A_785, %get3A_786, %get3A_787] : memref<2x128x2048xf32, #tpu.memory_space<vmem>>, vector<1x1x2048xf32>
    %get3A_789 = vector.shape_cast %get3A_788 : vector<1x1x2048xf32> to vector<1x2048xf32>
    %broadcast_in_dim3A_790 = vector.shape_cast %get3A_789 : vector<1x2048xf32> to vector<1x2048xf32>
    %broadcast_in_dim3A_791 = vector.broadcast %broadcast_in_dim3A_790 : vector<1x2048xf32> to vector<8x2048xf32>
    %mul3A_792 = arith.mulf %get3A_775, %broadcast_in_dim3A_791 : vector<8x2048xf32>
    %add3A_793 = arith.addf %add3A_772, %mul3A_792 : vector<8x2048xf32>
    %get3A_794 = arith.constant 0 : index
    %get3A_795 = arith.constant 77824 : index
    %get3A_796 = vector.load %arg2[%get3A_794, %get3A_795] : memref<8x262144xf32, #tpu.memory_space<vmem>>, vector<8x2048xf32>
    %get3A_797 = arith.constant 0 : index
    %get3A_798 = arith.constant 38 : index
    %get3A_799 = arith.constant 0 : index
    %get3A_800 = vector.load %arg1[%get3A_797, %get3A_798, %get3A_799] : memref<2x128x2048xf32, #tpu.memory_space<vmem>>, vector<1x1x2048xf32>
    %get3A_801 = vector.shape_cast %get3A_800 : vector<1x1x2048xf32> to vector<1x2048xf32>
    %broadcast_in_dim3A_802 = vector.shape_cast %get3A_801 : vector<1x2048xf32> to vector<1x2048xf32>
    %broadcast_in_dim3A_803 = vector.broadcast %broadcast_in_dim3A_802 : vector<1x2048xf32> to vector<8x2048xf32>
    %mul3A_804 = arith.mulf %get3A_796, %broadcast_in_dim3A_803 : vector<8x2048xf32>
    %add3A_805 = arith.addf %add3A_784, %mul3A_804 : vector<8x2048xf32>
    %get3A_806 = arith.constant 1 : index
    %get3A_807 = arith.constant 38 : index
    %get3A_808 = arith.constant 0 : index
    %get3A_809 = vector.load %arg1[%get3A_806, %get3A_807, %get3A_808] : memref<2x128x2048xf32, #tpu.memory_space<vmem>>, vector<1x1x2048xf32>
    %get3A_810 = vector.shape_cast %get3A_809 : vector<1x1x2048xf32> to vector<1x2048xf32>
    %broadcast_in_dim3A_811 = vector.shape_cast %get3A_810 : vector<1x2048xf32> to vector<1x2048xf32>
    %broadcast_in_dim3A_812 = vector.broadcast %broadcast_in_dim3A_811 : vector<1x2048xf32> to vector<8x2048xf32>
    %mul3A_813 = arith.mulf %get3A_796, %broadcast_in_dim3A_812 : vector<8x2048xf32>
    %add3A_814 = arith.addf %add3A_793, %mul3A_813 : vector<8x2048xf32>
    %get3A_815 = arith.constant 0 : index
    %get3A_816 = arith.constant 79872 : index
    %get3A_817 = vector.load %arg2[%get3A_815, %get3A_816] : memref<8x262144xf32, #tpu.memory_space<vmem>>, vector<8x2048xf32>
    %get3A_818 = arith.constant 0 : index
    %get3A_819 = arith.constant 39 : index
    %get3A_820 = arith.constant 0 : index
    %get3A_821 = vector.load %arg1[%get3A_818, %get3A_819, %get3A_820] : memref<2x128x2048xf32, #tpu.memory_space<vmem>>, vector<1x1x2048xf32>
    %get3A_822 = vector.shape_cast %get3A_821 : vector<1x1x2048xf32> to vector<1x2048xf32>
    %broadcast_in_dim3A_823 = vector.shape_cast %get3A_822 : vector<1x2048xf32> to vector<1x2048xf32>
    %broadcast_in_dim3A_824 = vector.broadcast %broadcast_in_dim3A_823 : vector<1x2048xf32> to vector<8x2048xf32>
    %mul3A_825 = arith.mulf %get3A_817, %broadcast_in_dim3A_824 : vector<8x2048xf32>
    %add3A_826 = arith.addf %add3A_805, %mul3A_825 : vector<8x2048xf32>
    %get3A_827 = arith.constant 1 : index
    %get3A_828 = arith.constant 39 : index
    %get3A_829 = arith.constant 0 : index
    %get3A_830 = vector.load %arg1[%get3A_827, %get3A_828, %get3A_829] : memref<2x128x2048xf32, #tpu.memory_space<vmem>>, vector<1x1x2048xf32>
    %get3A_831 = vector.shape_cast %get3A_830 : vector<1x1x2048xf32> to vector<1x2048xf32>
    %broadcast_in_dim3A_832 = vector.shape_cast %get3A_831 : vector<1x2048xf32> to vector<1x2048xf32>
    %broadcast_in_dim3A_833 = vector.broadcast %broadcast_in_dim3A_832 : vector<1x2048xf32> to vector<8x2048xf32>
    %mul3A_834 = arith.mulf %get3A_817, %broadcast_in_dim3A_833 : vector<8x2048xf32>
    %add3A_835 = arith.addf %add3A_814, %mul3A_834 : vector<8x2048xf32>
    %get3A_836 = arith.constant 0 : index
    %get3A_837 = arith.constant 81920 : index
    %get3A_838 = vector.load %arg2[%get3A_836, %get3A_837] : memref<8x262144xf32, #tpu.memory_space<vmem>>, vector<8x2048xf32>
    %get3A_839 = arith.constant 0 : index
    %get3A_840 = arith.constant 40 : index
    %get3A_841 = arith.constant 0 : index
    %get3A_842 = vector.load %arg1[%get3A_839, %get3A_840, %get3A_841] : memref<2x128x2048xf32, #tpu.memory_space<vmem>>, vector<1x1x2048xf32>
    %get3A_843 = vector.shape_cast %get3A_842 : vector<1x1x2048xf32> to vector<1x2048xf32>
    %broadcast_in_dim3A_844 = vector.shape_cast %get3A_843 : vector<1x2048xf32> to vector<1x2048xf32>
    %broadcast_in_dim3A_845 = vector.broadcast %broadcast_in_dim3A_844 : vector<1x2048xf32> to vector<8x2048xf32>
    %mul3A_846 = arith.mulf %get3A_838, %broadcast_in_dim3A_845 : vector<8x2048xf32>
    %add3A_847 = arith.addf %add3A_826, %mul3A_846 : vector<8x2048xf32>
    %get3A_848 = arith.constant 1 : index
    %get3A_849 = arith.constant 40 : index
    %get3A_850 = arith.constant 0 : index
    %get3A_851 = vector.load %arg1[%get3A_848, %get3A_849, %get3A_850] : memref<2x128x2048xf32, #tpu.memory_space<vmem>>, vector<1x1x2048xf32>
    %get3A_852 = vector.shape_cast %get3A_851 : vector<1x1x2048xf32> to vector<1x2048xf32>
    %broadcast_in_dim3A_853 = vector.shape_cast %get3A_852 : vector<1x2048xf32> to vector<1x2048xf32>
    %broadcast_in_dim3A_854 = vector.broadcast %broadcast_in_dim3A_853 : vector<1x2048xf32> to vector<8x2048xf32>
    %mul3A_855 = arith.mulf %get3A_838, %broadcast_in_dim3A_854 : vector<8x2048xf32>
    %add3A_856 = arith.addf %add3A_835, %mul3A_855 : vector<8x2048xf32>
    %get3A_857 = arith.constant 0 : index
    %get3A_858 = arith.constant 83968 : index
    %get3A_859 = vector.load %arg2[%get3A_857, %get3A_858] : memref<8x262144xf32, #tpu.memory_space<vmem>>, vector<8x2048xf32>
    %get3A_860 = arith.constant 0 : index
    %get3A_861 = arith.constant 41 : index
    %get3A_862 = arith.constant 0 : index
    %get3A_863 = vector.load %arg1[%get3A_860, %get3A_861, %get3A_862] : memref<2x128x2048xf32, #tpu.memory_space<vmem>>, vector<1x1x2048xf32>
    %get3A_864 = vector.shape_cast %get3A_863 : vector<1x1x2048xf32> to vector<1x2048xf32>
    %broadcast_in_dim3A_865 = vector.shape_cast %get3A_864 : vector<1x2048xf32> to vector<1x2048xf32>
    %broadcast_in_dim3A_866 = vector.broadcast %broadcast_in_dim3A_865 : vector<1x2048xf32> to vector<8x2048xf32>
    %mul3A_867 = arith.mulf %get3A_859, %broadcast_in_dim3A_866 : vector<8x2048xf32>
    %add3A_868 = arith.addf %add3A_847, %mul3A_867 : vector<8x2048xf32>
    %get3A_869 = arith.constant 1 : index
    %get3A_870 = arith.constant 41 : index
    %get3A_871 = arith.constant 0 : index
    %get3A_872 = vector.load %arg1[%get3A_869, %get3A_870, %get3A_871] : memref<2x128x2048xf32, #tpu.memory_space<vmem>>, vector<1x1x2048xf32>
    %get3A_873 = vector.shape_cast %get3A_872 : vector<1x1x2048xf32> to vector<1x2048xf32>
    %broadcast_in_dim3A_874 = vector.shape_cast %get3A_873 : vector<1x2048xf32> to vector<1x2048xf32>
    %broadcast_in_dim3A_875 = vector.broadcast %broadcast_in_dim3A_874 : vector<1x2048xf32> to vector<8x2048xf32>
    %mul3A_876 = arith.mulf %get3A_859, %broadcast_in_dim3A_875 : vector<8x2048xf32>
    %add3A_877 = arith.addf %add3A_856, %mul3A_876 : vector<8x2048xf32>
    %get3A_878 = arith.constant 0 : index
    %get3A_879 = arith.constant 86016 : index
    %get3A_880 = vector.load %arg2[%get3A_878, %get3A_879] : memref<8x262144xf32, #tpu.memory_space<vmem>>, vector<8x2048xf32>
    %get3A_881 = arith.constant 0 : index
    %get3A_882 = arith.constant 42 : index
    %get3A_883 = arith.constant 0 : index
    %get3A_884 = vector.load %arg1[%get3A_881, %get3A_882, %get3A_883] : memref<2x128x2048xf32, #tpu.memory_space<vmem>>, vector<1x1x2048xf32>
    %get3A_885 = vector.shape_cast %get3A_884 : vector<1x1x2048xf32> to vector<1x2048xf32>
    %broadcast_in_dim3A_886 = vector.shape_cast %get3A_885 : vector<1x2048xf32> to vector<1x2048xf32>
    %broadcast_in_dim3A_887 = vector.broadcast %broadcast_in_dim3A_886 : vector<1x2048xf32> to vector<8x2048xf32>
    %mul3A_888 = arith.mulf %get3A_880, %broadcast_in_dim3A_887 : vector<8x2048xf32>
    %add3A_889 = arith.addf %add3A_868, %mul3A_888 : vector<8x2048xf32>
    %get3A_890 = arith.constant 1 : index
    %get3A_891 = arith.constant 42 : index
    %get3A_892 = arith.constant 0 : index
    %get3A_893 = vector.load %arg1[%get3A_890, %get3A_891, %get3A_892] : memref<2x128x2048xf32, #tpu.memory_space<vmem>>, vector<1x1x2048xf32>
    %get3A_894 = vector.shape_cast %get3A_893 : vector<1x1x2048xf32> to vector<1x2048xf32>
    %broadcast_in_dim3A_895 = vector.shape_cast %get3A_894 : vector<1x2048xf32> to vector<1x2048xf32>
    %broadcast_in_dim3A_896 = vector.broadcast %broadcast_in_dim3A_895 : vector<1x2048xf32> to vector<8x2048xf32>
    %mul3A_897 = arith.mulf %get3A_880, %broadcast_in_dim3A_896 : vector<8x2048xf32>
    %add3A_898 = arith.addf %add3A_877, %mul3A_897 : vector<8x2048xf32>
    %get3A_899 = arith.constant 0 : index
    %get3A_900 = arith.constant 88064 : index
    %get3A_901 = vector.load %arg2[%get3A_899, %get3A_900] : memref<8x262144xf32, #tpu.memory_space<vmem>>, vector<8x2048xf32>
    %get3A_902 = arith.constant 0 : index
    %get3A_903 = arith.constant 43 : index
    %get3A_904 = arith.constant 0 : index
    %get3A_905 = vector.load %arg1[%get3A_902, %get3A_903, %get3A_904] : memref<2x128x2048xf32, #tpu.memory_space<vmem>>, vector<1x1x2048xf32>
    %get3A_906 = vector.shape_cast %get3A_905 : vector<1x1x2048xf32> to vector<1x2048xf32>
    %broadcast_in_dim3A_907 = vector.shape_cast %get3A_906 : vector<1x2048xf32> to vector<1x2048xf32>
    %broadcast_in_dim3A_908 = vector.broadcast %broadcast_in_dim3A_907 : vector<1x2048xf32> to vector<8x2048xf32>
    %mul3A_909 = arith.mulf %get3A_901, %broadcast_in_dim3A_908 : vector<8x2048xf32>
    %add3A_910 = arith.addf %add3A_889, %mul3A_909 : vector<8x2048xf32>
    %get3A_911 = arith.constant 1 : index
    %get3A_912 = arith.constant 43 : index
    %get3A_913 = arith.constant 0 : index
    %get3A_914 = vector.load %arg1[%get3A_911, %get3A_912, %get3A_913] : memref<2x128x2048xf32, #tpu.memory_space<vmem>>, vector<1x1x2048xf32>
    %get3A_915 = vector.shape_cast %get3A_914 : vector<1x1x2048xf32> to vector<1x2048xf32>
    %broadcast_in_dim3A_916 = vector.shape_cast %get3A_915 : vector<1x2048xf32> to vector<1x2048xf32>
    %broadcast_in_dim3A_917 = vector.broadcast %broadcast_in_dim3A_916 : vector<1x2048xf32> to vector<8x2048xf32>
    %mul3A_918 = arith.mulf %get3A_901, %broadcast_in_dim3A_917 : vector<8x2048xf32>
    %add3A_919 = arith.addf %add3A_898, %mul3A_918 : vector<8x2048xf32>
    %get3A_920 = arith.constant 0 : index
    %get3A_921 = arith.constant 90112 : index
    %get3A_922 = vector.load %arg2[%get3A_920, %get3A_921] : memref<8x262144xf32, #tpu.memory_space<vmem>>, vector<8x2048xf32>
    %get3A_923 = arith.constant 0 : index
    %get3A_924 = arith.constant 44 : index
    %get3A_925 = arith.constant 0 : index
    %get3A_926 = vector.load %arg1[%get3A_923, %get3A_924, %get3A_925] : memref<2x128x2048xf32, #tpu.memory_space<vmem>>, vector<1x1x2048xf32>
    %get3A_927 = vector.shape_cast %get3A_926 : vector<1x1x2048xf32> to vector<1x2048xf32>
    %broadcast_in_dim3A_928 = vector.shape_cast %get3A_927 : vector<1x2048xf32> to vector<1x2048xf32>
    %broadcast_in_dim3A_929 = vector.broadcast %broadcast_in_dim3A_928 : vector<1x2048xf32> to vector<8x2048xf32>
    %mul3A_930 = arith.mulf %get3A_922, %broadcast_in_dim3A_929 : vector<8x2048xf32>
    %add3A_931 = arith.addf %add3A_910, %mul3A_930 : vector<8x2048xf32>
    %get3A_932 = arith.constant 1 : index
    %get3A_933 = arith.constant 44 : index
    %get3A_934 = arith.constant 0 : index
    %get3A_935 = vector.load %arg1[%get3A_932, %get3A_933, %get3A_934] : memref<2x128x2048xf32, #tpu.memory_space<vmem>>, vector<1x1x2048xf32>
    %get3A_936 = vector.shape_cast %get3A_935 : vector<1x1x2048xf32> to vector<1x2048xf32>
    %broadcast_in_dim3A_937 = vector.shape_cast %get3A_936 : vector<1x2048xf32> to vector<1x2048xf32>
    %broadcast_in_dim3A_938 = vector.broadcast %broadcast_in_dim3A_937 : vector<1x2048xf32> to vector<8x2048xf32>
    %mul3A_939 = arith.mulf %get3A_922, %broadcast_in_dim3A_938 : vector<8x2048xf32>
    %add3A_940 = arith.addf %add3A_919, %mul3A_939 : vector<8x2048xf32>
    %get3A_941 = arith.constant 0 : index
    %get3A_942 = arith.constant 92160 : index
    %get3A_943 = vector.load %arg2[%get3A_941, %get3A_942] : memref<8x262144xf32, #tpu.memory_space<vmem>>, vector<8x2048xf32>
    %get3A_944 = arith.constant 0 : index
    %get3A_945 = arith.constant 45 : index
    %get3A_946 = arith.constant 0 : index
    %get3A_947 = vector.load %arg1[%get3A_944, %get3A_945, %get3A_946] : memref<2x128x2048xf32, #tpu.memory_space<vmem>>, vector<1x1x2048xf32>
    %get3A_948 = vector.shape_cast %get3A_947 : vector<1x1x2048xf32> to vector<1x2048xf32>
    %broadcast_in_dim3A_949 = vector.shape_cast %get3A_948 : vector<1x2048xf32> to vector<1x2048xf32>
    %broadcast_in_dim3A_950 = vector.broadcast %broadcast_in_dim3A_949 : vector<1x2048xf32> to vector<8x2048xf32>
    %mul3A_951 = arith.mulf %get3A_943, %broadcast_in_dim3A_950 : vector<8x2048xf32>
    %add3A_952 = arith.addf %add3A_931, %mul3A_951 : vector<8x2048xf32>
    %get3A_953 = arith.constant 1 : index
    %get3A_954 = arith.constant 45 : index
    %get3A_955 = arith.constant 0 : index
    %get3A_956 = vector.load %arg1[%get3A_953, %get3A_954, %get3A_955] : memref<2x128x2048xf32, #tpu.memory_space<vmem>>, vector<1x1x2048xf32>
    %get3A_957 = vector.shape_cast %get3A_956 : vector<1x1x2048xf32> to vector<1x2048xf32>
    %broadcast_in_dim3A_958 = vector.shape_cast %get3A_957 : vector<1x2048xf32> to vector<1x2048xf32>
    %broadcast_in_dim3A_959 = vector.broadcast %broadcast_in_dim3A_958 : vector<1x2048xf32> to vector<8x2048xf32>
    %mul3A_960 = arith.mulf %get3A_943, %broadcast_in_dim3A_959 : vector<8x2048xf32>
    %add3A_961 = arith.addf %add3A_940, %mul3A_960 : vector<8x2048xf32>
    %get3A_962 = arith.constant 0 : index
    %get3A_963 = arith.constant 94208 : index
    %get3A_964 = vector.load %arg2[%get3A_962, %get3A_963] : memref<8x262144xf32, #tpu.memory_space<vmem>>, vector<8x2048xf32>
    %get3A_965 = arith.constant 0 : index
    %get3A_966 = arith.constant 46 : index
    %get3A_967 = arith.constant 0 : index
    %get3A_968 = vector.load %arg1[%get3A_965, %get3A_966, %get3A_967] : memref<2x128x2048xf32, #tpu.memory_space<vmem>>, vector<1x1x2048xf32>
    %get3A_969 = vector.shape_cast %get3A_968 : vector<1x1x2048xf32> to vector<1x2048xf32>
    %broadcast_in_dim3A_970 = vector.shape_cast %get3A_969 : vector<1x2048xf32> to vector<1x2048xf32>
    %broadcast_in_dim3A_971 = vector.broadcast %broadcast_in_dim3A_970 : vector<1x2048xf32> to vector<8x2048xf32>
    %mul3A_972 = arith.mulf %get3A_964, %broadcast_in_dim3A_971 : vector<8x2048xf32>
    %add3A_973 = arith.addf %add3A_952, %mul3A_972 : vector<8x2048xf32>
    %get3A_974 = arith.constant 1 : index
    %get3A_975 = arith.constant 46 : index
    %get3A_976 = arith.constant 0 : index
    %get3A_977 = vector.load %arg1[%get3A_974, %get3A_975, %get3A_976] : memref<2x128x2048xf32, #tpu.memory_space<vmem>>, vector<1x1x2048xf32>
    %get3A_978 = vector.shape_cast %get3A_977 : vector<1x1x2048xf32> to vector<1x2048xf32>
    %broadcast_in_dim3A_979 = vector.shape_cast %get3A_978 : vector<1x2048xf32> to vector<1x2048xf32>
    %broadcast_in_dim3A_980 = vector.broadcast %broadcast_in_dim3A_979 : vector<1x2048xf32> to vector<8x2048xf32>
    %mul3A_981 = arith.mulf %get3A_964, %broadcast_in_dim3A_980 : vector<8x2048xf32>
    %add3A_982 = arith.addf %add3A_961, %mul3A_981 : vector<8x2048xf32>
    %get3A_983 = arith.constant 0 : index
    %get3A_984 = arith.constant 96256 : index
    %get3A_985 = vector.load %arg2[%get3A_983, %get3A_984] : memref<8x262144xf32, #tpu.memory_space<vmem>>, vector<8x2048xf32>
    %get3A_986 = arith.constant 0 : index
    %get3A_987 = arith.constant 47 : index
    %get3A_988 = arith.constant 0 : index
    %get3A_989 = vector.load %arg1[%get3A_986, %get3A_987, %get3A_988] : memref<2x128x2048xf32, #tpu.memory_space<vmem>>, vector<1x1x2048xf32>
    %get3A_990 = vector.shape_cast %get3A_989 : vector<1x1x2048xf32> to vector<1x2048xf32>
    %broadcast_in_dim3A_991 = vector.shape_cast %get3A_990 : vector<1x2048xf32> to vector<1x2048xf32>
    %broadcast_in_dim3A_992 = vector.broadcast %broadcast_in_dim3A_991 : vector<1x2048xf32> to vector<8x2048xf32>
    %mul3A_993 = arith.mulf %get3A_985, %broadcast_in_dim3A_992 : vector<8x2048xf32>
    %add3A_994 = arith.addf %add3A_973, %mul3A_993 : vector<8x2048xf32>
    %get3A_995 = arith.constant 1 : index
    %get3A_996 = arith.constant 47 : index
    %get3A_997 = arith.constant 0 : index
    %get3A_998 = vector.load %arg1[%get3A_995, %get3A_996, %get3A_997] : memref<2x128x2048xf32, #tpu.memory_space<vmem>>, vector<1x1x2048xf32>
    %get3A_999 = vector.shape_cast %get3A_998 : vector<1x1x2048xf32> to vector<1x2048xf32>
    %broadcast_in_dim3A_1000 = vector.shape_cast %get3A_999 : vector<1x2048xf32> to vector<1x2048xf32>
    %broadcast_in_dim3A_1001 = vector.broadcast %broadcast_in_dim3A_1000 : vector<1x2048xf32> to vector<8x2048xf32>
    %mul3A_1002 = arith.mulf %get3A_985, %broadcast_in_dim3A_1001 : vector<8x2048xf32>
    %add3A_1003 = arith.addf %add3A_982, %mul3A_1002 : vector<8x2048xf32>
    %get3A_1004 = arith.constant 0 : index
    %get3A_1005 = arith.constant 98304 : index
    %get3A_1006 = vector.load %arg2[%get3A_1004, %get3A_1005] : memref<8x262144xf32, #tpu.memory_space<vmem>>, vector<8x2048xf32>
    %get3A_1007 = arith.constant 0 : index
    %get3A_1008 = arith.constant 48 : index
    %get3A_1009 = arith.constant 0 : index
    %get3A_1010 = vector.load %arg1[%get3A_1007, %get3A_1008, %get3A_1009] : memref<2x128x2048xf32, #tpu.memory_space<vmem>>, vector<1x1x2048xf32>
    %get3A_1011 = vector.shape_cast %get3A_1010 : vector<1x1x2048xf32> to vector<1x2048xf32>
    %broadcast_in_dim3A_1012 = vector.shape_cast %get3A_1011 : vector<1x2048xf32> to vector<1x2048xf32>
    %broadcast_in_dim3A_1013 = vector.broadcast %broadcast_in_dim3A_1012 : vector<1x2048xf32> to vector<8x2048xf32>
    %mul3A_1014 = arith.mulf %get3A_1006, %broadcast_in_dim3A_1013 : vector<8x2048xf32>
    %add3A_1015 = arith.addf %add3A_994, %mul3A_1014 : vector<8x2048xf32>
    %get3A_1016 = arith.constant 1 : index
    %get3A_1017 = arith.constant 48 : index
    %get3A_1018 = arith.constant 0 : index
    %get3A_1019 = vector.load %arg1[%get3A_1016, %get3A_1017, %get3A_1018] : memref<2x128x2048xf32, #tpu.memory_space<vmem>>, vector<1x1x2048xf32>
    %get3A_1020 = vector.shape_cast %get3A_1019 : vector<1x1x2048xf32> to vector<1x2048xf32>
    %broadcast_in_dim3A_1021 = vector.shape_cast %get3A_1020 : vector<1x2048xf32> to vector<1x2048xf32>
    %broadcast_in_dim3A_1022 = vector.broadcast %broadcast_in_dim3A_1021 : vector<1x2048xf32> to vector<8x2048xf32>
    %mul3A_1023 = arith.mulf %get3A_1006, %broadcast_in_dim3A_1022 : vector<8x2048xf32>
    %add3A_1024 = arith.addf %add3A_1003, %mul3A_1023 : vector<8x2048xf32>
    %get3A_1025 = arith.constant 0 : index
    %get3A_1026 = arith.constant 100352 : index
    %get3A_1027 = vector.load %arg2[%get3A_1025, %get3A_1026] : memref<8x262144xf32, #tpu.memory_space<vmem>>, vector<8x2048xf32>
    %get3A_1028 = arith.constant 0 : index
    %get3A_1029 = arith.constant 49 : index
    %get3A_1030 = arith.constant 0 : index
    %get3A_1031 = vector.load %arg1[%get3A_1028, %get3A_1029, %get3A_1030] : memref<2x128x2048xf32, #tpu.memory_space<vmem>>, vector<1x1x2048xf32>
    %get3A_1032 = vector.shape_cast %get3A_1031 : vector<1x1x2048xf32> to vector<1x2048xf32>
    %broadcast_in_dim3A_1033 = vector.shape_cast %get3A_1032 : vector<1x2048xf32> to vector<1x2048xf32>
    %broadcast_in_dim3A_1034 = vector.broadcast %broadcast_in_dim3A_1033 : vector<1x2048xf32> to vector<8x2048xf32>
    %mul3A_1035 = arith.mulf %get3A_1027, %broadcast_in_dim3A_1034 : vector<8x2048xf32>
    %add3A_1036 = arith.addf %add3A_1015, %mul3A_1035 : vector<8x2048xf32>
    %get3A_1037 = arith.constant 1 : index
    %get3A_1038 = arith.constant 49 : index
    %get3A_1039 = arith.constant 0 : index
    %get3A_1040 = vector.load %arg1[%get3A_1037, %get3A_1038, %get3A_1039] : memref<2x128x2048xf32, #tpu.memory_space<vmem>>, vector<1x1x2048xf32>
    %get3A_1041 = vector.shape_cast %get3A_1040 : vector<1x1x2048xf32> to vector<1x2048xf32>
    %broadcast_in_dim3A_1042 = vector.shape_cast %get3A_1041 : vector<1x2048xf32> to vector<1x2048xf32>
    %broadcast_in_dim3A_1043 = vector.broadcast %broadcast_in_dim3A_1042 : vector<1x2048xf32> to vector<8x2048xf32>
    %mul3A_1044 = arith.mulf %get3A_1027, %broadcast_in_dim3A_1043 : vector<8x2048xf32>
    %add3A_1045 = arith.addf %add3A_1024, %mul3A_1044 : vector<8x2048xf32>
    %get3A_1046 = arith.constant 0 : index
    %get3A_1047 = arith.constant 102400 : index
    %get3A_1048 = vector.load %arg2[%get3A_1046, %get3A_1047] : memref<8x262144xf32, #tpu.memory_space<vmem>>, vector<8x2048xf32>
    %get3A_1049 = arith.constant 0 : index
    %get3A_1050 = arith.constant 50 : index
    %get3A_1051 = arith.constant 0 : index
    %get3A_1052 = vector.load %arg1[%get3A_1049, %get3A_1050, %get3A_1051] : memref<2x128x2048xf32, #tpu.memory_space<vmem>>, vector<1x1x2048xf32>
    %get3A_1053 = vector.shape_cast %get3A_1052 : vector<1x1x2048xf32> to vector<1x2048xf32>
    %broadcast_in_dim3A_1054 = vector.shape_cast %get3A_1053 : vector<1x2048xf32> to vector<1x2048xf32>
    %broadcast_in_dim3A_1055 = vector.broadcast %broadcast_in_dim3A_1054 : vector<1x2048xf32> to vector<8x2048xf32>
    %mul3A_1056 = arith.mulf %get3A_1048, %broadcast_in_dim3A_1055 : vector<8x2048xf32>
    %add3A_1057 = arith.addf %add3A_1036, %mul3A_1056 : vector<8x2048xf32>
    %get3A_1058 = arith.constant 1 : index
    %get3A_1059 = arith.constant 50 : index
    %get3A_1060 = arith.constant 0 : index
    %get3A_1061 = vector.load %arg1[%get3A_1058, %get3A_1059, %get3A_1060] : memref<2x128x2048xf32, #tpu.memory_space<vmem>>, vector<1x1x2048xf32>
    %get3A_1062 = vector.shape_cast %get3A_1061 : vector<1x1x2048xf32> to vector<1x2048xf32>
    %broadcast_in_dim3A_1063 = vector.shape_cast %get3A_1062 : vector<1x2048xf32> to vector<1x2048xf32>
    %broadcast_in_dim3A_1064 = vector.broadcast %broadcast_in_dim3A_1063 : vector<1x2048xf32> to vector<8x2048xf32>
    %mul3A_1065 = arith.mulf %get3A_1048, %broadcast_in_dim3A_1064 : vector<8x2048xf32>
    %add3A_1066 = arith.addf %add3A_1045, %mul3A_1065 : vector<8x2048xf32>
    %get3A_1067 = arith.constant 0 : index
    %get3A_1068 = arith.constant 104448 : index
    %get3A_1069 = vector.load %arg2[%get3A_1067, %get3A_1068] : memref<8x262144xf32, #tpu.memory_space<vmem>>, vector<8x2048xf32>
    %get3A_1070 = arith.constant 0 : index
    %get3A_1071 = arith.constant 51 : index
    %get3A_1072 = arith.constant 0 : index
    %get3A_1073 = vector.load %arg1[%get3A_1070, %get3A_1071, %get3A_1072] : memref<2x128x2048xf32, #tpu.memory_space<vmem>>, vector<1x1x2048xf32>
    %get3A_1074 = vector.shape_cast %get3A_1073 : vector<1x1x2048xf32> to vector<1x2048xf32>
    %broadcast_in_dim3A_1075 = vector.shape_cast %get3A_1074 : vector<1x2048xf32> to vector<1x2048xf32>
    %broadcast_in_dim3A_1076 = vector.broadcast %broadcast_in_dim3A_1075 : vector<1x2048xf32> to vector<8x2048xf32>
    %mul3A_1077 = arith.mulf %get3A_1069, %broadcast_in_dim3A_1076 : vector<8x2048xf32>
    %add3A_1078 = arith.addf %add3A_1057, %mul3A_1077 : vector<8x2048xf32>
    %get3A_1079 = arith.constant 1 : index
    %get3A_1080 = arith.constant 51 : index
    %get3A_1081 = arith.constant 0 : index
    %get3A_1082 = vector.load %arg1[%get3A_1079, %get3A_1080, %get3A_1081] : memref<2x128x2048xf32, #tpu.memory_space<vmem>>, vector<1x1x2048xf32>
    %get3A_1083 = vector.shape_cast %get3A_1082 : vector<1x1x2048xf32> to vector<1x2048xf32>
    %broadcast_in_dim3A_1084 = vector.shape_cast %get3A_1083 : vector<1x2048xf32> to vector<1x2048xf32>
    %broadcast_in_dim3A_1085 = vector.broadcast %broadcast_in_dim3A_1084 : vector<1x2048xf32> to vector<8x2048xf32>
    %mul3A_1086 = arith.mulf %get3A_1069, %broadcast_in_dim3A_1085 : vector<8x2048xf32>
    %add3A_1087 = arith.addf %add3A_1066, %mul3A_1086 : vector<8x2048xf32>
    %get3A_1088 = arith.constant 0 : index
    %get3A_1089 = arith.constant 106496 : index
    %get3A_1090 = vector.load %arg2[%get3A_1088, %get3A_1089] : memref<8x262144xf32, #tpu.memory_space<vmem>>, vector<8x2048xf32>
    %get3A_1091 = arith.constant 0 : index
    %get3A_1092 = arith.constant 52 : index
    %get3A_1093 = arith.constant 0 : index
    %get3A_1094 = vector.load %arg1[%get3A_1091, %get3A_1092, %get3A_1093] : memref<2x128x2048xf32, #tpu.memory_space<vmem>>, vector<1x1x2048xf32>
    %get3A_1095 = vector.shape_cast %get3A_1094 : vector<1x1x2048xf32> to vector<1x2048xf32>
    %broadcast_in_dim3A_1096 = vector.shape_cast %get3A_1095 : vector<1x2048xf32> to vector<1x2048xf32>
    %broadcast_in_dim3A_1097 = vector.broadcast %broadcast_in_dim3A_1096 : vector<1x2048xf32> to vector<8x2048xf32>
    %mul3A_1098 = arith.mulf %get3A_1090, %broadcast_in_dim3A_1097 : vector<8x2048xf32>
    %add3A_1099 = arith.addf %add3A_1078, %mul3A_1098 : vector<8x2048xf32>
    %get3A_1100 = arith.constant 1 : index
    %get3A_1101 = arith.constant 52 : index
    %get3A_1102 = arith.constant 0 : index
    %get3A_1103 = vector.load %arg1[%get3A_1100, %get3A_1101, %get3A_1102] : memref<2x128x2048xf32, #tpu.memory_space<vmem>>, vector<1x1x2048xf32>
    %get3A_1104 = vector.shape_cast %get3A_1103 : vector<1x1x2048xf32> to vector<1x2048xf32>
    %broadcast_in_dim3A_1105 = vector.shape_cast %get3A_1104 : vector<1x2048xf32> to vector<1x2048xf32>
    %broadcast_in_dim3A_1106 = vector.broadcast %broadcast_in_dim3A_1105 : vector<1x2048xf32> to vector<8x2048xf32>
    %mul3A_1107 = arith.mulf %get3A_1090, %broadcast_in_dim3A_1106 : vector<8x2048xf32>
    %add3A_1108 = arith.addf %add3A_1087, %mul3A_1107 : vector<8x2048xf32>
    %get3A_1109 = arith.constant 0 : index
    %get3A_1110 = arith.constant 108544 : index
    %get3A_1111 = vector.load %arg2[%get3A_1109, %get3A_1110] : memref<8x262144xf32, #tpu.memory_space<vmem>>, vector<8x2048xf32>
    %get3A_1112 = arith.constant 0 : index
    %get3A_1113 = arith.constant 53 : index
    %get3A_1114 = arith.constant 0 : index
    %get3A_1115 = vector.load %arg1[%get3A_1112, %get3A_1113, %get3A_1114] : memref<2x128x2048xf32, #tpu.memory_space<vmem>>, vector<1x1x2048xf32>
    %get3A_1116 = vector.shape_cast %get3A_1115 : vector<1x1x2048xf32> to vector<1x2048xf32>
    %broadcast_in_dim3A_1117 = vector.shape_cast %get3A_1116 : vector<1x2048xf32> to vector<1x2048xf32>
    %broadcast_in_dim3A_1118 = vector.broadcast %broadcast_in_dim3A_1117 : vector<1x2048xf32> to vector<8x2048xf32>
    %mul3A_1119 = arith.mulf %get3A_1111, %broadcast_in_dim3A_1118 : vector<8x2048xf32>
    %add3A_1120 = arith.addf %add3A_1099, %mul3A_1119 : vector<8x2048xf32>
    %get3A_1121 = arith.constant 1 : index
    %get3A_1122 = arith.constant 53 : index
    %get3A_1123 = arith.constant 0 : index
    %get3A_1124 = vector.load %arg1[%get3A_1121, %get3A_1122, %get3A_1123] : memref<2x128x2048xf32, #tpu.memory_space<vmem>>, vector<1x1x2048xf32>
    %get3A_1125 = vector.shape_cast %get3A_1124 : vector<1x1x2048xf32> to vector<1x2048xf32>
    %broadcast_in_dim3A_1126 = vector.shape_cast %get3A_1125 : vector<1x2048xf32> to vector<1x2048xf32>
    %broadcast_in_dim3A_1127 = vector.broadcast %broadcast_in_dim3A_1126 : vector<1x2048xf32> to vector<8x2048xf32>
    %mul3A_1128 = arith.mulf %get3A_1111, %broadcast_in_dim3A_1127 : vector<8x2048xf32>
    %add3A_1129 = arith.addf %add3A_1108, %mul3A_1128 : vector<8x2048xf32>
    %get3A_1130 = arith.constant 0 : index
    %get3A_1131 = arith.constant 110592 : index
    %get3A_1132 = vector.load %arg2[%get3A_1130, %get3A_1131] : memref<8x262144xf32, #tpu.memory_space<vmem>>, vector<8x2048xf32>
    %get3A_1133 = arith.constant 0 : index
    %get3A_1134 = arith.constant 54 : index
    %get3A_1135 = arith.constant 0 : index
    %get3A_1136 = vector.load %arg1[%get3A_1133, %get3A_1134, %get3A_1135] : memref<2x128x2048xf32, #tpu.memory_space<vmem>>, vector<1x1x2048xf32>
    %get3A_1137 = vector.shape_cast %get3A_1136 : vector<1x1x2048xf32> to vector<1x2048xf32>
    %broadcast_in_dim3A_1138 = vector.shape_cast %get3A_1137 : vector<1x2048xf32> to vector<1x2048xf32>
    %broadcast_in_dim3A_1139 = vector.broadcast %broadcast_in_dim3A_1138 : vector<1x2048xf32> to vector<8x2048xf32>
    %mul3A_1140 = arith.mulf %get3A_1132, %broadcast_in_dim3A_1139 : vector<8x2048xf32>
    %add3A_1141 = arith.addf %add3A_1120, %mul3A_1140 : vector<8x2048xf32>
    %get3A_1142 = arith.constant 1 : index
    %get3A_1143 = arith.constant 54 : index
    %get3A_1144 = arith.constant 0 : index
    %get3A_1145 = vector.load %arg1[%get3A_1142, %get3A_1143, %get3A_1144] : memref<2x128x2048xf32, #tpu.memory_space<vmem>>, vector<1x1x2048xf32>
    %get3A_1146 = vector.shape_cast %get3A_1145 : vector<1x1x2048xf32> to vector<1x2048xf32>
    %broadcast_in_dim3A_1147 = vector.shape_cast %get3A_1146 : vector<1x2048xf32> to vector<1x2048xf32>
    %broadcast_in_dim3A_1148 = vector.broadcast %broadcast_in_dim3A_1147 : vector<1x2048xf32> to vector<8x2048xf32>
    %mul3A_1149 = arith.mulf %get3A_1132, %broadcast_in_dim3A_1148 : vector<8x2048xf32>
    %add3A_1150 = arith.addf %add3A_1129, %mul3A_1149 : vector<8x2048xf32>
    %get3A_1151 = arith.constant 0 : index
    %get3A_1152 = arith.constant 112640 : index
    %get3A_1153 = vector.load %arg2[%get3A_1151, %get3A_1152] : memref<8x262144xf32, #tpu.memory_space<vmem>>, vector<8x2048xf32>
    %get3A_1154 = arith.constant 0 : index
    %get3A_1155 = arith.constant 55 : index
    %get3A_1156 = arith.constant 0 : index
    %get3A_1157 = vector.load %arg1[%get3A_1154, %get3A_1155, %get3A_1156] : memref<2x128x2048xf32, #tpu.memory_space<vmem>>, vector<1x1x2048xf32>
    %get3A_1158 = vector.shape_cast %get3A_1157 : vector<1x1x2048xf32> to vector<1x2048xf32>
    %broadcast_in_dim3A_1159 = vector.shape_cast %get3A_1158 : vector<1x2048xf32> to vector<1x2048xf32>
    %broadcast_in_dim3A_1160 = vector.broadcast %broadcast_in_dim3A_1159 : vector<1x2048xf32> to vector<8x2048xf32>
    %mul3A_1161 = arith.mulf %get3A_1153, %broadcast_in_dim3A_1160 : vector<8x2048xf32>
    %add3A_1162 = arith.addf %add3A_1141, %mul3A_1161 : vector<8x2048xf32>
    %get3A_1163 = arith.constant 1 : index
    %get3A_1164 = arith.constant 55 : index
    %get3A_1165 = arith.constant 0 : index
    %get3A_1166 = vector.load %arg1[%get3A_1163, %get3A_1164, %get3A_1165] : memref<2x128x2048xf32, #tpu.memory_space<vmem>>, vector<1x1x2048xf32>
    %get3A_1167 = vector.shape_cast %get3A_1166 : vector<1x1x2048xf32> to vector<1x2048xf32>
    %broadcast_in_dim3A_1168 = vector.shape_cast %get3A_1167 : vector<1x2048xf32> to vector<1x2048xf32>
    %broadcast_in_dim3A_1169 = vector.broadcast %broadcast_in_dim3A_1168 : vector<1x2048xf32> to vector<8x2048xf32>
    %mul3A_1170 = arith.mulf %get3A_1153, %broadcast_in_dim3A_1169 : vector<8x2048xf32>
    %add3A_1171 = arith.addf %add3A_1150, %mul3A_1170 : vector<8x2048xf32>
    %get3A_1172 = arith.constant 0 : index
    %get3A_1173 = arith.constant 114688 : index
    %get3A_1174 = vector.load %arg2[%get3A_1172, %get3A_1173] : memref<8x262144xf32, #tpu.memory_space<vmem>>, vector<8x2048xf32>
    %get3A_1175 = arith.constant 0 : index
    %get3A_1176 = arith.constant 56 : index
    %get3A_1177 = arith.constant 0 : index
    %get3A_1178 = vector.load %arg1[%get3A_1175, %get3A_1176, %get3A_1177] : memref<2x128x2048xf32, #tpu.memory_space<vmem>>, vector<1x1x2048xf32>
    %get3A_1179 = vector.shape_cast %get3A_1178 : vector<1x1x2048xf32> to vector<1x2048xf32>
    %broadcast_in_dim3A_1180 = vector.shape_cast %get3A_1179 : vector<1x2048xf32> to vector<1x2048xf32>
    %broadcast_in_dim3A_1181 = vector.broadcast %broadcast_in_dim3A_1180 : vector<1x2048xf32> to vector<8x2048xf32>
    %mul3A_1182 = arith.mulf %get3A_1174, %broadcast_in_dim3A_1181 : vector<8x2048xf32>
    %add3A_1183 = arith.addf %add3A_1162, %mul3A_1182 : vector<8x2048xf32>
    %get3A_1184 = arith.constant 1 : index
    %get3A_1185 = arith.constant 56 : index
    %get3A_1186 = arith.constant 0 : index
    %get3A_1187 = vector.load %arg1[%get3A_1184, %get3A_1185, %get3A_1186] : memref<2x128x2048xf32, #tpu.memory_space<vmem>>, vector<1x1x2048xf32>
    %get3A_1188 = vector.shape_cast %get3A_1187 : vector<1x1x2048xf32> to vector<1x2048xf32>
    %broadcast_in_dim3A_1189 = vector.shape_cast %get3A_1188 : vector<1x2048xf32> to vector<1x2048xf32>
    %broadcast_in_dim3A_1190 = vector.broadcast %broadcast_in_dim3A_1189 : vector<1x2048xf32> to vector<8x2048xf32>
    %mul3A_1191 = arith.mulf %get3A_1174, %broadcast_in_dim3A_1190 : vector<8x2048xf32>
    %add3A_1192 = arith.addf %add3A_1171, %mul3A_1191 : vector<8x2048xf32>
    %get3A_1193 = arith.constant 0 : index
    %get3A_1194 = arith.constant 116736 : index
    %get3A_1195 = vector.load %arg2[%get3A_1193, %get3A_1194] : memref<8x262144xf32, #tpu.memory_space<vmem>>, vector<8x2048xf32>
    %get3A_1196 = arith.constant 0 : index
    %get3A_1197 = arith.constant 57 : index
    %get3A_1198 = arith.constant 0 : index
    %get3A_1199 = vector.load %arg1[%get3A_1196, %get3A_1197, %get3A_1198] : memref<2x128x2048xf32, #tpu.memory_space<vmem>>, vector<1x1x2048xf32>
    %get3A_1200 = vector.shape_cast %get3A_1199 : vector<1x1x2048xf32> to vector<1x2048xf32>
    %broadcast_in_dim3A_1201 = vector.shape_cast %get3A_1200 : vector<1x2048xf32> to vector<1x2048xf32>
    %broadcast_in_dim3A_1202 = vector.broadcast %broadcast_in_dim3A_1201 : vector<1x2048xf32> to vector<8x2048xf32>
    %mul3A_1203 = arith.mulf %get3A_1195, %broadcast_in_dim3A_1202 : vector<8x2048xf32>
    %add3A_1204 = arith.addf %add3A_1183, %mul3A_1203 : vector<8x2048xf32>
    %get3A_1205 = arith.constant 1 : index
    %get3A_1206 = arith.constant 57 : index
    %get3A_1207 = arith.constant 0 : index
    %get3A_1208 = vector.load %arg1[%get3A_1205, %get3A_1206, %get3A_1207] : memref<2x128x2048xf32, #tpu.memory_space<vmem>>, vector<1x1x2048xf32>
    %get3A_1209 = vector.shape_cast %get3A_1208 : vector<1x1x2048xf32> to vector<1x2048xf32>
    %broadcast_in_dim3A_1210 = vector.shape_cast %get3A_1209 : vector<1x2048xf32> to vector<1x2048xf32>
    %broadcast_in_dim3A_1211 = vector.broadcast %broadcast_in_dim3A_1210 : vector<1x2048xf32> to vector<8x2048xf32>
    %mul3A_1212 = arith.mulf %get3A_1195, %broadcast_in_dim3A_1211 : vector<8x2048xf32>
    %add3A_1213 = arith.addf %add3A_1192, %mul3A_1212 : vector<8x2048xf32>
    %get3A_1214 = arith.constant 0 : index
    %get3A_1215 = arith.constant 118784 : index
    %get3A_1216 = vector.load %arg2[%get3A_1214, %get3A_1215] : memref<8x262144xf32, #tpu.memory_space<vmem>>, vector<8x2048xf32>
    %get3A_1217 = arith.constant 0 : index
    %get3A_1218 = arith.constant 58 : index
    %get3A_1219 = arith.constant 0 : index
    %get3A_1220 = vector.load %arg1[%get3A_1217, %get3A_1218, %get3A_1219] : memref<2x128x2048xf32, #tpu.memory_space<vmem>>, vector<1x1x2048xf32>
    %get3A_1221 = vector.shape_cast %get3A_1220 : vector<1x1x2048xf32> to vector<1x2048xf32>
    %broadcast_in_dim3A_1222 = vector.shape_cast %get3A_1221 : vector<1x2048xf32> to vector<1x2048xf32>
    %broadcast_in_dim3A_1223 = vector.broadcast %broadcast_in_dim3A_1222 : vector<1x2048xf32> to vector<8x2048xf32>
    %mul3A_1224 = arith.mulf %get3A_1216, %broadcast_in_dim3A_1223 : vector<8x2048xf32>
    %add3A_1225 = arith.addf %add3A_1204, %mul3A_1224 : vector<8x2048xf32>
    %get3A_1226 = arith.constant 1 : index
    %get3A_1227 = arith.constant 58 : index
    %get3A_1228 = arith.constant 0 : index
    %get3A_1229 = vector.load %arg1[%get3A_1226, %get3A_1227, %get3A_1228] : memref<2x128x2048xf32, #tpu.memory_space<vmem>>, vector<1x1x2048xf32>
    %get3A_1230 = vector.shape_cast %get3A_1229 : vector<1x1x2048xf32> to vector<1x2048xf32>
    %broadcast_in_dim3A_1231 = vector.shape_cast %get3A_1230 : vector<1x2048xf32> to vector<1x2048xf32>
    %broadcast_in_dim3A_1232 = vector.broadcast %broadcast_in_dim3A_1231 : vector<1x2048xf32> to vector<8x2048xf32>
    %mul3A_1233 = arith.mulf %get3A_1216, %broadcast_in_dim3A_1232 : vector<8x2048xf32>
    %add3A_1234 = arith.addf %add3A_1213, %mul3A_1233 : vector<8x2048xf32>
    %get3A_1235 = arith.constant 0 : index
    %get3A_1236 = arith.constant 120832 : index
    %get3A_1237 = vector.load %arg2[%get3A_1235, %get3A_1236] : memref<8x262144xf32, #tpu.memory_space<vmem>>, vector<8x2048xf32>
    %get3A_1238 = arith.constant 0 : index
    %get3A_1239 = arith.constant 59 : index
    %get3A_1240 = arith.constant 0 : index
    %get3A_1241 = vector.load %arg1[%get3A_1238, %get3A_1239, %get3A_1240] : memref<2x128x2048xf32, #tpu.memory_space<vmem>>, vector<1x1x2048xf32>
    %get3A_1242 = vector.shape_cast %get3A_1241 : vector<1x1x2048xf32> to vector<1x2048xf32>
    %broadcast_in_dim3A_1243 = vector.shape_cast %get3A_1242 : vector<1x2048xf32> to vector<1x2048xf32>
    %broadcast_in_dim3A_1244 = vector.broadcast %broadcast_in_dim3A_1243 : vector<1x2048xf32> to vector<8x2048xf32>
    %mul3A_1245 = arith.mulf %get3A_1237, %broadcast_in_dim3A_1244 : vector<8x2048xf32>
    %add3A_1246 = arith.addf %add3A_1225, %mul3A_1245 : vector<8x2048xf32>
    %get3A_1247 = arith.constant 1 : index
    %get3A_1248 = arith.constant 59 : index
    %get3A_1249 = arith.constant 0 : index
    %get3A_1250 = vector.load %arg1[%get3A_1247, %get3A_1248, %get3A_1249] : memref<2x128x2048xf32, #tpu.memory_space<vmem>>, vector<1x1x2048xf32>
    %get3A_1251 = vector.shape_cast %get3A_1250 : vector<1x1x2048xf32> to vector<1x2048xf32>
    %broadcast_in_dim3A_1252 = vector.shape_cast %get3A_1251 : vector<1x2048xf32> to vector<1x2048xf32>
    %broadcast_in_dim3A_1253 = vector.broadcast %broadcast_in_dim3A_1252 : vector<1x2048xf32> to vector<8x2048xf32>
    %mul3A_1254 = arith.mulf %get3A_1237, %broadcast_in_dim3A_1253 : vector<8x2048xf32>
    %add3A_1255 = arith.addf %add3A_1234, %mul3A_1254 : vector<8x2048xf32>
    %get3A_1256 = arith.constant 0 : index
    %get3A_1257 = arith.constant 122880 : index
    %get3A_1258 = vector.load %arg2[%get3A_1256, %get3A_1257] : memref<8x262144xf32, #tpu.memory_space<vmem>>, vector<8x2048xf32>
    %get3A_1259 = arith.constant 0 : index
    %get3A_1260 = arith.constant 60 : index
    %get3A_1261 = arith.constant 0 : index
    %get3A_1262 = vector.load %arg1[%get3A_1259, %get3A_1260, %get3A_1261] : memref<2x128x2048xf32, #tpu.memory_space<vmem>>, vector<1x1x2048xf32>
    %get3A_1263 = vector.shape_cast %get3A_1262 : vector<1x1x2048xf32> to vector<1x2048xf32>
    %broadcast_in_dim3A_1264 = vector.shape_cast %get3A_1263 : vector<1x2048xf32> to vector<1x2048xf32>
    %broadcast_in_dim3A_1265 = vector.broadcast %broadcast_in_dim3A_1264 : vector<1x2048xf32> to vector<8x2048xf32>
    %mul3A_1266 = arith.mulf %get3A_1258, %broadcast_in_dim3A_1265 : vector<8x2048xf32>
    %add3A_1267 = arith.addf %add3A_1246, %mul3A_1266 : vector<8x2048xf32>
    %get3A_1268 = arith.constant 1 : index
    %get3A_1269 = arith.constant 60 : index
    %get3A_1270 = arith.constant 0 : index
    %get3A_1271 = vector.load %arg1[%get3A_1268, %get3A_1269, %get3A_1270] : memref<2x128x2048xf32, #tpu.memory_space<vmem>>, vector<1x1x2048xf32>
    %get3A_1272 = vector.shape_cast %get3A_1271 : vector<1x1x2048xf32> to vector<1x2048xf32>
    %broadcast_in_dim3A_1273 = vector.shape_cast %get3A_1272 : vector<1x2048xf32> to vector<1x2048xf32>
    %broadcast_in_dim3A_1274 = vector.broadcast %broadcast_in_dim3A_1273 : vector<1x2048xf32> to vector<8x2048xf32>
    %mul3A_1275 = arith.mulf %get3A_1258, %broadcast_in_dim3A_1274 : vector<8x2048xf32>
    %add3A_1276 = arith.addf %add3A_1255, %mul3A_1275 : vector<8x2048xf32>
    %get3A_1277 = arith.constant 0 : index
    %get3A_1278 = arith.constant 124928 : index
    %get3A_1279 = vector.load %arg2[%get3A_1277, %get3A_1278] : memref<8x262144xf32, #tpu.memory_space<vmem>>, vector<8x2048xf32>
    %get3A_1280 = arith.constant 0 : index
    %get3A_1281 = arith.constant 61 : index
    %get3A_1282 = arith.constant 0 : index
    %get3A_1283 = vector.load %arg1[%get3A_1280, %get3A_1281, %get3A_1282] : memref<2x128x2048xf32, #tpu.memory_space<vmem>>, vector<1x1x2048xf32>
    %get3A_1284 = vector.shape_cast %get3A_1283 : vector<1x1x2048xf32> to vector<1x2048xf32>
    %broadcast_in_dim3A_1285 = vector.shape_cast %get3A_1284 : vector<1x2048xf32> to vector<1x2048xf32>
    %broadcast_in_dim3A_1286 = vector.broadcast %broadcast_in_dim3A_1285 : vector<1x2048xf32> to vector<8x2048xf32>
    %mul3A_1287 = arith.mulf %get3A_1279, %broadcast_in_dim3A_1286 : vector<8x2048xf32>
    %add3A_1288 = arith.addf %add3A_1267, %mul3A_1287 : vector<8x2048xf32>
    %get3A_1289 = arith.constant 1 : index
    %get3A_1290 = arith.constant 61 : index
    %get3A_1291 = arith.constant 0 : index
    %get3A_1292 = vector.load %arg1[%get3A_1289, %get3A_1290, %get3A_1291] : memref<2x128x2048xf32, #tpu.memory_space<vmem>>, vector<1x1x2048xf32>
    %get3A_1293 = vector.shape_cast %get3A_1292 : vector<1x1x2048xf32> to vector<1x2048xf32>
    %broadcast_in_dim3A_1294 = vector.shape_cast %get3A_1293 : vector<1x2048xf32> to vector<1x2048xf32>
    %broadcast_in_dim3A_1295 = vector.broadcast %broadcast_in_dim3A_1294 : vector<1x2048xf32> to vector<8x2048xf32>
    %mul3A_1296 = arith.mulf %get3A_1279, %broadcast_in_dim3A_1295 : vector<8x2048xf32>
    %add3A_1297 = arith.addf %add3A_1276, %mul3A_1296 : vector<8x2048xf32>
    %get3A_1298 = arith.constant 0 : index
    %get3A_1299 = arith.constant 126976 : index
    %get3A_1300 = vector.load %arg2[%get3A_1298, %get3A_1299] : memref<8x262144xf32, #tpu.memory_space<vmem>>, vector<8x2048xf32>
    %get3A_1301 = arith.constant 0 : index
    %get3A_1302 = arith.constant 62 : index
    %get3A_1303 = arith.constant 0 : index
    %get3A_1304 = vector.load %arg1[%get3A_1301, %get3A_1302, %get3A_1303] : memref<2x128x2048xf32, #tpu.memory_space<vmem>>, vector<1x1x2048xf32>
    %get3A_1305 = vector.shape_cast %get3A_1304 : vector<1x1x2048xf32> to vector<1x2048xf32>
    %broadcast_in_dim3A_1306 = vector.shape_cast %get3A_1305 : vector<1x2048xf32> to vector<1x2048xf32>
    %broadcast_in_dim3A_1307 = vector.broadcast %broadcast_in_dim3A_1306 : vector<1x2048xf32> to vector<8x2048xf32>
    %mul3A_1308 = arith.mulf %get3A_1300, %broadcast_in_dim3A_1307 : vector<8x2048xf32>
    %add3A_1309 = arith.addf %add3A_1288, %mul3A_1308 : vector<8x2048xf32>
    %get3A_1310 = arith.constant 1 : index
    %get3A_1311 = arith.constant 62 : index
    %get3A_1312 = arith.constant 0 : index
    %get3A_1313 = vector.load %arg1[%get3A_1310, %get3A_1311, %get3A_1312] : memref<2x128x2048xf32, #tpu.memory_space<vmem>>, vector<1x1x2048xf32>
    %get3A_1314 = vector.shape_cast %get3A_1313 : vector<1x1x2048xf32> to vector<1x2048xf32>
    %broadcast_in_dim3A_1315 = vector.shape_cast %get3A_1314 : vector<1x2048xf32> to vector<1x2048xf32>
    %broadcast_in_dim3A_1316 = vector.broadcast %broadcast_in_dim3A_1315 : vector<1x2048xf32> to vector<8x2048xf32>
    %mul3A_1317 = arith.mulf %get3A_1300, %broadcast_in_dim3A_1316 : vector<8x2048xf32>
    %add3A_1318 = arith.addf %add3A_1297, %mul3A_1317 : vector<8x2048xf32>
    %get3A_1319 = arith.constant 0 : index
    %get3A_1320 = arith.constant 129024 : index
    %get3A_1321 = vector.load %arg2[%get3A_1319, %get3A_1320] : memref<8x262144xf32, #tpu.memory_space<vmem>>, vector<8x2048xf32>
    %get3A_1322 = arith.constant 0 : index
    %get3A_1323 = arith.constant 63 : index
    %get3A_1324 = arith.constant 0 : index
    %get3A_1325 = vector.load %arg1[%get3A_1322, %get3A_1323, %get3A_1324] : memref<2x128x2048xf32, #tpu.memory_space<vmem>>, vector<1x1x2048xf32>
    %get3A_1326 = vector.shape_cast %get3A_1325 : vector<1x1x2048xf32> to vector<1x2048xf32>
    %broadcast_in_dim3A_1327 = vector.shape_cast %get3A_1326 : vector<1x2048xf32> to vector<1x2048xf32>
    %broadcast_in_dim3A_1328 = vector.broadcast %broadcast_in_dim3A_1327 : vector<1x2048xf32> to vector<8x2048xf32>
    %mul3A_1329 = arith.mulf %get3A_1321, %broadcast_in_dim3A_1328 : vector<8x2048xf32>
    %add3A_1330 = arith.addf %add3A_1309, %mul3A_1329 : vector<8x2048xf32>
    %get3A_1331 = arith.constant 1 : index
    %get3A_1332 = arith.constant 63 : index
    %get3A_1333 = arith.constant 0 : index
    %get3A_1334 = vector.load %arg1[%get3A_1331, %get3A_1332, %get3A_1333] : memref<2x128x2048xf32, #tpu.memory_space<vmem>>, vector<1x1x2048xf32>
    %get3A_1335 = vector.shape_cast %get3A_1334 : vector<1x1x2048xf32> to vector<1x2048xf32>
    %broadcast_in_dim3A_1336 = vector.shape_cast %get3A_1335 : vector<1x2048xf32> to vector<1x2048xf32>
    %broadcast_in_dim3A_1337 = vector.broadcast %broadcast_in_dim3A_1336 : vector<1x2048xf32> to vector<8x2048xf32>
    %mul3A_1338 = arith.mulf %get3A_1321, %broadcast_in_dim3A_1337 : vector<8x2048xf32>
    %add3A_1339 = arith.addf %add3A_1318, %mul3A_1338 : vector<8x2048xf32>
    %get3A_1340 = arith.constant 0 : index
    %get3A_1341 = arith.constant 131072 : index
    %get3A_1342 = vector.load %arg2[%get3A_1340, %get3A_1341] : memref<8x262144xf32, #tpu.memory_space<vmem>>, vector<8x2048xf32>
    %get3A_1343 = arith.constant 0 : index
    %get3A_1344 = arith.constant 64 : index
    %get3A_1345 = arith.constant 0 : index
    %get3A_1346 = vector.load %arg1[%get3A_1343, %get3A_1344, %get3A_1345] : memref<2x128x2048xf32, #tpu.memory_space<vmem>>, vector<1x1x2048xf32>
    %get3A_1347 = vector.shape_cast %get3A_1346 : vector<1x1x2048xf32> to vector<1x2048xf32>
    %broadcast_in_dim3A_1348 = vector.shape_cast %get3A_1347 : vector<1x2048xf32> to vector<1x2048xf32>
    %broadcast_in_dim3A_1349 = vector.broadcast %broadcast_in_dim3A_1348 : vector<1x2048xf32> to vector<8x2048xf32>
    %mul3A_1350 = arith.mulf %get3A_1342, %broadcast_in_dim3A_1349 : vector<8x2048xf32>
    %add3A_1351 = arith.addf %add3A_1330, %mul3A_1350 : vector<8x2048xf32>
    %get3A_1352 = arith.constant 1 : index
    %get3A_1353 = arith.constant 64 : index
    %get3A_1354 = arith.constant 0 : index
    %get3A_1355 = vector.load %arg1[%get3A_1352, %get3A_1353, %get3A_1354] : memref<2x128x2048xf32, #tpu.memory_space<vmem>>, vector<1x1x2048xf32>
    %get3A_1356 = vector.shape_cast %get3A_1355 : vector<1x1x2048xf32> to vector<1x2048xf32>
    %broadcast_in_dim3A_1357 = vector.shape_cast %get3A_1356 : vector<1x2048xf32> to vector<1x2048xf32>
    %broadcast_in_dim3A_1358 = vector.broadcast %broadcast_in_dim3A_1357 : vector<1x2048xf32> to vector<8x2048xf32>
    %mul3A_1359 = arith.mulf %get3A_1342, %broadcast_in_dim3A_1358 : vector<8x2048xf32>
    %add3A_1360 = arith.addf %add3A_1339, %mul3A_1359 : vector<8x2048xf32>
    %get3A_1361 = arith.constant 0 : index
    %get3A_1362 = arith.constant 133120 : index
    %get3A_1363 = vector.load %arg2[%get3A_1361, %get3A_1362] : memref<8x262144xf32, #tpu.memory_space<vmem>>, vector<8x2048xf32>
    %get3A_1364 = arith.constant 0 : index
    %get3A_1365 = arith.constant 65 : index
    %get3A_1366 = arith.constant 0 : index
    %get3A_1367 = vector.load %arg1[%get3A_1364, %get3A_1365, %get3A_1366] : memref<2x128x2048xf32, #tpu.memory_space<vmem>>, vector<1x1x2048xf32>
    %get3A_1368 = vector.shape_cast %get3A_1367 : vector<1x1x2048xf32> to vector<1x2048xf32>
    %broadcast_in_dim3A_1369 = vector.shape_cast %get3A_1368 : vector<1x2048xf32> to vector<1x2048xf32>
    %broadcast_in_dim3A_1370 = vector.broadcast %broadcast_in_dim3A_1369 : vector<1x2048xf32> to vector<8x2048xf32>
    %mul3A_1371 = arith.mulf %get3A_1363, %broadcast_in_dim3A_1370 : vector<8x2048xf32>
    %add3A_1372 = arith.addf %add3A_1351, %mul3A_1371 : vector<8x2048xf32>
    %get3A_1373 = arith.constant 1 : index
    %get3A_1374 = arith.constant 65 : index
    %get3A_1375 = arith.constant 0 : index
    %get3A_1376 = vector.load %arg1[%get3A_1373, %get3A_1374, %get3A_1375] : memref<2x128x2048xf32, #tpu.memory_space<vmem>>, vector<1x1x2048xf32>
    %get3A_1377 = vector.shape_cast %get3A_1376 : vector<1x1x2048xf32> to vector<1x2048xf32>
    %broadcast_in_dim3A_1378 = vector.shape_cast %get3A_1377 : vector<1x2048xf32> to vector<1x2048xf32>
    %broadcast_in_dim3A_1379 = vector.broadcast %broadcast_in_dim3A_1378 : vector<1x2048xf32> to vector<8x2048xf32>
    %mul3A_1380 = arith.mulf %get3A_1363, %broadcast_in_dim3A_1379 : vector<8x2048xf32>
    %add3A_1381 = arith.addf %add3A_1360, %mul3A_1380 : vector<8x2048xf32>
    %get3A_1382 = arith.constant 0 : index
    %get3A_1383 = arith.constant 135168 : index
    %get3A_1384 = vector.load %arg2[%get3A_1382, %get3A_1383] : memref<8x262144xf32, #tpu.memory_space<vmem>>, vector<8x2048xf32>
    %get3A_1385 = arith.constant 0 : index
    %get3A_1386 = arith.constant 66 : index
    %get3A_1387 = arith.constant 0 : index
    %get3A_1388 = vector.load %arg1[%get3A_1385, %get3A_1386, %get3A_1387] : memref<2x128x2048xf32, #tpu.memory_space<vmem>>, vector<1x1x2048xf32>
    %get3A_1389 = vector.shape_cast %get3A_1388 : vector<1x1x2048xf32> to vector<1x2048xf32>
    %broadcast_in_dim3A_1390 = vector.shape_cast %get3A_1389 : vector<1x2048xf32> to vector<1x2048xf32>
    %broadcast_in_dim3A_1391 = vector.broadcast %broadcast_in_dim3A_1390 : vector<1x2048xf32> to vector<8x2048xf32>
    %mul3A_1392 = arith.mulf %get3A_1384, %broadcast_in_dim3A_1391 : vector<8x2048xf32>
    %add3A_1393 = arith.addf %add3A_1372, %mul3A_1392 : vector<8x2048xf32>
    %get3A_1394 = arith.constant 1 : index
    %get3A_1395 = arith.constant 66 : index
    %get3A_1396 = arith.constant 0 : index
    %get3A_1397 = vector.load %arg1[%get3A_1394, %get3A_1395, %get3A_1396] : memref<2x128x2048xf32, #tpu.memory_space<vmem>>, vector<1x1x2048xf32>
    %get3A_1398 = vector.shape_cast %get3A_1397 : vector<1x1x2048xf32> to vector<1x2048xf32>
    %broadcast_in_dim3A_1399 = vector.shape_cast %get3A_1398 : vector<1x2048xf32> to vector<1x2048xf32>
    %broadcast_in_dim3A_1400 = vector.broadcast %broadcast_in_dim3A_1399 : vector<1x2048xf32> to vector<8x2048xf32>
    %mul3A_1401 = arith.mulf %get3A_1384, %broadcast_in_dim3A_1400 : vector<8x2048xf32>
    %add3A_1402 = arith.addf %add3A_1381, %mul3A_1401 : vector<8x2048xf32>
    %get3A_1403 = arith.constant 0 : index
    %get3A_1404 = arith.constant 137216 : index
    %get3A_1405 = vector.load %arg2[%get3A_1403, %get3A_1404] : memref<8x262144xf32, #tpu.memory_space<vmem>>, vector<8x2048xf32>
    %get3A_1406 = arith.constant 0 : index
    %get3A_1407 = arith.constant 67 : index
    %get3A_1408 = arith.constant 0 : index
    %get3A_1409 = vector.load %arg1[%get3A_1406, %get3A_1407, %get3A_1408] : memref<2x128x2048xf32, #tpu.memory_space<vmem>>, vector<1x1x2048xf32>
    %get3A_1410 = vector.shape_cast %get3A_1409 : vector<1x1x2048xf32> to vector<1x2048xf32>
    %broadcast_in_dim3A_1411 = vector.shape_cast %get3A_1410 : vector<1x2048xf32> to vector<1x2048xf32>
    %broadcast_in_dim3A_1412 = vector.broadcast %broadcast_in_dim3A_1411 : vector<1x2048xf32> to vector<8x2048xf32>
    %mul3A_1413 = arith.mulf %get3A_1405, %broadcast_in_dim3A_1412 : vector<8x2048xf32>
    %add3A_1414 = arith.addf %add3A_1393, %mul3A_1413 : vector<8x2048xf32>
    %get3A_1415 = arith.constant 1 : index
    %get3A_1416 = arith.constant 67 : index
    %get3A_1417 = arith.constant 0 : index
    %get3A_1418 = vector.load %arg1[%get3A_1415, %get3A_1416, %get3A_1417] : memref<2x128x2048xf32, #tpu.memory_space<vmem>>, vector<1x1x2048xf32>
    %get3A_1419 = vector.shape_cast %get3A_1418 : vector<1x1x2048xf32> to vector<1x2048xf32>
    %broadcast_in_dim3A_1420 = vector.shape_cast %get3A_1419 : vector<1x2048xf32> to vector<1x2048xf32>
    %broadcast_in_dim3A_1421 = vector.broadcast %broadcast_in_dim3A_1420 : vector<1x2048xf32> to vector<8x2048xf32>
    %mul3A_1422 = arith.mulf %get3A_1405, %broadcast_in_dim3A_1421 : vector<8x2048xf32>
    %add3A_1423 = arith.addf %add3A_1402, %mul3A_1422 : vector<8x2048xf32>
    %get3A_1424 = arith.constant 0 : index
    %get3A_1425 = arith.constant 139264 : index
    %get3A_1426 = vector.load %arg2[%get3A_1424, %get3A_1425] : memref<8x262144xf32, #tpu.memory_space<vmem>>, vector<8x2048xf32>
    %get3A_1427 = arith.constant 0 : index
    %get3A_1428 = arith.constant 68 : index
    %get3A_1429 = arith.constant 0 : index
    %get3A_1430 = vector.load %arg1[%get3A_1427, %get3A_1428, %get3A_1429] : memref<2x128x2048xf32, #tpu.memory_space<vmem>>, vector<1x1x2048xf32>
    %get3A_1431 = vector.shape_cast %get3A_1430 : vector<1x1x2048xf32> to vector<1x2048xf32>
    %broadcast_in_dim3A_1432 = vector.shape_cast %get3A_1431 : vector<1x2048xf32> to vector<1x2048xf32>
    %broadcast_in_dim3A_1433 = vector.broadcast %broadcast_in_dim3A_1432 : vector<1x2048xf32> to vector<8x2048xf32>
    %mul3A_1434 = arith.mulf %get3A_1426, %broadcast_in_dim3A_1433 : vector<8x2048xf32>
    %add3A_1435 = arith.addf %add3A_1414, %mul3A_1434 : vector<8x2048xf32>
    %get3A_1436 = arith.constant 1 : index
    %get3A_1437 = arith.constant 68 : index
    %get3A_1438 = arith.constant 0 : index
    %get3A_1439 = vector.load %arg1[%get3A_1436, %get3A_1437, %get3A_1438] : memref<2x128x2048xf32, #tpu.memory_space<vmem>>, vector<1x1x2048xf32>
    %get3A_1440 = vector.shape_cast %get3A_1439 : vector<1x1x2048xf32> to vector<1x2048xf32>
    %broadcast_in_dim3A_1441 = vector.shape_cast %get3A_1440 : vector<1x2048xf32> to vector<1x2048xf32>
    %broadcast_in_dim3A_1442 = vector.broadcast %broadcast_in_dim3A_1441 : vector<1x2048xf32> to vector<8x2048xf32>
    %mul3A_1443 = arith.mulf %get3A_1426, %broadcast_in_dim3A_1442 : vector<8x2048xf32>
    %add3A_1444 = arith.addf %add3A_1423, %mul3A_1443 : vector<8x2048xf32>
    %get3A_1445 = arith.constant 0 : index
    %get3A_1446 = arith.constant 141312 : index
    %get3A_1447 = vector.load %arg2[%get3A_1445, %get3A_1446] : memref<8x262144xf32, #tpu.memory_space<vmem>>, vector<8x2048xf32>
    %get3A_1448 = arith.constant 0 : index
    %get3A_1449 = arith.constant 69 : index
    %get3A_1450 = arith.constant 0 : index
    %get3A_1451 = vector.load %arg1[%get3A_1448, %get3A_1449, %get3A_1450] : memref<2x128x2048xf32, #tpu.memory_space<vmem>>, vector<1x1x2048xf32>
    %get3A_1452 = vector.shape_cast %get3A_1451 : vector<1x1x2048xf32> to vector<1x2048xf32>
    %broadcast_in_dim3A_1453 = vector.shape_cast %get3A_1452 : vector<1x2048xf32> to vector<1x2048xf32>
    %broadcast_in_dim3A_1454 = vector.broadcast %broadcast_in_dim3A_1453 : vector<1x2048xf32> to vector<8x2048xf32>
    %mul3A_1455 = arith.mulf %get3A_1447, %broadcast_in_dim3A_1454 : vector<8x2048xf32>
    %add3A_1456 = arith.addf %add3A_1435, %mul3A_1455 : vector<8x2048xf32>
    %get3A_1457 = arith.constant 1 : index
    %get3A_1458 = arith.constant 69 : index
    %get3A_1459 = arith.constant 0 : index
    %get3A_1460 = vector.load %arg1[%get3A_1457, %get3A_1458, %get3A_1459] : memref<2x128x2048xf32, #tpu.memory_space<vmem>>, vector<1x1x2048xf32>
    %get3A_1461 = vector.shape_cast %get3A_1460 : vector<1x1x2048xf32> to vector<1x2048xf32>
    %broadcast_in_dim3A_1462 = vector.shape_cast %get3A_1461 : vector<1x2048xf32> to vector<1x2048xf32>
    %broadcast_in_dim3A_1463 = vector.broadcast %broadcast_in_dim3A_1462 : vector<1x2048xf32> to vector<8x2048xf32>
    %mul3A_1464 = arith.mulf %get3A_1447, %broadcast_in_dim3A_1463 : vector<8x2048xf32>
    %add3A_1465 = arith.addf %add3A_1444, %mul3A_1464 : vector<8x2048xf32>
    %get3A_1466 = arith.constant 0 : index
    %get3A_1467 = arith.constant 143360 : index
    %get3A_1468 = vector.load %arg2[%get3A_1466, %get3A_1467] : memref<8x262144xf32, #tpu.memory_space<vmem>>, vector<8x2048xf32>
    %get3A_1469 = arith.constant 0 : index
    %get3A_1470 = arith.constant 70 : index
    %get3A_1471 = arith.constant 0 : index
    %get3A_1472 = vector.load %arg1[%get3A_1469, %get3A_1470, %get3A_1471] : memref<2x128x2048xf32, #tpu.memory_space<vmem>>, vector<1x1x2048xf32>
    %get3A_1473 = vector.shape_cast %get3A_1472 : vector<1x1x2048xf32> to vector<1x2048xf32>
    %broadcast_in_dim3A_1474 = vector.shape_cast %get3A_1473 : vector<1x2048xf32> to vector<1x2048xf32>
    %broadcast_in_dim3A_1475 = vector.broadcast %broadcast_in_dim3A_1474 : vector<1x2048xf32> to vector<8x2048xf32>
    %mul3A_1476 = arith.mulf %get3A_1468, %broadcast_in_dim3A_1475 : vector<8x2048xf32>
    %add3A_1477 = arith.addf %add3A_1456, %mul3A_1476 : vector<8x2048xf32>
    %get3A_1478 = arith.constant 1 : index
    %get3A_1479 = arith.constant 70 : index
    %get3A_1480 = arith.constant 0 : index
    %get3A_1481 = vector.load %arg1[%get3A_1478, %get3A_1479, %get3A_1480] : memref<2x128x2048xf32, #tpu.memory_space<vmem>>, vector<1x1x2048xf32>
    %get3A_1482 = vector.shape_cast %get3A_1481 : vector<1x1x2048xf32> to vector<1x2048xf32>
    %broadcast_in_dim3A_1483 = vector.shape_cast %get3A_1482 : vector<1x2048xf32> to vector<1x2048xf32>
    %broadcast_in_dim3A_1484 = vector.broadcast %broadcast_in_dim3A_1483 : vector<1x2048xf32> to vector<8x2048xf32>
    %mul3A_1485 = arith.mulf %get3A_1468, %broadcast_in_dim3A_1484 : vector<8x2048xf32>
    %add3A_1486 = arith.addf %add3A_1465, %mul3A_1485 : vector<8x2048xf32>
    %get3A_1487 = arith.constant 0 : index
    %get3A_1488 = arith.constant 145408 : index
    %get3A_1489 = vector.load %arg2[%get3A_1487, %get3A_1488] : memref<8x262144xf32, #tpu.memory_space<vmem>>, vector<8x2048xf32>
    %get3A_1490 = arith.constant 0 : index
    %get3A_1491 = arith.constant 71 : index
    %get3A_1492 = arith.constant 0 : index
    %get3A_1493 = vector.load %arg1[%get3A_1490, %get3A_1491, %get3A_1492] : memref<2x128x2048xf32, #tpu.memory_space<vmem>>, vector<1x1x2048xf32>
    %get3A_1494 = vector.shape_cast %get3A_1493 : vector<1x1x2048xf32> to vector<1x2048xf32>
    %broadcast_in_dim3A_1495 = vector.shape_cast %get3A_1494 : vector<1x2048xf32> to vector<1x2048xf32>
    %broadcast_in_dim3A_1496 = vector.broadcast %broadcast_in_dim3A_1495 : vector<1x2048xf32> to vector<8x2048xf32>
    %mul3A_1497 = arith.mulf %get3A_1489, %broadcast_in_dim3A_1496 : vector<8x2048xf32>
    %add3A_1498 = arith.addf %add3A_1477, %mul3A_1497 : vector<8x2048xf32>
    %get3A_1499 = arith.constant 1 : index
    %get3A_1500 = arith.constant 71 : index
    %get3A_1501 = arith.constant 0 : index
    %get3A_1502 = vector.load %arg1[%get3A_1499, %get3A_1500, %get3A_1501] : memref<2x128x2048xf32, #tpu.memory_space<vmem>>, vector<1x1x2048xf32>
    %get3A_1503 = vector.shape_cast %get3A_1502 : vector<1x1x2048xf32> to vector<1x2048xf32>
    %broadcast_in_dim3A_1504 = vector.shape_cast %get3A_1503 : vector<1x2048xf32> to vector<1x2048xf32>
    %broadcast_in_dim3A_1505 = vector.broadcast %broadcast_in_dim3A_1504 : vector<1x2048xf32> to vector<8x2048xf32>
    %mul3A_1506 = arith.mulf %get3A_1489, %broadcast_in_dim3A_1505 : vector<8x2048xf32>
    %add3A_1507 = arith.addf %add3A_1486, %mul3A_1506 : vector<8x2048xf32>
    %get3A_1508 = arith.constant 0 : index
    %get3A_1509 = arith.constant 147456 : index
    %get3A_1510 = vector.load %arg2[%get3A_1508, %get3A_1509] : memref<8x262144xf32, #tpu.memory_space<vmem>>, vector<8x2048xf32>
    %get3A_1511 = arith.constant 0 : index
    %get3A_1512 = arith.constant 72 : index
    %get3A_1513 = arith.constant 0 : index
    %get3A_1514 = vector.load %arg1[%get3A_1511, %get3A_1512, %get3A_1513] : memref<2x128x2048xf32, #tpu.memory_space<vmem>>, vector<1x1x2048xf32>
    %get3A_1515 = vector.shape_cast %get3A_1514 : vector<1x1x2048xf32> to vector<1x2048xf32>
    %broadcast_in_dim3A_1516 = vector.shape_cast %get3A_1515 : vector<1x2048xf32> to vector<1x2048xf32>
    %broadcast_in_dim3A_1517 = vector.broadcast %broadcast_in_dim3A_1516 : vector<1x2048xf32> to vector<8x2048xf32>
    %mul3A_1518 = arith.mulf %get3A_1510, %broadcast_in_dim3A_1517 : vector<8x2048xf32>
    %add3A_1519 = arith.addf %add3A_1498, %mul3A_1518 : vector<8x2048xf32>
    %get3A_1520 = arith.constant 1 : index
    %get3A_1521 = arith.constant 72 : index
    %get3A_1522 = arith.constant 0 : index
    %get3A_1523 = vector.load %arg1[%get3A_1520, %get3A_1521, %get3A_1522] : memref<2x128x2048xf32, #tpu.memory_space<vmem>>, vector<1x1x2048xf32>
    %get3A_1524 = vector.shape_cast %get3A_1523 : vector<1x1x2048xf32> to vector<1x2048xf32>
    %broadcast_in_dim3A_1525 = vector.shape_cast %get3A_1524 : vector<1x2048xf32> to vector<1x2048xf32>
    %broadcast_in_dim3A_1526 = vector.broadcast %broadcast_in_dim3A_1525 : vector<1x2048xf32> to vector<8x2048xf32>
    %mul3A_1527 = arith.mulf %get3A_1510, %broadcast_in_dim3A_1526 : vector<8x2048xf32>
    %add3A_1528 = arith.addf %add3A_1507, %mul3A_1527 : vector<8x2048xf32>
    %get3A_1529 = arith.constant 0 : index
    %get3A_1530 = arith.constant 149504 : index
    %get3A_1531 = vector.load %arg2[%get3A_1529, %get3A_1530] : memref<8x262144xf32, #tpu.memory_space<vmem>>, vector<8x2048xf32>
    %get3A_1532 = arith.constant 0 : index
    %get3A_1533 = arith.constant 73 : index
    %get3A_1534 = arith.constant 0 : index
    %get3A_1535 = vector.load %arg1[%get3A_1532, %get3A_1533, %get3A_1534] : memref<2x128x2048xf32, #tpu.memory_space<vmem>>, vector<1x1x2048xf32>
    %get3A_1536 = vector.shape_cast %get3A_1535 : vector<1x1x2048xf32> to vector<1x2048xf32>
    %broadcast_in_dim3A_1537 = vector.shape_cast %get3A_1536 : vector<1x2048xf32> to vector<1x2048xf32>
    %broadcast_in_dim3A_1538 = vector.broadcast %broadcast_in_dim3A_1537 : vector<1x2048xf32> to vector<8x2048xf32>
    %mul3A_1539 = arith.mulf %get3A_1531, %broadcast_in_dim3A_1538 : vector<8x2048xf32>
    %add3A_1540 = arith.addf %add3A_1519, %mul3A_1539 : vector<8x2048xf32>
    %get3A_1541 = arith.constant 1 : index
    %get3A_1542 = arith.constant 73 : index
    %get3A_1543 = arith.constant 0 : index
    %get3A_1544 = vector.load %arg1[%get3A_1541, %get3A_1542, %get3A_1543] : memref<2x128x2048xf32, #tpu.memory_space<vmem>>, vector<1x1x2048xf32>
    %get3A_1545 = vector.shape_cast %get3A_1544 : vector<1x1x2048xf32> to vector<1x2048xf32>
    %broadcast_in_dim3A_1546 = vector.shape_cast %get3A_1545 : vector<1x2048xf32> to vector<1x2048xf32>
    %broadcast_in_dim3A_1547 = vector.broadcast %broadcast_in_dim3A_1546 : vector<1x2048xf32> to vector<8x2048xf32>
    %mul3A_1548 = arith.mulf %get3A_1531, %broadcast_in_dim3A_1547 : vector<8x2048xf32>
    %add3A_1549 = arith.addf %add3A_1528, %mul3A_1548 : vector<8x2048xf32>
    %get3A_1550 = arith.constant 0 : index
    %get3A_1551 = arith.constant 151552 : index
    %get3A_1552 = vector.load %arg2[%get3A_1550, %get3A_1551] : memref<8x262144xf32, #tpu.memory_space<vmem>>, vector<8x2048xf32>
    %get3A_1553 = arith.constant 0 : index
    %get3A_1554 = arith.constant 74 : index
    %get3A_1555 = arith.constant 0 : index
    %get3A_1556 = vector.load %arg1[%get3A_1553, %get3A_1554, %get3A_1555] : memref<2x128x2048xf32, #tpu.memory_space<vmem>>, vector<1x1x2048xf32>
    %get3A_1557 = vector.shape_cast %get3A_1556 : vector<1x1x2048xf32> to vector<1x2048xf32>
    %broadcast_in_dim3A_1558 = vector.shape_cast %get3A_1557 : vector<1x2048xf32> to vector<1x2048xf32>
    %broadcast_in_dim3A_1559 = vector.broadcast %broadcast_in_dim3A_1558 : vector<1x2048xf32> to vector<8x2048xf32>
    %mul3A_1560 = arith.mulf %get3A_1552, %broadcast_in_dim3A_1559 : vector<8x2048xf32>
    %add3A_1561 = arith.addf %add3A_1540, %mul3A_1560 : vector<8x2048xf32>
    %get3A_1562 = arith.constant 1 : index
    %get3A_1563 = arith.constant 74 : index
    %get3A_1564 = arith.constant 0 : index
    %get3A_1565 = vector.load %arg1[%get3A_1562, %get3A_1563, %get3A_1564] : memref<2x128x2048xf32, #tpu.memory_space<vmem>>, vector<1x1x2048xf32>
    %get3A_1566 = vector.shape_cast %get3A_1565 : vector<1x1x2048xf32> to vector<1x2048xf32>
    %broadcast_in_dim3A_1567 = vector.shape_cast %get3A_1566 : vector<1x2048xf32> to vector<1x2048xf32>
    %broadcast_in_dim3A_1568 = vector.broadcast %broadcast_in_dim3A_1567 : vector<1x2048xf32> to vector<8x2048xf32>
    %mul3A_1569 = arith.mulf %get3A_1552, %broadcast_in_dim3A_1568 : vector<8x2048xf32>
    %add3A_1570 = arith.addf %add3A_1549, %mul3A_1569 : vector<8x2048xf32>
    %get3A_1571 = arith.constant 0 : index
    %get3A_1572 = arith.constant 153600 : index
    %get3A_1573 = vector.load %arg2[%get3A_1571, %get3A_1572] : memref<8x262144xf32, #tpu.memory_space<vmem>>, vector<8x2048xf32>
    %get3A_1574 = arith.constant 0 : index
    %get3A_1575 = arith.constant 75 : index
    %get3A_1576 = arith.constant 0 : index
    %get3A_1577 = vector.load %arg1[%get3A_1574, %get3A_1575, %get3A_1576] : memref<2x128x2048xf32, #tpu.memory_space<vmem>>, vector<1x1x2048xf32>
    %get3A_1578 = vector.shape_cast %get3A_1577 : vector<1x1x2048xf32> to vector<1x2048xf32>
    %broadcast_in_dim3A_1579 = vector.shape_cast %get3A_1578 : vector<1x2048xf32> to vector<1x2048xf32>
    %broadcast_in_dim3A_1580 = vector.broadcast %broadcast_in_dim3A_1579 : vector<1x2048xf32> to vector<8x2048xf32>
    %mul3A_1581 = arith.mulf %get3A_1573, %broadcast_in_dim3A_1580 : vector<8x2048xf32>
    %add3A_1582 = arith.addf %add3A_1561, %mul3A_1581 : vector<8x2048xf32>
    %get3A_1583 = arith.constant 1 : index
    %get3A_1584 = arith.constant 75 : index
    %get3A_1585 = arith.constant 0 : index
    %get3A_1586 = vector.load %arg1[%get3A_1583, %get3A_1584, %get3A_1585] : memref<2x128x2048xf32, #tpu.memory_space<vmem>>, vector<1x1x2048xf32>
    %get3A_1587 = vector.shape_cast %get3A_1586 : vector<1x1x2048xf32> to vector<1x2048xf32>
    %broadcast_in_dim3A_1588 = vector.shape_cast %get3A_1587 : vector<1x2048xf32> to vector<1x2048xf32>
    %broadcast_in_dim3A_1589 = vector.broadcast %broadcast_in_dim3A_1588 : vector<1x2048xf32> to vector<8x2048xf32>
    %mul3A_1590 = arith.mulf %get3A_1573, %broadcast_in_dim3A_1589 : vector<8x2048xf32>
    %add3A_1591 = arith.addf %add3A_1570, %mul3A_1590 : vector<8x2048xf32>
    %get3A_1592 = arith.constant 0 : index
    %get3A_1593 = arith.constant 155648 : index
    %get3A_1594 = vector.load %arg2[%get3A_1592, %get3A_1593] : memref<8x262144xf32, #tpu.memory_space<vmem>>, vector<8x2048xf32>
    %get3A_1595 = arith.constant 0 : index
    %get3A_1596 = arith.constant 76 : index
    %get3A_1597 = arith.constant 0 : index
    %get3A_1598 = vector.load %arg1[%get3A_1595, %get3A_1596, %get3A_1597] : memref<2x128x2048xf32, #tpu.memory_space<vmem>>, vector<1x1x2048xf32>
    %get3A_1599 = vector.shape_cast %get3A_1598 : vector<1x1x2048xf32> to vector<1x2048xf32>
    %broadcast_in_dim3A_1600 = vector.shape_cast %get3A_1599 : vector<1x2048xf32> to vector<1x2048xf32>
    %broadcast_in_dim3A_1601 = vector.broadcast %broadcast_in_dim3A_1600 : vector<1x2048xf32> to vector<8x2048xf32>
    %mul3A_1602 = arith.mulf %get3A_1594, %broadcast_in_dim3A_1601 : vector<8x2048xf32>
    %add3A_1603 = arith.addf %add3A_1582, %mul3A_1602 : vector<8x2048xf32>
    %get3A_1604 = arith.constant 1 : index
    %get3A_1605 = arith.constant 76 : index
    %get3A_1606 = arith.constant 0 : index
    %get3A_1607 = vector.load %arg1[%get3A_1604, %get3A_1605, %get3A_1606] : memref<2x128x2048xf32, #tpu.memory_space<vmem>>, vector<1x1x2048xf32>
    %get3A_1608 = vector.shape_cast %get3A_1607 : vector<1x1x2048xf32> to vector<1x2048xf32>
    %broadcast_in_dim3A_1609 = vector.shape_cast %get3A_1608 : vector<1x2048xf32> to vector<1x2048xf32>
    %broadcast_in_dim3A_1610 = vector.broadcast %broadcast_in_dim3A_1609 : vector<1x2048xf32> to vector<8x2048xf32>
    %mul3A_1611 = arith.mulf %get3A_1594, %broadcast_in_dim3A_1610 : vector<8x2048xf32>
    %add3A_1612 = arith.addf %add3A_1591, %mul3A_1611 : vector<8x2048xf32>
    %get3A_1613 = arith.constant 0 : index
    %get3A_1614 = arith.constant 157696 : index
    %get3A_1615 = vector.load %arg2[%get3A_1613, %get3A_1614] : memref<8x262144xf32, #tpu.memory_space<vmem>>, vector<8x2048xf32>
    %get3A_1616 = arith.constant 0 : index
    %get3A_1617 = arith.constant 77 : index
    %get3A_1618 = arith.constant 0 : index
    %get3A_1619 = vector.load %arg1[%get3A_1616, %get3A_1617, %get3A_1618] : memref<2x128x2048xf32, #tpu.memory_space<vmem>>, vector<1x1x2048xf32>
    %get3A_1620 = vector.shape_cast %get3A_1619 : vector<1x1x2048xf32> to vector<1x2048xf32>
    %broadcast_in_dim3A_1621 = vector.shape_cast %get3A_1620 : vector<1x2048xf32> to vector<1x2048xf32>
    %broadcast_in_dim3A_1622 = vector.broadcast %broadcast_in_dim3A_1621 : vector<1x2048xf32> to vector<8x2048xf32>
    %mul3A_1623 = arith.mulf %get3A_1615, %broadcast_in_dim3A_1622 : vector<8x2048xf32>
    %add3A_1624 = arith.addf %add3A_1603, %mul3A_1623 : vector<8x2048xf32>
    %get3A_1625 = arith.constant 1 : index
    %get3A_1626 = arith.constant 77 : index
    %get3A_1627 = arith.constant 0 : index
    %get3A_1628 = vector.load %arg1[%get3A_1625, %get3A_1626, %get3A_1627] : memref<2x128x2048xf32, #tpu.memory_space<vmem>>, vector<1x1x2048xf32>
    %get3A_1629 = vector.shape_cast %get3A_1628 : vector<1x1x2048xf32> to vector<1x2048xf32>
    %broadcast_in_dim3A_1630 = vector.shape_cast %get3A_1629 : vector<1x2048xf32> to vector<1x2048xf32>
    %broadcast_in_dim3A_1631 = vector.broadcast %broadcast_in_dim3A_1630 : vector<1x2048xf32> to vector<8x2048xf32>
    %mul3A_1632 = arith.mulf %get3A_1615, %broadcast_in_dim3A_1631 : vector<8x2048xf32>
    %add3A_1633 = arith.addf %add3A_1612, %mul3A_1632 : vector<8x2048xf32>
    %get3A_1634 = arith.constant 0 : index
    %get3A_1635 = arith.constant 159744 : index
    %get3A_1636 = vector.load %arg2[%get3A_1634, %get3A_1635] : memref<8x262144xf32, #tpu.memory_space<vmem>>, vector<8x2048xf32>
    %get3A_1637 = arith.constant 0 : index
    %get3A_1638 = arith.constant 78 : index
    %get3A_1639 = arith.constant 0 : index
    %get3A_1640 = vector.load %arg1[%get3A_1637, %get3A_1638, %get3A_1639] : memref<2x128x2048xf32, #tpu.memory_space<vmem>>, vector<1x1x2048xf32>
    %get3A_1641 = vector.shape_cast %get3A_1640 : vector<1x1x2048xf32> to vector<1x2048xf32>
    %broadcast_in_dim3A_1642 = vector.shape_cast %get3A_1641 : vector<1x2048xf32> to vector<1x2048xf32>
    %broadcast_in_dim3A_1643 = vector.broadcast %broadcast_in_dim3A_1642 : vector<1x2048xf32> to vector<8x2048xf32>
    %mul3A_1644 = arith.mulf %get3A_1636, %broadcast_in_dim3A_1643 : vector<8x2048xf32>
    %add3A_1645 = arith.addf %add3A_1624, %mul3A_1644 : vector<8x2048xf32>
    %get3A_1646 = arith.constant 1 : index
    %get3A_1647 = arith.constant 78 : index
    %get3A_1648 = arith.constant 0 : index
    %get3A_1649 = vector.load %arg1[%get3A_1646, %get3A_1647, %get3A_1648] : memref<2x128x2048xf32, #tpu.memory_space<vmem>>, vector<1x1x2048xf32>
    %get3A_1650 = vector.shape_cast %get3A_1649 : vector<1x1x2048xf32> to vector<1x2048xf32>
    %broadcast_in_dim3A_1651 = vector.shape_cast %get3A_1650 : vector<1x2048xf32> to vector<1x2048xf32>
    %broadcast_in_dim3A_1652 = vector.broadcast %broadcast_in_dim3A_1651 : vector<1x2048xf32> to vector<8x2048xf32>
    %mul3A_1653 = arith.mulf %get3A_1636, %broadcast_in_dim3A_1652 : vector<8x2048xf32>
    %add3A_1654 = arith.addf %add3A_1633, %mul3A_1653 : vector<8x2048xf32>
    %get3A_1655 = arith.constant 0 : index
    %get3A_1656 = arith.constant 161792 : index
    %get3A_1657 = vector.load %arg2[%get3A_1655, %get3A_1656] : memref<8x262144xf32, #tpu.memory_space<vmem>>, vector<8x2048xf32>
    %get3A_1658 = arith.constant 0 : index
    %get3A_1659 = arith.constant 79 : index
    %get3A_1660 = arith.constant 0 : index
    %get3A_1661 = vector.load %arg1[%get3A_1658, %get3A_1659, %get3A_1660] : memref<2x128x2048xf32, #tpu.memory_space<vmem>>, vector<1x1x2048xf32>
    %get3A_1662 = vector.shape_cast %get3A_1661 : vector<1x1x2048xf32> to vector<1x2048xf32>
    %broadcast_in_dim3A_1663 = vector.shape_cast %get3A_1662 : vector<1x2048xf32> to vector<1x2048xf32>
    %broadcast_in_dim3A_1664 = vector.broadcast %broadcast_in_dim3A_1663 : vector<1x2048xf32> to vector<8x2048xf32>
    %mul3A_1665 = arith.mulf %get3A_1657, %broadcast_in_dim3A_1664 : vector<8x2048xf32>
    %add3A_1666 = arith.addf %add3A_1645, %mul3A_1665 : vector<8x2048xf32>
    %get3A_1667 = arith.constant 1 : index
    %get3A_1668 = arith.constant 79 : index
    %get3A_1669 = arith.constant 0 : index
    %get3A_1670 = vector.load %arg1[%get3A_1667, %get3A_1668, %get3A_1669] : memref<2x128x2048xf32, #tpu.memory_space<vmem>>, vector<1x1x2048xf32>
    %get3A_1671 = vector.shape_cast %get3A_1670 : vector<1x1x2048xf32> to vector<1x2048xf32>
    %broadcast_in_dim3A_1672 = vector.shape_cast %get3A_1671 : vector<1x2048xf32> to vector<1x2048xf32>
    %broadcast_in_dim3A_1673 = vector.broadcast %broadcast_in_dim3A_1672 : vector<1x2048xf32> to vector<8x2048xf32>
    %mul3A_1674 = arith.mulf %get3A_1657, %broadcast_in_dim3A_1673 : vector<8x2048xf32>
    %add3A_1675 = arith.addf %add3A_1654, %mul3A_1674 : vector<8x2048xf32>
    %get3A_1676 = arith.constant 0 : index
    %get3A_1677 = arith.constant 163840 : index
    %get3A_1678 = vector.load %arg2[%get3A_1676, %get3A_1677] : memref<8x262144xf32, #tpu.memory_space<vmem>>, vector<8x2048xf32>
    %get3A_1679 = arith.constant 0 : index
    %get3A_1680 = arith.constant 80 : index
    %get3A_1681 = arith.constant 0 : index
    %get3A_1682 = vector.load %arg1[%get3A_1679, %get3A_1680, %get3A_1681] : memref<2x128x2048xf32, #tpu.memory_space<vmem>>, vector<1x1x2048xf32>
    %get3A_1683 = vector.shape_cast %get3A_1682 : vector<1x1x2048xf32> to vector<1x2048xf32>
    %broadcast_in_dim3A_1684 = vector.shape_cast %get3A_1683 : vector<1x2048xf32> to vector<1x2048xf32>
    %broadcast_in_dim3A_1685 = vector.broadcast %broadcast_in_dim3A_1684 : vector<1x2048xf32> to vector<8x2048xf32>
    %mul3A_1686 = arith.mulf %get3A_1678, %broadcast_in_dim3A_1685 : vector<8x2048xf32>
    %add3A_1687 = arith.addf %add3A_1666, %mul3A_1686 : vector<8x2048xf32>
    %get3A_1688 = arith.constant 1 : index
    %get3A_1689 = arith.constant 80 : index
    %get3A_1690 = arith.constant 0 : index
    %get3A_1691 = vector.load %arg1[%get3A_1688, %get3A_1689, %get3A_1690] : memref<2x128x2048xf32, #tpu.memory_space<vmem>>, vector<1x1x2048xf32>
    %get3A_1692 = vector.shape_cast %get3A_1691 : vector<1x1x2048xf32> to vector<1x2048xf32>
    %broadcast_in_dim3A_1693 = vector.shape_cast %get3A_1692 : vector<1x2048xf32> to vector<1x2048xf32>
    %broadcast_in_dim3A_1694 = vector.broadcast %broadcast_in_dim3A_1693 : vector<1x2048xf32> to vector<8x2048xf32>
    %mul3A_1695 = arith.mulf %get3A_1678, %broadcast_in_dim3A_1694 : vector<8x2048xf32>
    %add3A_1696 = arith.addf %add3A_1675, %mul3A_1695 : vector<8x2048xf32>
    %get3A_1697 = arith.constant 0 : index
    %get3A_1698 = arith.constant 165888 : index
    %get3A_1699 = vector.load %arg2[%get3A_1697, %get3A_1698] : memref<8x262144xf32, #tpu.memory_space<vmem>>, vector<8x2048xf32>
    %get3A_1700 = arith.constant 0 : index
    %get3A_1701 = arith.constant 81 : index
    %get3A_1702 = arith.constant 0 : index
    %get3A_1703 = vector.load %arg1[%get3A_1700, %get3A_1701, %get3A_1702] : memref<2x128x2048xf32, #tpu.memory_space<vmem>>, vector<1x1x2048xf32>
    %get3A_1704 = vector.shape_cast %get3A_1703 : vector<1x1x2048xf32> to vector<1x2048xf32>
    %broadcast_in_dim3A_1705 = vector.shape_cast %get3A_1704 : vector<1x2048xf32> to vector<1x2048xf32>
    %broadcast_in_dim3A_1706 = vector.broadcast %broadcast_in_dim3A_1705 : vector<1x2048xf32> to vector<8x2048xf32>
    %mul3A_1707 = arith.mulf %get3A_1699, %broadcast_in_dim3A_1706 : vector<8x2048xf32>
    %add3A_1708 = arith.addf %add3A_1687, %mul3A_1707 : vector<8x2048xf32>
    %get3A_1709 = arith.constant 1 : index
    %get3A_1710 = arith.constant 81 : index
    %get3A_1711 = arith.constant 0 : index
    %get3A_1712 = vector.load %arg1[%get3A_1709, %get3A_1710, %get3A_1711] : memref<2x128x2048xf32, #tpu.memory_space<vmem>>, vector<1x1x2048xf32>
    %get3A_1713 = vector.shape_cast %get3A_1712 : vector<1x1x2048xf32> to vector<1x2048xf32>
    %broadcast_in_dim3A_1714 = vector.shape_cast %get3A_1713 : vector<1x2048xf32> to vector<1x2048xf32>
    %broadcast_in_dim3A_1715 = vector.broadcast %broadcast_in_dim3A_1714 : vector<1x2048xf32> to vector<8x2048xf32>
    %mul3A_1716 = arith.mulf %get3A_1699, %broadcast_in_dim3A_1715 : vector<8x2048xf32>
    %add3A_1717 = arith.addf %add3A_1696, %mul3A_1716 : vector<8x2048xf32>
    %get3A_1718 = arith.constant 0 : index
    %get3A_1719 = arith.constant 167936 : index
    %get3A_1720 = vector.load %arg2[%get3A_1718, %get3A_1719] : memref<8x262144xf32, #tpu.memory_space<vmem>>, vector<8x2048xf32>
    %get3A_1721 = arith.constant 0 : index
    %get3A_1722 = arith.constant 82 : index
    %get3A_1723 = arith.constant 0 : index
    %get3A_1724 = vector.load %arg1[%get3A_1721, %get3A_1722, %get3A_1723] : memref<2x128x2048xf32, #tpu.memory_space<vmem>>, vector<1x1x2048xf32>
    %get3A_1725 = vector.shape_cast %get3A_1724 : vector<1x1x2048xf32> to vector<1x2048xf32>
    %broadcast_in_dim3A_1726 = vector.shape_cast %get3A_1725 : vector<1x2048xf32> to vector<1x2048xf32>
    %broadcast_in_dim3A_1727 = vector.broadcast %broadcast_in_dim3A_1726 : vector<1x2048xf32> to vector<8x2048xf32>
    %mul3A_1728 = arith.mulf %get3A_1720, %broadcast_in_dim3A_1727 : vector<8x2048xf32>
    %add3A_1729 = arith.addf %add3A_1708, %mul3A_1728 : vector<8x2048xf32>
    %get3A_1730 = arith.constant 1 : index
    %get3A_1731 = arith.constant 82 : index
    %get3A_1732 = arith.constant 0 : index
    %get3A_1733 = vector.load %arg1[%get3A_1730, %get3A_1731, %get3A_1732] : memref<2x128x2048xf32, #tpu.memory_space<vmem>>, vector<1x1x2048xf32>
    %get3A_1734 = vector.shape_cast %get3A_1733 : vector<1x1x2048xf32> to vector<1x2048xf32>
    %broadcast_in_dim3A_1735 = vector.shape_cast %get3A_1734 : vector<1x2048xf32> to vector<1x2048xf32>
    %broadcast_in_dim3A_1736 = vector.broadcast %broadcast_in_dim3A_1735 : vector<1x2048xf32> to vector<8x2048xf32>
    %mul3A_1737 = arith.mulf %get3A_1720, %broadcast_in_dim3A_1736 : vector<8x2048xf32>
    %add3A_1738 = arith.addf %add3A_1717, %mul3A_1737 : vector<8x2048xf32>
    %get3A_1739 = arith.constant 0 : index
    %get3A_1740 = arith.constant 169984 : index
    %get3A_1741 = vector.load %arg2[%get3A_1739, %get3A_1740] : memref<8x262144xf32, #tpu.memory_space<vmem>>, vector<8x2048xf32>
    %get3A_1742 = arith.constant 0 : index
    %get3A_1743 = arith.constant 83 : index
    %get3A_1744 = arith.constant 0 : index
    %get3A_1745 = vector.load %arg1[%get3A_1742, %get3A_1743, %get3A_1744] : memref<2x128x2048xf32, #tpu.memory_space<vmem>>, vector<1x1x2048xf32>
    %get3A_1746 = vector.shape_cast %get3A_1745 : vector<1x1x2048xf32> to vector<1x2048xf32>
    %broadcast_in_dim3A_1747 = vector.shape_cast %get3A_1746 : vector<1x2048xf32> to vector<1x2048xf32>
    %broadcast_in_dim3A_1748 = vector.broadcast %broadcast_in_dim3A_1747 : vector<1x2048xf32> to vector<8x2048xf32>
    %mul3A_1749 = arith.mulf %get3A_1741, %broadcast_in_dim3A_1748 : vector<8x2048xf32>
    %add3A_1750 = arith.addf %add3A_1729, %mul3A_1749 : vector<8x2048xf32>
    %get3A_1751 = arith.constant 1 : index
    %get3A_1752 = arith.constant 83 : index
    %get3A_1753 = arith.constant 0 : index
    %get3A_1754 = vector.load %arg1[%get3A_1751, %get3A_1752, %get3A_1753] : memref<2x128x2048xf32, #tpu.memory_space<vmem>>, vector<1x1x2048xf32>
    %get3A_1755 = vector.shape_cast %get3A_1754 : vector<1x1x2048xf32> to vector<1x2048xf32>
    %broadcast_in_dim3A_1756 = vector.shape_cast %get3A_1755 : vector<1x2048xf32> to vector<1x2048xf32>
    %broadcast_in_dim3A_1757 = vector.broadcast %broadcast_in_dim3A_1756 : vector<1x2048xf32> to vector<8x2048xf32>
    %mul3A_1758 = arith.mulf %get3A_1741, %broadcast_in_dim3A_1757 : vector<8x2048xf32>
    %add3A_1759 = arith.addf %add3A_1738, %mul3A_1758 : vector<8x2048xf32>
    %get3A_1760 = arith.constant 0 : index
    %get3A_1761 = arith.constant 172032 : index
    %get3A_1762 = vector.load %arg2[%get3A_1760, %get3A_1761] : memref<8x262144xf32, #tpu.memory_space<vmem>>, vector<8x2048xf32>
    %get3A_1763 = arith.constant 0 : index
    %get3A_1764 = arith.constant 84 : index
    %get3A_1765 = arith.constant 0 : index
    %get3A_1766 = vector.load %arg1[%get3A_1763, %get3A_1764, %get3A_1765] : memref<2x128x2048xf32, #tpu.memory_space<vmem>>, vector<1x1x2048xf32>
    %get3A_1767 = vector.shape_cast %get3A_1766 : vector<1x1x2048xf32> to vector<1x2048xf32>
    %broadcast_in_dim3A_1768 = vector.shape_cast %get3A_1767 : vector<1x2048xf32> to vector<1x2048xf32>
    %broadcast_in_dim3A_1769 = vector.broadcast %broadcast_in_dim3A_1768 : vector<1x2048xf32> to vector<8x2048xf32>
    %mul3A_1770 = arith.mulf %get3A_1762, %broadcast_in_dim3A_1769 : vector<8x2048xf32>
    %add3A_1771 = arith.addf %add3A_1750, %mul3A_1770 : vector<8x2048xf32>
    %get3A_1772 = arith.constant 1 : index
    %get3A_1773 = arith.constant 84 : index
    %get3A_1774 = arith.constant 0 : index
    %get3A_1775 = vector.load %arg1[%get3A_1772, %get3A_1773, %get3A_1774] : memref<2x128x2048xf32, #tpu.memory_space<vmem>>, vector<1x1x2048xf32>
    %get3A_1776 = vector.shape_cast %get3A_1775 : vector<1x1x2048xf32> to vector<1x2048xf32>
    %broadcast_in_dim3A_1777 = vector.shape_cast %get3A_1776 : vector<1x2048xf32> to vector<1x2048xf32>
    %broadcast_in_dim3A_1778 = vector.broadcast %broadcast_in_dim3A_1777 : vector<1x2048xf32> to vector<8x2048xf32>
    %mul3A_1779 = arith.mulf %get3A_1762, %broadcast_in_dim3A_1778 : vector<8x2048xf32>
    %add3A_1780 = arith.addf %add3A_1759, %mul3A_1779 : vector<8x2048xf32>
    %get3A_1781 = arith.constant 0 : index
    %get3A_1782 = arith.constant 174080 : index
    %get3A_1783 = vector.load %arg2[%get3A_1781, %get3A_1782] : memref<8x262144xf32, #tpu.memory_space<vmem>>, vector<8x2048xf32>
    %get3A_1784 = arith.constant 0 : index
    %get3A_1785 = arith.constant 85 : index
    %get3A_1786 = arith.constant 0 : index
    %get3A_1787 = vector.load %arg1[%get3A_1784, %get3A_1785, %get3A_1786] : memref<2x128x2048xf32, #tpu.memory_space<vmem>>, vector<1x1x2048xf32>
    %get3A_1788 = vector.shape_cast %get3A_1787 : vector<1x1x2048xf32> to vector<1x2048xf32>
    %broadcast_in_dim3A_1789 = vector.shape_cast %get3A_1788 : vector<1x2048xf32> to vector<1x2048xf32>
    %broadcast_in_dim3A_1790 = vector.broadcast %broadcast_in_dim3A_1789 : vector<1x2048xf32> to vector<8x2048xf32>
    %mul3A_1791 = arith.mulf %get3A_1783, %broadcast_in_dim3A_1790 : vector<8x2048xf32>
    %add3A_1792 = arith.addf %add3A_1771, %mul3A_1791 : vector<8x2048xf32>
    %get3A_1793 = arith.constant 1 : index
    %get3A_1794 = arith.constant 85 : index
    %get3A_1795 = arith.constant 0 : index
    %get3A_1796 = vector.load %arg1[%get3A_1793, %get3A_1794, %get3A_1795] : memref<2x128x2048xf32, #tpu.memory_space<vmem>>, vector<1x1x2048xf32>
    %get3A_1797 = vector.shape_cast %get3A_1796 : vector<1x1x2048xf32> to vector<1x2048xf32>
    %broadcast_in_dim3A_1798 = vector.shape_cast %get3A_1797 : vector<1x2048xf32> to vector<1x2048xf32>
    %broadcast_in_dim3A_1799 = vector.broadcast %broadcast_in_dim3A_1798 : vector<1x2048xf32> to vector<8x2048xf32>
    %mul3A_1800 = arith.mulf %get3A_1783, %broadcast_in_dim3A_1799 : vector<8x2048xf32>
    %add3A_1801 = arith.addf %add3A_1780, %mul3A_1800 : vector<8x2048xf32>
    %get3A_1802 = arith.constant 0 : index
    %get3A_1803 = arith.constant 176128 : index
    %get3A_1804 = vector.load %arg2[%get3A_1802, %get3A_1803] : memref<8x262144xf32, #tpu.memory_space<vmem>>, vector<8x2048xf32>
    %get3A_1805 = arith.constant 0 : index
    %get3A_1806 = arith.constant 86 : index
    %get3A_1807 = arith.constant 0 : index
    %get3A_1808 = vector.load %arg1[%get3A_1805, %get3A_1806, %get3A_1807] : memref<2x128x2048xf32, #tpu.memory_space<vmem>>, vector<1x1x2048xf32>
    %get3A_1809 = vector.shape_cast %get3A_1808 : vector<1x1x2048xf32> to vector<1x2048xf32>
    %broadcast_in_dim3A_1810 = vector.shape_cast %get3A_1809 : vector<1x2048xf32> to vector<1x2048xf32>
    %broadcast_in_dim3A_1811 = vector.broadcast %broadcast_in_dim3A_1810 : vector<1x2048xf32> to vector<8x2048xf32>
    %mul3A_1812 = arith.mulf %get3A_1804, %broadcast_in_dim3A_1811 : vector<8x2048xf32>
    %add3A_1813 = arith.addf %add3A_1792, %mul3A_1812 : vector<8x2048xf32>
    %get3A_1814 = arith.constant 1 : index
    %get3A_1815 = arith.constant 86 : index
    %get3A_1816 = arith.constant 0 : index
    %get3A_1817 = vector.load %arg1[%get3A_1814, %get3A_1815, %get3A_1816] : memref<2x128x2048xf32, #tpu.memory_space<vmem>>, vector<1x1x2048xf32>
    %get3A_1818 = vector.shape_cast %get3A_1817 : vector<1x1x2048xf32> to vector<1x2048xf32>
    %broadcast_in_dim3A_1819 = vector.shape_cast %get3A_1818 : vector<1x2048xf32> to vector<1x2048xf32>
    %broadcast_in_dim3A_1820 = vector.broadcast %broadcast_in_dim3A_1819 : vector<1x2048xf32> to vector<8x2048xf32>
    %mul3A_1821 = arith.mulf %get3A_1804, %broadcast_in_dim3A_1820 : vector<8x2048xf32>
    %add3A_1822 = arith.addf %add3A_1801, %mul3A_1821 : vector<8x2048xf32>
    %get3A_1823 = arith.constant 0 : index
    %get3A_1824 = arith.constant 178176 : index
    %get3A_1825 = vector.load %arg2[%get3A_1823, %get3A_1824] : memref<8x262144xf32, #tpu.memory_space<vmem>>, vector<8x2048xf32>
    %get3A_1826 = arith.constant 0 : index
    %get3A_1827 = arith.constant 87 : index
    %get3A_1828 = arith.constant 0 : index
    %get3A_1829 = vector.load %arg1[%get3A_1826, %get3A_1827, %get3A_1828] : memref<2x128x2048xf32, #tpu.memory_space<vmem>>, vector<1x1x2048xf32>
    %get3A_1830 = vector.shape_cast %get3A_1829 : vector<1x1x2048xf32> to vector<1x2048xf32>
    %broadcast_in_dim3A_1831 = vector.shape_cast %get3A_1830 : vector<1x2048xf32> to vector<1x2048xf32>
    %broadcast_in_dim3A_1832 = vector.broadcast %broadcast_in_dim3A_1831 : vector<1x2048xf32> to vector<8x2048xf32>
    %mul3A_1833 = arith.mulf %get3A_1825, %broadcast_in_dim3A_1832 : vector<8x2048xf32>
    %add3A_1834 = arith.addf %add3A_1813, %mul3A_1833 : vector<8x2048xf32>
    %get3A_1835 = arith.constant 1 : index
    %get3A_1836 = arith.constant 87 : index
    %get3A_1837 = arith.constant 0 : index
    %get3A_1838 = vector.load %arg1[%get3A_1835, %get3A_1836, %get3A_1837] : memref<2x128x2048xf32, #tpu.memory_space<vmem>>, vector<1x1x2048xf32>
    %get3A_1839 = vector.shape_cast %get3A_1838 : vector<1x1x2048xf32> to vector<1x2048xf32>
    %broadcast_in_dim3A_1840 = vector.shape_cast %get3A_1839 : vector<1x2048xf32> to vector<1x2048xf32>
    %broadcast_in_dim3A_1841 = vector.broadcast %broadcast_in_dim3A_1840 : vector<1x2048xf32> to vector<8x2048xf32>
    %mul3A_1842 = arith.mulf %get3A_1825, %broadcast_in_dim3A_1841 : vector<8x2048xf32>
    %add3A_1843 = arith.addf %add3A_1822, %mul3A_1842 : vector<8x2048xf32>
    %get3A_1844 = arith.constant 0 : index
    %get3A_1845 = arith.constant 180224 : index
    %get3A_1846 = vector.load %arg2[%get3A_1844, %get3A_1845] : memref<8x262144xf32, #tpu.memory_space<vmem>>, vector<8x2048xf32>
    %get3A_1847 = arith.constant 0 : index
    %get3A_1848 = arith.constant 88 : index
    %get3A_1849 = arith.constant 0 : index
    %get3A_1850 = vector.load %arg1[%get3A_1847, %get3A_1848, %get3A_1849] : memref<2x128x2048xf32, #tpu.memory_space<vmem>>, vector<1x1x2048xf32>
    %get3A_1851 = vector.shape_cast %get3A_1850 : vector<1x1x2048xf32> to vector<1x2048xf32>
    %broadcast_in_dim3A_1852 = vector.shape_cast %get3A_1851 : vector<1x2048xf32> to vector<1x2048xf32>
    %broadcast_in_dim3A_1853 = vector.broadcast %broadcast_in_dim3A_1852 : vector<1x2048xf32> to vector<8x2048xf32>
    %mul3A_1854 = arith.mulf %get3A_1846, %broadcast_in_dim3A_1853 : vector<8x2048xf32>
    %add3A_1855 = arith.addf %add3A_1834, %mul3A_1854 : vector<8x2048xf32>
    %get3A_1856 = arith.constant 1 : index
    %get3A_1857 = arith.constant 88 : index
    %get3A_1858 = arith.constant 0 : index
    %get3A_1859 = vector.load %arg1[%get3A_1856, %get3A_1857, %get3A_1858] : memref<2x128x2048xf32, #tpu.memory_space<vmem>>, vector<1x1x2048xf32>
    %get3A_1860 = vector.shape_cast %get3A_1859 : vector<1x1x2048xf32> to vector<1x2048xf32>
    %broadcast_in_dim3A_1861 = vector.shape_cast %get3A_1860 : vector<1x2048xf32> to vector<1x2048xf32>
    %broadcast_in_dim3A_1862 = vector.broadcast %broadcast_in_dim3A_1861 : vector<1x2048xf32> to vector<8x2048xf32>
    %mul3A_1863 = arith.mulf %get3A_1846, %broadcast_in_dim3A_1862 : vector<8x2048xf32>
    %add3A_1864 = arith.addf %add3A_1843, %mul3A_1863 : vector<8x2048xf32>
    %get3A_1865 = arith.constant 0 : index
    %get3A_1866 = arith.constant 182272 : index
    %get3A_1867 = vector.load %arg2[%get3A_1865, %get3A_1866] : memref<8x262144xf32, #tpu.memory_space<vmem>>, vector<8x2048xf32>
    %get3A_1868 = arith.constant 0 : index
    %get3A_1869 = arith.constant 89 : index
    %get3A_1870 = arith.constant 0 : index
    %get3A_1871 = vector.load %arg1[%get3A_1868, %get3A_1869, %get3A_1870] : memref<2x128x2048xf32, #tpu.memory_space<vmem>>, vector<1x1x2048xf32>
    %get3A_1872 = vector.shape_cast %get3A_1871 : vector<1x1x2048xf32> to vector<1x2048xf32>
    %broadcast_in_dim3A_1873 = vector.shape_cast %get3A_1872 : vector<1x2048xf32> to vector<1x2048xf32>
    %broadcast_in_dim3A_1874 = vector.broadcast %broadcast_in_dim3A_1873 : vector<1x2048xf32> to vector<8x2048xf32>
    %mul3A_1875 = arith.mulf %get3A_1867, %broadcast_in_dim3A_1874 : vector<8x2048xf32>
    %add3A_1876 = arith.addf %add3A_1855, %mul3A_1875 : vector<8x2048xf32>
    %get3A_1877 = arith.constant 1 : index
    %get3A_1878 = arith.constant 89 : index
    %get3A_1879 = arith.constant 0 : index
    %get3A_1880 = vector.load %arg1[%get3A_1877, %get3A_1878, %get3A_1879] : memref<2x128x2048xf32, #tpu.memory_space<vmem>>, vector<1x1x2048xf32>
    %get3A_1881 = vector.shape_cast %get3A_1880 : vector<1x1x2048xf32> to vector<1x2048xf32>
    %broadcast_in_dim3A_1882 = vector.shape_cast %get3A_1881 : vector<1x2048xf32> to vector<1x2048xf32>
    %broadcast_in_dim3A_1883 = vector.broadcast %broadcast_in_dim3A_1882 : vector<1x2048xf32> to vector<8x2048xf32>
    %mul3A_1884 = arith.mulf %get3A_1867, %broadcast_in_dim3A_1883 : vector<8x2048xf32>
    %add3A_1885 = arith.addf %add3A_1864, %mul3A_1884 : vector<8x2048xf32>
    %get3A_1886 = arith.constant 0 : index
    %get3A_1887 = arith.constant 184320 : index
    %get3A_1888 = vector.load %arg2[%get3A_1886, %get3A_1887] : memref<8x262144xf32, #tpu.memory_space<vmem>>, vector<8x2048xf32>
    %get3A_1889 = arith.constant 0 : index
    %get3A_1890 = arith.constant 90 : index
    %get3A_1891 = arith.constant 0 : index
    %get3A_1892 = vector.load %arg1[%get3A_1889, %get3A_1890, %get3A_1891] : memref<2x128x2048xf32, #tpu.memory_space<vmem>>, vector<1x1x2048xf32>
    %get3A_1893 = vector.shape_cast %get3A_1892 : vector<1x1x2048xf32> to vector<1x2048xf32>
    %broadcast_in_dim3A_1894 = vector.shape_cast %get3A_1893 : vector<1x2048xf32> to vector<1x2048xf32>
    %broadcast_in_dim3A_1895 = vector.broadcast %broadcast_in_dim3A_1894 : vector<1x2048xf32> to vector<8x2048xf32>
    %mul3A_1896 = arith.mulf %get3A_1888, %broadcast_in_dim3A_1895 : vector<8x2048xf32>
    %add3A_1897 = arith.addf %add3A_1876, %mul3A_1896 : vector<8x2048xf32>
    %get3A_1898 = arith.constant 1 : index
    %get3A_1899 = arith.constant 90 : index
    %get3A_1900 = arith.constant 0 : index
    %get3A_1901 = vector.load %arg1[%get3A_1898, %get3A_1899, %get3A_1900] : memref<2x128x2048xf32, #tpu.memory_space<vmem>>, vector<1x1x2048xf32>
    %get3A_1902 = vector.shape_cast %get3A_1901 : vector<1x1x2048xf32> to vector<1x2048xf32>
    %broadcast_in_dim3A_1903 = vector.shape_cast %get3A_1902 : vector<1x2048xf32> to vector<1x2048xf32>
    %broadcast_in_dim3A_1904 = vector.broadcast %broadcast_in_dim3A_1903 : vector<1x2048xf32> to vector<8x2048xf32>
    %mul3A_1905 = arith.mulf %get3A_1888, %broadcast_in_dim3A_1904 : vector<8x2048xf32>
    %add3A_1906 = arith.addf %add3A_1885, %mul3A_1905 : vector<8x2048xf32>
    %get3A_1907 = arith.constant 0 : index
    %get3A_1908 = arith.constant 186368 : index
    %get3A_1909 = vector.load %arg2[%get3A_1907, %get3A_1908] : memref<8x262144xf32, #tpu.memory_space<vmem>>, vector<8x2048xf32>
    %get3A_1910 = arith.constant 0 : index
    %get3A_1911 = arith.constant 91 : index
    %get3A_1912 = arith.constant 0 : index
    %get3A_1913 = vector.load %arg1[%get3A_1910, %get3A_1911, %get3A_1912] : memref<2x128x2048xf32, #tpu.memory_space<vmem>>, vector<1x1x2048xf32>
    %get3A_1914 = vector.shape_cast %get3A_1913 : vector<1x1x2048xf32> to vector<1x2048xf32>
    %broadcast_in_dim3A_1915 = vector.shape_cast %get3A_1914 : vector<1x2048xf32> to vector<1x2048xf32>
    %broadcast_in_dim3A_1916 = vector.broadcast %broadcast_in_dim3A_1915 : vector<1x2048xf32> to vector<8x2048xf32>
    %mul3A_1917 = arith.mulf %get3A_1909, %broadcast_in_dim3A_1916 : vector<8x2048xf32>
    %add3A_1918 = arith.addf %add3A_1897, %mul3A_1917 : vector<8x2048xf32>
    %get3A_1919 = arith.constant 1 : index
    %get3A_1920 = arith.constant 91 : index
    %get3A_1921 = arith.constant 0 : index
    %get3A_1922 = vector.load %arg1[%get3A_1919, %get3A_1920, %get3A_1921] : memref<2x128x2048xf32, #tpu.memory_space<vmem>>, vector<1x1x2048xf32>
    %get3A_1923 = vector.shape_cast %get3A_1922 : vector<1x1x2048xf32> to vector<1x2048xf32>
    %broadcast_in_dim3A_1924 = vector.shape_cast %get3A_1923 : vector<1x2048xf32> to vector<1x2048xf32>
    %broadcast_in_dim3A_1925 = vector.broadcast %broadcast_in_dim3A_1924 : vector<1x2048xf32> to vector<8x2048xf32>
    %mul3A_1926 = arith.mulf %get3A_1909, %broadcast_in_dim3A_1925 : vector<8x2048xf32>
    %add3A_1927 = arith.addf %add3A_1906, %mul3A_1926 : vector<8x2048xf32>
    %get3A_1928 = arith.constant 0 : index
    %get3A_1929 = arith.constant 188416 : index
    %get3A_1930 = vector.load %arg2[%get3A_1928, %get3A_1929] : memref<8x262144xf32, #tpu.memory_space<vmem>>, vector<8x2048xf32>
    %get3A_1931 = arith.constant 0 : index
    %get3A_1932 = arith.constant 92 : index
    %get3A_1933 = arith.constant 0 : index
    %get3A_1934 = vector.load %arg1[%get3A_1931, %get3A_1932, %get3A_1933] : memref<2x128x2048xf32, #tpu.memory_space<vmem>>, vector<1x1x2048xf32>
    %get3A_1935 = vector.shape_cast %get3A_1934 : vector<1x1x2048xf32> to vector<1x2048xf32>
    %broadcast_in_dim3A_1936 = vector.shape_cast %get3A_1935 : vector<1x2048xf32> to vector<1x2048xf32>
    %broadcast_in_dim3A_1937 = vector.broadcast %broadcast_in_dim3A_1936 : vector<1x2048xf32> to vector<8x2048xf32>
    %mul3A_1938 = arith.mulf %get3A_1930, %broadcast_in_dim3A_1937 : vector<8x2048xf32>
    %add3A_1939 = arith.addf %add3A_1918, %mul3A_1938 : vector<8x2048xf32>
    %get3A_1940 = arith.constant 1 : index
    %get3A_1941 = arith.constant 92 : index
    %get3A_1942 = arith.constant 0 : index
    %get3A_1943 = vector.load %arg1[%get3A_1940, %get3A_1941, %get3A_1942] : memref<2x128x2048xf32, #tpu.memory_space<vmem>>, vector<1x1x2048xf32>
    %get3A_1944 = vector.shape_cast %get3A_1943 : vector<1x1x2048xf32> to vector<1x2048xf32>
    %broadcast_in_dim3A_1945 = vector.shape_cast %get3A_1944 : vector<1x2048xf32> to vector<1x2048xf32>
    %broadcast_in_dim3A_1946 = vector.broadcast %broadcast_in_dim3A_1945 : vector<1x2048xf32> to vector<8x2048xf32>
    %mul3A_1947 = arith.mulf %get3A_1930, %broadcast_in_dim3A_1946 : vector<8x2048xf32>
    %add3A_1948 = arith.addf %add3A_1927, %mul3A_1947 : vector<8x2048xf32>
    %get3A_1949 = arith.constant 0 : index
    %get3A_1950 = arith.constant 190464 : index
    %get3A_1951 = vector.load %arg2[%get3A_1949, %get3A_1950] : memref<8x262144xf32, #tpu.memory_space<vmem>>, vector<8x2048xf32>
    %get3A_1952 = arith.constant 0 : index
    %get3A_1953 = arith.constant 93 : index
    %get3A_1954 = arith.constant 0 : index
    %get3A_1955 = vector.load %arg1[%get3A_1952, %get3A_1953, %get3A_1954] : memref<2x128x2048xf32, #tpu.memory_space<vmem>>, vector<1x1x2048xf32>
    %get3A_1956 = vector.shape_cast %get3A_1955 : vector<1x1x2048xf32> to vector<1x2048xf32>
    %broadcast_in_dim3A_1957 = vector.shape_cast %get3A_1956 : vector<1x2048xf32> to vector<1x2048xf32>
    %broadcast_in_dim3A_1958 = vector.broadcast %broadcast_in_dim3A_1957 : vector<1x2048xf32> to vector<8x2048xf32>
    %mul3A_1959 = arith.mulf %get3A_1951, %broadcast_in_dim3A_1958 : vector<8x2048xf32>
    %add3A_1960 = arith.addf %add3A_1939, %mul3A_1959 : vector<8x2048xf32>
    %get3A_1961 = arith.constant 1 : index
    %get3A_1962 = arith.constant 93 : index
    %get3A_1963 = arith.constant 0 : index
    %get3A_1964 = vector.load %arg1[%get3A_1961, %get3A_1962, %get3A_1963] : memref<2x128x2048xf32, #tpu.memory_space<vmem>>, vector<1x1x2048xf32>
    %get3A_1965 = vector.shape_cast %get3A_1964 : vector<1x1x2048xf32> to vector<1x2048xf32>
    %broadcast_in_dim3A_1966 = vector.shape_cast %get3A_1965 : vector<1x2048xf32> to vector<1x2048xf32>
    %broadcast_in_dim3A_1967 = vector.broadcast %broadcast_in_dim3A_1966 : vector<1x2048xf32> to vector<8x2048xf32>
    %mul3A_1968 = arith.mulf %get3A_1951, %broadcast_in_dim3A_1967 : vector<8x2048xf32>
    %add3A_1969 = arith.addf %add3A_1948, %mul3A_1968 : vector<8x2048xf32>
    %get3A_1970 = arith.constant 0 : index
    %get3A_1971 = arith.constant 192512 : index
    %get3A_1972 = vector.load %arg2[%get3A_1970, %get3A_1971] : memref<8x262144xf32, #tpu.memory_space<vmem>>, vector<8x2048xf32>
    %get3A_1973 = arith.constant 0 : index
    %get3A_1974 = arith.constant 94 : index
    %get3A_1975 = arith.constant 0 : index
    %get3A_1976 = vector.load %arg1[%get3A_1973, %get3A_1974, %get3A_1975] : memref<2x128x2048xf32, #tpu.memory_space<vmem>>, vector<1x1x2048xf32>
    %get3A_1977 = vector.shape_cast %get3A_1976 : vector<1x1x2048xf32> to vector<1x2048xf32>
    %broadcast_in_dim3A_1978 = vector.shape_cast %get3A_1977 : vector<1x2048xf32> to vector<1x2048xf32>
    %broadcast_in_dim3A_1979 = vector.broadcast %broadcast_in_dim3A_1978 : vector<1x2048xf32> to vector<8x2048xf32>
    %mul3A_1980 = arith.mulf %get3A_1972, %broadcast_in_dim3A_1979 : vector<8x2048xf32>
    %add3A_1981 = arith.addf %add3A_1960, %mul3A_1980 : vector<8x2048xf32>
    %get3A_1982 = arith.constant 1 : index
    %get3A_1983 = arith.constant 94 : index
    %get3A_1984 = arith.constant 0 : index
    %get3A_1985 = vector.load %arg1[%get3A_1982, %get3A_1983, %get3A_1984] : memref<2x128x2048xf32, #tpu.memory_space<vmem>>, vector<1x1x2048xf32>
    %get3A_1986 = vector.shape_cast %get3A_1985 : vector<1x1x2048xf32> to vector<1x2048xf32>
    %broadcast_in_dim3A_1987 = vector.shape_cast %get3A_1986 : vector<1x2048xf32> to vector<1x2048xf32>
    %broadcast_in_dim3A_1988 = vector.broadcast %broadcast_in_dim3A_1987 : vector<1x2048xf32> to vector<8x2048xf32>
    %mul3A_1989 = arith.mulf %get3A_1972, %broadcast_in_dim3A_1988 : vector<8x2048xf32>
    %add3A_1990 = arith.addf %add3A_1969, %mul3A_1989 : vector<8x2048xf32>
    %get3A_1991 = arith.constant 0 : index
    %get3A_1992 = arith.constant 194560 : index
    %get3A_1993 = vector.load %arg2[%get3A_1991, %get3A_1992] : memref<8x262144xf32, #tpu.memory_space<vmem>>, vector<8x2048xf32>
    %get3A_1994 = arith.constant 0 : index
    %get3A_1995 = arith.constant 95 : index
    %get3A_1996 = arith.constant 0 : index
    %get3A_1997 = vector.load %arg1[%get3A_1994, %get3A_1995, %get3A_1996] : memref<2x128x2048xf32, #tpu.memory_space<vmem>>, vector<1x1x2048xf32>
    %get3A_1998 = vector.shape_cast %get3A_1997 : vector<1x1x2048xf32> to vector<1x2048xf32>
    %broadcast_in_dim3A_1999 = vector.shape_cast %get3A_1998 : vector<1x2048xf32> to vector<1x2048xf32>
    %broadcast_in_dim3A_2000 = vector.broadcast %broadcast_in_dim3A_1999 : vector<1x2048xf32> to vector<8x2048xf32>
    %mul3A_2001 = arith.mulf %get3A_1993, %broadcast_in_dim3A_2000 : vector<8x2048xf32>
    %add3A_2002 = arith.addf %add3A_1981, %mul3A_2001 : vector<8x2048xf32>
    %get3A_2003 = arith.constant 1 : index
    %get3A_2004 = arith.constant 95 : index
    %get3A_2005 = arith.constant 0 : index
    %get3A_2006 = vector.load %arg1[%get3A_2003, %get3A_2004, %get3A_2005] : memref<2x128x2048xf32, #tpu.memory_space<vmem>>, vector<1x1x2048xf32>
    %get3A_2007 = vector.shape_cast %get3A_2006 : vector<1x1x2048xf32> to vector<1x2048xf32>
    %broadcast_in_dim3A_2008 = vector.shape_cast %get3A_2007 : vector<1x2048xf32> to vector<1x2048xf32>
    %broadcast_in_dim3A_2009 = vector.broadcast %broadcast_in_dim3A_2008 : vector<1x2048xf32> to vector<8x2048xf32>
    %mul3A_2010 = arith.mulf %get3A_1993, %broadcast_in_dim3A_2009 : vector<8x2048xf32>
    %add3A_2011 = arith.addf %add3A_1990, %mul3A_2010 : vector<8x2048xf32>
    %get3A_2012 = arith.constant 0 : index
    %get3A_2013 = arith.constant 196608 : index
    %get3A_2014 = vector.load %arg2[%get3A_2012, %get3A_2013] : memref<8x262144xf32, #tpu.memory_space<vmem>>, vector<8x2048xf32>
    %get3A_2015 = arith.constant 0 : index
    %get3A_2016 = arith.constant 96 : index
    %get3A_2017 = arith.constant 0 : index
    %get3A_2018 = vector.load %arg1[%get3A_2015, %get3A_2016, %get3A_2017] : memref<2x128x2048xf32, #tpu.memory_space<vmem>>, vector<1x1x2048xf32>
    %get3A_2019 = vector.shape_cast %get3A_2018 : vector<1x1x2048xf32> to vector<1x2048xf32>
    %broadcast_in_dim3A_2020 = vector.shape_cast %get3A_2019 : vector<1x2048xf32> to vector<1x2048xf32>
    %broadcast_in_dim3A_2021 = vector.broadcast %broadcast_in_dim3A_2020 : vector<1x2048xf32> to vector<8x2048xf32>
    %mul3A_2022 = arith.mulf %get3A_2014, %broadcast_in_dim3A_2021 : vector<8x2048xf32>
    %add3A_2023 = arith.addf %add3A_2002, %mul3A_2022 : vector<8x2048xf32>
    %get3A_2024 = arith.constant 1 : index
    %get3A_2025 = arith.constant 96 : index
    %get3A_2026 = arith.constant 0 : index
    %get3A_2027 = vector.load %arg1[%get3A_2024, %get3A_2025, %get3A_2026] : memref<2x128x2048xf32, #tpu.memory_space<vmem>>, vector<1x1x2048xf32>
    %get3A_2028 = vector.shape_cast %get3A_2027 : vector<1x1x2048xf32> to vector<1x2048xf32>
    %broadcast_in_dim3A_2029 = vector.shape_cast %get3A_2028 : vector<1x2048xf32> to vector<1x2048xf32>
    %broadcast_in_dim3A_2030 = vector.broadcast %broadcast_in_dim3A_2029 : vector<1x2048xf32> to vector<8x2048xf32>
    %mul3A_2031 = arith.mulf %get3A_2014, %broadcast_in_dim3A_2030 : vector<8x2048xf32>
    %add3A_2032 = arith.addf %add3A_2011, %mul3A_2031 : vector<8x2048xf32>
    %get3A_2033 = arith.constant 0 : index
    %get3A_2034 = arith.constant 198656 : index
    %get3A_2035 = vector.load %arg2[%get3A_2033, %get3A_2034] : memref<8x262144xf32, #tpu.memory_space<vmem>>, vector<8x2048xf32>
    %get3A_2036 = arith.constant 0 : index
    %get3A_2037 = arith.constant 97 : index
    %get3A_2038 = arith.constant 0 : index
    %get3A_2039 = vector.load %arg1[%get3A_2036, %get3A_2037, %get3A_2038] : memref<2x128x2048xf32, #tpu.memory_space<vmem>>, vector<1x1x2048xf32>
    %get3A_2040 = vector.shape_cast %get3A_2039 : vector<1x1x2048xf32> to vector<1x2048xf32>
    %broadcast_in_dim3A_2041 = vector.shape_cast %get3A_2040 : vector<1x2048xf32> to vector<1x2048xf32>
    %broadcast_in_dim3A_2042 = vector.broadcast %broadcast_in_dim3A_2041 : vector<1x2048xf32> to vector<8x2048xf32>
    %mul3A_2043 = arith.mulf %get3A_2035, %broadcast_in_dim3A_2042 : vector<8x2048xf32>
    %add3A_2044 = arith.addf %add3A_2023, %mul3A_2043 : vector<8x2048xf32>
    %get3A_2045 = arith.constant 1 : index
    %get3A_2046 = arith.constant 97 : index
    %get3A_2047 = arith.constant 0 : index
    %get3A_2048 = vector.load %arg1[%get3A_2045, %get3A_2046, %get3A_2047] : memref<2x128x2048xf32, #tpu.memory_space<vmem>>, vector<1x1x2048xf32>
    %get3A_2049 = vector.shape_cast %get3A_2048 : vector<1x1x2048xf32> to vector<1x2048xf32>
    %broadcast_in_dim3A_2050 = vector.shape_cast %get3A_2049 : vector<1x2048xf32> to vector<1x2048xf32>
    %broadcast_in_dim3A_2051 = vector.broadcast %broadcast_in_dim3A_2050 : vector<1x2048xf32> to vector<8x2048xf32>
    %mul3A_2052 = arith.mulf %get3A_2035, %broadcast_in_dim3A_2051 : vector<8x2048xf32>
    %add3A_2053 = arith.addf %add3A_2032, %mul3A_2052 : vector<8x2048xf32>
    %get3A_2054 = arith.constant 0 : index
    %get3A_2055 = arith.constant 200704 : index
    %get3A_2056 = vector.load %arg2[%get3A_2054, %get3A_2055] : memref<8x262144xf32, #tpu.memory_space<vmem>>, vector<8x2048xf32>
    %get3A_2057 = arith.constant 0 : index
    %get3A_2058 = arith.constant 98 : index
    %get3A_2059 = arith.constant 0 : index
    %get3A_2060 = vector.load %arg1[%get3A_2057, %get3A_2058, %get3A_2059] : memref<2x128x2048xf32, #tpu.memory_space<vmem>>, vector<1x1x2048xf32>
    %get3A_2061 = vector.shape_cast %get3A_2060 : vector<1x1x2048xf32> to vector<1x2048xf32>
    %broadcast_in_dim3A_2062 = vector.shape_cast %get3A_2061 : vector<1x2048xf32> to vector<1x2048xf32>
    %broadcast_in_dim3A_2063 = vector.broadcast %broadcast_in_dim3A_2062 : vector<1x2048xf32> to vector<8x2048xf32>
    %mul3A_2064 = arith.mulf %get3A_2056, %broadcast_in_dim3A_2063 : vector<8x2048xf32>
    %add3A_2065 = arith.addf %add3A_2044, %mul3A_2064 : vector<8x2048xf32>
    %get3A_2066 = arith.constant 1 : index
    %get3A_2067 = arith.constant 98 : index
    %get3A_2068 = arith.constant 0 : index
    %get3A_2069 = vector.load %arg1[%get3A_2066, %get3A_2067, %get3A_2068] : memref<2x128x2048xf32, #tpu.memory_space<vmem>>, vector<1x1x2048xf32>
    %get3A_2070 = vector.shape_cast %get3A_2069 : vector<1x1x2048xf32> to vector<1x2048xf32>
    %broadcast_in_dim3A_2071 = vector.shape_cast %get3A_2070 : vector<1x2048xf32> to vector<1x2048xf32>
    %broadcast_in_dim3A_2072 = vector.broadcast %broadcast_in_dim3A_2071 : vector<1x2048xf32> to vector<8x2048xf32>
    %mul3A_2073 = arith.mulf %get3A_2056, %broadcast_in_dim3A_2072 : vector<8x2048xf32>
    %add3A_2074 = arith.addf %add3A_2053, %mul3A_2073 : vector<8x2048xf32>
    %get3A_2075 = arith.constant 0 : index
    %get3A_2076 = arith.constant 202752 : index
    %get3A_2077 = vector.load %arg2[%get3A_2075, %get3A_2076] : memref<8x262144xf32, #tpu.memory_space<vmem>>, vector<8x2048xf32>
    %get3A_2078 = arith.constant 0 : index
    %get3A_2079 = arith.constant 99 : index
    %get3A_2080 = arith.constant 0 : index
    %get3A_2081 = vector.load %arg1[%get3A_2078, %get3A_2079, %get3A_2080] : memref<2x128x2048xf32, #tpu.memory_space<vmem>>, vector<1x1x2048xf32>
    %get3A_2082 = vector.shape_cast %get3A_2081 : vector<1x1x2048xf32> to vector<1x2048xf32>
    %broadcast_in_dim3A_2083 = vector.shape_cast %get3A_2082 : vector<1x2048xf32> to vector<1x2048xf32>
    %broadcast_in_dim3A_2084 = vector.broadcast %broadcast_in_dim3A_2083 : vector<1x2048xf32> to vector<8x2048xf32>
    %mul3A_2085 = arith.mulf %get3A_2077, %broadcast_in_dim3A_2084 : vector<8x2048xf32>
    %add3A_2086 = arith.addf %add3A_2065, %mul3A_2085 : vector<8x2048xf32>
    %get3A_2087 = arith.constant 1 : index
    %get3A_2088 = arith.constant 99 : index
    %get3A_2089 = arith.constant 0 : index
    %get3A_2090 = vector.load %arg1[%get3A_2087, %get3A_2088, %get3A_2089] : memref<2x128x2048xf32, #tpu.memory_space<vmem>>, vector<1x1x2048xf32>
    %get3A_2091 = vector.shape_cast %get3A_2090 : vector<1x1x2048xf32> to vector<1x2048xf32>
    %broadcast_in_dim3A_2092 = vector.shape_cast %get3A_2091 : vector<1x2048xf32> to vector<1x2048xf32>
    %broadcast_in_dim3A_2093 = vector.broadcast %broadcast_in_dim3A_2092 : vector<1x2048xf32> to vector<8x2048xf32>
    %mul3A_2094 = arith.mulf %get3A_2077, %broadcast_in_dim3A_2093 : vector<8x2048xf32>
    %add3A_2095 = arith.addf %add3A_2074, %mul3A_2094 : vector<8x2048xf32>
    %get3A_2096 = arith.constant 0 : index
    %get3A_2097 = arith.constant 204800 : index
    %get3A_2098 = vector.load %arg2[%get3A_2096, %get3A_2097] : memref<8x262144xf32, #tpu.memory_space<vmem>>, vector<8x2048xf32>
    %get3A_2099 = arith.constant 0 : index
    %get3A_2100 = arith.constant 100 : index
    %get3A_2101 = arith.constant 0 : index
    %get3A_2102 = vector.load %arg1[%get3A_2099, %get3A_2100, %get3A_2101] : memref<2x128x2048xf32, #tpu.memory_space<vmem>>, vector<1x1x2048xf32>
    %get3A_2103 = vector.shape_cast %get3A_2102 : vector<1x1x2048xf32> to vector<1x2048xf32>
    %broadcast_in_dim3A_2104 = vector.shape_cast %get3A_2103 : vector<1x2048xf32> to vector<1x2048xf32>
    %broadcast_in_dim3A_2105 = vector.broadcast %broadcast_in_dim3A_2104 : vector<1x2048xf32> to vector<8x2048xf32>
    %mul3A_2106 = arith.mulf %get3A_2098, %broadcast_in_dim3A_2105 : vector<8x2048xf32>
    %add3A_2107 = arith.addf %add3A_2086, %mul3A_2106 : vector<8x2048xf32>
    %get3A_2108 = arith.constant 1 : index
    %get3A_2109 = arith.constant 100 : index
    %get3A_2110 = arith.constant 0 : index
    %get3A_2111 = vector.load %arg1[%get3A_2108, %get3A_2109, %get3A_2110] : memref<2x128x2048xf32, #tpu.memory_space<vmem>>, vector<1x1x2048xf32>
    %get3A_2112 = vector.shape_cast %get3A_2111 : vector<1x1x2048xf32> to vector<1x2048xf32>
    %broadcast_in_dim3A_2113 = vector.shape_cast %get3A_2112 : vector<1x2048xf32> to vector<1x2048xf32>
    %broadcast_in_dim3A_2114 = vector.broadcast %broadcast_in_dim3A_2113 : vector<1x2048xf32> to vector<8x2048xf32>
    %mul3A_2115 = arith.mulf %get3A_2098, %broadcast_in_dim3A_2114 : vector<8x2048xf32>
    %add3A_2116 = arith.addf %add3A_2095, %mul3A_2115 : vector<8x2048xf32>
    %get3A_2117 = arith.constant 0 : index
    %get3A_2118 = arith.constant 206848 : index
    %get3A_2119 = vector.load %arg2[%get3A_2117, %get3A_2118] : memref<8x262144xf32, #tpu.memory_space<vmem>>, vector<8x2048xf32>
    %get3A_2120 = arith.constant 0 : index
    %get3A_2121 = arith.constant 101 : index
    %get3A_2122 = arith.constant 0 : index
    %get3A_2123 = vector.load %arg1[%get3A_2120, %get3A_2121, %get3A_2122] : memref<2x128x2048xf32, #tpu.memory_space<vmem>>, vector<1x1x2048xf32>
    %get3A_2124 = vector.shape_cast %get3A_2123 : vector<1x1x2048xf32> to vector<1x2048xf32>
    %broadcast_in_dim3A_2125 = vector.shape_cast %get3A_2124 : vector<1x2048xf32> to vector<1x2048xf32>
    %broadcast_in_dim3A_2126 = vector.broadcast %broadcast_in_dim3A_2125 : vector<1x2048xf32> to vector<8x2048xf32>
    %mul3A_2127 = arith.mulf %get3A_2119, %broadcast_in_dim3A_2126 : vector<8x2048xf32>
    %add3A_2128 = arith.addf %add3A_2107, %mul3A_2127 : vector<8x2048xf32>
    %get3A_2129 = arith.constant 1 : index
    %get3A_2130 = arith.constant 101 : index
    %get3A_2131 = arith.constant 0 : index
    %get3A_2132 = vector.load %arg1[%get3A_2129, %get3A_2130, %get3A_2131] : memref<2x128x2048xf32, #tpu.memory_space<vmem>>, vector<1x1x2048xf32>
    %get3A_2133 = vector.shape_cast %get3A_2132 : vector<1x1x2048xf32> to vector<1x2048xf32>
    %broadcast_in_dim3A_2134 = vector.shape_cast %get3A_2133 : vector<1x2048xf32> to vector<1x2048xf32>
    %broadcast_in_dim3A_2135 = vector.broadcast %broadcast_in_dim3A_2134 : vector<1x2048xf32> to vector<8x2048xf32>
    %mul3A_2136 = arith.mulf %get3A_2119, %broadcast_in_dim3A_2135 : vector<8x2048xf32>
    %add3A_2137 = arith.addf %add3A_2116, %mul3A_2136 : vector<8x2048xf32>
    %get3A_2138 = arith.constant 0 : index
    %get3A_2139 = arith.constant 208896 : index
    %get3A_2140 = vector.load %arg2[%get3A_2138, %get3A_2139] : memref<8x262144xf32, #tpu.memory_space<vmem>>, vector<8x2048xf32>
    %get3A_2141 = arith.constant 0 : index
    %get3A_2142 = arith.constant 102 : index
    %get3A_2143 = arith.constant 0 : index
    %get3A_2144 = vector.load %arg1[%get3A_2141, %get3A_2142, %get3A_2143] : memref<2x128x2048xf32, #tpu.memory_space<vmem>>, vector<1x1x2048xf32>
    %get3A_2145 = vector.shape_cast %get3A_2144 : vector<1x1x2048xf32> to vector<1x2048xf32>
    %broadcast_in_dim3A_2146 = vector.shape_cast %get3A_2145 : vector<1x2048xf32> to vector<1x2048xf32>
    %broadcast_in_dim3A_2147 = vector.broadcast %broadcast_in_dim3A_2146 : vector<1x2048xf32> to vector<8x2048xf32>
    %mul3A_2148 = arith.mulf %get3A_2140, %broadcast_in_dim3A_2147 : vector<8x2048xf32>
    %add3A_2149 = arith.addf %add3A_2128, %mul3A_2148 : vector<8x2048xf32>
    %get3A_2150 = arith.constant 1 : index
    %get3A_2151 = arith.constant 102 : index
    %get3A_2152 = arith.constant 0 : index
    %get3A_2153 = vector.load %arg1[%get3A_2150, %get3A_2151, %get3A_2152] : memref<2x128x2048xf32, #tpu.memory_space<vmem>>, vector<1x1x2048xf32>
    %get3A_2154 = vector.shape_cast %get3A_2153 : vector<1x1x2048xf32> to vector<1x2048xf32>
    %broadcast_in_dim3A_2155 = vector.shape_cast %get3A_2154 : vector<1x2048xf32> to vector<1x2048xf32>
    %broadcast_in_dim3A_2156 = vector.broadcast %broadcast_in_dim3A_2155 : vector<1x2048xf32> to vector<8x2048xf32>
    %mul3A_2157 = arith.mulf %get3A_2140, %broadcast_in_dim3A_2156 : vector<8x2048xf32>
    %add3A_2158 = arith.addf %add3A_2137, %mul3A_2157 : vector<8x2048xf32>
    %get3A_2159 = arith.constant 0 : index
    %get3A_2160 = arith.constant 210944 : index
    %get3A_2161 = vector.load %arg2[%get3A_2159, %get3A_2160] : memref<8x262144xf32, #tpu.memory_space<vmem>>, vector<8x2048xf32>
    %get3A_2162 = arith.constant 0 : index
    %get3A_2163 = arith.constant 103 : index
    %get3A_2164 = arith.constant 0 : index
    %get3A_2165 = vector.load %arg1[%get3A_2162, %get3A_2163, %get3A_2164] : memref<2x128x2048xf32, #tpu.memory_space<vmem>>, vector<1x1x2048xf32>
    %get3A_2166 = vector.shape_cast %get3A_2165 : vector<1x1x2048xf32> to vector<1x2048xf32>
    %broadcast_in_dim3A_2167 = vector.shape_cast %get3A_2166 : vector<1x2048xf32> to vector<1x2048xf32>
    %broadcast_in_dim3A_2168 = vector.broadcast %broadcast_in_dim3A_2167 : vector<1x2048xf32> to vector<8x2048xf32>
    %mul3A_2169 = arith.mulf %get3A_2161, %broadcast_in_dim3A_2168 : vector<8x2048xf32>
    %add3A_2170 = arith.addf %add3A_2149, %mul3A_2169 : vector<8x2048xf32>
    %get3A_2171 = arith.constant 1 : index
    %get3A_2172 = arith.constant 103 : index
    %get3A_2173 = arith.constant 0 : index
    %get3A_2174 = vector.load %arg1[%get3A_2171, %get3A_2172, %get3A_2173] : memref<2x128x2048xf32, #tpu.memory_space<vmem>>, vector<1x1x2048xf32>
    %get3A_2175 = vector.shape_cast %get3A_2174 : vector<1x1x2048xf32> to vector<1x2048xf32>
    %broadcast_in_dim3A_2176 = vector.shape_cast %get3A_2175 : vector<1x2048xf32> to vector<1x2048xf32>
    %broadcast_in_dim3A_2177 = vector.broadcast %broadcast_in_dim3A_2176 : vector<1x2048xf32> to vector<8x2048xf32>
    %mul3A_2178 = arith.mulf %get3A_2161, %broadcast_in_dim3A_2177 : vector<8x2048xf32>
    %add3A_2179 = arith.addf %add3A_2158, %mul3A_2178 : vector<8x2048xf32>
    %get3A_2180 = arith.constant 0 : index
    %get3A_2181 = arith.constant 212992 : index
    %get3A_2182 = vector.load %arg2[%get3A_2180, %get3A_2181] : memref<8x262144xf32, #tpu.memory_space<vmem>>, vector<8x2048xf32>
    %get3A_2183 = arith.constant 0 : index
    %get3A_2184 = arith.constant 104 : index
    %get3A_2185 = arith.constant 0 : index
    %get3A_2186 = vector.load %arg1[%get3A_2183, %get3A_2184, %get3A_2185] : memref<2x128x2048xf32, #tpu.memory_space<vmem>>, vector<1x1x2048xf32>
    %get3A_2187 = vector.shape_cast %get3A_2186 : vector<1x1x2048xf32> to vector<1x2048xf32>
    %broadcast_in_dim3A_2188 = vector.shape_cast %get3A_2187 : vector<1x2048xf32> to vector<1x2048xf32>
    %broadcast_in_dim3A_2189 = vector.broadcast %broadcast_in_dim3A_2188 : vector<1x2048xf32> to vector<8x2048xf32>
    %mul3A_2190 = arith.mulf %get3A_2182, %broadcast_in_dim3A_2189 : vector<8x2048xf32>
    %add3A_2191 = arith.addf %add3A_2170, %mul3A_2190 : vector<8x2048xf32>
    %get3A_2192 = arith.constant 1 : index
    %get3A_2193 = arith.constant 104 : index
    %get3A_2194 = arith.constant 0 : index
    %get3A_2195 = vector.load %arg1[%get3A_2192, %get3A_2193, %get3A_2194] : memref<2x128x2048xf32, #tpu.memory_space<vmem>>, vector<1x1x2048xf32>
    %get3A_2196 = vector.shape_cast %get3A_2195 : vector<1x1x2048xf32> to vector<1x2048xf32>
    %broadcast_in_dim3A_2197 = vector.shape_cast %get3A_2196 : vector<1x2048xf32> to vector<1x2048xf32>
    %broadcast_in_dim3A_2198 = vector.broadcast %broadcast_in_dim3A_2197 : vector<1x2048xf32> to vector<8x2048xf32>
    %mul3A_2199 = arith.mulf %get3A_2182, %broadcast_in_dim3A_2198 : vector<8x2048xf32>
    %add3A_2200 = arith.addf %add3A_2179, %mul3A_2199 : vector<8x2048xf32>
    %get3A_2201 = arith.constant 0 : index
    %get3A_2202 = arith.constant 215040 : index
    %get3A_2203 = vector.load %arg2[%get3A_2201, %get3A_2202] : memref<8x262144xf32, #tpu.memory_space<vmem>>, vector<8x2048xf32>
    %get3A_2204 = arith.constant 0 : index
    %get3A_2205 = arith.constant 105 : index
    %get3A_2206 = arith.constant 0 : index
    %get3A_2207 = vector.load %arg1[%get3A_2204, %get3A_2205, %get3A_2206] : memref<2x128x2048xf32, #tpu.memory_space<vmem>>, vector<1x1x2048xf32>
    %get3A_2208 = vector.shape_cast %get3A_2207 : vector<1x1x2048xf32> to vector<1x2048xf32>
    %broadcast_in_dim3A_2209 = vector.shape_cast %get3A_2208 : vector<1x2048xf32> to vector<1x2048xf32>
    %broadcast_in_dim3A_2210 = vector.broadcast %broadcast_in_dim3A_2209 : vector<1x2048xf32> to vector<8x2048xf32>
    %mul3A_2211 = arith.mulf %get3A_2203, %broadcast_in_dim3A_2210 : vector<8x2048xf32>
    %add3A_2212 = arith.addf %add3A_2191, %mul3A_2211 : vector<8x2048xf32>
    %get3A_2213 = arith.constant 1 : index
    %get3A_2214 = arith.constant 105 : index
    %get3A_2215 = arith.constant 0 : index
    %get3A_2216 = vector.load %arg1[%get3A_2213, %get3A_2214, %get3A_2215] : memref<2x128x2048xf32, #tpu.memory_space<vmem>>, vector<1x1x2048xf32>
    %get3A_2217 = vector.shape_cast %get3A_2216 : vector<1x1x2048xf32> to vector<1x2048xf32>
    %broadcast_in_dim3A_2218 = vector.shape_cast %get3A_2217 : vector<1x2048xf32> to vector<1x2048xf32>
    %broadcast_in_dim3A_2219 = vector.broadcast %broadcast_in_dim3A_2218 : vector<1x2048xf32> to vector<8x2048xf32>
    %mul3A_2220 = arith.mulf %get3A_2203, %broadcast_in_dim3A_2219 : vector<8x2048xf32>
    %add3A_2221 = arith.addf %add3A_2200, %mul3A_2220 : vector<8x2048xf32>
    %get3A_2222 = arith.constant 0 : index
    %get3A_2223 = arith.constant 217088 : index
    %get3A_2224 = vector.load %arg2[%get3A_2222, %get3A_2223] : memref<8x262144xf32, #tpu.memory_space<vmem>>, vector<8x2048xf32>
    %get3A_2225 = arith.constant 0 : index
    %get3A_2226 = arith.constant 106 : index
    %get3A_2227 = arith.constant 0 : index
    %get3A_2228 = vector.load %arg1[%get3A_2225, %get3A_2226, %get3A_2227] : memref<2x128x2048xf32, #tpu.memory_space<vmem>>, vector<1x1x2048xf32>
    %get3A_2229 = vector.shape_cast %get3A_2228 : vector<1x1x2048xf32> to vector<1x2048xf32>
    %broadcast_in_dim3A_2230 = vector.shape_cast %get3A_2229 : vector<1x2048xf32> to vector<1x2048xf32>
    %broadcast_in_dim3A_2231 = vector.broadcast %broadcast_in_dim3A_2230 : vector<1x2048xf32> to vector<8x2048xf32>
    %mul3A_2232 = arith.mulf %get3A_2224, %broadcast_in_dim3A_2231 : vector<8x2048xf32>
    %add3A_2233 = arith.addf %add3A_2212, %mul3A_2232 : vector<8x2048xf32>
    %get3A_2234 = arith.constant 1 : index
    %get3A_2235 = arith.constant 106 : index
    %get3A_2236 = arith.constant 0 : index
    %get3A_2237 = vector.load %arg1[%get3A_2234, %get3A_2235, %get3A_2236] : memref<2x128x2048xf32, #tpu.memory_space<vmem>>, vector<1x1x2048xf32>
    %get3A_2238 = vector.shape_cast %get3A_2237 : vector<1x1x2048xf32> to vector<1x2048xf32>
    %broadcast_in_dim3A_2239 = vector.shape_cast %get3A_2238 : vector<1x2048xf32> to vector<1x2048xf32>
    %broadcast_in_dim3A_2240 = vector.broadcast %broadcast_in_dim3A_2239 : vector<1x2048xf32> to vector<8x2048xf32>
    %mul3A_2241 = arith.mulf %get3A_2224, %broadcast_in_dim3A_2240 : vector<8x2048xf32>
    %add3A_2242 = arith.addf %add3A_2221, %mul3A_2241 : vector<8x2048xf32>
    %get3A_2243 = arith.constant 0 : index
    %get3A_2244 = arith.constant 219136 : index
    %get3A_2245 = vector.load %arg2[%get3A_2243, %get3A_2244] : memref<8x262144xf32, #tpu.memory_space<vmem>>, vector<8x2048xf32>
    %get3A_2246 = arith.constant 0 : index
    %get3A_2247 = arith.constant 107 : index
    %get3A_2248 = arith.constant 0 : index
    %get3A_2249 = vector.load %arg1[%get3A_2246, %get3A_2247, %get3A_2248] : memref<2x128x2048xf32, #tpu.memory_space<vmem>>, vector<1x1x2048xf32>
    %get3A_2250 = vector.shape_cast %get3A_2249 : vector<1x1x2048xf32> to vector<1x2048xf32>
    %broadcast_in_dim3A_2251 = vector.shape_cast %get3A_2250 : vector<1x2048xf32> to vector<1x2048xf32>
    %broadcast_in_dim3A_2252 = vector.broadcast %broadcast_in_dim3A_2251 : vector<1x2048xf32> to vector<8x2048xf32>
    %mul3A_2253 = arith.mulf %get3A_2245, %broadcast_in_dim3A_2252 : vector<8x2048xf32>
    %add3A_2254 = arith.addf %add3A_2233, %mul3A_2253 : vector<8x2048xf32>
    %get3A_2255 = arith.constant 1 : index
    %get3A_2256 = arith.constant 107 : index
    %get3A_2257 = arith.constant 0 : index
    %get3A_2258 = vector.load %arg1[%get3A_2255, %get3A_2256, %get3A_2257] : memref<2x128x2048xf32, #tpu.memory_space<vmem>>, vector<1x1x2048xf32>
    %get3A_2259 = vector.shape_cast %get3A_2258 : vector<1x1x2048xf32> to vector<1x2048xf32>
    %broadcast_in_dim3A_2260 = vector.shape_cast %get3A_2259 : vector<1x2048xf32> to vector<1x2048xf32>
    %broadcast_in_dim3A_2261 = vector.broadcast %broadcast_in_dim3A_2260 : vector<1x2048xf32> to vector<8x2048xf32>
    %mul3A_2262 = arith.mulf %get3A_2245, %broadcast_in_dim3A_2261 : vector<8x2048xf32>
    %add3A_2263 = arith.addf %add3A_2242, %mul3A_2262 : vector<8x2048xf32>
    %get3A_2264 = arith.constant 0 : index
    %get3A_2265 = arith.constant 221184 : index
    %get3A_2266 = vector.load %arg2[%get3A_2264, %get3A_2265] : memref<8x262144xf32, #tpu.memory_space<vmem>>, vector<8x2048xf32>
    %get3A_2267 = arith.constant 0 : index
    %get3A_2268 = arith.constant 108 : index
    %get3A_2269 = arith.constant 0 : index
    %get3A_2270 = vector.load %arg1[%get3A_2267, %get3A_2268, %get3A_2269] : memref<2x128x2048xf32, #tpu.memory_space<vmem>>, vector<1x1x2048xf32>
    %get3A_2271 = vector.shape_cast %get3A_2270 : vector<1x1x2048xf32> to vector<1x2048xf32>
    %broadcast_in_dim3A_2272 = vector.shape_cast %get3A_2271 : vector<1x2048xf32> to vector<1x2048xf32>
    %broadcast_in_dim3A_2273 = vector.broadcast %broadcast_in_dim3A_2272 : vector<1x2048xf32> to vector<8x2048xf32>
    %mul3A_2274 = arith.mulf %get3A_2266, %broadcast_in_dim3A_2273 : vector<8x2048xf32>
    %add3A_2275 = arith.addf %add3A_2254, %mul3A_2274 : vector<8x2048xf32>
    %get3A_2276 = arith.constant 1 : index
    %get3A_2277 = arith.constant 108 : index
    %get3A_2278 = arith.constant 0 : index
    %get3A_2279 = vector.load %arg1[%get3A_2276, %get3A_2277, %get3A_2278] : memref<2x128x2048xf32, #tpu.memory_space<vmem>>, vector<1x1x2048xf32>
    %get3A_2280 = vector.shape_cast %get3A_2279 : vector<1x1x2048xf32> to vector<1x2048xf32>
    %broadcast_in_dim3A_2281 = vector.shape_cast %get3A_2280 : vector<1x2048xf32> to vector<1x2048xf32>
    %broadcast_in_dim3A_2282 = vector.broadcast %broadcast_in_dim3A_2281 : vector<1x2048xf32> to vector<8x2048xf32>
    %mul3A_2283 = arith.mulf %get3A_2266, %broadcast_in_dim3A_2282 : vector<8x2048xf32>
    %add3A_2284 = arith.addf %add3A_2263, %mul3A_2283 : vector<8x2048xf32>
    %get3A_2285 = arith.constant 0 : index
    %get3A_2286 = arith.constant 223232 : index
    %get3A_2287 = vector.load %arg2[%get3A_2285, %get3A_2286] : memref<8x262144xf32, #tpu.memory_space<vmem>>, vector<8x2048xf32>
    %get3A_2288 = arith.constant 0 : index
    %get3A_2289 = arith.constant 109 : index
    %get3A_2290 = arith.constant 0 : index
    %get3A_2291 = vector.load %arg1[%get3A_2288, %get3A_2289, %get3A_2290] : memref<2x128x2048xf32, #tpu.memory_space<vmem>>, vector<1x1x2048xf32>
    %get3A_2292 = vector.shape_cast %get3A_2291 : vector<1x1x2048xf32> to vector<1x2048xf32>
    %broadcast_in_dim3A_2293 = vector.shape_cast %get3A_2292 : vector<1x2048xf32> to vector<1x2048xf32>
    %broadcast_in_dim3A_2294 = vector.broadcast %broadcast_in_dim3A_2293 : vector<1x2048xf32> to vector<8x2048xf32>
    %mul3A_2295 = arith.mulf %get3A_2287, %broadcast_in_dim3A_2294 : vector<8x2048xf32>
    %add3A_2296 = arith.addf %add3A_2275, %mul3A_2295 : vector<8x2048xf32>
    %get3A_2297 = arith.constant 1 : index
    %get3A_2298 = arith.constant 109 : index
    %get3A_2299 = arith.constant 0 : index
    %get3A_2300 = vector.load %arg1[%get3A_2297, %get3A_2298, %get3A_2299] : memref<2x128x2048xf32, #tpu.memory_space<vmem>>, vector<1x1x2048xf32>
    %get3A_2301 = vector.shape_cast %get3A_2300 : vector<1x1x2048xf32> to vector<1x2048xf32>
    %broadcast_in_dim3A_2302 = vector.shape_cast %get3A_2301 : vector<1x2048xf32> to vector<1x2048xf32>
    %broadcast_in_dim3A_2303 = vector.broadcast %broadcast_in_dim3A_2302 : vector<1x2048xf32> to vector<8x2048xf32>
    %mul3A_2304 = arith.mulf %get3A_2287, %broadcast_in_dim3A_2303 : vector<8x2048xf32>
    %add3A_2305 = arith.addf %add3A_2284, %mul3A_2304 : vector<8x2048xf32>
    %get3A_2306 = arith.constant 0 : index
    %get3A_2307 = arith.constant 225280 : index
    %get3A_2308 = vector.load %arg2[%get3A_2306, %get3A_2307] : memref<8x262144xf32, #tpu.memory_space<vmem>>, vector<8x2048xf32>
    %get3A_2309 = arith.constant 0 : index
    %get3A_2310 = arith.constant 110 : index
    %get3A_2311 = arith.constant 0 : index
    %get3A_2312 = vector.load %arg1[%get3A_2309, %get3A_2310, %get3A_2311] : memref<2x128x2048xf32, #tpu.memory_space<vmem>>, vector<1x1x2048xf32>
    %get3A_2313 = vector.shape_cast %get3A_2312 : vector<1x1x2048xf32> to vector<1x2048xf32>
    %broadcast_in_dim3A_2314 = vector.shape_cast %get3A_2313 : vector<1x2048xf32> to vector<1x2048xf32>
    %broadcast_in_dim3A_2315 = vector.broadcast %broadcast_in_dim3A_2314 : vector<1x2048xf32> to vector<8x2048xf32>
    %mul3A_2316 = arith.mulf %get3A_2308, %broadcast_in_dim3A_2315 : vector<8x2048xf32>
    %add3A_2317 = arith.addf %add3A_2296, %mul3A_2316 : vector<8x2048xf32>
    %get3A_2318 = arith.constant 1 : index
    %get3A_2319 = arith.constant 110 : index
    %get3A_2320 = arith.constant 0 : index
    %get3A_2321 = vector.load %arg1[%get3A_2318, %get3A_2319, %get3A_2320] : memref<2x128x2048xf32, #tpu.memory_space<vmem>>, vector<1x1x2048xf32>
    %get3A_2322 = vector.shape_cast %get3A_2321 : vector<1x1x2048xf32> to vector<1x2048xf32>
    %broadcast_in_dim3A_2323 = vector.shape_cast %get3A_2322 : vector<1x2048xf32> to vector<1x2048xf32>
    %broadcast_in_dim3A_2324 = vector.broadcast %broadcast_in_dim3A_2323 : vector<1x2048xf32> to vector<8x2048xf32>
    %mul3A_2325 = arith.mulf %get3A_2308, %broadcast_in_dim3A_2324 : vector<8x2048xf32>
    %add3A_2326 = arith.addf %add3A_2305, %mul3A_2325 : vector<8x2048xf32>
    %get3A_2327 = arith.constant 0 : index
    %get3A_2328 = arith.constant 227328 : index
    %get3A_2329 = vector.load %arg2[%get3A_2327, %get3A_2328] : memref<8x262144xf32, #tpu.memory_space<vmem>>, vector<8x2048xf32>
    %get3A_2330 = arith.constant 0 : index
    %get3A_2331 = arith.constant 111 : index
    %get3A_2332 = arith.constant 0 : index
    %get3A_2333 = vector.load %arg1[%get3A_2330, %get3A_2331, %get3A_2332] : memref<2x128x2048xf32, #tpu.memory_space<vmem>>, vector<1x1x2048xf32>
    %get3A_2334 = vector.shape_cast %get3A_2333 : vector<1x1x2048xf32> to vector<1x2048xf32>
    %broadcast_in_dim3A_2335 = vector.shape_cast %get3A_2334 : vector<1x2048xf32> to vector<1x2048xf32>
    %broadcast_in_dim3A_2336 = vector.broadcast %broadcast_in_dim3A_2335 : vector<1x2048xf32> to vector<8x2048xf32>
    %mul3A_2337 = arith.mulf %get3A_2329, %broadcast_in_dim3A_2336 : vector<8x2048xf32>
    %add3A_2338 = arith.addf %add3A_2317, %mul3A_2337 : vector<8x2048xf32>
    %get3A_2339 = arith.constant 1 : index
    %get3A_2340 = arith.constant 111 : index
    %get3A_2341 = arith.constant 0 : index
    %get3A_2342 = vector.load %arg1[%get3A_2339, %get3A_2340, %get3A_2341] : memref<2x128x2048xf32, #tpu.memory_space<vmem>>, vector<1x1x2048xf32>
    %get3A_2343 = vector.shape_cast %get3A_2342 : vector<1x1x2048xf32> to vector<1x2048xf32>
    %broadcast_in_dim3A_2344 = vector.shape_cast %get3A_2343 : vector<1x2048xf32> to vector<1x2048xf32>
    %broadcast_in_dim3A_2345 = vector.broadcast %broadcast_in_dim3A_2344 : vector<1x2048xf32> to vector<8x2048xf32>
    %mul3A_2346 = arith.mulf %get3A_2329, %broadcast_in_dim3A_2345 : vector<8x2048xf32>
    %add3A_2347 = arith.addf %add3A_2326, %mul3A_2346 : vector<8x2048xf32>
    %get3A_2348 = arith.constant 0 : index
    %get3A_2349 = arith.constant 229376 : index
    %get3A_2350 = vector.load %arg2[%get3A_2348, %get3A_2349] : memref<8x262144xf32, #tpu.memory_space<vmem>>, vector<8x2048xf32>
    %get3A_2351 = arith.constant 0 : index
    %get3A_2352 = arith.constant 112 : index
    %get3A_2353 = arith.constant 0 : index
    %get3A_2354 = vector.load %arg1[%get3A_2351, %get3A_2352, %get3A_2353] : memref<2x128x2048xf32, #tpu.memory_space<vmem>>, vector<1x1x2048xf32>
    %get3A_2355 = vector.shape_cast %get3A_2354 : vector<1x1x2048xf32> to vector<1x2048xf32>
    %broadcast_in_dim3A_2356 = vector.shape_cast %get3A_2355 : vector<1x2048xf32> to vector<1x2048xf32>
    %broadcast_in_dim3A_2357 = vector.broadcast %broadcast_in_dim3A_2356 : vector<1x2048xf32> to vector<8x2048xf32>
    %mul3A_2358 = arith.mulf %get3A_2350, %broadcast_in_dim3A_2357 : vector<8x2048xf32>
    %add3A_2359 = arith.addf %add3A_2338, %mul3A_2358 : vector<8x2048xf32>
    %get3A_2360 = arith.constant 1 : index
    %get3A_2361 = arith.constant 112 : index
    %get3A_2362 = arith.constant 0 : index
    %get3A_2363 = vector.load %arg1[%get3A_2360, %get3A_2361, %get3A_2362] : memref<2x128x2048xf32, #tpu.memory_space<vmem>>, vector<1x1x2048xf32>
    %get3A_2364 = vector.shape_cast %get3A_2363 : vector<1x1x2048xf32> to vector<1x2048xf32>
    %broadcast_in_dim3A_2365 = vector.shape_cast %get3A_2364 : vector<1x2048xf32> to vector<1x2048xf32>
    %broadcast_in_dim3A_2366 = vector.broadcast %broadcast_in_dim3A_2365 : vector<1x2048xf32> to vector<8x2048xf32>
    %mul3A_2367 = arith.mulf %get3A_2350, %broadcast_in_dim3A_2366 : vector<8x2048xf32>
    %add3A_2368 = arith.addf %add3A_2347, %mul3A_2367 : vector<8x2048xf32>
    %get3A_2369 = arith.constant 0 : index
    %get3A_2370 = arith.constant 231424 : index
    %get3A_2371 = vector.load %arg2[%get3A_2369, %get3A_2370] : memref<8x262144xf32, #tpu.memory_space<vmem>>, vector<8x2048xf32>
    %get3A_2372 = arith.constant 0 : index
    %get3A_2373 = arith.constant 113 : index
    %get3A_2374 = arith.constant 0 : index
    %get3A_2375 = vector.load %arg1[%get3A_2372, %get3A_2373, %get3A_2374] : memref<2x128x2048xf32, #tpu.memory_space<vmem>>, vector<1x1x2048xf32>
    %get3A_2376 = vector.shape_cast %get3A_2375 : vector<1x1x2048xf32> to vector<1x2048xf32>
    %broadcast_in_dim3A_2377 = vector.shape_cast %get3A_2376 : vector<1x2048xf32> to vector<1x2048xf32>
    %broadcast_in_dim3A_2378 = vector.broadcast %broadcast_in_dim3A_2377 : vector<1x2048xf32> to vector<8x2048xf32>
    %mul3A_2379 = arith.mulf %get3A_2371, %broadcast_in_dim3A_2378 : vector<8x2048xf32>
    %add3A_2380 = arith.addf %add3A_2359, %mul3A_2379 : vector<8x2048xf32>
    %get3A_2381 = arith.constant 1 : index
    %get3A_2382 = arith.constant 113 : index
    %get3A_2383 = arith.constant 0 : index
    %get3A_2384 = vector.load %arg1[%get3A_2381, %get3A_2382, %get3A_2383] : memref<2x128x2048xf32, #tpu.memory_space<vmem>>, vector<1x1x2048xf32>
    %get3A_2385 = vector.shape_cast %get3A_2384 : vector<1x1x2048xf32> to vector<1x2048xf32>
    %broadcast_in_dim3A_2386 = vector.shape_cast %get3A_2385 : vector<1x2048xf32> to vector<1x2048xf32>
    %broadcast_in_dim3A_2387 = vector.broadcast %broadcast_in_dim3A_2386 : vector<1x2048xf32> to vector<8x2048xf32>
    %mul3A_2388 = arith.mulf %get3A_2371, %broadcast_in_dim3A_2387 : vector<8x2048xf32>
    %add3A_2389 = arith.addf %add3A_2368, %mul3A_2388 : vector<8x2048xf32>
    %get3A_2390 = arith.constant 0 : index
    %get3A_2391 = arith.constant 233472 : index
    %get3A_2392 = vector.load %arg2[%get3A_2390, %get3A_2391] : memref<8x262144xf32, #tpu.memory_space<vmem>>, vector<8x2048xf32>
    %get3A_2393 = arith.constant 0 : index
    %get3A_2394 = arith.constant 114 : index
    %get3A_2395 = arith.constant 0 : index
    %get3A_2396 = vector.load %arg1[%get3A_2393, %get3A_2394, %get3A_2395] : memref<2x128x2048xf32, #tpu.memory_space<vmem>>, vector<1x1x2048xf32>
    %get3A_2397 = vector.shape_cast %get3A_2396 : vector<1x1x2048xf32> to vector<1x2048xf32>
    %broadcast_in_dim3A_2398 = vector.shape_cast %get3A_2397 : vector<1x2048xf32> to vector<1x2048xf32>
    %broadcast_in_dim3A_2399 = vector.broadcast %broadcast_in_dim3A_2398 : vector<1x2048xf32> to vector<8x2048xf32>
    %mul3A_2400 = arith.mulf %get3A_2392, %broadcast_in_dim3A_2399 : vector<8x2048xf32>
    %add3A_2401 = arith.addf %add3A_2380, %mul3A_2400 : vector<8x2048xf32>
    %get3A_2402 = arith.constant 1 : index
    %get3A_2403 = arith.constant 114 : index
    %get3A_2404 = arith.constant 0 : index
    %get3A_2405 = vector.load %arg1[%get3A_2402, %get3A_2403, %get3A_2404] : memref<2x128x2048xf32, #tpu.memory_space<vmem>>, vector<1x1x2048xf32>
    %get3A_2406 = vector.shape_cast %get3A_2405 : vector<1x1x2048xf32> to vector<1x2048xf32>
    %broadcast_in_dim3A_2407 = vector.shape_cast %get3A_2406 : vector<1x2048xf32> to vector<1x2048xf32>
    %broadcast_in_dim3A_2408 = vector.broadcast %broadcast_in_dim3A_2407 : vector<1x2048xf32> to vector<8x2048xf32>
    %mul3A_2409 = arith.mulf %get3A_2392, %broadcast_in_dim3A_2408 : vector<8x2048xf32>
    %add3A_2410 = arith.addf %add3A_2389, %mul3A_2409 : vector<8x2048xf32>
    %get3A_2411 = arith.constant 0 : index
    %get3A_2412 = arith.constant 235520 : index
    %get3A_2413 = vector.load %arg2[%get3A_2411, %get3A_2412] : memref<8x262144xf32, #tpu.memory_space<vmem>>, vector<8x2048xf32>
    %get3A_2414 = arith.constant 0 : index
    %get3A_2415 = arith.constant 115 : index
    %get3A_2416 = arith.constant 0 : index
    %get3A_2417 = vector.load %arg1[%get3A_2414, %get3A_2415, %get3A_2416] : memref<2x128x2048xf32, #tpu.memory_space<vmem>>, vector<1x1x2048xf32>
    %get3A_2418 = vector.shape_cast %get3A_2417 : vector<1x1x2048xf32> to vector<1x2048xf32>
    %broadcast_in_dim3A_2419 = vector.shape_cast %get3A_2418 : vector<1x2048xf32> to vector<1x2048xf32>
    %broadcast_in_dim3A_2420 = vector.broadcast %broadcast_in_dim3A_2419 : vector<1x2048xf32> to vector<8x2048xf32>
    %mul3A_2421 = arith.mulf %get3A_2413, %broadcast_in_dim3A_2420 : vector<8x2048xf32>
    %add3A_2422 = arith.addf %add3A_2401, %mul3A_2421 : vector<8x2048xf32>
    %get3A_2423 = arith.constant 1 : index
    %get3A_2424 = arith.constant 115 : index
    %get3A_2425 = arith.constant 0 : index
    %get3A_2426 = vector.load %arg1[%get3A_2423, %get3A_2424, %get3A_2425] : memref<2x128x2048xf32, #tpu.memory_space<vmem>>, vector<1x1x2048xf32>
    %get3A_2427 = vector.shape_cast %get3A_2426 : vector<1x1x2048xf32> to vector<1x2048xf32>
    %broadcast_in_dim3A_2428 = vector.shape_cast %get3A_2427 : vector<1x2048xf32> to vector<1x2048xf32>
    %broadcast_in_dim3A_2429 = vector.broadcast %broadcast_in_dim3A_2428 : vector<1x2048xf32> to vector<8x2048xf32>
    %mul3A_2430 = arith.mulf %get3A_2413, %broadcast_in_dim3A_2429 : vector<8x2048xf32>
    %add3A_2431 = arith.addf %add3A_2410, %mul3A_2430 : vector<8x2048xf32>
    %get3A_2432 = arith.constant 0 : index
    %get3A_2433 = arith.constant 237568 : index
    %get3A_2434 = vector.load %arg2[%get3A_2432, %get3A_2433] : memref<8x262144xf32, #tpu.memory_space<vmem>>, vector<8x2048xf32>
    %get3A_2435 = arith.constant 0 : index
    %get3A_2436 = arith.constant 116 : index
    %get3A_2437 = arith.constant 0 : index
    %get3A_2438 = vector.load %arg1[%get3A_2435, %get3A_2436, %get3A_2437] : memref<2x128x2048xf32, #tpu.memory_space<vmem>>, vector<1x1x2048xf32>
    %get3A_2439 = vector.shape_cast %get3A_2438 : vector<1x1x2048xf32> to vector<1x2048xf32>
    %broadcast_in_dim3A_2440 = vector.shape_cast %get3A_2439 : vector<1x2048xf32> to vector<1x2048xf32>
    %broadcast_in_dim3A_2441 = vector.broadcast %broadcast_in_dim3A_2440 : vector<1x2048xf32> to vector<8x2048xf32>
    %mul3A_2442 = arith.mulf %get3A_2434, %broadcast_in_dim3A_2441 : vector<8x2048xf32>
    %add3A_2443 = arith.addf %add3A_2422, %mul3A_2442 : vector<8x2048xf32>
    %get3A_2444 = arith.constant 1 : index
    %get3A_2445 = arith.constant 116 : index
    %get3A_2446 = arith.constant 0 : index
    %get3A_2447 = vector.load %arg1[%get3A_2444, %get3A_2445, %get3A_2446] : memref<2x128x2048xf32, #tpu.memory_space<vmem>>, vector<1x1x2048xf32>
    %get3A_2448 = vector.shape_cast %get3A_2447 : vector<1x1x2048xf32> to vector<1x2048xf32>
    %broadcast_in_dim3A_2449 = vector.shape_cast %get3A_2448 : vector<1x2048xf32> to vector<1x2048xf32>
    %broadcast_in_dim3A_2450 = vector.broadcast %broadcast_in_dim3A_2449 : vector<1x2048xf32> to vector<8x2048xf32>
    %mul3A_2451 = arith.mulf %get3A_2434, %broadcast_in_dim3A_2450 : vector<8x2048xf32>
    %add3A_2452 = arith.addf %add3A_2431, %mul3A_2451 : vector<8x2048xf32>
    %get3A_2453 = arith.constant 0 : index
    %get3A_2454 = arith.constant 239616 : index
    %get3A_2455 = vector.load %arg2[%get3A_2453, %get3A_2454] : memref<8x262144xf32, #tpu.memory_space<vmem>>, vector<8x2048xf32>
    %get3A_2456 = arith.constant 0 : index
    %get3A_2457 = arith.constant 117 : index
    %get3A_2458 = arith.constant 0 : index
    %get3A_2459 = vector.load %arg1[%get3A_2456, %get3A_2457, %get3A_2458] : memref<2x128x2048xf32, #tpu.memory_space<vmem>>, vector<1x1x2048xf32>
    %get3A_2460 = vector.shape_cast %get3A_2459 : vector<1x1x2048xf32> to vector<1x2048xf32>
    %broadcast_in_dim3A_2461 = vector.shape_cast %get3A_2460 : vector<1x2048xf32> to vector<1x2048xf32>
    %broadcast_in_dim3A_2462 = vector.broadcast %broadcast_in_dim3A_2461 : vector<1x2048xf32> to vector<8x2048xf32>
    %mul3A_2463 = arith.mulf %get3A_2455, %broadcast_in_dim3A_2462 : vector<8x2048xf32>
    %add3A_2464 = arith.addf %add3A_2443, %mul3A_2463 : vector<8x2048xf32>
    %get3A_2465 = arith.constant 1 : index
    %get3A_2466 = arith.constant 117 : index
    %get3A_2467 = arith.constant 0 : index
    %get3A_2468 = vector.load %arg1[%get3A_2465, %get3A_2466, %get3A_2467] : memref<2x128x2048xf32, #tpu.memory_space<vmem>>, vector<1x1x2048xf32>
    %get3A_2469 = vector.shape_cast %get3A_2468 : vector<1x1x2048xf32> to vector<1x2048xf32>
    %broadcast_in_dim3A_2470 = vector.shape_cast %get3A_2469 : vector<1x2048xf32> to vector<1x2048xf32>
    %broadcast_in_dim3A_2471 = vector.broadcast %broadcast_in_dim3A_2470 : vector<1x2048xf32> to vector<8x2048xf32>
    %mul3A_2472 = arith.mulf %get3A_2455, %broadcast_in_dim3A_2471 : vector<8x2048xf32>
    %add3A_2473 = arith.addf %add3A_2452, %mul3A_2472 : vector<8x2048xf32>
    %get3A_2474 = arith.constant 0 : index
    %get3A_2475 = arith.constant 241664 : index
    %get3A_2476 = vector.load %arg2[%get3A_2474, %get3A_2475] : memref<8x262144xf32, #tpu.memory_space<vmem>>, vector<8x2048xf32>
    %get3A_2477 = arith.constant 0 : index
    %get3A_2478 = arith.constant 118 : index
    %get3A_2479 = arith.constant 0 : index
    %get3A_2480 = vector.load %arg1[%get3A_2477, %get3A_2478, %get3A_2479] : memref<2x128x2048xf32, #tpu.memory_space<vmem>>, vector<1x1x2048xf32>
    %get3A_2481 = vector.shape_cast %get3A_2480 : vector<1x1x2048xf32> to vector<1x2048xf32>
    %broadcast_in_dim3A_2482 = vector.shape_cast %get3A_2481 : vector<1x2048xf32> to vector<1x2048xf32>
    %broadcast_in_dim3A_2483 = vector.broadcast %broadcast_in_dim3A_2482 : vector<1x2048xf32> to vector<8x2048xf32>
    %mul3A_2484 = arith.mulf %get3A_2476, %broadcast_in_dim3A_2483 : vector<8x2048xf32>
    %add3A_2485 = arith.addf %add3A_2464, %mul3A_2484 : vector<8x2048xf32>
    %get3A_2486 = arith.constant 1 : index
    %get3A_2487 = arith.constant 118 : index
    %get3A_2488 = arith.constant 0 : index
    %get3A_2489 = vector.load %arg1[%get3A_2486, %get3A_2487, %get3A_2488] : memref<2x128x2048xf32, #tpu.memory_space<vmem>>, vector<1x1x2048xf32>
    %get3A_2490 = vector.shape_cast %get3A_2489 : vector<1x1x2048xf32> to vector<1x2048xf32>
    %broadcast_in_dim3A_2491 = vector.shape_cast %get3A_2490 : vector<1x2048xf32> to vector<1x2048xf32>
    %broadcast_in_dim3A_2492 = vector.broadcast %broadcast_in_dim3A_2491 : vector<1x2048xf32> to vector<8x2048xf32>
    %mul3A_2493 = arith.mulf %get3A_2476, %broadcast_in_dim3A_2492 : vector<8x2048xf32>
    %add3A_2494 = arith.addf %add3A_2473, %mul3A_2493 : vector<8x2048xf32>
    %get3A_2495 = arith.constant 0 : index
    %get3A_2496 = arith.constant 243712 : index
    %get3A_2497 = vector.load %arg2[%get3A_2495, %get3A_2496] : memref<8x262144xf32, #tpu.memory_space<vmem>>, vector<8x2048xf32>
    %get3A_2498 = arith.constant 0 : index
    %get3A_2499 = arith.constant 119 : index
    %get3A_2500 = arith.constant 0 : index
    %get3A_2501 = vector.load %arg1[%get3A_2498, %get3A_2499, %get3A_2500] : memref<2x128x2048xf32, #tpu.memory_space<vmem>>, vector<1x1x2048xf32>
    %get3A_2502 = vector.shape_cast %get3A_2501 : vector<1x1x2048xf32> to vector<1x2048xf32>
    %broadcast_in_dim3A_2503 = vector.shape_cast %get3A_2502 : vector<1x2048xf32> to vector<1x2048xf32>
    %broadcast_in_dim3A_2504 = vector.broadcast %broadcast_in_dim3A_2503 : vector<1x2048xf32> to vector<8x2048xf32>
    %mul3A_2505 = arith.mulf %get3A_2497, %broadcast_in_dim3A_2504 : vector<8x2048xf32>
    %add3A_2506 = arith.addf %add3A_2485, %mul3A_2505 : vector<8x2048xf32>
    %get3A_2507 = arith.constant 1 : index
    %get3A_2508 = arith.constant 119 : index
    %get3A_2509 = arith.constant 0 : index
    %get3A_2510 = vector.load %arg1[%get3A_2507, %get3A_2508, %get3A_2509] : memref<2x128x2048xf32, #tpu.memory_space<vmem>>, vector<1x1x2048xf32>
    %get3A_2511 = vector.shape_cast %get3A_2510 : vector<1x1x2048xf32> to vector<1x2048xf32>
    %broadcast_in_dim3A_2512 = vector.shape_cast %get3A_2511 : vector<1x2048xf32> to vector<1x2048xf32>
    %broadcast_in_dim3A_2513 = vector.broadcast %broadcast_in_dim3A_2512 : vector<1x2048xf32> to vector<8x2048xf32>
    %mul3A_2514 = arith.mulf %get3A_2497, %broadcast_in_dim3A_2513 : vector<8x2048xf32>
    %add3A_2515 = arith.addf %add3A_2494, %mul3A_2514 : vector<8x2048xf32>
    %get3A_2516 = arith.constant 0 : index
    %get3A_2517 = arith.constant 245760 : index
    %get3A_2518 = vector.load %arg2[%get3A_2516, %get3A_2517] : memref<8x262144xf32, #tpu.memory_space<vmem>>, vector<8x2048xf32>
    %get3A_2519 = arith.constant 0 : index
    %get3A_2520 = arith.constant 120 : index
    %get3A_2521 = arith.constant 0 : index
    %get3A_2522 = vector.load %arg1[%get3A_2519, %get3A_2520, %get3A_2521] : memref<2x128x2048xf32, #tpu.memory_space<vmem>>, vector<1x1x2048xf32>
    %get3A_2523 = vector.shape_cast %get3A_2522 : vector<1x1x2048xf32> to vector<1x2048xf32>
    %broadcast_in_dim3A_2524 = vector.shape_cast %get3A_2523 : vector<1x2048xf32> to vector<1x2048xf32>
    %broadcast_in_dim3A_2525 = vector.broadcast %broadcast_in_dim3A_2524 : vector<1x2048xf32> to vector<8x2048xf32>
    %mul3A_2526 = arith.mulf %get3A_2518, %broadcast_in_dim3A_2525 : vector<8x2048xf32>
    %add3A_2527 = arith.addf %add3A_2506, %mul3A_2526 : vector<8x2048xf32>
    %get3A_2528 = arith.constant 1 : index
    %get3A_2529 = arith.constant 120 : index
    %get3A_2530 = arith.constant 0 : index
    %get3A_2531 = vector.load %arg1[%get3A_2528, %get3A_2529, %get3A_2530] : memref<2x128x2048xf32, #tpu.memory_space<vmem>>, vector<1x1x2048xf32>
    %get3A_2532 = vector.shape_cast %get3A_2531 : vector<1x1x2048xf32> to vector<1x2048xf32>
    %broadcast_in_dim3A_2533 = vector.shape_cast %get3A_2532 : vector<1x2048xf32> to vector<1x2048xf32>
    %broadcast_in_dim3A_2534 = vector.broadcast %broadcast_in_dim3A_2533 : vector<1x2048xf32> to vector<8x2048xf32>
    %mul3A_2535 = arith.mulf %get3A_2518, %broadcast_in_dim3A_2534 : vector<8x2048xf32>
    %add3A_2536 = arith.addf %add3A_2515, %mul3A_2535 : vector<8x2048xf32>
    %get3A_2537 = arith.constant 0 : index
    %get3A_2538 = arith.constant 247808 : index
    %get3A_2539 = vector.load %arg2[%get3A_2537, %get3A_2538] : memref<8x262144xf32, #tpu.memory_space<vmem>>, vector<8x2048xf32>
    %get3A_2540 = arith.constant 0 : index
    %get3A_2541 = arith.constant 121 : index
    %get3A_2542 = arith.constant 0 : index
    %get3A_2543 = vector.load %arg1[%get3A_2540, %get3A_2541, %get3A_2542] : memref<2x128x2048xf32, #tpu.memory_space<vmem>>, vector<1x1x2048xf32>
    %get3A_2544 = vector.shape_cast %get3A_2543 : vector<1x1x2048xf32> to vector<1x2048xf32>
    %broadcast_in_dim3A_2545 = vector.shape_cast %get3A_2544 : vector<1x2048xf32> to vector<1x2048xf32>
    %broadcast_in_dim3A_2546 = vector.broadcast %broadcast_in_dim3A_2545 : vector<1x2048xf32> to vector<8x2048xf32>
    %mul3A_2547 = arith.mulf %get3A_2539, %broadcast_in_dim3A_2546 : vector<8x2048xf32>
    %add3A_2548 = arith.addf %add3A_2527, %mul3A_2547 : vector<8x2048xf32>
    %get3A_2549 = arith.constant 1 : index
    %get3A_2550 = arith.constant 121 : index
    %get3A_2551 = arith.constant 0 : index
    %get3A_2552 = vector.load %arg1[%get3A_2549, %get3A_2550, %get3A_2551] : memref<2x128x2048xf32, #tpu.memory_space<vmem>>, vector<1x1x2048xf32>
    %get3A_2553 = vector.shape_cast %get3A_2552 : vector<1x1x2048xf32> to vector<1x2048xf32>
    %broadcast_in_dim3A_2554 = vector.shape_cast %get3A_2553 : vector<1x2048xf32> to vector<1x2048xf32>
    %broadcast_in_dim3A_2555 = vector.broadcast %broadcast_in_dim3A_2554 : vector<1x2048xf32> to vector<8x2048xf32>
    %mul3A_2556 = arith.mulf %get3A_2539, %broadcast_in_dim3A_2555 : vector<8x2048xf32>
    %add3A_2557 = arith.addf %add3A_2536, %mul3A_2556 : vector<8x2048xf32>
    %get3A_2558 = arith.constant 0 : index
    %get3A_2559 = arith.constant 249856 : index
    %get3A_2560 = vector.load %arg2[%get3A_2558, %get3A_2559] : memref<8x262144xf32, #tpu.memory_space<vmem>>, vector<8x2048xf32>
    %get3A_2561 = arith.constant 0 : index
    %get3A_2562 = arith.constant 122 : index
    %get3A_2563 = arith.constant 0 : index
    %get3A_2564 = vector.load %arg1[%get3A_2561, %get3A_2562, %get3A_2563] : memref<2x128x2048xf32, #tpu.memory_space<vmem>>, vector<1x1x2048xf32>
    %get3A_2565 = vector.shape_cast %get3A_2564 : vector<1x1x2048xf32> to vector<1x2048xf32>
    %broadcast_in_dim3A_2566 = vector.shape_cast %get3A_2565 : vector<1x2048xf32> to vector<1x2048xf32>
    %broadcast_in_dim3A_2567 = vector.broadcast %broadcast_in_dim3A_2566 : vector<1x2048xf32> to vector<8x2048xf32>
    %mul3A_2568 = arith.mulf %get3A_2560, %broadcast_in_dim3A_2567 : vector<8x2048xf32>
    %add3A_2569 = arith.addf %add3A_2548, %mul3A_2568 : vector<8x2048xf32>
    %get3A_2570 = arith.constant 1 : index
    %get3A_2571 = arith.constant 122 : index
    %get3A_2572 = arith.constant 0 : index
    %get3A_2573 = vector.load %arg1[%get3A_2570, %get3A_2571, %get3A_2572] : memref<2x128x2048xf32, #tpu.memory_space<vmem>>, vector<1x1x2048xf32>
    %get3A_2574 = vector.shape_cast %get3A_2573 : vector<1x1x2048xf32> to vector<1x2048xf32>
    %broadcast_in_dim3A_2575 = vector.shape_cast %get3A_2574 : vector<1x2048xf32> to vector<1x2048xf32>
    %broadcast_in_dim3A_2576 = vector.broadcast %broadcast_in_dim3A_2575 : vector<1x2048xf32> to vector<8x2048xf32>
    %mul3A_2577 = arith.mulf %get3A_2560, %broadcast_in_dim3A_2576 : vector<8x2048xf32>
    %add3A_2578 = arith.addf %add3A_2557, %mul3A_2577 : vector<8x2048xf32>
    %get3A_2579 = arith.constant 0 : index
    %get3A_2580 = arith.constant 251904 : index
    %get3A_2581 = vector.load %arg2[%get3A_2579, %get3A_2580] : memref<8x262144xf32, #tpu.memory_space<vmem>>, vector<8x2048xf32>
    %get3A_2582 = arith.constant 0 : index
    %get3A_2583 = arith.constant 123 : index
    %get3A_2584 = arith.constant 0 : index
    %get3A_2585 = vector.load %arg1[%get3A_2582, %get3A_2583, %get3A_2584] : memref<2x128x2048xf32, #tpu.memory_space<vmem>>, vector<1x1x2048xf32>
    %get3A_2586 = vector.shape_cast %get3A_2585 : vector<1x1x2048xf32> to vector<1x2048xf32>
    %broadcast_in_dim3A_2587 = vector.shape_cast %get3A_2586 : vector<1x2048xf32> to vector<1x2048xf32>
    %broadcast_in_dim3A_2588 = vector.broadcast %broadcast_in_dim3A_2587 : vector<1x2048xf32> to vector<8x2048xf32>
    %mul3A_2589 = arith.mulf %get3A_2581, %broadcast_in_dim3A_2588 : vector<8x2048xf32>
    %add3A_2590 = arith.addf %add3A_2569, %mul3A_2589 : vector<8x2048xf32>
    %get3A_2591 = arith.constant 1 : index
    %get3A_2592 = arith.constant 123 : index
    %get3A_2593 = arith.constant 0 : index
    %get3A_2594 = vector.load %arg1[%get3A_2591, %get3A_2592, %get3A_2593] : memref<2x128x2048xf32, #tpu.memory_space<vmem>>, vector<1x1x2048xf32>
    %get3A_2595 = vector.shape_cast %get3A_2594 : vector<1x1x2048xf32> to vector<1x2048xf32>
    %broadcast_in_dim3A_2596 = vector.shape_cast %get3A_2595 : vector<1x2048xf32> to vector<1x2048xf32>
    %broadcast_in_dim3A_2597 = vector.broadcast %broadcast_in_dim3A_2596 : vector<1x2048xf32> to vector<8x2048xf32>
    %mul3A_2598 = arith.mulf %get3A_2581, %broadcast_in_dim3A_2597 : vector<8x2048xf32>
    %add3A_2599 = arith.addf %add3A_2578, %mul3A_2598 : vector<8x2048xf32>
    %get3A_2600 = arith.constant 0 : index
    %get3A_2601 = arith.constant 253952 : index
    %get3A_2602 = vector.load %arg2[%get3A_2600, %get3A_2601] : memref<8x262144xf32, #tpu.memory_space<vmem>>, vector<8x2048xf32>
    %get3A_2603 = arith.constant 0 : index
    %get3A_2604 = arith.constant 124 : index
    %get3A_2605 = arith.constant 0 : index
    %get3A_2606 = vector.load %arg1[%get3A_2603, %get3A_2604, %get3A_2605] : memref<2x128x2048xf32, #tpu.memory_space<vmem>>, vector<1x1x2048xf32>
    %get3A_2607 = vector.shape_cast %get3A_2606 : vector<1x1x2048xf32> to vector<1x2048xf32>
    %broadcast_in_dim3A_2608 = vector.shape_cast %get3A_2607 : vector<1x2048xf32> to vector<1x2048xf32>
    %broadcast_in_dim3A_2609 = vector.broadcast %broadcast_in_dim3A_2608 : vector<1x2048xf32> to vector<8x2048xf32>
    %mul3A_2610 = arith.mulf %get3A_2602, %broadcast_in_dim3A_2609 : vector<8x2048xf32>
    %add3A_2611 = arith.addf %add3A_2590, %mul3A_2610 : vector<8x2048xf32>
    %get3A_2612 = arith.constant 1 : index
    %get3A_2613 = arith.constant 124 : index
    %get3A_2614 = arith.constant 0 : index
    %get3A_2615 = vector.load %arg1[%get3A_2612, %get3A_2613, %get3A_2614] : memref<2x128x2048xf32, #tpu.memory_space<vmem>>, vector<1x1x2048xf32>
    %get3A_2616 = vector.shape_cast %get3A_2615 : vector<1x1x2048xf32> to vector<1x2048xf32>
    %broadcast_in_dim3A_2617 = vector.shape_cast %get3A_2616 : vector<1x2048xf32> to vector<1x2048xf32>
    %broadcast_in_dim3A_2618 = vector.broadcast %broadcast_in_dim3A_2617 : vector<1x2048xf32> to vector<8x2048xf32>
    %mul3A_2619 = arith.mulf %get3A_2602, %broadcast_in_dim3A_2618 : vector<8x2048xf32>
    %add3A_2620 = arith.addf %add3A_2599, %mul3A_2619 : vector<8x2048xf32>
    %get3A_2621 = arith.constant 0 : index
    %get3A_2622 = arith.constant 256000 : index
    %get3A_2623 = vector.load %arg2[%get3A_2621, %get3A_2622] : memref<8x262144xf32, #tpu.memory_space<vmem>>, vector<8x2048xf32>
    %get3A_2624 = arith.constant 0 : index
    %get3A_2625 = arith.constant 125 : index
    %get3A_2626 = arith.constant 0 : index
    %get3A_2627 = vector.load %arg1[%get3A_2624, %get3A_2625, %get3A_2626] : memref<2x128x2048xf32, #tpu.memory_space<vmem>>, vector<1x1x2048xf32>
    %get3A_2628 = vector.shape_cast %get3A_2627 : vector<1x1x2048xf32> to vector<1x2048xf32>
    %broadcast_in_dim3A_2629 = vector.shape_cast %get3A_2628 : vector<1x2048xf32> to vector<1x2048xf32>
    %broadcast_in_dim3A_2630 = vector.broadcast %broadcast_in_dim3A_2629 : vector<1x2048xf32> to vector<8x2048xf32>
    %mul3A_2631 = arith.mulf %get3A_2623, %broadcast_in_dim3A_2630 : vector<8x2048xf32>
    %add3A_2632 = arith.addf %add3A_2611, %mul3A_2631 : vector<8x2048xf32>
    %get3A_2633 = arith.constant 1 : index
    %get3A_2634 = arith.constant 125 : index
    %get3A_2635 = arith.constant 0 : index
    %get3A_2636 = vector.load %arg1[%get3A_2633, %get3A_2634, %get3A_2635] : memref<2x128x2048xf32, #tpu.memory_space<vmem>>, vector<1x1x2048xf32>
    %get3A_2637 = vector.shape_cast %get3A_2636 : vector<1x1x2048xf32> to vector<1x2048xf32>
    %broadcast_in_dim3A_2638 = vector.shape_cast %get3A_2637 : vector<1x2048xf32> to vector<1x2048xf32>
    %broadcast_in_dim3A_2639 = vector.broadcast %broadcast_in_dim3A_2638 : vector<1x2048xf32> to vector<8x2048xf32>
    %mul3A_2640 = arith.mulf %get3A_2623, %broadcast_in_dim3A_2639 : vector<8x2048xf32>
    %add3A_2641 = arith.addf %add3A_2620, %mul3A_2640 : vector<8x2048xf32>
    %get3A_2642 = arith.constant 0 : index
    %get3A_2643 = arith.constant 258048 : index
    %get3A_2644 = vector.load %arg2[%get3A_2642, %get3A_2643] : memref<8x262144xf32, #tpu.memory_space<vmem>>, vector<8x2048xf32>
    %get3A_2645 = arith.constant 0 : index
    %get3A_2646 = arith.constant 126 : index
    %get3A_2647 = arith.constant 0 : index
    %get3A_2648 = vector.load %arg1[%get3A_2645, %get3A_2646, %get3A_2647] : memref<2x128x2048xf32, #tpu.memory_space<vmem>>, vector<1x1x2048xf32>
    %get3A_2649 = vector.shape_cast %get3A_2648 : vector<1x1x2048xf32> to vector<1x2048xf32>
    %broadcast_in_dim3A_2650 = vector.shape_cast %get3A_2649 : vector<1x2048xf32> to vector<1x2048xf32>
    %broadcast_in_dim3A_2651 = vector.broadcast %broadcast_in_dim3A_2650 : vector<1x2048xf32> to vector<8x2048xf32>
    %mul3A_2652 = arith.mulf %get3A_2644, %broadcast_in_dim3A_2651 : vector<8x2048xf32>
    %add3A_2653 = arith.addf %add3A_2632, %mul3A_2652 : vector<8x2048xf32>
    %get3A_2654 = arith.constant 1 : index
    %get3A_2655 = arith.constant 126 : index
    %get3A_2656 = arith.constant 0 : index
    %get3A_2657 = vector.load %arg1[%get3A_2654, %get3A_2655, %get3A_2656] : memref<2x128x2048xf32, #tpu.memory_space<vmem>>, vector<1x1x2048xf32>
    %get3A_2658 = vector.shape_cast %get3A_2657 : vector<1x1x2048xf32> to vector<1x2048xf32>
    %broadcast_in_dim3A_2659 = vector.shape_cast %get3A_2658 : vector<1x2048xf32> to vector<1x2048xf32>
    %broadcast_in_dim3A_2660 = vector.broadcast %broadcast_in_dim3A_2659 : vector<1x2048xf32> to vector<8x2048xf32>
    %mul3A_2661 = arith.mulf %get3A_2644, %broadcast_in_dim3A_2660 : vector<8x2048xf32>
    %add3A_2662 = arith.addf %add3A_2641, %mul3A_2661 : vector<8x2048xf32>
    %get3A_2663 = arith.constant 0 : index
    %get3A_2664 = arith.constant 260096 : index
    %get3A_2665 = vector.load %arg2[%get3A_2663, %get3A_2664] : memref<8x262144xf32, #tpu.memory_space<vmem>>, vector<8x2048xf32>
    %get3A_2666 = arith.constant 0 : index
    %get3A_2667 = arith.constant 127 : index
    %get3A_2668 = arith.constant 0 : index
    %get3A_2669 = vector.load %arg1[%get3A_2666, %get3A_2667, %get3A_2668] : memref<2x128x2048xf32, #tpu.memory_space<vmem>>, vector<1x1x2048xf32>
    %get3A_2670 = vector.shape_cast %get3A_2669 : vector<1x1x2048xf32> to vector<1x2048xf32>
    %broadcast_in_dim3A_2671 = vector.shape_cast %get3A_2670 : vector<1x2048xf32> to vector<1x2048xf32>
    %broadcast_in_dim3A_2672 = vector.broadcast %broadcast_in_dim3A_2671 : vector<1x2048xf32> to vector<8x2048xf32>
    %mul3A_2673 = arith.mulf %get3A_2665, %broadcast_in_dim3A_2672 : vector<8x2048xf32>
    %add3A_2674 = arith.addf %add3A_2653, %mul3A_2673 : vector<8x2048xf32>
    %get3A_2675 = arith.constant 1 : index
    %get3A_2676 = arith.constant 127 : index
    %get3A_2677 = arith.constant 0 : index
    %get3A_2678 = vector.load %arg1[%get3A_2675, %get3A_2676, %get3A_2677] : memref<2x128x2048xf32, #tpu.memory_space<vmem>>, vector<1x1x2048xf32>
    %get3A_2679 = vector.shape_cast %get3A_2678 : vector<1x1x2048xf32> to vector<1x2048xf32>
    %broadcast_in_dim3A_2680 = vector.shape_cast %get3A_2679 : vector<1x2048xf32> to vector<1x2048xf32>
    %broadcast_in_dim3A_2681 = vector.broadcast %broadcast_in_dim3A_2680 : vector<1x2048xf32> to vector<8x2048xf32>
    %mul3A_2682 = arith.mulf %get3A_2665, %broadcast_in_dim3A_2681 : vector<8x2048xf32>
    %add3A_2683 = arith.addf %add3A_2662, %mul3A_2682 : vector<8x2048xf32>
    %get3A_2684 = arith.constant 0 : index
    %get3A_2685 = arith.constant 0 : index
    %get3A_2686 = arith.constant 0 : index
    %get3A_2687 = vector.load %arg5[%get3A_2684, %get3A_2685, %get3A_2686] : memref<2x8x2048xf32, #tpu.memory_space<vmem>>, vector<1x8x2048xf32>
    %get3A_2688 = vector.shape_cast %get3A_2687 : vector<1x8x2048xf32> to vector<8x2048xf32>
    %add3A_2689 = arith.addf %get3A_2688, %add3A_2674 : vector<8x2048xf32>
    %swap3A = arith.constant 0 : index
    %swap3A_2690 = arith.constant 0 : index
    %swap3A_2691 = arith.constant 0 : index
    %swap3A_2692 = vector.load %arg5[%swap3A, %swap3A_2690, %swap3A_2691] : memref<2x8x2048xf32, #tpu.memory_space<vmem>>, vector<1x8x2048xf32>
    %swap3A_2693 = vector.shape_cast %swap3A_2692 : vector<1x8x2048xf32> to vector<8x2048xf32>
    %swap3A_2694 = vector.shape_cast %add3A_2689 : vector<8x2048xf32> to vector<1x8x2048xf32>
    tpu.vector_store %arg5[%swap3A, %swap3A_2690, %swap3A_2691], %swap3A_2694 {strides = array<i32>} : memref<2x8x2048xf32, #tpu.memory_space<vmem>>, vector<1x8x2048xf32>,
    %get3A_2695 = arith.constant 1 : index
    %get3A_2696 = arith.constant 0 : index
    %get3A_2697 = arith.constant 0 : index
    %get3A_2698 = vector.load %arg5[%get3A_2695, %get3A_2696, %get3A_2697] : memref<2x8x2048xf32, #tpu.memory_space<vmem>>, vector<1x8x2048xf32>
    %get3A_2699 = vector.shape_cast %get3A_2698 : vector<1x8x2048xf32> to vector<8x2048xf32>
    %add3A_2700 = arith.addf %get3A_2699, %add3A_2683 : vector<8x2048xf32>
    %swap3A_2701 = arith.constant 1 : index
    %swap3A_2702 = arith.constant 0 : index
    %swap3A_2703 = arith.constant 0 : index
    %swap3A_2704 = vector.load %arg5[%swap3A_2701, %swap3A_2702, %swap3A_2703] : memref<2x8x2048xf32, #tpu.memory_space<vmem>>, vector<1x8x2048xf32>
    %swap3A_2705 = vector.shape_cast %swap3A_2704 : vector<1x8x2048xf32> to vector<8x2048xf32>
    %swap3A_2706 = vector.shape_cast %add3A_2700 : vector<8x2048xf32> to vector<1x8x2048xf32>
    tpu.vector_store %arg5[%swap3A_2701, %swap3A_2702, %swap3A_2703], %swap3A_2706 {strides = array<i32>} : memref<2x8x2048xf32, #tpu.memory_space<vmem>>, vector<1x8x2048xf32>,
    %eq3A_2707 = arith.constant 15 : i32
    %eq3A_2708 = arith.cmpi eq, %arg0, %eq3A_2707 : i32
    %convert_element_type3A_2709 = arith.extui %eq3A_2708 : i1 to i32
    %cond3A_2710 = arith.constant 0 : i32
    %cond3A_2711 = arith.cmpi ne, %convert_element_type3A_2709, %cond3A_2710 : i32
    scf.if %cond3A_2711 {
      %get3A_2712 = arith.constant 0 : index
      %get3A_2713 = arith.constant 0 : index
      %get3A_2714 = arith.constant 0 : index
      %get3A_2715 = vector.load %arg5[%get3A_2712, %get3A_2713, %get3A_2714] : memref<2x8x2048xf32, #tpu.memory_space<vmem>>, vector<2x8x2048xf32>
      %reduce_sum3A = arith.constant dense<0.000000e+00> : vector<2x8xf32>
      %reduce_sum3A_2716 = vector.multi_reduction <add>, %get3A_2715, %reduce_sum3A [2] : vector<2x8x2048xf32> to vector<2x8xf32>
      %get3A_2717 = arith.constant 0 : index
      %get3A_2718 = arith.constant 0 : index
      %get3A_2719 = vector.load %arg3[%get3A_2717, %get3A_2718] : memref<1x8xf32, #tpu.memory_space<vmem>>, vector<1x8xf32>
      %add3A_2720 = vector.broadcast %get3A_2719 : vector<1x8xf32> to vector<2x8xf32>
      %add3A_2721 = arith.addf %reduce_sum3A_2716, %add3A_2720 : vector<2x8xf32>
      %slice3A = vector.extract_strided_slice %add3A_2721 {offsets = [0, 0], sizes = [1, 8], strides = [1, 1]} : vector<2x8xf32> to vector<1x8xf32>
      %slice3A_2722 = vector.extract_strided_slice %add3A_2721 {offsets = [1, 0], sizes = [1, 8], strides = [1, 1]} : vector<2x8xf32> to vector<1x8xf32>
      %concatenate3A = tpu.concatenate %slice3A, %slice3A_2722 in 1 : vector<1x8xf32>, vector<1x8xf32> -> vector<1x16xf32>
      %swap3A_2723 = arith.constant 0 : index
      %swap3A_2724 = arith.constant 0 : index
      %swap3A_2725 = vector.load %arg4[%swap3A_2723, %swap3A_2724] : memref<1x16xf32, #tpu.memory_space<vmem>>, vector<1x16xf32>
      tpu.vector_store %arg4[%swap3A_2723, %swap3A_2724], %concatenate3A {strides = array<i32>} : memref<1x16xf32, #tpu.memory_space<vmem>>, vector<1x16xf32>,
    } else {
    }
    return
  }
  func.func @transform_0(%arg0: i32) -> (i32, i32, i32) {
    %c0_i32 = arith.constant 0 : i32
    %c0_i32_0 = arith.constant 0 : i32
    %c0_i32_1 = arith.constant 0 : i32
    return %c0_i32, %arg0, %c0_i32_0 : i32, i32, i32
  }
  func.func @transform_1(%arg0: i32) -> (i32, i32) {
    %c0_i32 = arith.constant 0 : i32
    %c0_i32_0 = arith.constant 0 : i32
    return %c0_i32, %arg0 : i32, i32
  }
  func.func @transform_2(%arg0: i32) -> (i32, i32) {
    %c0_i32 = arith.constant 0 : i32
    %c0_i32_0 = arith.constant 0 : i32
    %c0_i32_1 = arith.constant 0 : i32
    return %c0_i32, %c0_i32_0 : i32, i32
  }
  func.func @transform_3(%arg0: i32) -> (i32, i32) {
    %c0_i32 = arith.constant 0 : i32
    %c0_i32_0 = arith.constant 0 : i32
    %c0_i32_1 = arith.constant 0 : i32
    return %c0_i32, %c0_i32_0 : i32, i32
  }
}

</mosaic_0001>

<sc_bundles>
// kernel: kernel.5.cloned.1.call-start
scs
__scs_entry_jumppad:
0x0: {  	(pc) =	sbr.rel $0x88, $3  }
0x1: {  	(tag) =	ssettag $0x0;
	lr =	simm.s32 $0x1  }
0x2: {  	[smem:$0x3F98] =	sst lr;
	_ =	strace $0xD0000000  }
0x3: {  	_ = 	snop  }
0x4: {  	_ = 	snop  }
0x5: {  	_ = 	snop  }
0x6: {  	_ = 	snop  }
0x7: {  	_ = 	snop  }
__scs_overlays_trampoline_lowered:
0x8: {  	[smem:$0x3FA7] =	sst s0  }
0x9: {  	[smem:$0x3FA8] =	sst s1  }
0xa: {  	[smem:$0x3FA9] =	sst s2  }
0xb: {  	[smem:$0x3FAA] =	sst s3  }
0xc: {  	[smem:$0x3FAB] =	sst s4  }
0xd: {  	[smem:$0x3FAC] =	sst s5  }
0xe: {  	[smem:$0x3FAD] =	sst s6  }
0xf: {  	[smem:$0x3FAE] =	sst s7  }
0x10: {  	[smem:$0x3FAF] =	sst s8  }
0x11: {  	[smem:$0x3FB0] =	sst s9;
	s0 =	simm.s32 @!p0 $0x0  }
0x12: {  	s1 =	sld [smem:$0x3F96];
	s0 =	simm.s32 @p0 $0x1  }
0x13: {  	[smem:$0x3FB1] =	sst s0;
	s0 =	simm.s32 @!p1 $0x0  }
0x14: {  	s2 =	sld [smem:$0x3F95];
	s0 =	simm.s32 @p1 $0x1  }
0x15: {  	[smem:$0x3FB2] =	sst s0;
	s0 =	simm.s32 @!p2 $0x0  }
0x16: {  	s3 =	sld [smem:$0x3FDB];
	s0 =	simm.s32 @p2 $0x1  }
0x17: {  	s4 =	simm.s32 $0x1BF5;
	[smem:$0x3FB4] =	sst s0  }
0x18: {  	s0 =	sld [smem:$0x3F97];
	_ =	swait.ge [sflag:s4], $0x0  }
0x19: {  	s7 =	sld [smem:$0x3F98]  }
0x1a: {  	s8 =	sadd.s32 $0xFFFFE003, lr  }
0x1b: {  	s9 =	sadd.s32 $0xFFFFFEF7, lr;
	s5 =	simm.s32 $0xFFFFFFFF;
	p2 =	slt.u32 s8, $0xFFFFF086  }
0x1c: {  	p1 =	slt.u32 s9, $0xF7A;
	s5 =	simm.s32 @!p2 $0x0  }
0x1d: {  	s5 =	simm.s32 @p1 $0x1;
	p0 =	seq.s32 s7, s2  }
0x1e: {  	s7 =	smul.u32 @!p0 $0xF7A, s2;
	p2 =	seq.s32 @!p0 s5, $0x0  }
0x1f: {  	s9 =	smul.u32 $0xF7A, s1;
	s8 =	simm.s32 @!p0 $0x1BF5;
	p2 =	por !p2, p0  }
0x20: {  	[sflag:s8] =	ssyncset.s32 @!p0 $0xFFFFF086;
	s6 =	sadd.s32 @!p0 s3, s7;
	s7 =	simm.s32 @!p0 $0x108  }
0x21: {  	s3 =	sadd.s32 s3, s9;
	s6 =	sadd.s32 @!p0 $0x88, s6;
	s7 =	simm.s32 @p2 $0x1082  }
0x22: {  	[simem:s7], [sflag:s8] =	dma.local @!p0 [hbm:s6], $0xF7A  }
0x23: {  	s9 =	sor.u32 $0xD0000000, s2;
	s6 =	simm.s32 $0x108;
	_ =	swait.ge @!p0 [sflag:s8], $0x0  }
0x24: {  	s3 =	sadd.s32 $0x88, s3;
	s6 =	simm.s32 @!p1 $0x1082;
	[sflag:s4] =	ssyncset.s32 $0xFFFFF086  }
0x25: {  	[simem:s6], [sflag:s4] =	dma.local [hbm:s3], $0xF7A  }
0x26: {  	[smem:$0x3F98] =	sst s1;
	(tag) =	ssettag s2;
	_ =	strace s9  }
0x27: {  	s1 =	sld [smem:$0x3FA8]  }
0x28: {  	s2 =	sld [smem:$0x3FA9]  }
0x29: {  	s4 =	sld [smem:$0x3FAB]  }
0x2a: {  	p0 =	seq.s32 s5, $0x0;
	s5 =	sld [smem:$0x3FAC]  }
0x2b: {  	s6 =	sld [smem:$0x3FAD]  }
0x2c: {  	s7 =	sld [smem:$0x3FAE]  }
0x2d: {  	s3 =	simm.s32 $0x108;
	s8 =	sld [smem:$0x3FAF]  }
0x2e: {  	s3 =	simm.s32 @!p0 $0x1082;
	s9 =	sld [smem:$0x3FB0]  }
0x2f: {  	lr =	sadd.s32 s0, s3;
	s0 =	sld [smem:$0x3FA7]  }
0x30: {  	s3 =	sld [smem:$0x3FAA]  }
0x31: {  	[smem:$0x3FB3] =	sst s10  }
0x32: {  	s10 =	sld [smem:$0x3FB1];
	_ =	sdelay $0x3  }
0x33: {  	p0 =	seq.s32 s10, $0x1;
	s10 =	sld [smem:$0x3FB3];
	_ =	sdelay $0x3  }
0x34: {  	[smem:$0x3FB3] =	sst s10  }
0x35: {  	s10 =	sld [smem:$0x3FB2];
	_ =	sdelay $0x3  }
0x36: {  	p1 =	seq.s32 s10, $0x1;
	s10 =	sld [smem:$0x3FB3];
	_ =	sdelay $0x3  }
0x37: {  	[smem:$0x3FB3] =	sst s10  }
0x38: {  	s10 =	sld [smem:$0x3FB4]  }
0x39: {  	_ = 	snop;
	(pc) =	sbr.ind lr, $3  }
0x3a: {  	_ = 	snop  }
0x3b: {  	_ = 	snop  }
0x3c: {  	p2 =	seq.s32 s10, $0x1;
	s10 =	sld [smem:$0x3FB3]  }
0x3d: {  	_ =	shalt  }
0x3e: {  	_ =	shalt  }
0x3f: {  	_ =	shalt  }
0x40: {  	_ =	shalt  }
0x41: {  	_ =	shalt  }
0x42: {  	_ =	shalt  }
0x43: {  	_ =	shalt  }
0x44: {  	_ =	shalt  }
0x45: {  	_ =	shalt  }
0x46: {  	_ =	shalt  }
0x47: {  	_ =	shalt  }
0x48: {  	_ =	shalt  }
0x49: {  	_ =	shalt  }
0x4a: {  	_ =	shalt  }
0x4b: {  	_ =	shalt  }
0x4c: {  	_ =	shalt  }
0x4d: {  	_ =	shalt  }
0x4e: {  	_ =	shalt  }
0x4f: {  	_ =	shalt  }
0x50: {  	_ =	shalt  }
0x51: {  	_ =	shalt  }
0x52: {  	_ =	shalt  }
0x53: {  	_ =	shalt  }
0x54: {  	_ =	shalt  }
0x55: {  	_ =	shalt  }
0x56: {  	_ =	shalt  }
0x57: {  	_ =	shalt  }
0x58: {  	_ =	shalt  }
0x59: {  	_ =	shalt  }
0x5a: {  	_ =	shalt  }
0x5b: {  	_ =	shalt  }
0x5c: {  	_ =	shalt  }
0x5d: {  	_ =	shalt  }
0x5e: {  	_ =	shalt  }
0x5f: {  	_ =	shalt  }
0x60: {  	_ =	shalt  }
0x61: {  	_ =	shalt  }
0x62: {  	_ =	shalt  }
0x63: {  	_ =	shalt  }
0x64: {  	_ =	shalt  }
0x65: {  	_ =	shalt  }
0x66: {  	_ =	shalt  }
0x67: {  	_ =	shalt  }
0x68: {  	_ =	shalt  }
0x69: {  	_ =	shalt  }
0x6a: {  	_ =	shalt  }
0x6b: {  	_ =	shalt  }
0x6c: {  	_ =	shalt  }
0x6d: {  	_ =	shalt  }
0x6e: {  	_ =	shalt  }
0x6f: {  	_ =	shalt  }
0x70: {  	_ =	shalt  }
0x71: {  	_ =	shalt  }
0x72: {  	_ =	shalt  }
0x73: {  	_ =	shalt  }
0x74: {  	_ =	shalt  }
0x75: {  	_ =	shalt  }
0x76: {  	_ =	shalt  }
0x77: {  	_ =	shalt  }
0x78: {  	_ =	shalt  }
0x79: {  	_ =	shalt  }
0x7a: {  	_ =	shalt  }
0x7b: {  	_ =	shalt  }
0x7c: {  	_ =	shalt  }
0x7d: {  	_ =	shalt  }
0x7e: {  	_ =	shalt  }
0x7f: {  	_ =	shalt  }
0x80: {  	_ =	shalt  }
0x81: {  	_ =	shalt  }
0x82: {  	_ =	shalt  }
0x83: {  	_ =	shalt  }
0x84: {  	_ =	shalt  }
0x85: {  	_ =	shalt  }
0x86: {  	_ =	shalt  }
0x87: {  	_ =	shalt  }
.Lfunc_end0:
.L_simem_size_0:
called_computation_lowered:
.L_overlay_start_0:
0x88: {  	s2 =	sld [smem:$0x3FD9]  }
0x89: {  	s3 =	sld [smem:$0x3FFE];
	_ =	sdelay $0x1  }
0x8a: {  	s1 =	srdreg.scid  }
0x8b: {  	s0 =	sand.u32 $0x1, s1  }
0x8c: {  	s17 =	sshll.u32 s0, $0xA;
	s2 =	sadd.s32 s3, s2  }
0x8d: {  	s2 =	sadd.s32 s2, s17  }
0x8e: {  	[smem:$0x3FBF] =	sst s2  }
0x8f: {  	_ = 	snop  }
0x90: {  	s2 =	sld [smem:$0x3FD0];
	(tm) =	ssettm $0x1  }
0x91: {  	s18 =	sld [smem:$0x3FFB];
	_ =	sdelay $0x3  }
0x92: {  	_ =	strace s18  }
0x93: {  	s3 =	sld [smem:$0x3FFC];
	_ =	sdelay $0x3  }
0x94: {  	_ =	strace s3  }
0x95: {  	s3 =	sld [smem:$0x3FFD];
	_ =	sdelay $0x3  }
0x96: {  	_ =	strace s3  }
0x97: {  	_ =	strace $0x8FFFFFFF  }
0x98: {  	s19 =	sld [smem:$0x3FDB];
	_ =	sdelay $0x1  }
0x99: {  	s4 =	simm.s32 $_scs_section_size  }
0x9a: {  	s5 =	simm.s32 $_size__tile_overlayer_lowered;
	s6 =	simm.s32 $_tile_overlayer_lowered  }
0x9b: {  	s22 =	simm.s32 $0x1BFF;
	s21 =	sshll.u32 s6, $0x1;
	s3 =	sadd.s32 s4, s19  }
0x9c: {  	s7 =	simm.s32 $0x0;
	s20 =	sshll.u32 s5, $0x1;
	s5 =	sadd.s32 s21, s3  }
0x9d: {  	[timem:s7], [sflag:s22] =	dma.local [hbm:s5], s20  }
0x9e: {  	_ =	swait.ge [sflag:s22], s20  }
0x9f: {  	s4 =	ssub.s32 $0x0, s20;
	[sflag:s22] =	ssyncset.done $0x0  }
0xa0: {  	[sflag:s22] =	ssyncadd.s32 s4;
	_ =	sdelay $0x1  }
0xa1: {  	s23 =	simm.s32 $0x1B8B  }
0xa2: {  	_ =	swait.ge [sflag:s23], $0x1  }
0xa3: {  	[sflag:s23] =	ssyncset.done $0x0  }
0xa4: {  	s25 =	simm.s32 $0x1B8E;
	s24 =	sld [smem:$0x3FFE];
	[sflag:s23] =	ssyncadd.s32 $0xFFFFFFFF  }
0xa5: {  	s26 =	simm.s32 $execute0_lowered;
	[smem:$0x3FD2] =	sst s25  }
0xa6: {  	s5 =	sshll.u32 s26, $0x1;
	_ =	strace $0x80000046;
	[dreg:$0x1] =	wrdreg $0xFFFFFFFF  }
0xa7: {  	s28 =	simm.s32 $_size_execute0_lowered;
	s3 =	sadd.s32 s3, s5;
	[dreg:$0x0] =	wrdreg $0x0  }
0xa8: {  	s5 =	sshll.u32 s28, $0x1;
	[dreg:$0x2] =	wrdreg s3  }
0xa9: {  	[dreg:$0x3] =	wrdreg s5  }
0xaa: {  	[dreg:$0x4] =	wrdreg $0xC0  }
0xab: {  	_ =	task [dreg:s7], $0x5FFFF  }
0xac: {  	[dreg:$0x1] =	wrdreg $0xFFFFFFFF  }
0xad: {  	[dreg:$0x0] =	wrdreg $0x60  }
0xae: {  	[dreg:$0x2] =	wrdreg s2  }
0xaf: {  	[dreg:$0x3] =	wrdreg s24  }
0xb0: {  	[dreg:$0x4] =	wrdreg $0x9  }
0xb1: {  	_ =	task.clear_ibuf [dreg:s7], $0x5FFFF;
	_ =	strace $0x90000046  }
0xb2: {  	s29 =	simm.s32 $0x9;
	_ =	strace $0x80000048  }
0xb3: {  	_ =	swait.ge [sflag:s29], $0x1  }
0xb4: {  	[sflag:s29] =	ssyncadd.s32 $0xFFFFFFFF  }
0xb5: {  	_ =	strace $0x90000048  }
0xb6: {  	_ =	sfence  }
0xb7: {  	s30 =	sld [smem:$0x0];
	_ =	sdelay $0x2  }
0xb8: {  	s31 =	sshll.u32 s1, $0xD;
	s1 =	sshrl.u32 s1, $0x2  }
0xb9: {  	s3 =	sand.u32 $0x4000, s31;
	s1 =	sadd.s32 s1, s30  }
0xba: {  	s0 =	sor.u32 s3, s0;
	s1 =	sshll.u32 s1, $0x11  }
0xbb: {  	s0 =	sor.u32 s1, s0  }
0xbc: {  	s0 =	sadd.s32 $0x8F2B, s0  }
0xbd: {  	[sflag:s0] =	ssyncadd.remote.s32 $0x1  }
0xbe: {  	_ =	sfence.sel $0xFFFF  }
0xbf: {  	[dreg:$0x0] =	wrdreg $0xFFFFFFFF;
	(pc) =	sbr.abs _section_cstart, $3  }
0xc0: {  	[dreg:$0x1] =	wrdreg $0xFFFFFFFF  }
0xc1: {  	_ =	task.clear_ibuf [dreg:s7], $0x2FFFF;
	_ =	strace $0x9FFFFFFF  }
0xc2: {  	(tm) =	ssettm $0x7FFFFFFF  }
0xc3: {  	_ =	shalt  }
tec
execute0_lowered:
.L_overlay_start_1:
0x0: {  	(tag) =	ssettag $0x1  }
0x1: {  	s0 =	srdreg.scid  }
0x2: {  	s6 =	sand.u32 $0x1, s0;
	s0 =	stileid.u32  }
0x3: {  	s3 =	sshll.u32 s0, $0x1;
	s4 =	ssub.s32 $0x0, s6  }
0x4: {  	p0 =	sne.s32 s3, s4  }
.Ltmp0:
0x5: {  	_ = 	snop;
	(pc) =	sbr.rel @p0 .LBB2_4-.Ltmp0, $4  }
0x6: {  	_ = 	snop  }
0x7: {  	s2 =	rddreg [dreg:$0x0]  }
0x8: {  	s7 =	rddreg [dreg:$0x1]  }
0x9: {  	s1 =	rddreg [dreg:$0x2];
	_ =	strace $0x80000047  }
0xa: {  	s4 =	simm.s32 $0x0;
	s3 =	simm.s32 $0x1  }
0xb: {  	[tilespmem:s4], [sflag:$0x1] =	stream.linear.gather [hbm4b:s2+s4], $0x80, $0x38;
	[tilespmem:$0x180] =	vst v63  }
0xc: {  	v0 =	vimm.s32 $0xEFCDAB89;
	v1 =	vimm.s32 $0x67452301;
	_ =	swait.ge [sflag:s3], $0x80  }
0xd: {  	v0 =	vunpack.c.l.s4.s8 v0;
	v1 =	vunpack.c.l.s4.s8 v1;
	[sflag:s3] =	ssyncset.done $0x0  }
0xe: {  	v2 =	vimm.s32 $0xDCFE98BA;
	[sflag:s3] =	ssyncadd.s32 $0xFFFFFF80  }
0xf: {  	v3 =	vimm.s32 $0x54761032;
	v0 =	vunpack.c.0.s8.s32 v0;
	v1 =	vunpack.c.0.s8.s32 v1;
	v4 =	vld [tilespmem:$0x0]  }
0x10: {  	v2 =	vunpack.c.l.s4.s8 v2;
	v3 =	vunpack.c.l.s4.s8 v3  }
0x11: {  	v5 =	vimm.s32 $0x32107654;
	v0 =	vcombine.low v1, v0  }
0x12: {  	v1 =	vunpack.c.0.s8.s32 v2;
	v2 =	vunpack.c.0.s8.s32 v3;
	v3 =	vimm.s32 $0xBA98FEDC  }
0x13: {  	v5 =	vunpack.c.l.s4.s8 v5;
	v3 =	vunpack.c.l.s4.s8 v3;
	v0 =	vand.u32 $0xF, v0  }
0x14: {  	v1 =	vcombine.low v2, v1;
	v2 =	vperm.xlane v4, v0  }
0x15: {  	v5 =	vunpack.c.0.s8.s32 v5;
	v3 =	vunpack.c.0.s8.s32 v3  }
0x16: {  	v1 =	vand.u32 $0xF, v1;
	v6 =	vmax.f32 v4, v2  }
0x17: {  	v2 =	vcombine.low v5, v3;
	v3 =	vperm.xlane v6, v1;
	_ =	sdelay $0x1  }
0x18: {  	v2 =	vand.u32 $0xF, v2;
	v3 =	vmax.f32 v6, v3  }
0x19: {  	v5 =	vperm.xlane v3, v2;
	_ =	sdelay $0x1  }
0x1a: {  	v3 =	vmax.f32 v3, v5  }
0x1b: {  	v3 =	vsub.f32 v4, v3;
	_ =	sdelay $0x1  }
0x1c: {  	v3 =	vmul.f32 $1.442695020e+00, v3;
	_ =	sdelay $0x1  }
0x1d: {  	(erf) = vpow2.f32 v3;
	_ =	sdelay $0x8  }
0x1e: {  	v3 =	vpop (erf)  }
0x1f: {  	v4 =	vperm.xlane v3, v0;
	_ =	sdelay $0x1  }
0x20: {  	v4 =	vadd.f32 v3, v4;
	_ =	sdelay $0x1  }
0x21: {  	v5 =	vperm.xlane v4, v1;
	_ =	sdelay $0x1  }
0x22: {  	v4 =	vadd.f32 v4, v5;
	_ =	sdelay $0x1  }
0x23: {  	v5 =	vperm.xlane v4, v2;
	_ =	sdelay $0x1  }
0x24: {  	v4 =	vadd.f32 v4, v5;
	_ =	sdelay $0x1  }
0x25: {  	(erf) = vrcp.f32 v4;
	_ =	sdelay $0x8  }
0x26: {  	v4 =	vpop (erf)  }
0x27: {  	v4 =	vmul.f32 v4, v3;
	_ =	sdelay $0x1  }
0x28: {  	v3 =	vperm.xlane v4, v0;
	_ =	sdelay $0x1  }
0x29: {  	v3 =	vmax.f32 v4, v3  }
0x2a: {  	v5 =	vperm.xlane v3, v1;
	_ =	sdelay $0x1  }
0x2b: {  	v3 =	vmax.f32 v3, v5  }
0x2c: {  	v5 =	vperm.xlane v3, v2;
	_ =	sdelay $0x1  }
0x2d: {  	v6 =	vlaneseq.u32;
	v5 =	vmax.f32 v3, v5  }
0x2e: {  	v3 =	vand.u32 $0x7, v6;
	vm0 =	veq.f32 v4, v5  }
0x2f: {  	v7 =	vnsel vm0, $0x8, v3  }
0x30: {  	v8 =	vperm.xlane v7, v0;
	_ =	sdelay $0x1  }
0x31: {  	vm0 =	vlt.s32 v7, v8  }
0x32: {  	v7 =	vsel vm0, v7, v8  }
0x33: {  	v8 =	vperm.xlane v7, v1;
	_ =	sdelay $0x1  }
0x34: {  	vm0 =	vlt.s32 v7, v8  }
0x35: {  	v7 =	vsel vm0, v7, v8  }
0x36: {  	v8 =	vperm.xlane v7, v2;
	_ =	sdelay $0x1  }
0x37: {  	vm0 =	vlt.s32 v7, v8  }
0x38: {  	v7 =	vsel vm0, v7, v8  }
0x39: {  	vm0 =	veq.s32 v7, v3  }
0x3a: {  	v4 =	vsel vm0, $0xBF800000, v4  }
0x3b: {  	v62 =	vperm.xlane v4, v0;
	_ =	sdelay $0x1  }
0x3c: {  	v8 =	vmax.f32 v4, v62  }
0x3d: {  	v9 =	vperm.xlane v8, v1;
	_ =	sdelay $0x1  }
0x3e: {  	v8 =	vmax.f32 v8, v9  }
0x3f: {  	v9 =	vperm.xlane v8, v2;
	_ =	sdelay $0x1  }
0x40: {  	v8 =	vmax.f32 v8, v9  }
0x41: {  	vm0 =	veq.f32 v4, v8  }
0x42: {  	v4 =	vnsel vm0, $0x8, v3  }
0x43: {  	v63 =	vperm.xlane v4, v0;
	_ =	sdelay $0x1  }
0x44: {  	vm0 =	vlt.s32 v4, v63  }
0x45: {  	vm1 =	vcmask $0x300;
	v4 =	vsel vm0, v4, v63  }
0x46: {  	v6 =	vshrl.u32 v6, $0x1;
	vm0 =	vcmask $0xB08;
	v9 =	vperm.xlane v4, v1  }
0x47: {  	v6 =	vand.u32 $0x1, v6;
	vm0 =	vmor vm1, vm0;
	vm1 =	vcmask $0x1310  }
0x48: {  	vm0 =	vmor vm0, vm1;
	vm1 =	vcmask $0x1B18;
	vm2 =	vlt.s32 v4, v9  }
0x49: {  	vm0 =	vmor vm0, vm1;
	vm1 =	vcmask $0x2320;
	v9 =	vsel vm2, v4, v9  }
0x4a: {  	vm0 =	vmor vm0, vm1;
	vm1 =	vcmask $0x2B28;
	v10 =	vperm.xlane v9, v2  }
0x4b: {  	v4 =	vmul.u32 $0x8, v6;
	vm0 =	vmor vm0, vm1;
	vm1 =	vcmask $0x3330  }
0x4c: {  	vm0 =	vmor vm0, vm1;
	vm1 =	vcmask $0x3B38;
	vm2 =	vlt.s32 v9, v10  }
0x4d: {  	v8 =	vperm.xlane v8, v4;
	v5 =	vperm.xlane v5, v4;
	v6 =	vsel vm2, v9, v10  }
0x4e: {  	s8 =	ssub.s32 $0x2, s6;
	v7 =	vperm.xlane v7, v4;
	vm0 =	vmor vm0, vm1;
	v6 =	vperm.xlane v6, v4  }
0x4f: {  	s9 =	sshrl.u32 s8, $0x1;
	v5 =	vsel vm0, v5, v8  }
0x50: {  	s8 =	ssub.s32 s8, s9;
	[tilespmem:$0x100] =	vst v5;
	v5 =	vsel vm0, v7, v6  }
0x51: {  	s5 =	sadd.s32 $0x1C00, s7;
	s6 =	simm.s32 $0x80;
	s9 =	smax.u32 s8, $0x1;
	[tilespmem:$0x80] =	vst v5  }
0x52: {  	[hbm4b:s5+s4] =	stream.linear.scatter [tilespmem:s6], [sflag:$0x1], $0x80, $0x38;
	[tilespmem:$0x180] =	vst v63  }
0x53: {  	p0 =	sne.s32 s9, $0x1;
	_ =	swait.ge [sflag:s3], $0x80  }
.Ltmp1:
0x54: {  	[sflag:s3] =	ssyncset.done $0x0;
	(pc) =	sbr.rel @!p0 .LBB2_3-.Ltmp1, $4  }
0x55: {  	s7 =	sadd.s32 $0x1E00, s7;
	s8 =	simm.s32 $0x100;
	[sflag:s3] =	ssyncadd.s32 $0xFFFFFF80  }
0x56: {  	[hbm4b:s7+s4] =	stream.linear.scatter [tilespmem:s8], [sflag:$0x1], $0x80, $0x38;
	[tilespmem:$0x180] =	vst v63  }
0x57: {  	_ =	swait.ge [sflag:s3], $0x80  }
0x58: {  	s9 =	sadd.s32 $0xFFFFFFFF, s9;
	[sflag:s3] =	ssyncset.done $0x0  }
.LBB2_2:
0x59: {  	p0 =	sne.s32 s9, $0x1;
	s9 =	sadd.s32 $0xFFFFFFFF, s9;
	[sflag:s3] =	ssyncadd.s32 $0xFFFFFF80  }
0x5a: {  	[tilespmem:s4], [sflag:$0x1] =	stream.linear.gather [hbm4b:s2+s4], $0x80, $0x38;
	[tilespmem:$0x180] =	vst v63  }
0x5b: {  	_ =	swait.ge [sflag:s3], $0x80  }
0x5c: {  	[sflag:s3] =	ssyncset.done $0x0  }
0x5d: {  	[sflag:s3] =	ssyncadd.s32 $0xFFFFFF80  }
0x5e: {  	v5 =	vld [tilespmem:$0x0];
	_ =	sdelay $0x4  }
0x5f: {  	v6 =	vperm.xlane v5, v0;
	_ =	sdelay $0x1  }
0x60: {  	v6 =	vmax.f32 v5, v6  }
0x61: {  	v7 =	vperm.xlane v6, v1;
	_ =	sdelay $0x1  }
0x62: {  	v6 =	vmax.f32 v6, v7  }
0x63: {  	v7 =	vperm.xlane v6, v2;
	_ =	sdelay $0x1  }
0x64: {  	v6 =	vmax.f32 v6, v7  }
0x65: {  	v5 =	vsub.f32 v5, v6;
	_ =	sdelay $0x1  }
0x66: {  	v5 =	vmul.f32 $1.442695020e+00, v5;
	_ =	sdelay $0x1  }
0x67: {  	(erf) = vpow2.f32 v5;
	_ =	sdelay $0x8  }
0x68: {  	v5 =	vpop (erf)  }
0x69: {  	v6 =	vperm.xlane v5, v0;
	_ =	sdelay $0x1  }
0x6a: {  	v6 =	vadd.f32 v5, v6;
	_ =	sdelay $0x1  }
0x6b: {  	v7 =	vperm.xlane v6, v1;
	_ =	sdelay $0x1  }
0x6c: {  	v6 =	vadd.f32 v6, v7;
	_ =	sdelay $0x1  }
0x6d: {  	v7 =	vperm.xlane v6, v2;
	_ =	sdelay $0x1  }
0x6e: {  	v6 =	vadd.f32 v6, v7;
	_ =	sdelay $0x1  }
0x6f: {  	(erf) = vrcp.f32 v6;
	_ =	sdelay $0x8  }
0x70: {  	v6 =	vpop (erf)  }
0x71: {  	v5 =	vmul.f32 v6, v5;
	_ =	sdelay $0x1  }
0x72: {  	v6 =	vperm.xlane v5, v0;
	_ =	sdelay $0x1  }
0x73: {  	v6 =	vmax.f32 v5, v6  }
0x74: {  	v7 =	vperm.xlane v6, v1;
	_ =	sdelay $0x1  }
0x75: {  	v6 =	vmax.f32 v6, v7  }
0x76: {  	v7 =	vperm.xlane v6, v2;
	_ =	sdelay $0x1  }
0x77: {  	v6 =	vmax.f32 v6, v7  }
0x78: {  	vm1 =	veq.f32 v5, v6  }
0x79: {  	v7 =	vnsel vm1, $0x8, v3  }
0x7a: {  	v8 =	vperm.xlane v7, v0;
	_ =	sdelay $0x1  }
0x7b: {  	vm1 =	vlt.s32 v7, v8  }
0x7c: {  	v7 =	vsel vm1, v7, v8  }
0x7d: {  	v8 =	vperm.xlane v7, v1;
	_ =	sdelay $0x1  }
0x7e: {  	vm1 =	vlt.s32 v7, v8  }
0x7f: {  	v7 =	vsel vm1, v7, v8  }
0x80: {  	v8 =	vperm.xlane v7, v2;
	_ =	sdelay $0x1  }
0x81: {  	vm1 =	vlt.s32 v7, v8  }
0x82: {  	v7 =	vsel vm1, v7, v8  }
0x83: {  	vm1 =	veq.s32 v7, v3  }
0x84: {  	v5 =	vsel vm1, $0xBF800000, v5  }
0x85: {  	v8 =	vperm.xlane v5, v0;
	_ =	sdelay $0x1  }
0x86: {  	v8 =	vmax.f32 v5, v8  }
0x87: {  	v9 =	vperm.xlane v8, v1;
	_ =	sdelay $0x1  }
0x88: {  	v8 =	vmax.f32 v8, v9  }
0x89: {  	v9 =	vperm.xlane v8, v2;
	_ =	sdelay $0x1  }
0x8a: {  	v8 =	vmax.f32 v8, v9  }
0x8b: {  	v6 =	vperm.xlane v6, v4;
	vm1 =	veq.f32 v5, v8;
	v5 =	vperm.xlane v8, v4  }
0x8c: {  	v8 =	vnsel vm1, $0x8, v3  }
0x8d: {  	v9 =	vperm.xlane v8, v0;
	v5 =	vsel vm0, v6, v5  }
0x8e: {  	[tilespmem:$0x100] =	vst v5  }
0x8f: {  	vm1 =	vlt.s32 v8, v9  }
0x90: {  	v5 =	vsel vm1, v8, v9  }
0x91: {  	v6 =	vperm.xlane v5, v1;
	_ =	sdelay $0x1  }
0x92: {  	vm1 =	vlt.s32 v5, v6  }
0x93: {  	v5 =	vsel vm1, v5, v6  }
0x94: {  	v6 =	vperm.xlane v5, v2;
	_ =	sdelay $0x1  }
0x95: {  	vm1 =	vlt.s32 v5, v6  }
0x96: {  	v5 =	vsel vm1, v5, v6  }
0x97: {  	v6 =	vperm.xlane v7, v4;
	v5 =	vperm.xlane v5, v4;
	_ =	sdelay $0x1  }
0x98: {  	v5 =	vsel vm0, v6, v5  }
0x99: {  	[tilespmem:$0x80] =	vst v5  }
0x9a: {  	[hbm4b:s5+s4] =	stream.linear.scatter [tilespmem:s6], [sflag:$0x1], $0x80, $0x38;
	[tilespmem:$0x180] =	vst v63  }
0x9b: {  	_ =	swait.ge [sflag:s3], $0x80  }
.Ltmp2:
0x9c: {  	[sflag:s3] =	ssyncset.done $0x0;
	(pc) =	sbr.rel @p0 .LBB2_2-.Ltmp2, $4  }
0x9d: {  	[sflag:s3] =	ssyncadd.s32 $0xFFFFFF80  }
0x9e: {  	[hbm4b:s7+s4] =	stream.linear.scatter [tilespmem:s8], [sflag:$0x1], $0x80, $0x38;
	[tilespmem:$0x180] =	vst v63  }
0x9f: {  	_ =	swait.ge [sflag:s3], $0x80  }
0xa0: {  	[sflag:s3] =	ssyncset.done $0x0  }
.LBB2_3:
0xa1: {  	[sflag:s3] =	ssyncadd.s32 $0xFFFFFF80  }
.LBB2_4:
0xa2: {  	_ =	sfence.sel $0x180000  }
0xa3: {  	[bflag:$0x0] =	sbarrier.arrive $0xFFFF  }
0xa4: {  	p0 =	sne.s32 s0, $0x0;
	_ =	strace $0x90000047  }
0xa5: {  	s0 =	sadd.s32 @!p0 $0x100000, s1;
	[bflag:$0x2] =	sbarrier.arrive $0xFFFF  }
0xa6: {  	[sflag:s0] =	ssyncadd.tile.s32 @!p0 $0x1;
	_ =	shalt  }
.Lfunc_end2:
_tile_overlayer_lowered:
.L_overlay_start_2:
0xa7: {  	(tag) =	ssettag $0x2  }
0xa8: {  	s0 =	rddreg [dreg:$0x0];
	s2 =	stileid.u32  }
0xa9: {  	s1 =	rddreg [dreg:$0x1];
	p0 =	sne.s32 s2, $0x0  }
0xaa: {  	s3 =	rddreg [dreg:$0x2];
	[bflag:$0x3] =	sbarrier.arrive $0xFFFF;
	s2 =	simm.s32 @!p0 $0x1C01  }
0xab: {  	[timem:s3], [sflag:s2] =	dma.local @!p0 [hbm:s0], s1  }
0xac: {  	s0 =	simm.s32 @!p0 $0x1  }
0xad: {  	_ =	swait.ge @!p0 [sflag:s0], s1  }
0xae: {  	s1 =	ssub.s32 @!p0 $0x0, s1;
	[sflag:s0] =	ssyncset.done @!p0 $0x0  }
0xaf: {  	[sflag:s0] =	ssyncadd.s32 @!p0 s1  }
0xb0: {  	[bflag:$0x3] =	sbarrier.arrive $0xFFFF  }
0xb1: {  	_ =	shalt  }

</sc_bundles>
